<compile_context>
chip_gen: v7x
topology: tpu7x:2x2x1
jax: 0.10.2.dev20260603
libtpu: 0.0.44.dev20260713+nightly
codegen_flags: <defaults>
</compile_context>

<pallas_src>
import functools

import jax
import jax.numpy as jnp
from jax import lax
from jax.experimental import pallas as pl
from jax.experimental.pallas import tpu as pltpu
from jax.experimental.pallas import tpu_sc as plsc

N = 10000
E = 320000
D = 128
A = 64
NC = 2
NS = 16
NW = NC * NS
K = 128
Q = 1
QK = Q * K
NCH = E // K
CPT = 160
CPC = CPT // NC
NCHP = CPT * NS
EPAD = (NCHP - NCH) * K
CPQ = CPC // Q
NH = 5000
NHP = 5120
RPT = NHP // NS
CH = 40
NPD = NS * 640


def _deg_body(dst_hbm, out_hbm, di_v, ones_v, zeros_v, deg_sh):
    c = lax.axis_index("c")
    s = lax.axis_index("s")
    for j in range(K // 16):
        ones_v[pl.ds(j * 16, 16)] = jnp.full((16,), 1.0, jnp.float32)
    for j in range(640 // 16):
        zeros_v[pl.ds(j * 16, 16)] = jnp.zeros((16,), jnp.float32)
    pltpu.sync_copy(zeros_v, deg_sh.at[pl.ds(640 * s, 640)])
    pltpu.sync_copy(dst_hbm.at[s, c], di_v)
    plsc.subcore_barrier()

    def body(i, _):
        for j in range(Q):
            pltpu.sync_copy(
                ones_v, deg_sh.at[di_v.at[i, pl.ds(j * K, K)]], add=True)
        return 0
    lax.fori_loop(0, CPQ, body, 0)
    plsc.subcore_barrier()
    @pl.when(s < NS - 1)
    def _():
        pltpu.sync_copy(deg_sh.at[pl.ds(640 * s, 640)], zeros_v)
        pltpu.sync_copy(zeros_v, out_hbm.at[pl.ds(c * N + 640 * s, 640)])
    @pl.when(s == NS - 1)
    def _():
        pltpu.sync_copy(deg_sh.at[pl.ds(9600, 400)], zeros_v.at[pl.ds(0, 400)])
        pltpu.sync_copy(zeros_v.at[pl.ds(0, 400)],
                        out_hbm.at[pl.ds(c * N + 9600, 400)])


def _prep_body(pT_ref, x_ref, wg_ref, wl_ref, z_ref, dinv_ref):
    h = pl.program_id(1)
    deg = 1.0 + pT_ref[:, 0:1] + pT_ref[:, 1:2]
    dinv = lax.rsqrt(deg)
    y = jnp.dot(x_ref[:], wg_ref[:], preferred_element_type=jnp.float32)
    y = jnp.dot(y, wl_ref[:], preferred_element_type=jnp.float32)
    zv = dinv * y
    zz = jnp.zeros_like(y)

    @pl.when(h == 0)
    def _():
        z_ref[:, 0:A] = zv
        z_ref[:, A:2 * A] = zz

    @pl.when(h == 1)
    def _():
        z_ref[:, 0:A] = zz
        z_ref[:, A:2 * A] = zv

    dinv_ref[:] = dinv


def _agg_body(src_hbm, dst_hbm, z_hbm, out_hbm,
              si_v, di_v, r0_v, r1_v, bnc_v,
              g0_sem, g1_sem, acc_sh):
    c = lax.axis_index("c")
    s = lax.axis_index("s")
    for r in range(CH):
        for j in range(2 * A // 16):
            bnc_v[r, pl.ds(j * 16, 16)] = jnp.zeros((16,), jnp.float32)

    def zbody(i, _):
        pltpu.sync_copy(bnc_v, acc_sh.at[pl.ds(RPT * s + CH * i, CH)])
        return 0
    lax.fori_loop(0, RPT // CH, zbody, 0)
    pltpu.sync_copy(src_hbm.at[s, c], si_v)
    pltpu.sync_copy(dst_hbm.at[s, c], di_v)

    def remap(i, _):
        for j in range(QK // 16):
            d = di_v[i, pl.ds(j * 16, 16)]
            g = si_v[i, pl.ds(j * 16, 16)] + (d & 1) * N
            si_v[i, pl.ds(j * 16, 16)] = g
            di_v[i, pl.ds(j * 16, 16)] = lax.shift_right_logical(d, 1)
        return 0
    lax.fori_loop(0, CPQ, remap, 0)
    plsc.subcore_barrier()

    bufs = (r0_v, r1_v)
    sems = (g0_sem, g1_sem)
    NB = len(bufs)
    for b in range(NB):
        pltpu.async_copy(z_hbm.at[si_v.at[b]], bufs[b], sems[b])

    def body(p, _):
        i = NB * p
        for b in range(NB):
            pltpu.make_async_copy(
                z_hbm.at[si_v.at[i + b]], bufs[b], sems[b]).wait()
            pltpu.sync_copy(bufs[b], acc_sh.at[di_v.at[i + b]], add=True)

            @pl.when(i + b + NB < CPQ)
            def _():
                pltpu.async_copy(
                    z_hbm.at[si_v.at[i + b + NB]], bufs[b], sems[b])
        return 0
    lax.fori_loop(0, CPQ // NB, body, 0)
    plsc.subcore_barrier()

    nfull = jnp.where(s == NS - 1, 5, RPT // CH)

    def wout(i, _):
        pltpu.sync_copy(acc_sh.at[pl.ds(RPT * s + CH * i, CH)], bnc_v)
        pltpu.sync_copy(bnc_v, out_hbm.at[pl.ds(c * NH + RPT * s + CH * i, CH)])
        return 0
    lax.fori_loop(0, nfull, wout, 0)


def _fin_body(agg_ref, z_ref, dinv_ref, bg_ref, wl_ref, bl_ref, o_ref):
    ssum = agg_ref[0] + agg_ref[1] + z_ref[:, 0:A]
    bias = jnp.dot(bg_ref[:], wl_ref[:],
                   preferred_element_type=jnp.float32) + bl_ref[:]
    o_ref[:] = dinv_ref[:] * ssum + bias


@functools.lru_cache(maxsize=1)
def _sc_kernels():
    mesh = plsc.VectorSubcoreMesh(
        core_axis_name="c", subcore_axis_name="s",
        num_cores=NC, num_subcores=NS)
    deg_kernel = pl.kernel(
        _deg_body,
        out_type=jax.ShapeDtypeStruct((NC * N,), jnp.float32),
        mesh=mesh,
        scratch_types=[
            pltpu.VMEM((CPQ, QK), jnp.int32),
            pltpu.VMEM((K,), jnp.float32),
            pltpu.VMEM((640,), jnp.float32),
            pltpu.VMEM_SHARED((NPD,), jnp.float32),
        ])
    agg_kernel = pl.kernel(
        _agg_body,
        out_type=jax.ShapeDtypeStruct((N, 2 * A), jnp.float32),
        mesh=mesh,
        scratch_types=[
            pltpu.VMEM((CPQ, QK), jnp.int32),
            pltpu.VMEM((CPQ, QK), jnp.int32),
            pltpu.VMEM((QK, 2 * A), jnp.float32),
            pltpu.VMEM((QK, 2 * A), jnp.float32),
            pltpu.VMEM((CH, 2 * A), jnp.float32),
            pltpu.SemaphoreType.DMA,
            pltpu.SemaphoreType.DMA,
            pltpu.VMEM_SHARED((NHP, 2 * A), jnp.float32),
        ])
    return deg_kernel, agg_kernel


def kernel(x, edge_index, W_gcn, b_gcn, W_lin, b_lin):
    pad = jnp.arange(EPAD, dtype=jnp.int32) % (NPD - N)
    src2 = (jnp.concatenate([edge_index[0], pad])
            .reshape(CPT, NS, K).transpose(1, 0, 2)
            .reshape(NS, NC, CPQ, QK))
    dst2 = (jnp.concatenate([edge_index[1], N + pad])
            .reshape(CPT, NS, K).transpose(1, 0, 2)
            .reshape(NS, NC, CPQ, QK))
    _deg_kernel, _agg_kernel = _sc_kernels()

    deg_p = _deg_kernel(dst2)
    deg_pT = deg_p.reshape(NC, N).T

    B = 2000
    G = N // B
    z2, dinv = pl.pallas_call(
        _prep_body,
        grid=(G, 2),
        in_specs=[
            pl.BlockSpec((B, NC), lambda i, h: (i, 0)),
            pl.BlockSpec((B, D), lambda i, h: (i, 0)),
            pl.BlockSpec((D, D), lambda i, h: (0, 0)),
            pl.BlockSpec((D, A), lambda i, h: (0, 0)),
        ],
        out_specs=[
            pl.BlockSpec((B, 2 * A), lambda i, h: (h * G + i, 0)),
            pl.BlockSpec((B, 1), lambda i, h: (i, 0)),
        ],
        out_shape=[
            jax.ShapeDtypeStruct((2 * N, 2 * A), jnp.float32),
            jax.ShapeDtypeStruct((N, 1), jnp.float32),
        ],
    )(deg_pT, x, W_gcn, W_lin)

    agg = _agg_kernel(src2, dst2, z2)
    aggp = agg.reshape(NC, 2 * NH, A)

    logits = pl.pallas_call(
        _fin_body,
        grid=(G,),
        in_specs=[
            pl.BlockSpec((NC, B, A), lambda i: (0, i, 0)),
            pl.BlockSpec((B, 2 * A), lambda i: (i, 0)),
            pl.BlockSpec((B, 1), lambda i: (i, 0)),
            pl.BlockSpec((1, D), lambda i: (0, 0)),
            pl.BlockSpec((D, A), lambda i: (0, 0)),
            pl.BlockSpec((1, A), lambda i: (0, 0)),
        ],
        out_specs=pl.BlockSpec((B, A), lambda i: (i, 0)),
        out_shape=jax.ShapeDtypeStruct((N, A), jnp.float32),
    )(aggp, z2, dinv, b_gcn.reshape(1, D), W_lin, b_lin.reshape(1, A))
    return logits

# --- scband reference (transcript-rebuilt; emitter-appended) ---
"""Pipeline reference for scband-gcndialogue-manager-85959475462429 (READ-ONLY COPY).

The authoritative reference and input builder live on the scoring server;
editing this copy changes nothing except your own understanding.
"""

import jax, jax.numpy as jnp
import numpy as np

N_NODES = 10000
N_EDGES = 320000
D_FEAT = 128
D_OUT = 128
N_ACTIONS = 64


def setup_inputs(seed: int = 0) -> dict:
    key = jax.random.key(seed)
    k1, k2, k3, k4, k5, k6 = jax.random.split(key, 6)
    x = jax.random.normal(k1, (N_NODES, D_FEAT), dtype=jnp.float32)
    edge_index = jax.random.randint(k2, (2, N_EDGES), 0, N_NODES, dtype=jnp.int32)
    # GCNConv weight (in=D_FEAT, out=D_OUT) and bias, glorot-style init
    W_gcn = jax.random.normal(k3, (D_FEAT, D_OUT), dtype=jnp.float32) / np.sqrt(D_FEAT)
    b_gcn = jnp.zeros((D_OUT,), dtype=jnp.float32)
    # action predictor Linear(D_OUT -> N_ACTIONS)
    W_lin = jax.random.normal(k4, (D_OUT, N_ACTIONS), dtype=jnp.float32) / np.sqrt(D_OUT)
    b_lin = jax.random.normal(k5, (N_ACTIONS,), dtype=jnp.float32) * 0.01
    return {"x": x, "edge_index": edge_index, "W_gcn": W_gcn, "b_gcn": b_gcn, "W_lin": W_lin, "b_lin": b_lin}


def reference(x, edge_index, W_gcn, b_gcn, W_lin, b_lin):
    N = x.shape[0]
    # --- GCNConv with symmetric normalization and self-loops (PyG semantics) ---
    src = edge_index[0]
    dst = edge_index[1]
    loop = jnp.arange(N, dtype=src.dtype)
    src_full = jnp.concatenate([src, loop], axis=0)
    dst_full = jnp.concatenate([dst, loop], axis=0)
    # degree computed on target nodes with self-loops, edge weight 1
    deg = jnp.zeros((N,), dtype=x.dtype).at[dst_full].add(1.0)
    deg_inv_sqrt = jnp.where(deg > 0, jax.lax.rsqrt(deg), 0.0)
    norm = deg_inv_sqrt[src_full] * deg_inv_sqrt[dst_full]
    # linear transform first, then propagate
    xw = x @ W_gcn
    msg = xw[src_full] * norm[:, None]
    agg = jnp.zeros((N, xw.shape[1]), dtype=x.dtype).at[dst_full].add(msg)
    h = agg + b_gcn
    # --- action predictor ---
    action_logits = h @ W_lin + b_lin
    return action_logits

if __name__ == "__main__":
    import jax
    _d = setup_inputs()
    print(jax.jit(kernel)(*tuple(_d.values())))

</pallas_src>

<mosaic_0001>
#map = affine_map<(d0, d1) -> (0, 0, 0, 0)>
#map1 = affine_map<(d0, d1) -> (0)>
module attributes {stable_mosaic.version = 14 : i64} {
  func.func @_deg_body(%arg0: i32, %arg1: i32, %arg2: memref<16x2x80x128xi32, #tpu.memory_space<hbm>>, %arg3: memref<20000xf32, #tpu.memory_space<hbm>>, %arg4: memref<80x128xi32, #tpu.memory_space<vmem>>, %arg5: memref<128xf32, #tpu.memory_space<vmem>>, %arg6: memref<640xf32, #tpu.memory_space<vmem>>, %arg7: memref<10240xf32, #tpu.memory_space<vmem_shared>>) attributes {dimension_semantics = [#tpu.dimension_semantics<core_parallel>, #tpu.dimension_semantics<subcore_parallel>], iteration_bounds = array<i64: 2, 16>, scalar_prefetch = 0 : i64, scratch_operands = 4 : i64, tpu.core_type = #tpu.core_type<sc_vector_subcore>, window_params = [{transform_indices = #map}, {transform_indices = #map1}]} {
    %broadcast_in_dim3A = arith.constant 1.000000e+00 : f32
    %broadcast_in_dim3A_0 = vector.broadcast %broadcast_in_dim3A : f32 to vector<16xf32>
    %swap3A = arith.constant 0 : index
    %swap3A_1 = tpu.vector_load %arg5[%swap3A] {strides = array<i32>} : memref<128xf32, #tpu.memory_space<vmem>>, vector<16xf32>,
    %swap3A_2 = vector.shape_cast %swap3A_1 : vector<16xf32> to vector<16xf32>
    %swap3A_3 = vector.shape_cast %broadcast_in_dim3A_0 : vector<16xf32> to vector<16xf32>
    tpu.vector_store %arg5[%swap3A], %swap3A_3 {strides = array<i32>} : memref<128xf32, #tpu.memory_space<vmem>>, vector<16xf32>,
    %broadcast_in_dim3A_4 = arith.constant 1.000000e+00 : f32
    %broadcast_in_dim3A_5 = vector.broadcast %broadcast_in_dim3A_4 : f32 to vector<16xf32>
    %swap3A_6 = arith.constant 16 : index
    %swap3A_7 = tpu.vector_load %arg5[%swap3A_6] {strides = array<i32>} : memref<128xf32, #tpu.memory_space<vmem>>, vector<16xf32>,
    %swap3A_8 = vector.shape_cast %swap3A_7 : vector<16xf32> to vector<16xf32>
    %swap3A_9 = vector.shape_cast %broadcast_in_dim3A_5 : vector<16xf32> to vector<16xf32>
    tpu.vector_store %arg5[%swap3A_6], %swap3A_9 {strides = array<i32>} : memref<128xf32, #tpu.memory_space<vmem>>, vector<16xf32>,
    %broadcast_in_dim3A_10 = arith.constant 1.000000e+00 : f32
    %broadcast_in_dim3A_11 = vector.broadcast %broadcast_in_dim3A_10 : f32 to vector<16xf32>
    %swap3A_12 = arith.constant 32 : index
    %swap3A_13 = tpu.vector_load %arg5[%swap3A_12] {strides = array<i32>} : memref<128xf32, #tpu.memory_space<vmem>>, vector<16xf32>,
    %swap3A_14 = vector.shape_cast %swap3A_13 : vector<16xf32> to vector<16xf32>
    %swap3A_15 = vector.shape_cast %broadcast_in_dim3A_11 : vector<16xf32> to vector<16xf32>
    tpu.vector_store %arg5[%swap3A_12], %swap3A_15 {strides = array<i32>} : memref<128xf32, #tpu.memory_space<vmem>>, vector<16xf32>,
    %broadcast_in_dim3A_16 = arith.constant 1.000000e+00 : f32
    %broadcast_in_dim3A_17 = vector.broadcast %broadcast_in_dim3A_16 : f32 to vector<16xf32>
    %swap3A_18 = arith.constant 48 : index
    %swap3A_19 = tpu.vector_load %arg5[%swap3A_18] {strides = array<i32>} : memref<128xf32, #tpu.memory_space<vmem>>, vector<16xf32>,
    %swap3A_20 = vector.shape_cast %swap3A_19 : vector<16xf32> to vector<16xf32>
    %swap3A_21 = vector.shape_cast %broadcast_in_dim3A_17 : vector<16xf32> to vector<16xf32>
    tpu.vector_store %arg5[%swap3A_18], %swap3A_21 {strides = array<i32>} : memref<128xf32, #tpu.memory_space<vmem>>, vector<16xf32>,
    %broadcast_in_dim3A_22 = arith.constant 1.000000e+00 : f32
    %broadcast_in_dim3A_23 = vector.broadcast %broadcast_in_dim3A_22 : f32 to vector<16xf32>
    %swap3A_24 = arith.constant 64 : index
    %swap3A_25 = tpu.vector_load %arg5[%swap3A_24] {strides = array<i32>} : memref<128xf32, #tpu.memory_space<vmem>>, vector<16xf32>,
    %swap3A_26 = vector.shape_cast %swap3A_25 : vector<16xf32> to vector<16xf32>
    %swap3A_27 = vector.shape_cast %broadcast_in_dim3A_23 : vector<16xf32> to vector<16xf32>
    tpu.vector_store %arg5[%swap3A_24], %swap3A_27 {strides = array<i32>} : memref<128xf32, #tpu.memory_space<vmem>>, vector<16xf32>,
    %broadcast_in_dim3A_28 = arith.constant 1.000000e+00 : f32
    %broadcast_in_dim3A_29 = vector.broadcast %broadcast_in_dim3A_28 : f32 to vector<16xf32>
    %swap3A_30 = arith.constant 80 : index
    %swap3A_31 = tpu.vector_load %arg5[%swap3A_30] {strides = array<i32>} : memref<128xf32, #tpu.memory_space<vmem>>, vector<16xf32>,
    %swap3A_32 = vector.shape_cast %swap3A_31 : vector<16xf32> to vector<16xf32>
    %swap3A_33 = vector.shape_cast %broadcast_in_dim3A_29 : vector<16xf32> to vector<16xf32>
    tpu.vector_store %arg5[%swap3A_30], %swap3A_33 {strides = array<i32>} : memref<128xf32, #tpu.memory_space<vmem>>, vector<16xf32>,
    %broadcast_in_dim3A_34 = arith.constant 1.000000e+00 : f32
    %broadcast_in_dim3A_35 = vector.broadcast %broadcast_in_dim3A_34 : f32 to vector<16xf32>
    %swap3A_36 = arith.constant 96 : index
    %swap3A_37 = tpu.vector_load %arg5[%swap3A_36] {strides = array<i32>} : memref<128xf32, #tpu.memory_space<vmem>>, vector<16xf32>,
    %swap3A_38 = vector.shape_cast %swap3A_37 : vector<16xf32> to vector<16xf32>
    %swap3A_39 = vector.shape_cast %broadcast_in_dim3A_35 : vector<16xf32> to vector<16xf32>
    tpu.vector_store %arg5[%swap3A_36], %swap3A_39 {strides = array<i32>} : memref<128xf32, #tpu.memory_space<vmem>>, vector<16xf32>,
    %broadcast_in_dim3A_40 = arith.constant 1.000000e+00 : f32
    %broadcast_in_dim3A_41 = vector.broadcast %broadcast_in_dim3A_40 : f32 to vector<16xf32>
    %swap3A_42 = arith.constant 112 : index
    %swap3A_43 = tpu.vector_load %arg5[%swap3A_42] {strides = array<i32>} : memref<128xf32, #tpu.memory_space<vmem>>, vector<16xf32>,
    %swap3A_44 = vector.shape_cast %swap3A_43 : vector<16xf32> to vector<16xf32>
    %swap3A_45 = vector.shape_cast %broadcast_in_dim3A_41 : vector<16xf32> to vector<16xf32>
    tpu.vector_store %arg5[%swap3A_42], %swap3A_45 {strides = array<i32>} : memref<128xf32, #tpu.memory_space<vmem>>, vector<16xf32>,
    %broadcast_in_dim3A_46 = arith.constant 0.000000e+00 : f32
    %broadcast_in_dim3A_47 = vector.broadcast %broadcast_in_dim3A_46 : f32 to vector<16xf32>
    %swap3A_48 = arith.constant 0 : index
    %swap3A_49 = tpu.vector_load %arg6[%swap3A_48] {strides = array<i32>} : memref<640xf32, #tpu.memory_space<vmem>>, vector<16xf32>,
    %swap3A_50 = vector.shape_cast %swap3A_49 : vector<16xf32> to vector<16xf32>
    %swap3A_51 = vector.shape_cast %broadcast_in_dim3A_47 : vector<16xf32> to vector<16xf32>
    tpu.vector_store %arg6[%swap3A_48], %swap3A_51 {strides = array<i32>} : memref<640xf32, #tpu.memory_space<vmem>>, vector<16xf32>,
    %broadcast_in_dim3A_52 = arith.constant 0.000000e+00 : f32
    %broadcast_in_dim3A_53 = vector.broadcast %broadcast_in_dim3A_52 : f32 to vector<16xf32>
    %swap3A_54 = arith.constant 16 : index
    %swap3A_55 = tpu.vector_load %arg6[%swap3A_54] {strides = array<i32>} : memref<640xf32, #tpu.memory_space<vmem>>, vector<16xf32>,
    %swap3A_56 = vector.shape_cast %swap3A_55 : vector<16xf32> to vector<16xf32>
    %swap3A_57 = vector.shape_cast %broadcast_in_dim3A_53 : vector<16xf32> to vector<16xf32>
    tpu.vector_store %arg6[%swap3A_54], %swap3A_57 {strides = array<i32>} : memref<640xf32, #tpu.memory_space<vmem>>, vector<16xf32>,
    %broadcast_in_dim3A_58 = arith.constant 0.000000e+00 : f32
    %broadcast_in_dim3A_59 = vector.broadcast %broadcast_in_dim3A_58 : f32 to vector<16xf32>
    %swap3A_60 = arith.constant 32 : index
    %swap3A_61 = tpu.vector_load %arg6[%swap3A_60] {strides = array<i32>} : memref<640xf32, #tpu.memory_space<vmem>>, vector<16xf32>,
    %swap3A_62 = vector.shape_cast %swap3A_61 : vector<16xf32> to vector<16xf32>
    %swap3A_63 = vector.shape_cast %broadcast_in_dim3A_59 : vector<16xf32> to vector<16xf32>
    tpu.vector_store %arg6[%swap3A_60], %swap3A_63 {strides = array<i32>} : memref<640xf32, #tpu.memory_space<vmem>>, vector<16xf32>,
    %broadcast_in_dim3A_64 = arith.constant 0.000000e+00 : f32
    %broadcast_in_dim3A_65 = vector.broadcast %broadcast_in_dim3A_64 : f32 to vector<16xf32>
    %swap3A_66 = arith.constant 48 : index
    %swap3A_67 = tpu.vector_load %arg6[%swap3A_66] {strides = array<i32>} : memref<640xf32, #tpu.memory_space<vmem>>, vector<16xf32>,
    %swap3A_68 = vector.shape_cast %swap3A_67 : vector<16xf32> to vector<16xf32>
    %swap3A_69 = vector.shape_cast %broadcast_in_dim3A_65 : vector<16xf32> to vector<16xf32>
    tpu.vector_store %arg6[%swap3A_66], %swap3A_69 {strides = array<i32>} : memref<640xf32, #tpu.memory_space<vmem>>, vector<16xf32>,
    %broadcast_in_dim3A_70 = arith.constant 0.000000e+00 : f32
    %broadcast_in_dim3A_71 = vector.broadcast %broadcast_in_dim3A_70 : f32 to vector<16xf32>
    %swap3A_72 = arith.constant 64 : index
    %swap3A_73 = tpu.vector_load %arg6[%swap3A_72] {strides = array<i32>} : memref<640xf32, #tpu.memory_space<vmem>>, vector<16xf32>,
    %swap3A_74 = vector.shape_cast %swap3A_73 : vector<16xf32> to vector<16xf32>
    %swap3A_75 = vector.shape_cast %broadcast_in_dim3A_71 : vector<16xf32> to vector<16xf32>
    tpu.vector_store %arg6[%swap3A_72], %swap3A_75 {strides = array<i32>} : memref<640xf32, #tpu.memory_space<vmem>>, vector<16xf32>,
    %broadcast_in_dim3A_76 = arith.constant 0.000000e+00 : f32
    %broadcast_in_dim3A_77 = vector.broadcast %broadcast_in_dim3A_76 : f32 to vector<16xf32>
    %swap3A_78 = arith.constant 80 : index
    %swap3A_79 = tpu.vector_load %arg6[%swap3A_78] {strides = array<i32>} : memref<640xf32, #tpu.memory_space<vmem>>, vector<16xf32>,
    %swap3A_80 = vector.shape_cast %swap3A_79 : vector<16xf32> to vector<16xf32>
    %swap3A_81 = vector.shape_cast %broadcast_in_dim3A_77 : vector<16xf32> to vector<16xf32>
    tpu.vector_store %arg6[%swap3A_78], %swap3A_81 {strides = array<i32>} : memref<640xf32, #tpu.memory_space<vmem>>, vector<16xf32>,
    %broadcast_in_dim3A_82 = arith.constant 0.000000e+00 : f32
    %broadcast_in_dim3A_83 = vector.broadcast %broadcast_in_dim3A_82 : f32 to vector<16xf32>
    %swap3A_84 = arith.constant 96 : index
    %swap3A_85 = tpu.vector_load %arg6[%swap3A_84] {strides = array<i32>} : memref<640xf32, #tpu.memory_space<vmem>>, vector<16xf32>,
    %swap3A_86 = vector.shape_cast %swap3A_85 : vector<16xf32> to vector<16xf32>
    %swap3A_87 = vector.shape_cast %broadcast_in_dim3A_83 : vector<16xf32> to vector<16xf32>
    tpu.vector_store %arg6[%swap3A_84], %swap3A_87 {strides = array<i32>} : memref<640xf32, #tpu.memory_space<vmem>>, vector<16xf32>,
    %broadcast_in_dim3A_88 = arith.constant 0.000000e+00 : f32
    %broadcast_in_dim3A_89 = vector.broadcast %broadcast_in_dim3A_88 : f32 to vector<16xf32>
    %swap3A_90 = arith.constant 112 : index
    %swap3A_91 = tpu.vector_load %arg6[%swap3A_90] {strides = array<i32>} : memref<640xf32, #tpu.memory_space<vmem>>, vector<16xf32>,
    %swap3A_92 = vector.shape_cast %swap3A_91 : vector<16xf32> to vector<16xf32>
    %swap3A_93 = vector.shape_cast %broadcast_in_dim3A_89 : vector<16xf32> to vector<16xf32>
    tpu.vector_store %arg6[%swap3A_90], %swap3A_93 {strides = array<i32>} : memref<640xf32, #tpu.memory_space<vmem>>, vector<16xf32>,
    %broadcast_in_dim3A_94 = arith.constant 0.000000e+00 : f32
    %broadcast_in_dim3A_95 = vector.broadcast %broadcast_in_dim3A_94 : f32 to vector<16xf32>
    %swap3A_96 = arith.constant 128 : index
    %swap3A_97 = tpu.vector_load %arg6[%swap3A_96] {strides = array<i32>} : memref<640xf32, #tpu.memory_space<vmem>>, vector<16xf32>,
    %swap3A_98 = vector.shape_cast %swap3A_97 : vector<16xf32> to vector<16xf32>
    %swap3A_99 = vector.shape_cast %broadcast_in_dim3A_95 : vector<16xf32> to vector<16xf32>
    tpu.vector_store %arg6[%swap3A_96], %swap3A_99 {strides = array<i32>} : memref<640xf32, #tpu.memory_space<vmem>>, vector<16xf32>,
    %broadcast_in_dim3A_100 = arith.constant 0.000000e+00 : f32
    %broadcast_in_dim3A_101 = vector.broadcast %broadcast_in_dim3A_100 : f32 to vector<16xf32>
    %swap3A_102 = arith.constant 144 : index
    %swap3A_103 = tpu.vector_load %arg6[%swap3A_102] {strides = array<i32>} : memref<640xf32, #tpu.memory_space<vmem>>, vector<16xf32>,
    %swap3A_104 = vector.shape_cast %swap3A_103 : vector<16xf32> to vector<16xf32>
    %swap3A_105 = vector.shape_cast %broadcast_in_dim3A_101 : vector<16xf32> to vector<16xf32>
    tpu.vector_store %arg6[%swap3A_102], %swap3A_105 {strides = array<i32>} : memref<640xf32, #tpu.memory_space<vmem>>, vector<16xf32>,
    %broadcast_in_dim3A_106 = arith.constant 0.000000e+00 : f32
    %broadcast_in_dim3A_107 = vector.broadcast %broadcast_in_dim3A_106 : f32 to vector<16xf32>
    %swap3A_108 = arith.constant 160 : index
    %swap3A_109 = tpu.vector_load %arg6[%swap3A_108] {strides = array<i32>} : memref<640xf32, #tpu.memory_space<vmem>>, vector<16xf32>,
    %swap3A_110 = vector.shape_cast %swap3A_109 : vector<16xf32> to vector<16xf32>
    %swap3A_111 = vector.shape_cast %broadcast_in_dim3A_107 : vector<16xf32> to vector<16xf32>
    tpu.vector_store %arg6[%swap3A_108], %swap3A_111 {strides = array<i32>} : memref<640xf32, #tpu.memory_space<vmem>>, vector<16xf32>,
    %broadcast_in_dim3A_112 = arith.constant 0.000000e+00 : f32
    %broadcast_in_dim3A_113 = vector.broadcast %broadcast_in_dim3A_112 : f32 to vector<16xf32>
    %swap3A_114 = arith.constant 176 : index
    %swap3A_115 = tpu.vector_load %arg6[%swap3A_114] {strides = array<i32>} : memref<640xf32, #tpu.memory_space<vmem>>, vector<16xf32>,
    %swap3A_116 = vector.shape_cast %swap3A_115 : vector<16xf32> to vector<16xf32>
    %swap3A_117 = vector.shape_cast %broadcast_in_dim3A_113 : vector<16xf32> to vector<16xf32>
    tpu.vector_store %arg6[%swap3A_114], %swap3A_117 {strides = array<i32>} : memref<640xf32, #tpu.memory_space<vmem>>, vector<16xf32>,
    %broadcast_in_dim3A_118 = arith.constant 0.000000e+00 : f32
    %broadcast_in_dim3A_119 = vector.broadcast %broadcast_in_dim3A_118 : f32 to vector<16xf32>
    %swap3A_120 = arith.constant 192 : index
    %swap3A_121 = tpu.vector_load %arg6[%swap3A_120] {strides = array<i32>} : memref<640xf32, #tpu.memory_space<vmem>>, vector<16xf32>,
    %swap3A_122 = vector.shape_cast %swap3A_121 : vector<16xf32> to vector<16xf32>
    %swap3A_123 = vector.shape_cast %broadcast_in_dim3A_119 : vector<16xf32> to vector<16xf32>
    tpu.vector_store %arg6[%swap3A_120], %swap3A_123 {strides = array<i32>} : memref<640xf32, #tpu.memory_space<vmem>>, vector<16xf32>,
    %broadcast_in_dim3A_124 = arith.constant 0.000000e+00 : f32
    %broadcast_in_dim3A_125 = vector.broadcast %broadcast_in_dim3A_124 : f32 to vector<16xf32>
    %swap3A_126 = arith.constant 208 : index
    %swap3A_127 = tpu.vector_load %arg6[%swap3A_126] {strides = array<i32>} : memref<640xf32, #tpu.memory_space<vmem>>, vector<16xf32>,
    %swap3A_128 = vector.shape_cast %swap3A_127 : vector<16xf32> to vector<16xf32>
    %swap3A_129 = vector.shape_cast %broadcast_in_dim3A_125 : vector<16xf32> to vector<16xf32>
    tpu.vector_store %arg6[%swap3A_126], %swap3A_129 {strides = array<i32>} : memref<640xf32, #tpu.memory_space<vmem>>, vector<16xf32>,
    %broadcast_in_dim3A_130 = arith.constant 0.000000e+00 : f32
    %broadcast_in_dim3A_131 = vector.broadcast %broadcast_in_dim3A_130 : f32 to vector<16xf32>
    %swap3A_132 = arith.constant 224 : index
    %swap3A_133 = tpu.vector_load %arg6[%swap3A_132] {strides = array<i32>} : memref<640xf32, #tpu.memory_space<vmem>>, vector<16xf32>,
    %swap3A_134 = vector.shape_cast %swap3A_133 : vector<16xf32> to vector<16xf32>
    %swap3A_135 = vector.shape_cast %broadcast_in_dim3A_131 : vector<16xf32> to vector<16xf32>
    tpu.vector_store %arg6[%swap3A_132], %swap3A_135 {strides = array<i32>} : memref<640xf32, #tpu.memory_space<vmem>>, vector<16xf32>,
    %broadcast_in_dim3A_136 = arith.constant 0.000000e+00 : f32
    %broadcast_in_dim3A_137 = vector.broadcast %broadcast_in_dim3A_136 : f32 to vector<16xf32>
    %swap3A_138 = arith.constant 240 : index
    %swap3A_139 = tpu.vector_load %arg6[%swap3A_138] {strides = array<i32>} : memref<640xf32, #tpu.memory_space<vmem>>, vector<16xf32>,
    %swap3A_140 = vector.shape_cast %swap3A_139 : vector<16xf32> to vector<16xf32>
    %swap3A_141 = vector.shape_cast %broadcast_in_dim3A_137 : vector<16xf32> to vector<16xf32>
    tpu.vector_store %arg6[%swap3A_138], %swap3A_141 {strides = array<i32>} : memref<640xf32, #tpu.memory_space<vmem>>, vector<16xf32>,
    %broadcast_in_dim3A_142 = arith.constant 0.000000e+00 : f32
    %broadcast_in_dim3A_143 = vector.broadcast %broadcast_in_dim3A_142 : f32 to vector<16xf32>
    %swap3A_144 = arith.constant 256 : index
    %swap3A_145 = tpu.vector_load %arg6[%swap3A_144] {strides = array<i32>} : memref<640xf32, #tpu.memory_space<vmem>>, vector<16xf32>,
    %swap3A_146 = vector.shape_cast %swap3A_145 : vector<16xf32> to vector<16xf32>
    %swap3A_147 = vector.shape_cast %broadcast_in_dim3A_143 : vector<16xf32> to vector<16xf32>
    tpu.vector_store %arg6[%swap3A_144], %swap3A_147 {strides = array<i32>} : memref<640xf32, #tpu.memory_space<vmem>>, vector<16xf32>,
    %broadcast_in_dim3A_148 = arith.constant 0.000000e+00 : f32
    %broadcast_in_dim3A_149 = vector.broadcast %broadcast_in_dim3A_148 : f32 to vector<16xf32>
    %swap3A_150 = arith.constant 272 : index
    %swap3A_151 = tpu.vector_load %arg6[%swap3A_150] {strides = array<i32>} : memref<640xf32, #tpu.memory_space<vmem>>, vector<16xf32>,
    %swap3A_152 = vector.shape_cast %swap3A_151 : vector<16xf32> to vector<16xf32>
    %swap3A_153 = vector.shape_cast %broadcast_in_dim3A_149 : vector<16xf32> to vector<16xf32>
    tpu.vector_store %arg6[%swap3A_150], %swap3A_153 {strides = array<i32>} : memref<640xf32, #tpu.memory_space<vmem>>, vector<16xf32>,
    %broadcast_in_dim3A_154 = arith.constant 0.000000e+00 : f32
    %broadcast_in_dim3A_155 = vector.broadcast %broadcast_in_dim3A_154 : f32 to vector<16xf32>
    %swap3A_156 = arith.constant 288 : index
    %swap3A_157 = tpu.vector_load %arg6[%swap3A_156] {strides = array<i32>} : memref<640xf32, #tpu.memory_space<vmem>>, vector<16xf32>,
    %swap3A_158 = vector.shape_cast %swap3A_157 : vector<16xf32> to vector<16xf32>
    %swap3A_159 = vector.shape_cast %broadcast_in_dim3A_155 : vector<16xf32> to vector<16xf32>
    tpu.vector_store %arg6[%swap3A_156], %swap3A_159 {strides = array<i32>} : memref<640xf32, #tpu.memory_space<vmem>>, vector<16xf32>,
    %broadcast_in_dim3A_160 = arith.constant 0.000000e+00 : f32
    %broadcast_in_dim3A_161 = vector.broadcast %broadcast_in_dim3A_160 : f32 to vector<16xf32>
    %swap3A_162 = arith.constant 304 : index
    %swap3A_163 = tpu.vector_load %arg6[%swap3A_162] {strides = array<i32>} : memref<640xf32, #tpu.memory_space<vmem>>, vector<16xf32>,
    %swap3A_164 = vector.shape_cast %swap3A_163 : vector<16xf32> to vector<16xf32>
    %swap3A_165 = vector.shape_cast %broadcast_in_dim3A_161 : vector<16xf32> to vector<16xf32>
    tpu.vector_store %arg6[%swap3A_162], %swap3A_165 {strides = array<i32>} : memref<640xf32, #tpu.memory_space<vmem>>, vector<16xf32>,
    %broadcast_in_dim3A_166 = arith.constant 0.000000e+00 : f32
    %broadcast_in_dim3A_167 = vector.broadcast %broadcast_in_dim3A_166 : f32 to vector<16xf32>
    %swap3A_168 = arith.constant 320 : index
    %swap3A_169 = tpu.vector_load %arg6[%swap3A_168] {strides = array<i32>} : memref<640xf32, #tpu.memory_space<vmem>>, vector<16xf32>,
    %swap3A_170 = vector.shape_cast %swap3A_169 : vector<16xf32> to vector<16xf32>
    %swap3A_171 = vector.shape_cast %broadcast_in_dim3A_167 : vector<16xf32> to vector<16xf32>
    tpu.vector_store %arg6[%swap3A_168], %swap3A_171 {strides = array<i32>} : memref<640xf32, #tpu.memory_space<vmem>>, vector<16xf32>,
    %broadcast_in_dim3A_172 = arith.constant 0.000000e+00 : f32
    %broadcast_in_dim3A_173 = vector.broadcast %broadcast_in_dim3A_172 : f32 to vector<16xf32>
    %swap3A_174 = arith.constant 336 : index
    %swap3A_175 = tpu.vector_load %arg6[%swap3A_174] {strides = array<i32>} : memref<640xf32, #tpu.memory_space<vmem>>, vector<16xf32>,
    %swap3A_176 = vector.shape_cast %swap3A_175 : vector<16xf32> to vector<16xf32>
    %swap3A_177 = vector.shape_cast %broadcast_in_dim3A_173 : vector<16xf32> to vector<16xf32>
    tpu.vector_store %arg6[%swap3A_174], %swap3A_177 {strides = array<i32>} : memref<640xf32, #tpu.memory_space<vmem>>, vector<16xf32>,
    %broadcast_in_dim3A_178 = arith.constant 0.000000e+00 : f32
    %broadcast_in_dim3A_179 = vector.broadcast %broadcast_in_dim3A_178 : f32 to vector<16xf32>
    %swap3A_180 = arith.constant 352 : index
    %swap3A_181 = tpu.vector_load %arg6[%swap3A_180] {strides = array<i32>} : memref<640xf32, #tpu.memory_space<vmem>>, vector<16xf32>,
    %swap3A_182 = vector.shape_cast %swap3A_181 : vector<16xf32> to vector<16xf32>
    %swap3A_183 = vector.shape_cast %broadcast_in_dim3A_179 : vector<16xf32> to vector<16xf32>
    tpu.vector_store %arg6[%swap3A_180], %swap3A_183 {strides = array<i32>} : memref<640xf32, #tpu.memory_space<vmem>>, vector<16xf32>,
    %broadcast_in_dim3A_184 = arith.constant 0.000000e+00 : f32
    %broadcast_in_dim3A_185 = vector.broadcast %broadcast_in_dim3A_184 : f32 to vector<16xf32>
    %swap3A_186 = arith.constant 368 : index
    %swap3A_187 = tpu.vector_load %arg6[%swap3A_186] {strides = array<i32>} : memref<640xf32, #tpu.memory_space<vmem>>, vector<16xf32>,
    %swap3A_188 = vector.shape_cast %swap3A_187 : vector<16xf32> to vector<16xf32>
    %swap3A_189 = vector.shape_cast %broadcast_in_dim3A_185 : vector<16xf32> to vector<16xf32>
    tpu.vector_store %arg6[%swap3A_186], %swap3A_189 {strides = array<i32>} : memref<640xf32, #tpu.memory_space<vmem>>, vector<16xf32>,
    %broadcast_in_dim3A_190 = arith.constant 0.000000e+00 : f32
    %broadcast_in_dim3A_191 = vector.broadcast %broadcast_in_dim3A_190 : f32 to vector<16xf32>
    %swap3A_192 = arith.constant 384 : index
    %swap3A_193 = tpu.vector_load %arg6[%swap3A_192] {strides = array<i32>} : memref<640xf32, #tpu.memory_space<vmem>>, vector<16xf32>,
    %swap3A_194 = vector.shape_cast %swap3A_193 : vector<16xf32> to vector<16xf32>
    %swap3A_195 = vector.shape_cast %broadcast_in_dim3A_191 : vector<16xf32> to vector<16xf32>
    tpu.vector_store %arg6[%swap3A_192], %swap3A_195 {strides = array<i32>} : memref<640xf32, #tpu.memory_space<vmem>>, vector<16xf32>,
    %broadcast_in_dim3A_196 = arith.constant 0.000000e+00 : f32
    %broadcast_in_dim3A_197 = vector.broadcast %broadcast_in_dim3A_196 : f32 to vector<16xf32>
    %swap3A_198 = arith.constant 400 : index
    %swap3A_199 = tpu.vector_load %arg6[%swap3A_198] {strides = array<i32>} : memref<640xf32, #tpu.memory_space<vmem>>, vector<16xf32>,
    %swap3A_200 = vector.shape_cast %swap3A_199 : vector<16xf32> to vector<16xf32>
    %swap3A_201 = vector.shape_cast %broadcast_in_dim3A_197 : vector<16xf32> to vector<16xf32>
    tpu.vector_store %arg6[%swap3A_198], %swap3A_201 {strides = array<i32>} : memref<640xf32, #tpu.memory_space<vmem>>, vector<16xf32>,
    %broadcast_in_dim3A_202 = arith.constant 0.000000e+00 : f32
    %broadcast_in_dim3A_203 = vector.broadcast %broadcast_in_dim3A_202 : f32 to vector<16xf32>
    %swap3A_204 = arith.constant 416 : index
    %swap3A_205 = tpu.vector_load %arg6[%swap3A_204] {strides = array<i32>} : memref<640xf32, #tpu.memory_space<vmem>>, vector<16xf32>,
    %swap3A_206 = vector.shape_cast %swap3A_205 : vector<16xf32> to vector<16xf32>
    %swap3A_207 = vector.shape_cast %broadcast_in_dim3A_203 : vector<16xf32> to vector<16xf32>
    tpu.vector_store %arg6[%swap3A_204], %swap3A_207 {strides = array<i32>} : memref<640xf32, #tpu.memory_space<vmem>>, vector<16xf32>,
    %broadcast_in_dim3A_208 = arith.constant 0.000000e+00 : f32
    %broadcast_in_dim3A_209 = vector.broadcast %broadcast_in_dim3A_208 : f32 to vector<16xf32>
    %swap3A_210 = arith.constant 432 : index
    %swap3A_211 = tpu.vector_load %arg6[%swap3A_210] {strides = array<i32>} : memref<640xf32, #tpu.memory_space<vmem>>, vector<16xf32>,
    %swap3A_212 = vector.shape_cast %swap3A_211 : vector<16xf32> to vector<16xf32>
    %swap3A_213 = vector.shape_cast %broadcast_in_dim3A_209 : vector<16xf32> to vector<16xf32>
    tpu.vector_store %arg6[%swap3A_210], %swap3A_213 {strides = array<i32>} : memref<640xf32, #tpu.memory_space<vmem>>, vector<16xf32>,
    %broadcast_in_dim3A_214 = arith.constant 0.000000e+00 : f32
    %broadcast_in_dim3A_215 = vector.broadcast %broadcast_in_dim3A_214 : f32 to vector<16xf32>
    %swap3A_216 = arith.constant 448 : index
    %swap3A_217 = tpu.vector_load %arg6[%swap3A_216] {strides = array<i32>} : memref<640xf32, #tpu.memory_space<vmem>>, vector<16xf32>,
    %swap3A_218 = vector.shape_cast %swap3A_217 : vector<16xf32> to vector<16xf32>
    %swap3A_219 = vector.shape_cast %broadcast_in_dim3A_215 : vector<16xf32> to vector<16xf32>
    tpu.vector_store %arg6[%swap3A_216], %swap3A_219 {strides = array<i32>} : memref<640xf32, #tpu.memory_space<vmem>>, vector<16xf32>,
    %broadcast_in_dim3A_220 = arith.constant 0.000000e+00 : f32
    %broadcast_in_dim3A_221 = vector.broadcast %broadcast_in_dim3A_220 : f32 to vector<16xf32>
    %swap3A_222 = arith.constant 464 : index
    %swap3A_223 = tpu.vector_load %arg6[%swap3A_222] {strides = array<i32>} : memref<640xf32, #tpu.memory_space<vmem>>, vector<16xf32>,
    %swap3A_224 = vector.shape_cast %swap3A_223 : vector<16xf32> to vector<16xf32>
    %swap3A_225 = vector.shape_cast %broadcast_in_dim3A_221 : vector<16xf32> to vector<16xf32>
    tpu.vector_store %arg6[%swap3A_222], %swap3A_225 {strides = array<i32>} : memref<640xf32, #tpu.memory_space<vmem>>, vector<16xf32>,
    %broadcast_in_dim3A_226 = arith.constant 0.000000e+00 : f32
    %broadcast_in_dim3A_227 = vector.broadcast %broadcast_in_dim3A_226 : f32 to vector<16xf32>
    %swap3A_228 = arith.constant 480 : index
    %swap3A_229 = tpu.vector_load %arg6[%swap3A_228] {strides = array<i32>} : memref<640xf32, #tpu.memory_space<vmem>>, vector<16xf32>,
    %swap3A_230 = vector.shape_cast %swap3A_229 : vector<16xf32> to vector<16xf32>
    %swap3A_231 = vector.shape_cast %broadcast_in_dim3A_227 : vector<16xf32> to vector<16xf32>
    tpu.vector_store %arg6[%swap3A_228], %swap3A_231 {strides = array<i32>} : memref<640xf32, #tpu.memory_space<vmem>>, vector<16xf32>,
    %broadcast_in_dim3A_232 = arith.constant 0.000000e+00 : f32
    %broadcast_in_dim3A_233 = vector.broadcast %broadcast_in_dim3A_232 : f32 to vector<16xf32>
    %swap3A_234 = arith.constant 496 : index
    %swap3A_235 = tpu.vector_load %arg6[%swap3A_234] {strides = array<i32>} : memref<640xf32, #tpu.memory_space<vmem>>, vector<16xf32>,
    %swap3A_236 = vector.shape_cast %swap3A_235 : vector<16xf32> to vector<16xf32>
    %swap3A_237 = vector.shape_cast %broadcast_in_dim3A_233 : vector<16xf32> to vector<16xf32>
    tpu.vector_store %arg6[%swap3A_234], %swap3A_237 {strides = array<i32>} : memref<640xf32, #tpu.memory_space<vmem>>, vector<16xf32>,
    %broadcast_in_dim3A_238 = arith.constant 0.000000e+00 : f32
    %broadcast_in_dim3A_239 = vector.broadcast %broadcast_in_dim3A_238 : f32 to vector<16xf32>
    %swap3A_240 = arith.constant 512 : index
    %swap3A_241 = tpu.vector_load %arg6[%swap3A_240] {strides = array<i32>} : memref<640xf32, #tpu.memory_space<vmem>>, vector<16xf32>,
    %swap3A_242 = vector.shape_cast %swap3A_241 : vector<16xf32> to vector<16xf32>
    %swap3A_243 = vector.shape_cast %broadcast_in_dim3A_239 : vector<16xf32> to vector<16xf32>
    tpu.vector_store %arg6[%swap3A_240], %swap3A_243 {strides = array<i32>} : memref<640xf32, #tpu.memory_space<vmem>>, vector<16xf32>,
    %broadcast_in_dim3A_244 = arith.constant 0.000000e+00 : f32
    %broadcast_in_dim3A_245 = vector.broadcast %broadcast_in_dim3A_244 : f32 to vector<16xf32>
    %swap3A_246 = arith.constant 528 : index
    %swap3A_247 = tpu.vector_load %arg6[%swap3A_246] {strides = array<i32>} : memref<640xf32, #tpu.memory_space<vmem>>, vector<16xf32>,
    %swap3A_248 = vector.shape_cast %swap3A_247 : vector<16xf32> to vector<16xf32>
    %swap3A_249 = vector.shape_cast %broadcast_in_dim3A_245 : vector<16xf32> to vector<16xf32>
    tpu.vector_store %arg6[%swap3A_246], %swap3A_249 {strides = array<i32>} : memref<640xf32, #tpu.memory_space<vmem>>, vector<16xf32>,
    %broadcast_in_dim3A_250 = arith.constant 0.000000e+00 : f32
    %broadcast_in_dim3A_251 = vector.broadcast %broadcast_in_dim3A_250 : f32 to vector<16xf32>
    %swap3A_252 = arith.constant 544 : index
    %swap3A_253 = tpu.vector_load %arg6[%swap3A_252] {strides = array<i32>} : memref<640xf32, #tpu.memory_space<vmem>>, vector<16xf32>,
    %swap3A_254 = vector.shape_cast %swap3A_253 : vector<16xf32> to vector<16xf32>
    %swap3A_255 = vector.shape_cast %broadcast_in_dim3A_251 : vector<16xf32> to vector<16xf32>
    tpu.vector_store %arg6[%swap3A_252], %swap3A_255 {strides = array<i32>} : memref<640xf32, #tpu.memory_space<vmem>>, vector<16xf32>,
    %broadcast_in_dim3A_256 = arith.constant 0.000000e+00 : f32
    %broadcast_in_dim3A_257 = vector.broadcast %broadcast_in_dim3A_256 : f32 to vector<16xf32>
    %swap3A_258 = arith.constant 560 : index
    %swap3A_259 = tpu.vector_load %arg6[%swap3A_258] {strides = array<i32>} : memref<640xf32, #tpu.memory_space<vmem>>, vector<16xf32>,
    %swap3A_260 = vector.shape_cast %swap3A_259 : vector<16xf32> to vector<16xf32>
    %swap3A_261 = vector.shape_cast %broadcast_in_dim3A_257 : vector<16xf32> to vector<16xf32>
    tpu.vector_store %arg6[%swap3A_258], %swap3A_261 {strides = array<i32>} : memref<640xf32, #tpu.memory_space<vmem>>, vector<16xf32>,
    %broadcast_in_dim3A_262 = arith.constant 0.000000e+00 : f32
    %broadcast_in_dim3A_263 = vector.broadcast %broadcast_in_dim3A_262 : f32 to vector<16xf32>
    %swap3A_264 = arith.constant 576 : index
    %swap3A_265 = tpu.vector_load %arg6[%swap3A_264] {strides = array<i32>} : memref<640xf32, #tpu.memory_space<vmem>>, vector<16xf32>,
    %swap3A_266 = vector.shape_cast %swap3A_265 : vector<16xf32> to vector<16xf32>
    %swap3A_267 = vector.shape_cast %broadcast_in_dim3A_263 : vector<16xf32> to vector<16xf32>
    tpu.vector_store %arg6[%swap3A_264], %swap3A_267 {strides = array<i32>} : memref<640xf32, #tpu.memory_space<vmem>>, vector<16xf32>,
    %broadcast_in_dim3A_268 = arith.constant 0.000000e+00 : f32
    %broadcast_in_dim3A_269 = vector.broadcast %broadcast_in_dim3A_268 : f32 to vector<16xf32>
    %swap3A_270 = arith.constant 592 : index
    %swap3A_271 = tpu.vector_load %arg6[%swap3A_270] {strides = array<i32>} : memref<640xf32, #tpu.memory_space<vmem>>, vector<16xf32>,
    %swap3A_272 = vector.shape_cast %swap3A_271 : vector<16xf32> to vector<16xf32>
    %swap3A_273 = vector.shape_cast %broadcast_in_dim3A_269 : vector<16xf32> to vector<16xf32>
    tpu.vector_store %arg6[%swap3A_270], %swap3A_273 {strides = array<i32>} : memref<640xf32, #tpu.memory_space<vmem>>, vector<16xf32>,
    %broadcast_in_dim3A_274 = arith.constant 0.000000e+00 : f32
    %broadcast_in_dim3A_275 = vector.broadcast %broadcast_in_dim3A_274 : f32 to vector<16xf32>
    %swap3A_276 = arith.constant 608 : index
    %swap3A_277 = tpu.vector_load %arg6[%swap3A_276] {strides = array<i32>} : memref<640xf32, #tpu.memory_space<vmem>>, vector<16xf32>,
    %swap3A_278 = vector.shape_cast %swap3A_277 : vector<16xf32> to vector<16xf32>
    %swap3A_279 = vector.shape_cast %broadcast_in_dim3A_275 : vector<16xf32> to vector<16xf32>
    tpu.vector_store %arg6[%swap3A_276], %swap3A_279 {strides = array<i32>} : memref<640xf32, #tpu.memory_space<vmem>>, vector<16xf32>,
    %broadcast_in_dim3A_280 = arith.constant 0.000000e+00 : f32
    %broadcast_in_dim3A_281 = vector.broadcast %broadcast_in_dim3A_280 : f32 to vector<16xf32>
    %swap3A_282 = arith.constant 624 : index
    %swap3A_283 = tpu.vector_load %arg6[%swap3A_282] {strides = array<i32>} : memref<640xf32, #tpu.memory_space<vmem>>, vector<16xf32>,
    %swap3A_284 = vector.shape_cast %swap3A_283 : vector<16xf32> to vector<16xf32>
    %swap3A_285 = vector.shape_cast %broadcast_in_dim3A_281 : vector<16xf32> to vector<16xf32>
    tpu.vector_store %arg6[%swap3A_282], %swap3A_285 {strides = array<i32>} : memref<640xf32, #tpu.memory_space<vmem>>, vector<16xf32>,
    %mul3A = arith.constant 640 : i32
    %mul3A_286 = arith.muli %mul3A, %arg1 : i32
    "tpu.region"() ({
      %run_scoped3A = tpu.sem_alloc : memref<!tpu.dma_semaphore, #tpu.memory_space<semaphore_mem>>
      %dma_start3A = tpu.memref_slice %arg7[%mul3A_286] : memref<10240xf32, #tpu.memory_space<vmem_shared>> -> memref<640xf32, #tpu.memory_space<vmem_shared>>
      %dma_start3A_300 = tpu.memref_slice %arg7[%mul3A_286] : memref<10240xf32, #tpu.memory_space<vmem_shared>> -> memref<640xf32, #tpu.memory_space<vmem_shared>>
      tpu.enqueue_dma source(%arg6 : memref<640xf32, #tpu.memory_space<vmem>>) target(%dma_start3A_300 : memref<640xf32, #tpu.memory_space<vmem_shared>>) target_semaphore(%run_scoped3A : memref<!tpu.dma_semaphore, #tpu.memory_space<semaphore_mem>>)
      %dma_wait3A = tpu.memref_slice %arg7[%mul3A_286] : memref<10240xf32, #tpu.memory_space<vmem_shared>> -> memref<640xf32, #tpu.memory_space<vmem_shared>>
      %dma_wait3A_301 = tpu.memref_slice %arg7[%mul3A_286] : memref<10240xf32, #tpu.memory_space<vmem_shared>> -> memref<640xf32, #tpu.memory_space<vmem_shared>>
      tpu.wait_dma2 semaphore(%run_scoped3A : memref<!tpu.dma_semaphore, #tpu.memory_space<semaphore_mem>>) src(%arg6 : memref<640xf32, #tpu.memory_space<vmem>>) dst(%dma_wait3A_301 : memref<640xf32, #tpu.memory_space<vmem_shared>>)
      tpu.yield
    }) : () -> ()
    "tpu.region"() ({
      %run_scoped3A = tpu.sem_alloc : memref<!tpu.dma_semaphore, #tpu.memory_space<semaphore_mem>>
      %dma_start3A = arith.constant 0 : i32
      %dma_start3A_300 = arith.constant 0 : i32
      %dma_start3A_301 = tpu.memref_slice %arg2[%arg1, %arg0, %dma_start3A, %dma_start3A_300] : memref<16x2x80x128xi32, #tpu.memory_space<hbm>> -> memref<1x1x80x128xi32, #tpu.memory_space<hbm>>
      %dma_start3A_302 = tpu.memref_squeeze %dma_start3A_301 : memref<1x1x80x128xi32, #tpu.memory_space<hbm>> -> memref<80x128xi32, #tpu.memory_space<hbm>>
      %dma_start3A_303 = arith.constant 0 : i32
      %dma_start3A_304 = arith.constant 0 : i32
      %dma_start3A_305 = tpu.memref_slice %arg2[%arg1, %arg0, %dma_start3A_303, %dma_start3A_304] : memref<16x2x80x128xi32, #tpu.memory_space<hbm>> -> memref<1x1x80x128xi32, #tpu.memory_space<hbm>>
      %dma_start3A_306 = tpu.memref_squeeze %dma_start3A_305 : memref<1x1x80x128xi32, #tpu.memory_space<hbm>> -> memref<80x128xi32, #tpu.memory_space<hbm>>
      tpu.enqueue_dma source(%dma_start3A_306 : memref<80x128xi32, #tpu.memory_space<hbm>>) target(%arg4 : memref<80x128xi32, #tpu.memory_space<vmem>>) target_semaphore(%run_scoped3A : memref<!tpu.dma_semaphore, #tpu.memory_space<semaphore_mem>>)
      %dma_wait3A = arith.constant 0 : i32
      %dma_wait3A_307 = arith.constant 0 : i32
      %dma_wait3A_308 = tpu.memref_slice %arg2[%arg1, %arg0, %dma_wait3A, %dma_wait3A_307] : memref<16x2x80x128xi32, #tpu.memory_space<hbm>> -> memref<1x1x80x128xi32, #tpu.memory_space<hbm>>
      %dma_wait3A_309 = tpu.memref_squeeze %dma_wait3A_308 : memref<1x1x80x128xi32, #tpu.memory_space<hbm>> -> memref<80x128xi32, #tpu.memory_space<hbm>>
      %dma_wait3A_310 = arith.constant 0 : i32
      %dma_wait3A_311 = arith.constant 0 : i32
      %dma_wait3A_312 = tpu.memref_slice %arg2[%arg1, %arg0, %dma_wait3A_310, %dma_wait3A_311] : memref<16x2x80x128xi32, #tpu.memory_space<hbm>> -> memref<1x1x80x128xi32, #tpu.memory_space<hbm>>
      %dma_wait3A_313 = tpu.memref_squeeze %dma_wait3A_312 : memref<1x1x80x128xi32, #tpu.memory_space<hbm>> -> memref<80x128xi32, #tpu.memory_space<hbm>>
      tpu.wait_dma2 semaphore(%run_scoped3A : memref<!tpu.dma_semaphore, #tpu.memory_space<semaphore_mem>>) src(%dma_wait3A_313 : memref<80x128xi32, #tpu.memory_space<hbm>>) dst(%arg4 : memref<80x128xi32, #tpu.memory_space<vmem>>)
      tpu.yield
    }) : () -> ()
    %barrier3A = arith.constant 0 : index
    tpu.barrier barrier_id(%barrier3A)
    %scan3A = arith.constant 0 : i32
    %scan3A_287 = arith.constant 0 : i32
    %scan3A_288 = arith.constant 80 : i32
    %scan3A_289 = arith.addi %scan3A_287, %scan3A_288 : i32
    %scan3A_290 = arith.constant 1 : i32
    %scan3A_291 = scf.for %scan3A_300 = %scan3A_287 to %scan3A_289 step %scan3A_290 iter_args(%scan3A_301 = %scan3A) -> (i32)  : i32 {
      "tpu.region"() ({
        %run_scoped3A = tpu.sem_alloc : memref<!tpu.dma_semaphore, #tpu.memory_space<semaphore_mem>>
        %dma_start3A = arith.constant 0 : i32
        %dma_start3A_303 = tpu.memref_slice %arg4[%scan3A_300, %dma_start3A] : memref<80x128xi32, #tpu.memory_space<vmem>> -> memref<1x128xi32, #tpu.memory_space<vmem>>
        %dma_start3A_304 = tpu.memref_squeeze %dma_start3A_303 : memref<1x128xi32, #tpu.memory_space<vmem>> -> memref<128xi32, #tpu.memory_space<vmem>>
        %dma_start3A_305 = arith.constant 0 : i32
        %dma_start3A_306 = tpu.memref_slice %arg7[%dma_start3A_305] : memref<10240xf32, #tpu.memory_space<vmem_shared>> -> memref<10240xf32, #tpu.memory_space<vmem_shared>>
        tpu.enqueue_indirect_dma source(%arg5 : memref<128xf32, #tpu.memory_space<vmem>>) target(%dma_start3A_306 : memref<10240xf32, #tpu.memory_space<vmem_shared>>) offsets(%dma_start3A_304 : memref<128xi32, #tpu.memory_space<vmem>>) semaphore(%run_scoped3A : memref<!tpu.dma_semaphore, #tpu.memory_space<semaphore_mem>>) {add = true}
        %dma_wait3A = arith.constant 0 : i32
        %dma_wait3A_307 = tpu.memref_slice %arg4[%scan3A_300, %dma_wait3A] : memref<80x128xi32, #tpu.memory_space<vmem>> -> memref<1x128xi32, #tpu.memory_space<vmem>>
        %dma_wait3A_308 = tpu.memref_squeeze %dma_wait3A_307 : memref<1x128xi32, #tpu.memory_space<vmem>> -> memref<128xi32, #tpu.memory_space<vmem>>
        %dma_wait3A_309 = arith.constant 0 : i32
        %dma_wait3A_310 = tpu.memref_slice %arg7[%dma_wait3A_309] : memref<10240xf32, #tpu.memory_space<vmem_shared>> -> memref<10240xf32, #tpu.memory_space<vmem_shared>>
        tpu.wait_indirect_dma semaphore(%run_scoped3A : memref<!tpu.dma_semaphore, #tpu.memory_space<semaphore_mem>>) src(%arg5 : memref<128xf32, #tpu.memory_space<vmem>>) dst(%dma_wait3A_310 : memref<10240xf32, #tpu.memory_space<vmem_shared>>)
        tpu.yield
      }) : () -> ()
      %scan3A_302 = arith.constant 0 : i32
      scf.yield %scan3A_302 : i32
    }
    %scan3A_292 = arith.constant 80 : i32
    %barrier3A_293 = arith.constant 0 : index
    tpu.barrier barrier_id(%barrier3A_293)
    %lt3A = arith.constant 15 : i32
    %lt3A_294 = arith.cmpi slt, %arg1, %lt3A : i32
    %convert_element_type3A = arith.extui %lt3A_294 : i1 to i32
    %cond3A = arith.constant 0 : i32
    %cond3A_295 = arith.cmpi ne, %convert_element_type3A, %cond3A : i32
    scf.if %cond3A_295 {
      %mul3A_300 = arith.constant 640 : i32
      %mul3A_301 = arith.muli %mul3A_300, %arg1 : i32
      "tpu.region"() ({
        %run_scoped3A = tpu.sem_alloc : memref<!tpu.dma_semaphore, #tpu.memory_space<semaphore_mem>>
        %dma_start3A = tpu.memref_slice %arg7[%mul3A_301] : memref<10240xf32, #tpu.memory_space<vmem_shared>> -> memref<640xf32, #tpu.memory_space<vmem_shared>>
        %dma_start3A_306 = tpu.memref_slice %arg7[%mul3A_301] : memref<10240xf32, #tpu.memory_space<vmem_shared>> -> memref<640xf32, #tpu.memory_space<vmem_shared>>
        tpu.enqueue_dma source(%dma_start3A_306 : memref<640xf32, #tpu.memory_space<vmem_shared>>) target(%arg6 : memref<640xf32, #tpu.memory_space<vmem>>) target_semaphore(%run_scoped3A : memref<!tpu.dma_semaphore, #tpu.memory_space<semaphore_mem>>)
        %dma_wait3A = tpu.memref_slice %arg7[%mul3A_301] : memref<10240xf32, #tpu.memory_space<vmem_shared>> -> memref<640xf32, #tpu.memory_space<vmem_shared>>
        %dma_wait3A_307 = tpu.memref_slice %arg7[%mul3A_301] : memref<10240xf32, #tpu.memory_space<vmem_shared>> -> memref<640xf32, #tpu.memory_space<vmem_shared>>
        tpu.wait_dma2 semaphore(%run_scoped3A : memref<!tpu.dma_semaphore, #tpu.memory_space<semaphore_mem>>) src(%dma_wait3A_307 : memref<640xf32, #tpu.memory_space<vmem_shared>>) dst(%arg6 : memref<640xf32, #tpu.memory_space<vmem>>)
        tpu.yield
      }) : () -> ()
      %mul3A_302 = arith.constant 10000 : i32
      %mul3A_303 = arith.muli %arg0, %mul3A_302 : i32
      %mul3A_304 = arith.constant 640 : i32
      %mul3A_305 = arith.muli %mul3A_304, %arg1 : i32
      %add3A = arith.addi %mul3A_303, %mul3A_305 : i32
      "tpu.region"() ({
        %run_scoped3A = tpu.sem_alloc : memref<!tpu.dma_semaphore, #tpu.memory_space<semaphore_mem>>
        %dma_start3A = tpu.memref_slice %arg3[%add3A] : memref<20000xf32, #tpu.memory_space<hbm>> -> memref<640xf32, #tpu.memory_space<hbm>>
        %dma_start3A_306 = tpu.memref_slice %arg3[%add3A] : memref<20000xf32, #tpu.memory_space<hbm>> -> memref<640xf32, #tpu.memory_space<hbm>>
        tpu.enqueue_dma source(%arg6 : memref<640xf32, #tpu.memory_space<vmem>>) target(%dma_start3A_306 : memref<640xf32, #tpu.memory_space<hbm>>) target_semaphore(%run_scoped3A : memref<!tpu.dma_semaphore, #tpu.memory_space<semaphore_mem>>)
        %dma_wait3A = tpu.memref_slice %arg3[%add3A] : memref<20000xf32, #tpu.memory_space<hbm>> -> memref<640xf32, #tpu.memory_space<hbm>>
        %dma_wait3A_307 = tpu.memref_slice %arg3[%add3A] : memref<20000xf32, #tpu.memory_space<hbm>> -> memref<640xf32, #tpu.memory_space<hbm>>
        tpu.wait_dma2 semaphore(%run_scoped3A : memref<!tpu.dma_semaphore, #tpu.memory_space<semaphore_mem>>) src(%arg6 : memref<640xf32, #tpu.memory_space<vmem>>) dst(%dma_wait3A_307 : memref<640xf32, #tpu.memory_space<hbm>>)
        tpu.yield
      }) : () -> ()
    } else {
    }
    %eq3A = arith.constant 15 : i32
    %eq3A_296 = arith.cmpi eq, %arg1, %eq3A : i32
    %convert_element_type3A_297 = arith.extui %eq3A_296 : i1 to i32
    %cond3A_298 = arith.constant 0 : i32
    %cond3A_299 = arith.cmpi ne, %convert_element_type3A_297, %cond3A_298 : i32
    scf.if %cond3A_299 {
      "tpu.region"() ({
        %run_scoped3A = tpu.sem_alloc : memref<!tpu.dma_semaphore, #tpu.memory_space<semaphore_mem>>
        %dma_start3A = arith.constant 0 : i32
        %dma_start3A_303 = tpu.memref_slice %arg6[%dma_start3A] : memref<640xf32, #tpu.memory_space<vmem>> -> memref<400xf32, #tpu.memory_space<vmem>>
        %dma_start3A_304 = arith.constant 9600 : i32
        %dma_start3A_305 = tpu.memref_slice %arg7[%dma_start3A_304] : memref<10240xf32, #tpu.memory_space<vmem_shared>> -> memref<400xf32, #tpu.memory_space<vmem_shared>>
        %dma_start3A_306 = arith.constant 0 : i32
        %dma_start3A_307 = tpu.memref_slice %arg6[%dma_start3A_306] : memref<640xf32, #tpu.memory_space<vmem>> -> memref<400xf32, #tpu.memory_space<vmem>>
        %dma_start3A_308 = arith.constant 9600 : i32
        %dma_start3A_309 = tpu.memref_slice %arg7[%dma_start3A_308] : memref<10240xf32, #tpu.memory_space<vmem_shared>> -> memref<400xf32, #tpu.memory_space<vmem_shared>>
        tpu.enqueue_dma source(%dma_start3A_309 : memref<400xf32, #tpu.memory_space<vmem_shared>>) target(%dma_start3A_307 : memref<400xf32, #tpu.memory_space<vmem>>) target_semaphore(%run_scoped3A : memref<!tpu.dma_semaphore, #tpu.memory_space<semaphore_mem>>)
        %dma_wait3A = arith.constant 0 : i32
        %dma_wait3A_310 = tpu.memref_slice %arg6[%dma_wait3A] : memref<640xf32, #tpu.memory_space<vmem>> -> memref<400xf32, #tpu.memory_space<vmem>>
        %dma_wait3A_311 = arith.constant 9600 : i32
        %dma_wait3A_312 = tpu.memref_slice %arg7[%dma_wait3A_311] : memref<10240xf32, #tpu.memory_space<vmem_shared>> -> memref<400xf32, #tpu.memory_space<vmem_shared>>
        %dma_wait3A_313 = arith.constant 0 : i32
        %dma_wait3A_314 = tpu.memref_slice %arg6[%dma_wait3A_313] : memref<640xf32, #tpu.memory_space<vmem>> -> memref<400xf32, #tpu.memory_space<vmem>>
        %dma_wait3A_315 = arith.constant 9600 : i32
        %dma_wait3A_316 = tpu.memref_slice %arg7[%dma_wait3A_315] : memref<10240xf32, #tpu.memory_space<vmem_shared>> -> memref<400xf32, #tpu.memory_space<vmem_shared>>
        tpu.wait_dma2 semaphore(%run_scoped3A : memref<!tpu.dma_semaphore, #tpu.memory_space<semaphore_mem>>) src(%dma_wait3A_316 : memref<400xf32, #tpu.memory_space<vmem_shared>>) dst(%dma_wait3A_314 : memref<400xf32, #tpu.memory_space<vmem>>)
        tpu.yield
      }) : () -> ()
      %mul3A_300 = arith.constant 10000 : i32
      %mul3A_301 = arith.muli %arg0, %mul3A_300 : i32
      %add3A = arith.constant 9600 : i32
      %add3A_302 = arith.addi %mul3A_301, %add3A : i32
      "tpu.region"() ({
        %run_scoped3A = tpu.sem_alloc : memref<!tpu.dma_semaphore, #tpu.memory_space<semaphore_mem>>
        %dma_start3A = arith.constant 0 : i32
        %dma_start3A_303 = tpu.memref_slice %arg6[%dma_start3A] : memref<640xf32, #tpu.memory_space<vmem>> -> memref<400xf32, #tpu.memory_space<vmem>>
        %dma_start3A_304 = tpu.memref_slice %arg3[%add3A_302] : memref<20000xf32, #tpu.memory_space<hbm>> -> memref<400xf32, #tpu.memory_space<hbm>>
        %dma_start3A_305 = tpu.memref_slice %arg3[%add3A_302] : memref<20000xf32, #tpu.memory_space<hbm>> -> memref<400xf32, #tpu.memory_space<hbm>>
        %dma_start3A_306 = arith.constant 0 : i32
        %dma_start3A_307 = tpu.memref_slice %arg6[%dma_start3A_306] : memref<640xf32, #tpu.memory_space<vmem>> -> memref<400xf32, #tpu.memory_space<vmem>>
        tpu.enqueue_dma source(%dma_start3A_307 : memref<400xf32, #tpu.memory_space<vmem>>) target(%dma_start3A_305 : memref<400xf32, #tpu.memory_space<hbm>>) target_semaphore(%run_scoped3A : memref<!tpu.dma_semaphore, #tpu.memory_space<semaphore_mem>>)
        %dma_wait3A = arith.constant 0 : i32
        %dma_wait3A_308 = tpu.memref_slice %arg6[%dma_wait3A] : memref<640xf32, #tpu.memory_space<vmem>> -> memref<400xf32, #tpu.memory_space<vmem>>
        %dma_wait3A_309 = tpu.memref_slice %arg3[%add3A_302] : memref<20000xf32, #tpu.memory_space<hbm>> -> memref<400xf32, #tpu.memory_space<hbm>>
        %dma_wait3A_310 = tpu.memref_slice %arg3[%add3A_302] : memref<20000xf32, #tpu.memory_space<hbm>> -> memref<400xf32, #tpu.memory_space<hbm>>
        %dma_wait3A_311 = arith.constant 0 : i32
        %dma_wait3A_312 = tpu.memref_slice %arg6[%dma_wait3A_311] : memref<640xf32, #tpu.memory_space<vmem>> -> memref<400xf32, #tpu.memory_space<vmem>>
        tpu.wait_dma2 semaphore(%run_scoped3A : memref<!tpu.dma_semaphore, #tpu.memory_space<semaphore_mem>>) src(%dma_wait3A_312 : memref<400xf32, #tpu.memory_space<vmem>>) dst(%dma_wait3A_310 : memref<400xf32, #tpu.memory_space<hbm>>)
        tpu.yield
      }) : () -> ()
    } else {
    }
    return
  }
}

#map = affine_map<(d0, d1) -> (0, 0, 0, 0)>
#map1 = affine_map<(d0, d1) -> (0, 0)>
module attributes {stable_mosaic.version = 14 : i64} {
  func.func @_agg_body(%arg0: i32, %arg1: i32, %arg2: memref<16x2x80x128xi32, #tpu.memory_space<hbm>>, %arg3: memref<16x2x80x128xi32, #tpu.memory_space<hbm>>, %arg4: memref<20000x128xf32, #tpu.memory_space<hbm>>, %arg5: memref<10000x128xf32, #tpu.memory_space<hbm>>, %arg6: memref<80x128xi32, #tpu.memory_space<vmem>>, %arg7: memref<80x128xi32, #tpu.memory_space<vmem>>, %arg8: memref<128x128xf32, #tpu.memory_space<vmem>>, %arg9: memref<128x128xf32, #tpu.memory_space<vmem>>, %arg10: memref<40x128xf32, #tpu.memory_space<vmem>>, %arg11: memref<!tpu.dma_semaphore, #tpu.memory_space<semaphore_mem>>, %arg12: memref<!tpu.dma_semaphore, #tpu.memory_space<semaphore_mem>>, %arg13: memref<5120x128xf32, #tpu.memory_space<vmem_shared>>) attributes {dimension_semantics = [#tpu.dimension_semantics<core_parallel>, #tpu.dimension_semantics<subcore_parallel>], iteration_bounds = array<i64: 2, 16>, scalar_prefetch = 0 : i64, scratch_operands = 8 : i64, tpu.core_type = #tpu.core_type<sc_vector_subcore>, window_params = [{transform_indices = #map}, {transform_indices = #map}, {transform_indices = #map1}, {transform_indices = #map1}]} {
    %broadcast_in_dim3A = arith.constant 0.000000e+00 : f32
    %broadcast_in_dim3A_0 = vector.broadcast %broadcast_in_dim3A : f32 to vector<16xf32>
    %swap3A = arith.constant 0 : i32
    %swap3A_1 = arith.index_cast %swap3A : i32 to index
    %swap3A_2 = arith.constant 0 : index
    %swap3A_3 = tpu.vector_load %arg10[%swap3A_1, %swap3A_2] {strides = array<i32>} : memref<40x128xf32, #tpu.memory_space<vmem>>, vector<1x16xf32>,
    %swap3A_4 = vector.shape_cast %swap3A_3 : vector<1x16xf32> to vector<16xf32>
    %swap3A_5 = vector.shape_cast %broadcast_in_dim3A_0 : vector<16xf32> to vector<1x16xf32>
    tpu.vector_store %arg10[%swap3A_1, %swap3A_2], %swap3A_5 {strides = array<i32>} : memref<40x128xf32, #tpu.memory_space<vmem>>, vector<1x16xf32>,
    %broadcast_in_dim3A_6 = arith.constant 0.000000e+00 : f32
    %broadcast_in_dim3A_7 = vector.broadcast %broadcast_in_dim3A_6 : f32 to vector<16xf32>
    %swap3A_8 = arith.constant 0 : i32
    %swap3A_9 = arith.index_cast %swap3A_8 : i32 to index
    %swap3A_10 = arith.constant 16 : index
    %swap3A_11 = tpu.vector_load %arg10[%swap3A_9, %swap3A_10] {strides = array<i32>} : memref<40x128xf32, #tpu.memory_space<vmem>>, vector<1x16xf32>,
    %swap3A_12 = vector.shape_cast %swap3A_11 : vector<1x16xf32> to vector<16xf32>
    %swap3A_13 = vector.shape_cast %broadcast_in_dim3A_7 : vector<16xf32> to vector<1x16xf32>
    tpu.vector_store %arg10[%swap3A_9, %swap3A_10], %swap3A_13 {strides = array<i32>} : memref<40x128xf32, #tpu.memory_space<vmem>>, vector<1x16xf32>,
    %broadcast_in_dim3A_14 = arith.constant 0.000000e+00 : f32
    %broadcast_in_dim3A_15 = vector.broadcast %broadcast_in_dim3A_14 : f32 to vector<16xf32>
    %swap3A_16 = arith.constant 0 : i32
    %swap3A_17 = arith.index_cast %swap3A_16 : i32 to index
    %swap3A_18 = arith.constant 32 : index
    %swap3A_19 = tpu.vector_load %arg10[%swap3A_17, %swap3A_18] {strides = array<i32>} : memref<40x128xf32, #tpu.memory_space<vmem>>, vector<1x16xf32>,
    %swap3A_20 = vector.shape_cast %swap3A_19 : vector<1x16xf32> to vector<16xf32>
    %swap3A_21 = vector.shape_cast %broadcast_in_dim3A_15 : vector<16xf32> to vector<1x16xf32>
    tpu.vector_store %arg10[%swap3A_17, %swap3A_18], %swap3A_21 {strides = array<i32>} : memref<40x128xf32, #tpu.memory_space<vmem>>, vector<1x16xf32>,
    %broadcast_in_dim3A_22 = arith.constant 0.000000e+00 : f32
    %broadcast_in_dim3A_23 = vector.broadcast %broadcast_in_dim3A_22 : f32 to vector<16xf32>
    %swap3A_24 = arith.constant 0 : i32
    %swap3A_25 = arith.index_cast %swap3A_24 : i32 to index
    %swap3A_26 = arith.constant 48 : index
    %swap3A_27 = tpu.vector_load %arg10[%swap3A_25, %swap3A_26] {strides = array<i32>} : memref<40x128xf32, #tpu.memory_space<vmem>>, vector<1x16xf32>,
    %swap3A_28 = vector.shape_cast %swap3A_27 : vector<1x16xf32> to vector<16xf32>
    %swap3A_29 = vector.shape_cast %broadcast_in_dim3A_23 : vector<16xf32> to vector<1x16xf32>
    tpu.vector_store %arg10[%swap3A_25, %swap3A_26], %swap3A_29 {strides = array<i32>} : memref<40x128xf32, #tpu.memory_space<vmem>>, vector<1x16xf32>,
    %broadcast_in_dim3A_30 = arith.constant 0.000000e+00 : f32
    %broadcast_in_dim3A_31 = vector.broadcast %broadcast_in_dim3A_30 : f32 to vector<16xf32>
    %swap3A_32 = arith.constant 0 : i32
    %swap3A_33 = arith.index_cast %swap3A_32 : i32 to index
    %swap3A_34 = arith.constant 64 : index
    %swap3A_35 = tpu.vector_load %arg10[%swap3A_33, %swap3A_34] {strides = array<i32>} : memref<40x128xf32, #tpu.memory_space<vmem>>, vector<1x16xf32>,
    %swap3A_36 = vector.shape_cast %swap3A_35 : vector<1x16xf32> to vector<16xf32>
    %swap3A_37 = vector.shape_cast %broadcast_in_dim3A_31 : vector<16xf32> to vector<1x16xf32>
    tpu.vector_store %arg10[%swap3A_33, %swap3A_34], %swap3A_37 {strides = array<i32>} : memref<40x128xf32, #tpu.memory_space<vmem>>, vector<1x16xf32>,
    %broadcast_in_dim3A_38 = arith.constant 0.000000e+00 : f32
    %broadcast_in_dim3A_39 = vector.broadcast %broadcast_in_dim3A_38 : f32 to vector<16xf32>
    %swap3A_40 = arith.constant 0 : i32
    %swap3A_41 = arith.index_cast %swap3A_40 : i32 to index
    %swap3A_42 = arith.constant 80 : index
    %swap3A_43 = tpu.vector_load %arg10[%swap3A_41, %swap3A_42] {strides = array<i32>} : memref<40x128xf32, #tpu.memory_space<vmem>>, vector<1x16xf32>,
    %swap3A_44 = vector.shape_cast %swap3A_43 : vector<1x16xf32> to vector<16xf32>
    %swap3A_45 = vector.shape_cast %broadcast_in_dim3A_39 : vector<16xf32> to vector<1x16xf32>
    tpu.vector_store %arg10[%swap3A_41, %swap3A_42], %swap3A_45 {strides = array<i32>} : memref<40x128xf32, #tpu.memory_space<vmem>>, vector<1x16xf32>,
    %broadcast_in_dim3A_46 = arith.constant 0.000000e+00 : f32
    %broadcast_in_dim3A_47 = vector.broadcast %broadcast_in_dim3A_46 : f32 to vector<16xf32>
    %swap3A_48 = arith.constant 0 : i32
    %swap3A_49 = arith.index_cast %swap3A_48 : i32 to index
    %swap3A_50 = arith.constant 96 : index
    %swap3A_51 = tpu.vector_load %arg10[%swap3A_49, %swap3A_50] {strides = array<i32>} : memref<40x128xf32, #tpu.memory_space<vmem>>, vector<1x16xf32>,
    %swap3A_52 = vector.shape_cast %swap3A_51 : vector<1x16xf32> to vector<16xf32>
    %swap3A_53 = vector.shape_cast %broadcast_in_dim3A_47 : vector<16xf32> to vector<1x16xf32>
    tpu.vector_store %arg10[%swap3A_49, %swap3A_50], %swap3A_53 {strides = array<i32>} : memref<40x128xf32, #tpu.memory_space<vmem>>, vector<1x16xf32>,
    %broadcast_in_dim3A_54 = arith.constant 0.000000e+00 : f32
    %broadcast_in_dim3A_55 = vector.broadcast %broadcast_in_dim3A_54 : f32 to vector<16xf32>
    %swap3A_56 = arith.constant 0 : i32
    %swap3A_57 = arith.index_cast %swap3A_56 : i32 to index
    %swap3A_58 = arith.constant 112 : index
    %swap3A_59 = tpu.vector_load %arg10[%swap3A_57, %swap3A_58] {strides = array<i32>} : memref<40x128xf32, #tpu.memory_space<vmem>>, vector<1x16xf32>,
    %swap3A_60 = vector.shape_cast %swap3A_59 : vector<1x16xf32> to vector<16xf32>
    %swap3A_61 = vector.shape_cast %broadcast_in_dim3A_55 : vector<16xf32> to vector<1x16xf32>
    tpu.vector_store %arg10[%swap3A_57, %swap3A_58], %swap3A_61 {strides = array<i32>} : memref<40x128xf32, #tpu.memory_space<vmem>>, vector<1x16xf32>,
    %broadcast_in_dim3A_62 = arith.constant 0.000000e+00 : f32
    %broadcast_in_dim3A_63 = vector.broadcast %broadcast_in_dim3A_62 : f32 to vector<16xf32>
    %swap3A_64 = arith.constant 1 : i32
    %swap3A_65 = arith.index_cast %swap3A_64 : i32 to index
    %swap3A_66 = arith.constant 0 : index
    %swap3A_67 = tpu.vector_load %arg10[%swap3A_65, %swap3A_66] {strides = array<i32>} : memref<40x128xf32, #tpu.memory_space<vmem>>, vector<1x16xf32>,
    %swap3A_68 = vector.shape_cast %swap3A_67 : vector<1x16xf32> to vector<16xf32>
    %swap3A_69 = vector.shape_cast %broadcast_in_dim3A_63 : vector<16xf32> to vector<1x16xf32>
    tpu.vector_store %arg10[%swap3A_65, %swap3A_66], %swap3A_69 {strides = array<i32>} : memref<40x128xf32, #tpu.memory_space<vmem>>, vector<1x16xf32>,
    %broadcast_in_dim3A_70 = arith.constant 0.000000e+00 : f32
    %broadcast_in_dim3A_71 = vector.broadcast %broadcast_in_dim3A_70 : f32 to vector<16xf32>
    %swap3A_72 = arith.constant 1 : i32
    %swap3A_73 = arith.index_cast %swap3A_72 : i32 to index
    %swap3A_74 = arith.constant 16 : index
    %swap3A_75 = tpu.vector_load %arg10[%swap3A_73, %swap3A_74] {strides = array<i32>} : memref<40x128xf32, #tpu.memory_space<vmem>>, vector<1x16xf32>,
    %swap3A_76 = vector.shape_cast %swap3A_75 : vector<1x16xf32> to vector<16xf32>
    %swap3A_77 = vector.shape_cast %broadcast_in_dim3A_71 : vector<16xf32> to vector<1x16xf32>
    tpu.vector_store %arg10[%swap3A_73, %swap3A_74], %swap3A_77 {strides = array<i32>} : memref<40x128xf32, #tpu.memory_space<vmem>>, vector<1x16xf32>,
    %broadcast_in_dim3A_78 = arith.constant 0.000000e+00 : f32
    %broadcast_in_dim3A_79 = vector.broadcast %broadcast_in_dim3A_78 : f32 to vector<16xf32>
    %swap3A_80 = arith.constant 1 : i32
    %swap3A_81 = arith.index_cast %swap3A_80 : i32 to index
    %swap3A_82 = arith.constant 32 : index
    %swap3A_83 = tpu.vector_load %arg10[%swap3A_81, %swap3A_82] {strides = array<i32>} : memref<40x128xf32, #tpu.memory_space<vmem>>, vector<1x16xf32>,
    %swap3A_84 = vector.shape_cast %swap3A_83 : vector<1x16xf32> to vector<16xf32>
    %swap3A_85 = vector.shape_cast %broadcast_in_dim3A_79 : vector<16xf32> to vector<1x16xf32>
    tpu.vector_store %arg10[%swap3A_81, %swap3A_82], %swap3A_85 {strides = array<i32>} : memref<40x128xf32, #tpu.memory_space<vmem>>, vector<1x16xf32>,
    %broadcast_in_dim3A_86 = arith.constant 0.000000e+00 : f32
    %broadcast_in_dim3A_87 = vector.broadcast %broadcast_in_dim3A_86 : f32 to vector<16xf32>
    %swap3A_88 = arith.constant 1 : i32
    %swap3A_89 = arith.index_cast %swap3A_88 : i32 to index
    %swap3A_90 = arith.constant 48 : index
    %swap3A_91 = tpu.vector_load %arg10[%swap3A_89, %swap3A_90] {strides = array<i32>} : memref<40x128xf32, #tpu.memory_space<vmem>>, vector<1x16xf32>,
    %swap3A_92 = vector.shape_cast %swap3A_91 : vector<1x16xf32> to vector<16xf32>
    %swap3A_93 = vector.shape_cast %broadcast_in_dim3A_87 : vector<16xf32> to vector<1x16xf32>
    tpu.vector_store %arg10[%swap3A_89, %swap3A_90], %swap3A_93 {strides = array<i32>} : memref<40x128xf32, #tpu.memory_space<vmem>>, vector<1x16xf32>,
    %broadcast_in_dim3A_94 = arith.constant 0.000000e+00 : f32
    %broadcast_in_dim3A_95 = vector.broadcast %broadcast_in_dim3A_94 : f32 to vector<16xf32>
    %swap3A_96 = arith.constant 1 : i32
    %swap3A_97 = arith.index_cast %swap3A_96 : i32 to index
    %swap3A_98 = arith.constant 64 : index
    %swap3A_99 = tpu.vector_load %arg10[%swap3A_97, %swap3A_98] {strides = array<i32>} : memref<40x128xf32, #tpu.memory_space<vmem>>, vector<1x16xf32>,
    %swap3A_100 = vector.shape_cast %swap3A_99 : vector<1x16xf32> to vector<16xf32>
    %swap3A_101 = vector.shape_cast %broadcast_in_dim3A_95 : vector<16xf32> to vector<1x16xf32>
    tpu.vector_store %arg10[%swap3A_97, %swap3A_98], %swap3A_101 {strides = array<i32>} : memref<40x128xf32, #tpu.memory_space<vmem>>, vector<1x16xf32>,
    %broadcast_in_dim3A_102 = arith.constant 0.000000e+00 : f32
    %broadcast_in_dim3A_103 = vector.broadcast %broadcast_in_dim3A_102 : f32 to vector<16xf32>
    %swap3A_104 = arith.constant 1 : i32
    %swap3A_105 = arith.index_cast %swap3A_104 : i32 to index
    %swap3A_106 = arith.constant 80 : index
    %swap3A_107 = tpu.vector_load %arg10[%swap3A_105, %swap3A_106] {strides = array<i32>} : memref<40x128xf32, #tpu.memory_space<vmem>>, vector<1x16xf32>,
    %swap3A_108 = vector.shape_cast %swap3A_107 : vector<1x16xf32> to vector<16xf32>
    %swap3A_109 = vector.shape_cast %broadcast_in_dim3A_103 : vector<16xf32> to vector<1x16xf32>
    tpu.vector_store %arg10[%swap3A_105, %swap3A_106], %swap3A_109 {strides = array<i32>} : memref<40x128xf32, #tpu.memory_space<vmem>>, vector<1x16xf32>,
    %broadcast_in_dim3A_110 = arith.constant 0.000000e+00 : f32
    %broadcast_in_dim3A_111 = vector.broadcast %broadcast_in_dim3A_110 : f32 to vector<16xf32>
    %swap3A_112 = arith.constant 1 : i32
    %swap3A_113 = arith.index_cast %swap3A_112 : i32 to index
    %swap3A_114 = arith.constant 96 : index
    %swap3A_115 = tpu.vector_load %arg10[%swap3A_113, %swap3A_114] {strides = array<i32>} : memref<40x128xf32, #tpu.memory_space<vmem>>, vector<1x16xf32>,
    %swap3A_116 = vector.shape_cast %swap3A_115 : vector<1x16xf32> to vector<16xf32>
    %swap3A_117 = vector.shape_cast %broadcast_in_dim3A_111 : vector<16xf32> to vector<1x16xf32>
    tpu.vector_store %arg10[%swap3A_113, %swap3A_114], %swap3A_117 {strides = array<i32>} : memref<40x128xf32, #tpu.memory_space<vmem>>, vector<1x16xf32>,
    %broadcast_in_dim3A_118 = arith.constant 0.000000e+00 : f32
    %broadcast_in_dim3A_119 = vector.broadcast %broadcast_in_dim3A_118 : f32 to vector<16xf32>
    %swap3A_120 = arith.constant 1 : i32
    %swap3A_121 = arith.index_cast %swap3A_120 : i32 to index
    %swap3A_122 = arith.constant 112 : index
    %swap3A_123 = tpu.vector_load %arg10[%swap3A_121, %swap3A_122] {strides = array<i32>} : memref<40x128xf32, #tpu.memory_space<vmem>>, vector<1x16xf32>,
    %swap3A_124 = vector.shape_cast %swap3A_123 : vector<1x16xf32> to vector<16xf32>
    %swap3A_125 = vector.shape_cast %broadcast_in_dim3A_119 : vector<16xf32> to vector<1x16xf32>
    tpu.vector_store %arg10[%swap3A_121, %swap3A_122], %swap3A_125 {strides = array<i32>} : memref<40x128xf32, #tpu.memory_space<vmem>>, vector<1x16xf32>,
    %broadcast_in_dim3A_126 = arith.constant 0.000000e+00 : f32
    %broadcast_in_dim3A_127 = vector.broadcast %broadcast_in_dim3A_126 : f32 to vector<16xf32>
    %swap3A_128 = arith.constant 2 : i32
    %swap3A_129 = arith.index_cast %swap3A_128 : i32 to index
    %swap3A_130 = arith.constant 0 : index
    %swap3A_131 = tpu.vector_load %arg10[%swap3A_129, %swap3A_130] {strides = array<i32>} : memref<40x128xf32, #tpu.memory_space<vmem>>, vector<1x16xf32>,
    %swap3A_132 = vector.shape_cast %swap3A_131 : vector<1x16xf32> to vector<16xf32>
    %swap3A_133 = vector.shape_cast %broadcast_in_dim3A_127 : vector<16xf32> to vector<1x16xf32>
    tpu.vector_store %arg10[%swap3A_129, %swap3A_130], %swap3A_133 {strides = array<i32>} : memref<40x128xf32, #tpu.memory_space<vmem>>, vector<1x16xf32>,
    %broadcast_in_dim3A_134 = arith.constant 0.000000e+00 : f32
    %broadcast_in_dim3A_135 = vector.broadcast %broadcast_in_dim3A_134 : f32 to vector<16xf32>
    %swap3A_136 = arith.constant 2 : i32
    %swap3A_137 = arith.index_cast %swap3A_136 : i32 to index
    %swap3A_138 = arith.constant 16 : index
    %swap3A_139 = tpu.vector_load %arg10[%swap3A_137, %swap3A_138] {strides = array<i32>} : memref<40x128xf32, #tpu.memory_space<vmem>>, vector<1x16xf32>,
    %swap3A_140 = vector.shape_cast %swap3A_139 : vector<1x16xf32> to vector<16xf32>
    %swap3A_141 = vector.shape_cast %broadcast_in_dim3A_135 : vector<16xf32> to vector<1x16xf32>
    tpu.vector_store %arg10[%swap3A_137, %swap3A_138], %swap3A_141 {strides = array<i32>} : memref<40x128xf32, #tpu.memory_space<vmem>>, vector<1x16xf32>,
    %broadcast_in_dim3A_142 = arith.constant 0.000000e+00 : f32
    %broadcast_in_dim3A_143 = vector.broadcast %broadcast_in_dim3A_142 : f32 to vector<16xf32>
    %swap3A_144 = arith.constant 2 : i32
    %swap3A_145 = arith.index_cast %swap3A_144 : i32 to index
    %swap3A_146 = arith.constant 32 : index
    %swap3A_147 = tpu.vector_load %arg10[%swap3A_145, %swap3A_146] {strides = array<i32>} : memref<40x128xf32, #tpu.memory_space<vmem>>, vector<1x16xf32>,
    %swap3A_148 = vector.shape_cast %swap3A_147 : vector<1x16xf32> to vector<16xf32>
    %swap3A_149 = vector.shape_cast %broadcast_in_dim3A_143 : vector<16xf32> to vector<1x16xf32>
    tpu.vector_store %arg10[%swap3A_145, %swap3A_146], %swap3A_149 {strides = array<i32>} : memref<40x128xf32, #tpu.memory_space<vmem>>, vector<1x16xf32>,
    %broadcast_in_dim3A_150 = arith.constant 0.000000e+00 : f32
    %broadcast_in_dim3A_151 = vector.broadcast %broadcast_in_dim3A_150 : f32 to vector<16xf32>
    %swap3A_152 = arith.constant 2 : i32
    %swap3A_153 = arith.index_cast %swap3A_152 : i32 to index
    %swap3A_154 = arith.constant 48 : index
    %swap3A_155 = tpu.vector_load %arg10[%swap3A_153, %swap3A_154] {strides = array<i32>} : memref<40x128xf32, #tpu.memory_space<vmem>>, vector<1x16xf32>,
    %swap3A_156 = vector.shape_cast %swap3A_155 : vector<1x16xf32> to vector<16xf32>
    %swap3A_157 = vector.shape_cast %broadcast_in_dim3A_151 : vector<16xf32> to vector<1x16xf32>
    tpu.vector_store %arg10[%swap3A_153, %swap3A_154], %swap3A_157 {strides = array<i32>} : memref<40x128xf32, #tpu.memory_space<vmem>>, vector<1x16xf32>,
    %broadcast_in_dim3A_158 = arith.constant 0.000000e+00 : f32
    %broadcast_in_dim3A_159 = vector.broadcast %broadcast_in_dim3A_158 : f32 to vector<16xf32>
    %swap3A_160 = arith.constant 2 : i32
    %swap3A_161 = arith.index_cast %swap3A_160 : i32 to index
    %swap3A_162 = arith.constant 64 : index
    %swap3A_163 = tpu.vector_load %arg10[%swap3A_161, %swap3A_162] {strides = array<i32>} : memref<40x128xf32, #tpu.memory_space<vmem>>, vector<1x16xf32>,
    %swap3A_164 = vector.shape_cast %swap3A_163 : vector<1x16xf32> to vector<16xf32>
    %swap3A_165 = vector.shape_cast %broadcast_in_dim3A_159 : vector<16xf32> to vector<1x16xf32>
    tpu.vector_store %arg10[%swap3A_161, %swap3A_162], %swap3A_165 {strides = array<i32>} : memref<40x128xf32, #tpu.memory_space<vmem>>, vector<1x16xf32>,
    %broadcast_in_dim3A_166 = arith.constant 0.000000e+00 : f32
    %broadcast_in_dim3A_167 = vector.broadcast %broadcast_in_dim3A_166 : f32 to vector<16xf32>
    %swap3A_168 = arith.constant 2 : i32
    %swap3A_169 = arith.index_cast %swap3A_168 : i32 to index
    %swap3A_170 = arith.constant 80 : index
    %swap3A_171 = tpu.vector_load %arg10[%swap3A_169, %swap3A_170] {strides = array<i32>} : memref<40x128xf32, #tpu.memory_space<vmem>>, vector<1x16xf32>,
    %swap3A_172 = vector.shape_cast %swap3A_171 : vector<1x16xf32> to vector<16xf32>
    %swap3A_173 = vector.shape_cast %broadcast_in_dim3A_167 : vector<16xf32> to vector<1x16xf32>
    tpu.vector_store %arg10[%swap3A_169, %swap3A_170], %swap3A_173 {strides = array<i32>} : memref<40x128xf32, #tpu.memory_space<vmem>>, vector<1x16xf32>,
    %broadcast_in_dim3A_174 = arith.constant 0.000000e+00 : f32
    %broadcast_in_dim3A_175 = vector.broadcast %broadcast_in_dim3A_174 : f32 to vector<16xf32>
    %swap3A_176 = arith.constant 2 : i32
    %swap3A_177 = arith.index_cast %swap3A_176 : i32 to index
    %swap3A_178 = arith.constant 96 : index
    %swap3A_179 = tpu.vector_load %arg10[%swap3A_177, %swap3A_178] {strides = array<i32>} : memref<40x128xf32, #tpu.memory_space<vmem>>, vector<1x16xf32>,
    %swap3A_180 = vector.shape_cast %swap3A_179 : vector<1x16xf32> to vector<16xf32>
    %swap3A_181 = vector.shape_cast %broadcast_in_dim3A_175 : vector<16xf32> to vector<1x16xf32>
    tpu.vector_store %arg10[%swap3A_177, %swap3A_178], %swap3A_181 {strides = array<i32>} : memref<40x128xf32, #tpu.memory_space<vmem>>, vector<1x16xf32>,
    %broadcast_in_dim3A_182 = arith.constant 0.000000e+00 : f32
    %broadcast_in_dim3A_183 = vector.broadcast %broadcast_in_dim3A_182 : f32 to vector<16xf32>
    %swap3A_184 = arith.constant 2 : i32
    %swap3A_185 = arith.index_cast %swap3A_184 : i32 to index
    %swap3A_186 = arith.constant 112 : index
    %swap3A_187 = tpu.vector_load %arg10[%swap3A_185, %swap3A_186] {strides = array<i32>} : memref<40x128xf32, #tpu.memory_space<vmem>>, vector<1x16xf32>,
    %swap3A_188 = vector.shape_cast %swap3A_187 : vector<1x16xf32> to vector<16xf32>
    %swap3A_189 = vector.shape_cast %broadcast_in_dim3A_183 : vector<16xf32> to vector<1x16xf32>
    tpu.vector_store %arg10[%swap3A_185, %swap3A_186], %swap3A_189 {strides = array<i32>} : memref<40x128xf32, #tpu.memory_space<vmem>>, vector<1x16xf32>,
    %broadcast_in_dim3A_190 = arith.constant 0.000000e+00 : f32
    %broadcast_in_dim3A_191 = vector.broadcast %broadcast_in_dim3A_190 : f32 to vector<16xf32>
    %swap3A_192 = arith.constant 3 : i32
    %swap3A_193 = arith.index_cast %swap3A_192 : i32 to index
    %swap3A_194 = arith.constant 0 : index
    %swap3A_195 = tpu.vector_load %arg10[%swap3A_193, %swap3A_194] {strides = array<i32>} : memref<40x128xf32, #tpu.memory_space<vmem>>, vector<1x16xf32>,
    %swap3A_196 = vector.shape_cast %swap3A_195 : vector<1x16xf32> to vector<16xf32>
    %swap3A_197 = vector.shape_cast %broadcast_in_dim3A_191 : vector<16xf32> to vector<1x16xf32>
    tpu.vector_store %arg10[%swap3A_193, %swap3A_194], %swap3A_197 {strides = array<i32>} : memref<40x128xf32, #tpu.memory_space<vmem>>, vector<1x16xf32>,
    %broadcast_in_dim3A_198 = arith.constant 0.000000e+00 : f32
    %broadcast_in_dim3A_199 = vector.broadcast %broadcast_in_dim3A_198 : f32 to vector<16xf32>
    %swap3A_200 = arith.constant 3 : i32
    %swap3A_201 = arith.index_cast %swap3A_200 : i32 to index
    %swap3A_202 = arith.constant 16 : index
    %swap3A_203 = tpu.vector_load %arg10[%swap3A_201, %swap3A_202] {strides = array<i32>} : memref<40x128xf32, #tpu.memory_space<vmem>>, vector<1x16xf32>,
    %swap3A_204 = vector.shape_cast %swap3A_203 : vector<1x16xf32> to vector<16xf32>
    %swap3A_205 = vector.shape_cast %broadcast_in_dim3A_199 : vector<16xf32> to vector<1x16xf32>
    tpu.vector_store %arg10[%swap3A_201, %swap3A_202], %swap3A_205 {strides = array<i32>} : memref<40x128xf32, #tpu.memory_space<vmem>>, vector<1x16xf32>,
    %broadcast_in_dim3A_206 = arith.constant 0.000000e+00 : f32
    %broadcast_in_dim3A_207 = vector.broadcast %broadcast_in_dim3A_206 : f32 to vector<16xf32>
    %swap3A_208 = arith.constant 3 : i32
    %swap3A_209 = arith.index_cast %swap3A_208 : i32 to index
    %swap3A_210 = arith.constant 32 : index
    %swap3A_211 = tpu.vector_load %arg10[%swap3A_209, %swap3A_210] {strides = array<i32>} : memref<40x128xf32, #tpu.memory_space<vmem>>, vector<1x16xf32>,
    %swap3A_212 = vector.shape_cast %swap3A_211 : vector<1x16xf32> to vector<16xf32>
    %swap3A_213 = vector.shape_cast %broadcast_in_dim3A_207 : vector<16xf32> to vector<1x16xf32>
    tpu.vector_store %arg10[%swap3A_209, %swap3A_210], %swap3A_213 {strides = array<i32>} : memref<40x128xf32, #tpu.memory_space<vmem>>, vector<1x16xf32>,
    %broadcast_in_dim3A_214 = arith.constant 0.000000e+00 : f32
    %broadcast_in_dim3A_215 = vector.broadcast %broadcast_in_dim3A_214 : f32 to vector<16xf32>
    %swap3A_216 = arith.constant 3 : i32
    %swap3A_217 = arith.index_cast %swap3A_216 : i32 to index
    %swap3A_218 = arith.constant 48 : index
    %swap3A_219 = tpu.vector_load %arg10[%swap3A_217, %swap3A_218] {strides = array<i32>} : memref<40x128xf32, #tpu.memory_space<vmem>>, vector<1x16xf32>,
    %swap3A_220 = vector.shape_cast %swap3A_219 : vector<1x16xf32> to vector<16xf32>
    %swap3A_221 = vector.shape_cast %broadcast_in_dim3A_215 : vector<16xf32> to vector<1x16xf32>
    tpu.vector_store %arg10[%swap3A_217, %swap3A_218], %swap3A_221 {strides = array<i32>} : memref<40x128xf32, #tpu.memory_space<vmem>>, vector<1x16xf32>,
    %broadcast_in_dim3A_222 = arith.constant 0.000000e+00 : f32
    %broadcast_in_dim3A_223 = vector.broadcast %broadcast_in_dim3A_222 : f32 to vector<16xf32>
    %swap3A_224 = arith.constant 3 : i32
    %swap3A_225 = arith.index_cast %swap3A_224 : i32 to index
    %swap3A_226 = arith.constant 64 : index
    %swap3A_227 = tpu.vector_load %arg10[%swap3A_225, %swap3A_226] {strides = array<i32>} : memref<40x128xf32, #tpu.memory_space<vmem>>, vector<1x16xf32>,
    %swap3A_228 = vector.shape_cast %swap3A_227 : vector<1x16xf32> to vector<16xf32>
    %swap3A_229 = vector.shape_cast %broadcast_in_dim3A_223 : vector<16xf32> to vector<1x16xf32>
    tpu.vector_store %arg10[%swap3A_225, %swap3A_226], %swap3A_229 {strides = array<i32>} : memref<40x128xf32, #tpu.memory_space<vmem>>, vector<1x16xf32>,
    %broadcast_in_dim3A_230 = arith.constant 0.000000e+00 : f32
    %broadcast_in_dim3A_231 = vector.broadcast %broadcast_in_dim3A_230 : f32 to vector<16xf32>
    %swap3A_232 = arith.constant 3 : i32
    %swap3A_233 = arith.index_cast %swap3A_232 : i32 to index
    %swap3A_234 = arith.constant 80 : index
    %swap3A_235 = tpu.vector_load %arg10[%swap3A_233, %swap3A_234] {strides = array<i32>} : memref<40x128xf32, #tpu.memory_space<vmem>>, vector<1x16xf32>,
    %swap3A_236 = vector.shape_cast %swap3A_235 : vector<1x16xf32> to vector<16xf32>
    %swap3A_237 = vector.shape_cast %broadcast_in_dim3A_231 : vector<16xf32> to vector<1x16xf32>
    tpu.vector_store %arg10[%swap3A_233, %swap3A_234], %swap3A_237 {strides = array<i32>} : memref<40x128xf32, #tpu.memory_space<vmem>>, vector<1x16xf32>,
    %broadcast_in_dim3A_238 = arith.constant 0.000000e+00 : f32
    %broadcast_in_dim3A_239 = vector.broadcast %broadcast_in_dim3A_238 : f32 to vector<16xf32>
    %swap3A_240 = arith.constant 3 : i32
    %swap3A_241 = arith.index_cast %swap3A_240 : i32 to index
    %swap3A_242 = arith.constant 96 : index
    %swap3A_243 = tpu.vector_load %arg10[%swap3A_241, %swap3A_242] {strides = array<i32>} : memref<40x128xf32, #tpu.memory_space<vmem>>, vector<1x16xf32>,
    %swap3A_244 = vector.shape_cast %swap3A_243 : vector<1x16xf32> to vector<16xf32>
    %swap3A_245 = vector.shape_cast %broadcast_in_dim3A_239 : vector<16xf32> to vector<1x16xf32>
    tpu.vector_store %arg10[%swap3A_241, %swap3A_242], %swap3A_245 {strides = array<i32>} : memref<40x128xf32, #tpu.memory_space<vmem>>, vector<1x16xf32>,
    %broadcast_in_dim3A_246 = arith.constant 0.000000e+00 : f32
    %broadcast_in_dim3A_247 = vector.broadcast %broadcast_in_dim3A_246 : f32 to vector<16xf32>
    %swap3A_248 = arith.constant 3 : i32
    %swap3A_249 = arith.index_cast %swap3A_248 : i32 to index
    %swap3A_250 = arith.constant 112 : index
    %swap3A_251 = tpu.vector_load %arg10[%swap3A_249, %swap3A_250] {strides = array<i32>} : memref<40x128xf32, #tpu.memory_space<vmem>>, vector<1x16xf32>,
    %swap3A_252 = vector.shape_cast %swap3A_251 : vector<1x16xf32> to vector<16xf32>
    %swap3A_253 = vector.shape_cast %broadcast_in_dim3A_247 : vector<16xf32> to vector<1x16xf32>
    tpu.vector_store %arg10[%swap3A_249, %swap3A_250], %swap3A_253 {strides = array<i32>} : memref<40x128xf32, #tpu.memory_space<vmem>>, vector<1x16xf32>,
    %broadcast_in_dim3A_254 = arith.constant 0.000000e+00 : f32
    %broadcast_in_dim3A_255 = vector.broadcast %broadcast_in_dim3A_254 : f32 to vector<16xf32>
    %swap3A_256 = arith.constant 4 : i32
    %swap3A_257 = arith.index_cast %swap3A_256 : i32 to index
    %swap3A_258 = arith.constant 0 : index
    %swap3A_259 = tpu.vector_load %arg10[%swap3A_257, %swap3A_258] {strides = array<i32>} : memref<40x128xf32, #tpu.memory_space<vmem>>, vector<1x16xf32>,
    %swap3A_260 = vector.shape_cast %swap3A_259 : vector<1x16xf32> to vector<16xf32>
    %swap3A_261 = vector.shape_cast %broadcast_in_dim3A_255 : vector<16xf32> to vector<1x16xf32>
    tpu.vector_store %arg10[%swap3A_257, %swap3A_258], %swap3A_261 {strides = array<i32>} : memref<40x128xf32, #tpu.memory_space<vmem>>, vector<1x16xf32>,
    %broadcast_in_dim3A_262 = arith.constant 0.000000e+00 : f32
    %broadcast_in_dim3A_263 = vector.broadcast %broadcast_in_dim3A_262 : f32 to vector<16xf32>
    %swap3A_264 = arith.constant 4 : i32
    %swap3A_265 = arith.index_cast %swap3A_264 : i32 to index
    %swap3A_266 = arith.constant 16 : index
    %swap3A_267 = tpu.vector_load %arg10[%swap3A_265, %swap3A_266] {strides = array<i32>} : memref<40x128xf32, #tpu.memory_space<vmem>>, vector<1x16xf32>,
    %swap3A_268 = vector.shape_cast %swap3A_267 : vector<1x16xf32> to vector<16xf32>
    %swap3A_269 = vector.shape_cast %broadcast_in_dim3A_263 : vector<16xf32> to vector<1x16xf32>
    tpu.vector_store %arg10[%swap3A_265, %swap3A_266], %swap3A_269 {strides = array<i32>} : memref<40x128xf32, #tpu.memory_space<vmem>>, vector<1x16xf32>,
    %broadcast_in_dim3A_270 = arith.constant 0.000000e+00 : f32
    %broadcast_in_dim3A_271 = vector.broadcast %broadcast_in_dim3A_270 : f32 to vector<16xf32>
    %swap3A_272 = arith.constant 4 : i32
    %swap3A_273 = arith.index_cast %swap3A_272 : i32 to index
    %swap3A_274 = arith.constant 32 : index
    %swap3A_275 = tpu.vector_load %arg10[%swap3A_273, %swap3A_274] {strides = array<i32>} : memref<40x128xf32, #tpu.memory_space<vmem>>, vector<1x16xf32>,
    %swap3A_276 = vector.shape_cast %swap3A_275 : vector<1x16xf32> to vector<16xf32>
    %swap3A_277 = vector.shape_cast %broadcast_in_dim3A_271 : vector<16xf32> to vector<1x16xf32>
    tpu.vector_store %arg10[%swap3A_273, %swap3A_274], %swap3A_277 {strides = array<i32>} : memref<40x128xf32, #tpu.memory_space<vmem>>, vector<1x16xf32>,
    %broadcast_in_dim3A_278 = arith.constant 0.000000e+00 : f32
    %broadcast_in_dim3A_279 = vector.broadcast %broadcast_in_dim3A_278 : f32 to vector<16xf32>
    %swap3A_280 = arith.constant 4 : i32
    %swap3A_281 = arith.index_cast %swap3A_280 : i32 to index
    %swap3A_282 = arith.constant 48 : index
    %swap3A_283 = tpu.vector_load %arg10[%swap3A_281, %swap3A_282] {strides = array<i32>} : memref<40x128xf32, #tpu.memory_space<vmem>>, vector<1x16xf32>,
    %swap3A_284 = vector.shape_cast %swap3A_283 : vector<1x16xf32> to vector<16xf32>
    %swap3A_285 = vector.shape_cast %broadcast_in_dim3A_279 : vector<16xf32> to vector<1x16xf32>
    tpu.vector_store %arg10[%swap3A_281, %swap3A_282], %swap3A_285 {strides = array<i32>} : memref<40x128xf32, #tpu.memory_space<vmem>>, vector<1x16xf32>,
    %broadcast_in_dim3A_286 = arith.constant 0.000000e+00 : f32
    %broadcast_in_dim3A_287 = vector.broadcast %broadcast_in_dim3A_286 : f32 to vector<16xf32>
    %swap3A_288 = arith.constant 4 : i32
    %swap3A_289 = arith.index_cast %swap3A_288 : i32 to index
    %swap3A_290 = arith.constant 64 : index
    %swap3A_291 = tpu.vector_load %arg10[%swap3A_289, %swap3A_290] {strides = array<i32>} : memref<40x128xf32, #tpu.memory_space<vmem>>, vector<1x16xf32>,
    %swap3A_292 = vector.shape_cast %swap3A_291 : vector<1x16xf32> to vector<16xf32>
    %swap3A_293 = vector.shape_cast %broadcast_in_dim3A_287 : vector<16xf32> to vector<1x16xf32>
    tpu.vector_store %arg10[%swap3A_289, %swap3A_290], %swap3A_293 {strides = array<i32>} : memref<40x128xf32, #tpu.memory_space<vmem>>, vector<1x16xf32>,
    %broadcast_in_dim3A_294 = arith.constant 0.000000e+00 : f32
    %broadcast_in_dim3A_295 = vector.broadcast %broadcast_in_dim3A_294 : f32 to vector<16xf32>
    %swap3A_296 = arith.constant 4 : i32
    %swap3A_297 = arith.index_cast %swap3A_296 : i32 to index
    %swap3A_298 = arith.constant 80 : index
    %swap3A_299 = tpu.vector_load %arg10[%swap3A_297, %swap3A_298] {strides = array<i32>} : memref<40x128xf32, #tpu.memory_space<vmem>>, vector<1x16xf32>,
    %swap3A_300 = vector.shape_cast %swap3A_299 : vector<1x16xf32> to vector<16xf32>
    %swap3A_301 = vector.shape_cast %broadcast_in_dim3A_295 : vector<16xf32> to vector<1x16xf32>
    tpu.vector_store %arg10[%swap3A_297, %swap3A_298], %swap3A_301 {strides = array<i32>} : memref<40x128xf32, #tpu.memory_space<vmem>>, vector<1x16xf32>,
    %broadcast_in_dim3A_302 = arith.constant 0.000000e+00 : f32
    %broadcast_in_dim3A_303 = vector.broadcast %broadcast_in_dim3A_302 : f32 to vector<16xf32>
    %swap3A_304 = arith.constant 4 : i32
    %swap3A_305 = arith.index_cast %swap3A_304 : i32 to index
    %swap3A_306 = arith.constant 96 : index
    %swap3A_307 = tpu.vector_load %arg10[%swap3A_305, %swap3A_306] {strides = array<i32>} : memref<40x128xf32, #tpu.memory_space<vmem>>, vector<1x16xf32>,
    %swap3A_308 = vector.shape_cast %swap3A_307 : vector<1x16xf32> to vector<16xf32>
    %swap3A_309 = vector.shape_cast %broadcast_in_dim3A_303 : vector<16xf32> to vector<1x16xf32>
    tpu.vector_store %arg10[%swap3A_305, %swap3A_306], %swap3A_309 {strides = array<i32>} : memref<40x128xf32, #tpu.memory_space<vmem>>, vector<1x16xf32>,
    %broadcast_in_dim3A_310 = arith.constant 0.000000e+00 : f32
    %broadcast_in_dim3A_311 = vector.broadcast %broadcast_in_dim3A_310 : f32 to vector<16xf32>
    %swap3A_312 = arith.constant 4 : i32
    %swap3A_313 = arith.index_cast %swap3A_312 : i32 to index
    %swap3A_314 = arith.constant 112 : index
    %swap3A_315 = tpu.vector_load %arg10[%swap3A_313, %swap3A_314] {strides = array<i32>} : memref<40x128xf32, #tpu.memory_space<vmem>>, vector<1x16xf32>,
    %swap3A_316 = vector.shape_cast %swap3A_315 : vector<1x16xf32> to vector<16xf32>
    %swap3A_317 = vector.shape_cast %broadcast_in_dim3A_311 : vector<16xf32> to vector<1x16xf32>
    tpu.vector_store %arg10[%swap3A_313, %swap3A_314], %swap3A_317 {strides = array<i32>} : memref<40x128xf32, #tpu.memory_space<vmem>>, vector<1x16xf32>,
    %broadcast_in_dim3A_318 = arith.constant 0.000000e+00 : f32
    %broadcast_in_dim3A_319 = vector.broadcast %broadcast_in_dim3A_318 : f32 to vector<16xf32>
    %swap3A_320 = arith.constant 5 : i32
    %swap3A_321 = arith.index_cast %swap3A_320 : i32 to index
    %swap3A_322 = arith.constant 0 : index
    %swap3A_323 = tpu.vector_load %arg10[%swap3A_321, %swap3A_322] {strides = array<i32>} : memref<40x128xf32, #tpu.memory_space<vmem>>, vector<1x16xf32>,
    %swap3A_324 = vector.shape_cast %swap3A_323 : vector<1x16xf32> to vector<16xf32>
    %swap3A_325 = vector.shape_cast %broadcast_in_dim3A_319 : vector<16xf32> to vector<1x16xf32>
    tpu.vector_store %arg10[%swap3A_321, %swap3A_322], %swap3A_325 {strides = array<i32>} : memref<40x128xf32, #tpu.memory_space<vmem>>, vector<1x16xf32>,
    %broadcast_in_dim3A_326 = arith.constant 0.000000e+00 : f32
    %broadcast_in_dim3A_327 = vector.broadcast %broadcast_in_dim3A_326 : f32 to vector<16xf32>
    %swap3A_328 = arith.constant 5 : i32
    %swap3A_329 = arith.index_cast %swap3A_328 : i32 to index
    %swap3A_330 = arith.constant 16 : index
    %swap3A_331 = tpu.vector_load %arg10[%swap3A_329, %swap3A_330] {strides = array<i32>} : memref<40x128xf32, #tpu.memory_space<vmem>>, vector<1x16xf32>,
    %swap3A_332 = vector.shape_cast %swap3A_331 : vector<1x16xf32> to vector<16xf32>
    %swap3A_333 = vector.shape_cast %broadcast_in_dim3A_327 : vector<16xf32> to vector<1x16xf32>
    tpu.vector_store %arg10[%swap3A_329, %swap3A_330], %swap3A_333 {strides = array<i32>} : memref<40x128xf32, #tpu.memory_space<vmem>>, vector<1x16xf32>,
    %broadcast_in_dim3A_334 = arith.constant 0.000000e+00 : f32
    %broadcast_in_dim3A_335 = vector.broadcast %broadcast_in_dim3A_334 : f32 to vector<16xf32>
    %swap3A_336 = arith.constant 5 : i32
    %swap3A_337 = arith.index_cast %swap3A_336 : i32 to index
    %swap3A_338 = arith.constant 32 : index
    %swap3A_339 = tpu.vector_load %arg10[%swap3A_337, %swap3A_338] {strides = array<i32>} : memref<40x128xf32, #tpu.memory_space<vmem>>, vector<1x16xf32>,
    %swap3A_340 = vector.shape_cast %swap3A_339 : vector<1x16xf32> to vector<16xf32>
    %swap3A_341 = vector.shape_cast %broadcast_in_dim3A_335 : vector<16xf32> to vector<1x16xf32>
    tpu.vector_store %arg10[%swap3A_337, %swap3A_338], %swap3A_341 {strides = array<i32>} : memref<40x128xf32, #tpu.memory_space<vmem>>, vector<1x16xf32>,
    %broadcast_in_dim3A_342 = arith.constant 0.000000e+00 : f32
    %broadcast_in_dim3A_343 = vector.broadcast %broadcast_in_dim3A_342 : f32 to vector<16xf32>
    %swap3A_344 = arith.constant 5 : i32
    %swap3A_345 = arith.index_cast %swap3A_344 : i32 to index
    %swap3A_346 = arith.constant 48 : index
    %swap3A_347 = tpu.vector_load %arg10[%swap3A_345, %swap3A_346] {strides = array<i32>} : memref<40x128xf32, #tpu.memory_space<vmem>>, vector<1x16xf32>,
    %swap3A_348 = vector.shape_cast %swap3A_347 : vector<1x16xf32> to vector<16xf32>
    %swap3A_349 = vector.shape_cast %broadcast_in_dim3A_343 : vector<16xf32> to vector<1x16xf32>
    tpu.vector_store %arg10[%swap3A_345, %swap3A_346], %swap3A_349 {strides = array<i32>} : memref<40x128xf32, #tpu.memory_space<vmem>>, vector<1x16xf32>,
    %broadcast_in_dim3A_350 = arith.constant 0.000000e+00 : f32
    %broadcast_in_dim3A_351 = vector.broadcast %broadcast_in_dim3A_350 : f32 to vector<16xf32>
    %swap3A_352 = arith.constant 5 : i32
    %swap3A_353 = arith.index_cast %swap3A_352 : i32 to index
    %swap3A_354 = arith.constant 64 : index
    %swap3A_355 = tpu.vector_load %arg10[%swap3A_353, %swap3A_354] {strides = array<i32>} : memref<40x128xf32, #tpu.memory_space<vmem>>, vector<1x16xf32>,
    %swap3A_356 = vector.shape_cast %swap3A_355 : vector<1x16xf32> to vector<16xf32>
    %swap3A_357 = vector.shape_cast %broadcast_in_dim3A_351 : vector<16xf32> to vector<1x16xf32>
    tpu.vector_store %arg10[%swap3A_353, %swap3A_354], %swap3A_357 {strides = array<i32>} : memref<40x128xf32, #tpu.memory_space<vmem>>, vector<1x16xf32>,
    %broadcast_in_dim3A_358 = arith.constant 0.000000e+00 : f32
    %broadcast_in_dim3A_359 = vector.broadcast %broadcast_in_dim3A_358 : f32 to vector<16xf32>
    %swap3A_360 = arith.constant 5 : i32
    %swap3A_361 = arith.index_cast %swap3A_360 : i32 to index
    %swap3A_362 = arith.constant 80 : index
    %swap3A_363 = tpu.vector_load %arg10[%swap3A_361, %swap3A_362] {strides = array<i32>} : memref<40x128xf32, #tpu.memory_space<vmem>>, vector<1x16xf32>,
    %swap3A_364 = vector.shape_cast %swap3A_363 : vector<1x16xf32> to vector<16xf32>
    %swap3A_365 = vector.shape_cast %broadcast_in_dim3A_359 : vector<16xf32> to vector<1x16xf32>
    tpu.vector_store %arg10[%swap3A_361, %swap3A_362], %swap3A_365 {strides = array<i32>} : memref<40x128xf32, #tpu.memory_space<vmem>>, vector<1x16xf32>,
    %broadcast_in_dim3A_366 = arith.constant 0.000000e+00 : f32
    %broadcast_in_dim3A_367 = vector.broadcast %broadcast_in_dim3A_366 : f32 to vector<16xf32>
    %swap3A_368 = arith.constant 5 : i32
    %swap3A_369 = arith.index_cast %swap3A_368 : i32 to index
    %swap3A_370 = arith.constant 96 : index
    %swap3A_371 = tpu.vector_load %arg10[%swap3A_369, %swap3A_370] {strides = array<i32>} : memref<40x128xf32, #tpu.memory_space<vmem>>, vector<1x16xf32>,
    %swap3A_372 = vector.shape_cast %swap3A_371 : vector<1x16xf32> to vector<16xf32>
    %swap3A_373 = vector.shape_cast %broadcast_in_dim3A_367 : vector<16xf32> to vector<1x16xf32>
    tpu.vector_store %arg10[%swap3A_369, %swap3A_370], %swap3A_373 {strides = array<i32>} : memref<40x128xf32, #tpu.memory_space<vmem>>, vector<1x16xf32>,
    %broadcast_in_dim3A_374 = arith.constant 0.000000e+00 : f32
    %broadcast_in_dim3A_375 = vector.broadcast %broadcast_in_dim3A_374 : f32 to vector<16xf32>
    %swap3A_376 = arith.constant 5 : i32
    %swap3A_377 = arith.index_cast %swap3A_376 : i32 to index
    %swap3A_378 = arith.constant 112 : index
    %swap3A_379 = tpu.vector_load %arg10[%swap3A_377, %swap3A_378] {strides = array<i32>} : memref<40x128xf32, #tpu.memory_space<vmem>>, vector<1x16xf32>,
    %swap3A_380 = vector.shape_cast %swap3A_379 : vector<1x16xf32> to vector<16xf32>
    %swap3A_381 = vector.shape_cast %broadcast_in_dim3A_375 : vector<16xf32> to vector<1x16xf32>
    tpu.vector_store %arg10[%swap3A_377, %swap3A_378], %swap3A_381 {strides = array<i32>} : memref<40x128xf32, #tpu.memory_space<vmem>>, vector<1x16xf32>,
    %broadcast_in_dim3A_382 = arith.constant 0.000000e+00 : f32
    %broadcast_in_dim3A_383 = vector.broadcast %broadcast_in_dim3A_382 : f32 to vector<16xf32>
    %swap3A_384 = arith.constant 6 : i32
    %swap3A_385 = arith.index_cast %swap3A_384 : i32 to index
    %swap3A_386 = arith.constant 0 : index
    %swap3A_387 = tpu.vector_load %arg10[%swap3A_385, %swap3A_386] {strides = array<i32>} : memref<40x128xf32, #tpu.memory_space<vmem>>, vector<1x16xf32>,
    %swap3A_388 = vector.shape_cast %swap3A_387 : vector<1x16xf32> to vector<16xf32>
    %swap3A_389 = vector.shape_cast %broadcast_in_dim3A_383 : vector<16xf32> to vector<1x16xf32>
    tpu.vector_store %arg10[%swap3A_385, %swap3A_386], %swap3A_389 {strides = array<i32>} : memref<40x128xf32, #tpu.memory_space<vmem>>, vector<1x16xf32>,
    %broadcast_in_dim3A_390 = arith.constant 0.000000e+00 : f32
    %broadcast_in_dim3A_391 = vector.broadcast %broadcast_in_dim3A_390 : f32 to vector<16xf32>
    %swap3A_392 = arith.constant 6 : i32
    %swap3A_393 = arith.index_cast %swap3A_392 : i32 to index
    %swap3A_394 = arith.constant 16 : index
    %swap3A_395 = tpu.vector_load %arg10[%swap3A_393, %swap3A_394] {strides = array<i32>} : memref<40x128xf32, #tpu.memory_space<vmem>>, vector<1x16xf32>,
    %swap3A_396 = vector.shape_cast %swap3A_395 : vector<1x16xf32> to vector<16xf32>
    %swap3A_397 = vector.shape_cast %broadcast_in_dim3A_391 : vector<16xf32> to vector<1x16xf32>
    tpu.vector_store %arg10[%swap3A_393, %swap3A_394], %swap3A_397 {strides = array<i32>} : memref<40x128xf32, #tpu.memory_space<vmem>>, vector<1x16xf32>,
    %broadcast_in_dim3A_398 = arith.constant 0.000000e+00 : f32
    %broadcast_in_dim3A_399 = vector.broadcast %broadcast_in_dim3A_398 : f32 to vector<16xf32>
    %swap3A_400 = arith.constant 6 : i32
    %swap3A_401 = arith.index_cast %swap3A_400 : i32 to index
    %swap3A_402 = arith.constant 32 : index
    %swap3A_403 = tpu.vector_load %arg10[%swap3A_401, %swap3A_402] {strides = array<i32>} : memref<40x128xf32, #tpu.memory_space<vmem>>, vector<1x16xf32>,
    %swap3A_404 = vector.shape_cast %swap3A_403 : vector<1x16xf32> to vector<16xf32>
    %swap3A_405 = vector.shape_cast %broadcast_in_dim3A_399 : vector<16xf32> to vector<1x16xf32>
    tpu.vector_store %arg10[%swap3A_401, %swap3A_402], %swap3A_405 {strides = array<i32>} : memref<40x128xf32, #tpu.memory_space<vmem>>, vector<1x16xf32>,
    %broadcast_in_dim3A_406 = arith.constant 0.000000e+00 : f32
    %broadcast_in_dim3A_407 = vector.broadcast %broadcast_in_dim3A_406 : f32 to vector<16xf32>
    %swap3A_408 = arith.constant 6 : i32
    %swap3A_409 = arith.index_cast %swap3A_408 : i32 to index
    %swap3A_410 = arith.constant 48 : index
    %swap3A_411 = tpu.vector_load %arg10[%swap3A_409, %swap3A_410] {strides = array<i32>} : memref<40x128xf32, #tpu.memory_space<vmem>>, vector<1x16xf32>,
    %swap3A_412 = vector.shape_cast %swap3A_411 : vector<1x16xf32> to vector<16xf32>
    %swap3A_413 = vector.shape_cast %broadcast_in_dim3A_407 : vector<16xf32> to vector<1x16xf32>
    tpu.vector_store %arg10[%swap3A_409, %swap3A_410], %swap3A_413 {strides = array<i32>} : memref<40x128xf32, #tpu.memory_space<vmem>>, vector<1x16xf32>,
    %broadcast_in_dim3A_414 = arith.constant 0.000000e+00 : f32
    %broadcast_in_dim3A_415 = vector.broadcast %broadcast_in_dim3A_414 : f32 to vector<16xf32>
    %swap3A_416 = arith.constant 6 : i32
    %swap3A_417 = arith.index_cast %swap3A_416 : i32 to index
    %swap3A_418 = arith.constant 64 : index
    %swap3A_419 = tpu.vector_load %arg10[%swap3A_417, %swap3A_418] {strides = array<i32>} : memref<40x128xf32, #tpu.memory_space<vmem>>, vector<1x16xf32>,
    %swap3A_420 = vector.shape_cast %swap3A_419 : vector<1x16xf32> to vector<16xf32>
    %swap3A_421 = vector.shape_cast %broadcast_in_dim3A_415 : vector<16xf32> to vector<1x16xf32>
    tpu.vector_store %arg10[%swap3A_417, %swap3A_418], %swap3A_421 {strides = array<i32>} : memref<40x128xf32, #tpu.memory_space<vmem>>, vector<1x16xf32>,
    %broadcast_in_dim3A_422 = arith.constant 0.000000e+00 : f32
    %broadcast_in_dim3A_423 = vector.broadcast %broadcast_in_dim3A_422 : f32 to vector<16xf32>
    %swap3A_424 = arith.constant 6 : i32
    %swap3A_425 = arith.index_cast %swap3A_424 : i32 to index
    %swap3A_426 = arith.constant 80 : index
    %swap3A_427 = tpu.vector_load %arg10[%swap3A_425, %swap3A_426] {strides = array<i32>} : memref<40x128xf32, #tpu.memory_space<vmem>>, vector<1x16xf32>,
    %swap3A_428 = vector.shape_cast %swap3A_427 : vector<1x16xf32> to vector<16xf32>
    %swap3A_429 = vector.shape_cast %broadcast_in_dim3A_423 : vector<16xf32> to vector<1x16xf32>
    tpu.vector_store %arg10[%swap3A_425, %swap3A_426], %swap3A_429 {strides = array<i32>} : memref<40x128xf32, #tpu.memory_space<vmem>>, vector<1x16xf32>,
    %broadcast_in_dim3A_430 = arith.constant 0.000000e+00 : f32
    %broadcast_in_dim3A_431 = vector.broadcast %broadcast_in_dim3A_430 : f32 to vector<16xf32>
    %swap3A_432 = arith.constant 6 : i32
    %swap3A_433 = arith.index_cast %swap3A_432 : i32 to index
    %swap3A_434 = arith.constant 96 : index
    %swap3A_435 = tpu.vector_load %arg10[%swap3A_433, %swap3A_434] {strides = array<i32>} : memref<40x128xf32, #tpu.memory_space<vmem>>, vector<1x16xf32>,
    %swap3A_436 = vector.shape_cast %swap3A_435 : vector<1x16xf32> to vector<16xf32>
    %swap3A_437 = vector.shape_cast %broadcast_in_dim3A_431 : vector<16xf32> to vector<1x16xf32>
    tpu.vector_store %arg10[%swap3A_433, %swap3A_434], %swap3A_437 {strides = array<i32>} : memref<40x128xf32, #tpu.memory_space<vmem>>, vector<1x16xf32>,
    %broadcast_in_dim3A_438 = arith.constant 0.000000e+00 : f32
    %broadcast_in_dim3A_439 = vector.broadcast %broadcast_in_dim3A_438 : f32 to vector<16xf32>
    %swap3A_440 = arith.constant 6 : i32
    %swap3A_441 = arith.index_cast %swap3A_440 : i32 to index
    %swap3A_442 = arith.constant 112 : index
    %swap3A_443 = tpu.vector_load %arg10[%swap3A_441, %swap3A_442] {strides = array<i32>} : memref<40x128xf32, #tpu.memory_space<vmem>>, vector<1x16xf32>,
    %swap3A_444 = vector.shape_cast %swap3A_443 : vector<1x16xf32> to vector<16xf32>
    %swap3A_445 = vector.shape_cast %broadcast_in_dim3A_439 : vector<16xf32> to vector<1x16xf32>
    tpu.vector_store %arg10[%swap3A_441, %swap3A_442], %swap3A_445 {strides = array<i32>} : memref<40x128xf32, #tpu.memory_space<vmem>>, vector<1x16xf32>,
    %broadcast_in_dim3A_446 = arith.constant 0.000000e+00 : f32
    %broadcast_in_dim3A_447 = vector.broadcast %broadcast_in_dim3A_446 : f32 to vector<16xf32>
    %swap3A_448 = arith.constant 7 : i32
    %swap3A_449 = arith.index_cast %swap3A_448 : i32 to index
    %swap3A_450 = arith.constant 0 : index
    %swap3A_451 = tpu.vector_load %arg10[%swap3A_449, %swap3A_450] {strides = array<i32>} : memref<40x128xf32, #tpu.memory_space<vmem>>, vector<1x16xf32>,
    %swap3A_452 = vector.shape_cast %swap3A_451 : vector<1x16xf32> to vector<16xf32>
    %swap3A_453 = vector.shape_cast %broadcast_in_dim3A_447 : vector<16xf32> to vector<1x16xf32>
    tpu.vector_store %arg10[%swap3A_449, %swap3A_450], %swap3A_453 {strides = array<i32>} : memref<40x128xf32, #tpu.memory_space<vmem>>, vector<1x16xf32>,
    %broadcast_in_dim3A_454 = arith.constant 0.000000e+00 : f32
    %broadcast_in_dim3A_455 = vector.broadcast %broadcast_in_dim3A_454 : f32 to vector<16xf32>
    %swap3A_456 = arith.constant 7 : i32
    %swap3A_457 = arith.index_cast %swap3A_456 : i32 to index
    %swap3A_458 = arith.constant 16 : index
    %swap3A_459 = tpu.vector_load %arg10[%swap3A_457, %swap3A_458] {strides = array<i32>} : memref<40x128xf32, #tpu.memory_space<vmem>>, vector<1x16xf32>,
    %swap3A_460 = vector.shape_cast %swap3A_459 : vector<1x16xf32> to vector<16xf32>
    %swap3A_461 = vector.shape_cast %broadcast_in_dim3A_455 : vector<16xf32> to vector<1x16xf32>
    tpu.vector_store %arg10[%swap3A_457, %swap3A_458], %swap3A_461 {strides = array<i32>} : memref<40x128xf32, #tpu.memory_space<vmem>>, vector<1x16xf32>,
    %broadcast_in_dim3A_462 = arith.constant 0.000000e+00 : f32
    %broadcast_in_dim3A_463 = vector.broadcast %broadcast_in_dim3A_462 : f32 to vector<16xf32>
    %swap3A_464 = arith.constant 7 : i32
    %swap3A_465 = arith.index_cast %swap3A_464 : i32 to index
    %swap3A_466 = arith.constant 32 : index
    %swap3A_467 = tpu.vector_load %arg10[%swap3A_465, %swap3A_466] {strides = array<i32>} : memref<40x128xf32, #tpu.memory_space<vmem>>, vector<1x16xf32>,
    %swap3A_468 = vector.shape_cast %swap3A_467 : vector<1x16xf32> to vector<16xf32>
    %swap3A_469 = vector.shape_cast %broadcast_in_dim3A_463 : vector<16xf32> to vector<1x16xf32>
    tpu.vector_store %arg10[%swap3A_465, %swap3A_466], %swap3A_469 {strides = array<i32>} : memref<40x128xf32, #tpu.memory_space<vmem>>, vector<1x16xf32>,
    %broadcast_in_dim3A_470 = arith.constant 0.000000e+00 : f32
    %broadcast_in_dim3A_471 = vector.broadcast %broadcast_in_dim3A_470 : f32 to vector<16xf32>
    %swap3A_472 = arith.constant 7 : i32
    %swap3A_473 = arith.index_cast %swap3A_472 : i32 to index
    %swap3A_474 = arith.constant 48 : index
    %swap3A_475 = tpu.vector_load %arg10[%swap3A_473, %swap3A_474] {strides = array<i32>} : memref<40x128xf32, #tpu.memory_space<vmem>>, vector<1x16xf32>,
    %swap3A_476 = vector.shape_cast %swap3A_475 : vector<1x16xf32> to vector<16xf32>
    %swap3A_477 = vector.shape_cast %broadcast_in_dim3A_471 : vector<16xf32> to vector<1x16xf32>
    tpu.vector_store %arg10[%swap3A_473, %swap3A_474], %swap3A_477 {strides = array<i32>} : memref<40x128xf32, #tpu.memory_space<vmem>>, vector<1x16xf32>,
    %broadcast_in_dim3A_478 = arith.constant 0.000000e+00 : f32
    %broadcast_in_dim3A_479 = vector.broadcast %broadcast_in_dim3A_478 : f32 to vector<16xf32>
    %swap3A_480 = arith.constant 7 : i32
    %swap3A_481 = arith.index_cast %swap3A_480 : i32 to index
    %swap3A_482 = arith.constant 64 : index
    %swap3A_483 = tpu.vector_load %arg10[%swap3A_481, %swap3A_482] {strides = array<i32>} : memref<40x128xf32, #tpu.memory_space<vmem>>, vector<1x16xf32>,
    %swap3A_484 = vector.shape_cast %swap3A_483 : vector<1x16xf32> to vector<16xf32>
    %swap3A_485 = vector.shape_cast %broadcast_in_dim3A_479 : vector<16xf32> to vector<1x16xf32>
    tpu.vector_store %arg10[%swap3A_481, %swap3A_482], %swap3A_485 {strides = array<i32>} : memref<40x128xf32, #tpu.memory_space<vmem>>, vector<1x16xf32>,
    %broadcast_in_dim3A_486 = arith.constant 0.000000e+00 : f32
    %broadcast_in_dim3A_487 = vector.broadcast %broadcast_in_dim3A_486 : f32 to vector<16xf32>
    %swap3A_488 = arith.constant 7 : i32
    %swap3A_489 = arith.index_cast %swap3A_488 : i32 to index
    %swap3A_490 = arith.constant 80 : index
    %swap3A_491 = tpu.vector_load %arg10[%swap3A_489, %swap3A_490] {strides = array<i32>} : memref<40x128xf32, #tpu.memory_space<vmem>>, vector<1x16xf32>,
    %swap3A_492 = vector.shape_cast %swap3A_491 : vector<1x16xf32> to vector<16xf32>
    %swap3A_493 = vector.shape_cast %broadcast_in_dim3A_487 : vector<16xf32> to vector<1x16xf32>
    tpu.vector_store %arg10[%swap3A_489, %swap3A_490], %swap3A_493 {strides = array<i32>} : memref<40x128xf32, #tpu.memory_space<vmem>>, vector<1x16xf32>,
    %broadcast_in_dim3A_494 = arith.constant 0.000000e+00 : f32
    %broadcast_in_dim3A_495 = vector.broadcast %broadcast_in_dim3A_494 : f32 to vector<16xf32>
    %swap3A_496 = arith.constant 7 : i32
    %swap3A_497 = arith.index_cast %swap3A_496 : i32 to index
    %swap3A_498 = arith.constant 96 : index
    %swap3A_499 = tpu.vector_load %arg10[%swap3A_497, %swap3A_498] {strides = array<i32>} : memref<40x128xf32, #tpu.memory_space<vmem>>, vector<1x16xf32>,
    %swap3A_500 = vector.shape_cast %swap3A_499 : vector<1x16xf32> to vector<16xf32>
    %swap3A_501 = vector.shape_cast %broadcast_in_dim3A_495 : vector<16xf32> to vector<1x16xf32>
    tpu.vector_store %arg10[%swap3A_497, %swap3A_498], %swap3A_501 {strides = array<i32>} : memref<40x128xf32, #tpu.memory_space<vmem>>, vector<1x16xf32>,
    %broadcast_in_dim3A_502 = arith.constant 0.000000e+00 : f32
    %broadcast_in_dim3A_503 = vector.broadcast %broadcast_in_dim3A_502 : f32 to vector<16xf32>
    %swap3A_504 = arith.constant 7 : i32
    %swap3A_505 = arith.index_cast %swap3A_504 : i32 to index
    %swap3A_506 = arith.constant 112 : index
    %swap3A_507 = tpu.vector_load %arg10[%swap3A_505, %swap3A_506] {strides = array<i32>} : memref<40x128xf32, #tpu.memory_space<vmem>>, vector<1x16xf32>,
    %swap3A_508 = vector.shape_cast %swap3A_507 : vector<1x16xf32> to vector<16xf32>
    %swap3A_509 = vector.shape_cast %broadcast_in_dim3A_503 : vector<16xf32> to vector<1x16xf32>
    tpu.vector_store %arg10[%swap3A_505, %swap3A_506], %swap3A_509 {strides = array<i32>} : memref<40x128xf32, #tpu.memory_space<vmem>>, vector<1x16xf32>,
    %broadcast_in_dim3A_510 = arith.constant 0.000000e+00 : f32
    %broadcast_in_dim3A_511 = vector.broadcast %broadcast_in_dim3A_510 : f32 to vector<16xf32>
    %swap3A_512 = arith.constant 8 : i32
    %swap3A_513 = arith.index_cast %swap3A_512 : i32 to index
    %swap3A_514 = arith.constant 0 : index
    %swap3A_515 = tpu.vector_load %arg10[%swap3A_513, %swap3A_514] {strides = array<i32>} : memref<40x128xf32, #tpu.memory_space<vmem>>, vector<1x16xf32>,
    %swap3A_516 = vector.shape_cast %swap3A_515 : vector<1x16xf32> to vector<16xf32>
    %swap3A_517 = vector.shape_cast %broadcast_in_dim3A_511 : vector<16xf32> to vector<1x16xf32>
    tpu.vector_store %arg10[%swap3A_513, %swap3A_514], %swap3A_517 {strides = array<i32>} : memref<40x128xf32, #tpu.memory_space<vmem>>, vector<1x16xf32>,
    %broadcast_in_dim3A_518 = arith.constant 0.000000e+00 : f32
    %broadcast_in_dim3A_519 = vector.broadcast %broadcast_in_dim3A_518 : f32 to vector<16xf32>
    %swap3A_520 = arith.constant 8 : i32
    %swap3A_521 = arith.index_cast %swap3A_520 : i32 to index
    %swap3A_522 = arith.constant 16 : index
    %swap3A_523 = tpu.vector_load %arg10[%swap3A_521, %swap3A_522] {strides = array<i32>} : memref<40x128xf32, #tpu.memory_space<vmem>>, vector<1x16xf32>,
    %swap3A_524 = vector.shape_cast %swap3A_523 : vector<1x16xf32> to vector<16xf32>
    %swap3A_525 = vector.shape_cast %broadcast_in_dim3A_519 : vector<16xf32> to vector<1x16xf32>
    tpu.vector_store %arg10[%swap3A_521, %swap3A_522], %swap3A_525 {strides = array<i32>} : memref<40x128xf32, #tpu.memory_space<vmem>>, vector<1x16xf32>,
    %broadcast_in_dim3A_526 = arith.constant 0.000000e+00 : f32
    %broadcast_in_dim3A_527 = vector.broadcast %broadcast_in_dim3A_526 : f32 to vector<16xf32>
    %swap3A_528 = arith.constant 8 : i32
    %swap3A_529 = arith.index_cast %swap3A_528 : i32 to index
    %swap3A_530 = arith.constant 32 : index
    %swap3A_531 = tpu.vector_load %arg10[%swap3A_529, %swap3A_530] {strides = array<i32>} : memref<40x128xf32, #tpu.memory_space<vmem>>, vector<1x16xf32>,
    %swap3A_532 = vector.shape_cast %swap3A_531 : vector<1x16xf32> to vector<16xf32>
    %swap3A_533 = vector.shape_cast %broadcast_in_dim3A_527 : vector<16xf32> to vector<1x16xf32>
    tpu.vector_store %arg10[%swap3A_529, %swap3A_530], %swap3A_533 {strides = array<i32>} : memref<40x128xf32, #tpu.memory_space<vmem>>, vector<1x16xf32>,
    %broadcast_in_dim3A_534 = arith.constant 0.000000e+00 : f32
    %broadcast_in_dim3A_535 = vector.broadcast %broadcast_in_dim3A_534 : f32 to vector<16xf32>
    %swap3A_536 = arith.constant 8 : i32
    %swap3A_537 = arith.index_cast %swap3A_536 : i32 to index
    %swap3A_538 = arith.constant 48 : index
    %swap3A_539 = tpu.vector_load %arg10[%swap3A_537, %swap3A_538] {strides = array<i32>} : memref<40x128xf32, #tpu.memory_space<vmem>>, vector<1x16xf32>,
    %swap3A_540 = vector.shape_cast %swap3A_539 : vector<1x16xf32> to vector<16xf32>
    %swap3A_541 = vector.shape_cast %broadcast_in_dim3A_535 : vector<16xf32> to vector<1x16xf32>
    tpu.vector_store %arg10[%swap3A_537, %swap3A_538], %swap3A_541 {strides = array<i32>} : memref<40x128xf32, #tpu.memory_space<vmem>>, vector<1x16xf32>,
    %broadcast_in_dim3A_542 = arith.constant 0.000000e+00 : f32
    %broadcast_in_dim3A_543 = vector.broadcast %broadcast_in_dim3A_542 : f32 to vector<16xf32>
    %swap3A_544 = arith.constant 8 : i32
    %swap3A_545 = arith.index_cast %swap3A_544 : i32 to index
    %swap3A_546 = arith.constant 64 : index
    %swap3A_547 = tpu.vector_load %arg10[%swap3A_545, %swap3A_546] {strides = array<i32>} : memref<40x128xf32, #tpu.memory_space<vmem>>, vector<1x16xf32>,
    %swap3A_548 = vector.shape_cast %swap3A_547 : vector<1x16xf32> to vector<16xf32>
    %swap3A_549 = vector.shape_cast %broadcast_in_dim3A_543 : vector<16xf32> to vector<1x16xf32>
    tpu.vector_store %arg10[%swap3A_545, %swap3A_546], %swap3A_549 {strides = array<i32>} : memref<40x128xf32, #tpu.memory_space<vmem>>, vector<1x16xf32>,
    %broadcast_in_dim3A_550 = arith.constant 0.000000e+00 : f32
    %broadcast_in_dim3A_551 = vector.broadcast %broadcast_in_dim3A_550 : f32 to vector<16xf32>
    %swap3A_552 = arith.constant 8 : i32
    %swap3A_553 = arith.index_cast %swap3A_552 : i32 to index
    %swap3A_554 = arith.constant 80 : index
    %swap3A_555 = tpu.vector_load %arg10[%swap3A_553, %swap3A_554] {strides = array<i32>} : memref<40x128xf32, #tpu.memory_space<vmem>>, vector<1x16xf32>,
    %swap3A_556 = vector.shape_cast %swap3A_555 : vector<1x16xf32> to vector<16xf32>
    %swap3A_557 = vector.shape_cast %broadcast_in_dim3A_551 : vector<16xf32> to vector<1x16xf32>
    tpu.vector_store %arg10[%swap3A_553, %swap3A_554], %swap3A_557 {strides = array<i32>} : memref<40x128xf32, #tpu.memory_space<vmem>>, vector<1x16xf32>,
    %broadcast_in_dim3A_558 = arith.constant 0.000000e+00 : f32
    %broadcast_in_dim3A_559 = vector.broadcast %broadcast_in_dim3A_558 : f32 to vector<16xf32>
    %swap3A_560 = arith.constant 8 : i32
    %swap3A_561 = arith.index_cast %swap3A_560 : i32 to index
    %swap3A_562 = arith.constant 96 : index
    %swap3A_563 = tpu.vector_load %arg10[%swap3A_561, %swap3A_562] {strides = array<i32>} : memref<40x128xf32, #tpu.memory_space<vmem>>, vector<1x16xf32>,
    %swap3A_564 = vector.shape_cast %swap3A_563 : vector<1x16xf32> to vector<16xf32>
    %swap3A_565 = vector.shape_cast %broadcast_in_dim3A_559 : vector<16xf32> to vector<1x16xf32>
    tpu.vector_store %arg10[%swap3A_561, %swap3A_562], %swap3A_565 {strides = array<i32>} : memref<40x128xf32, #tpu.memory_space<vmem>>, vector<1x16xf32>,
    %broadcast_in_dim3A_566 = arith.constant 0.000000e+00 : f32
    %broadcast_in_dim3A_567 = vector.broadcast %broadcast_in_dim3A_566 : f32 to vector<16xf32>
    %swap3A_568 = arith.constant 8 : i32
    %swap3A_569 = arith.index_cast %swap3A_568 : i32 to index
    %swap3A_570 = arith.constant 112 : index
    %swap3A_571 = tpu.vector_load %arg10[%swap3A_569, %swap3A_570] {strides = array<i32>} : memref<40x128xf32, #tpu.memory_space<vmem>>, vector<1x16xf32>,
    %swap3A_572 = vector.shape_cast %swap3A_571 : vector<1x16xf32> to vector<16xf32>
    %swap3A_573 = vector.shape_cast %broadcast_in_dim3A_567 : vector<16xf32> to vector<1x16xf32>
    tpu.vector_store %arg10[%swap3A_569, %swap3A_570], %swap3A_573 {strides = array<i32>} : memref<40x128xf32, #tpu.memory_space<vmem>>, vector<1x16xf32>,
    %broadcast_in_dim3A_574 = arith.constant 0.000000e+00 : f32
    %broadcast_in_dim3A_575 = vector.broadcast %broadcast_in_dim3A_574 : f32 to vector<16xf32>
    %swap3A_576 = arith.constant 9 : i32
    %swap3A_577 = arith.index_cast %swap3A_576 : i32 to index
    %swap3A_578 = arith.constant 0 : index
    %swap3A_579 = tpu.vector_load %arg10[%swap3A_577, %swap3A_578] {strides = array<i32>} : memref<40x128xf32, #tpu.memory_space<vmem>>, vector<1x16xf32>,
    %swap3A_580 = vector.shape_cast %swap3A_579 : vector<1x16xf32> to vector<16xf32>
    %swap3A_581 = vector.shape_cast %broadcast_in_dim3A_575 : vector<16xf32> to vector<1x16xf32>
    tpu.vector_store %arg10[%swap3A_577, %swap3A_578], %swap3A_581 {strides = array<i32>} : memref<40x128xf32, #tpu.memory_space<vmem>>, vector<1x16xf32>,
    %broadcast_in_dim3A_582 = arith.constant 0.000000e+00 : f32
    %broadcast_in_dim3A_583 = vector.broadcast %broadcast_in_dim3A_582 : f32 to vector<16xf32>
    %swap3A_584 = arith.constant 9 : i32
    %swap3A_585 = arith.index_cast %swap3A_584 : i32 to index
    %swap3A_586 = arith.constant 16 : index
    %swap3A_587 = tpu.vector_load %arg10[%swap3A_585, %swap3A_586] {strides = array<i32>} : memref<40x128xf32, #tpu.memory_space<vmem>>, vector<1x16xf32>,
    %swap3A_588 = vector.shape_cast %swap3A_587 : vector<1x16xf32> to vector<16xf32>
    %swap3A_589 = vector.shape_cast %broadcast_in_dim3A_583 : vector<16xf32> to vector<1x16xf32>
    tpu.vector_store %arg10[%swap3A_585, %swap3A_586], %swap3A_589 {strides = array<i32>} : memref<40x128xf32, #tpu.memory_space<vmem>>, vector<1x16xf32>,
    %broadcast_in_dim3A_590 = arith.constant 0.000000e+00 : f32
    %broadcast_in_dim3A_591 = vector.broadcast %broadcast_in_dim3A_590 : f32 to vector<16xf32>
    %swap3A_592 = arith.constant 9 : i32
    %swap3A_593 = arith.index_cast %swap3A_592 : i32 to index
    %swap3A_594 = arith.constant 32 : index
    %swap3A_595 = tpu.vector_load %arg10[%swap3A_593, %swap3A_594] {strides = array<i32>} : memref<40x128xf32, #tpu.memory_space<vmem>>, vector<1x16xf32>,
    %swap3A_596 = vector.shape_cast %swap3A_595 : vector<1x16xf32> to vector<16xf32>
    %swap3A_597 = vector.shape_cast %broadcast_in_dim3A_591 : vector<16xf32> to vector<1x16xf32>
    tpu.vector_store %arg10[%swap3A_593, %swap3A_594], %swap3A_597 {strides = array<i32>} : memref<40x128xf32, #tpu.memory_space<vmem>>, vector<1x16xf32>,
    %broadcast_in_dim3A_598 = arith.constant 0.000000e+00 : f32
    %broadcast_in_dim3A_599 = vector.broadcast %broadcast_in_dim3A_598 : f32 to vector<16xf32>
    %swap3A_600 = arith.constant 9 : i32
    %swap3A_601 = arith.index_cast %swap3A_600 : i32 to index
    %swap3A_602 = arith.constant 48 : index
    %swap3A_603 = tpu.vector_load %arg10[%swap3A_601, %swap3A_602] {strides = array<i32>} : memref<40x128xf32, #tpu.memory_space<vmem>>, vector<1x16xf32>,
    %swap3A_604 = vector.shape_cast %swap3A_603 : vector<1x16xf32> to vector<16xf32>
    %swap3A_605 = vector.shape_cast %broadcast_in_dim3A_599 : vector<16xf32> to vector<1x16xf32>
    tpu.vector_store %arg10[%swap3A_601, %swap3A_602], %swap3A_605 {strides = array<i32>} : memref<40x128xf32, #tpu.memory_space<vmem>>, vector<1x16xf32>,
    %broadcast_in_dim3A_606 = arith.constant 0.000000e+00 : f32
    %broadcast_in_dim3A_607 = vector.broadcast %broadcast_in_dim3A_606 : f32 to vector<16xf32>
    %swap3A_608 = arith.constant 9 : i32
    %swap3A_609 = arith.index_cast %swap3A_608 : i32 to index
    %swap3A_610 = arith.constant 64 : index
    %swap3A_611 = tpu.vector_load %arg10[%swap3A_609, %swap3A_610] {strides = array<i32>} : memref<40x128xf32, #tpu.memory_space<vmem>>, vector<1x16xf32>,
    %swap3A_612 = vector.shape_cast %swap3A_611 : vector<1x16xf32> to vector<16xf32>
    %swap3A_613 = vector.shape_cast %broadcast_in_dim3A_607 : vector<16xf32> to vector<1x16xf32>
    tpu.vector_store %arg10[%swap3A_609, %swap3A_610], %swap3A_613 {strides = array<i32>} : memref<40x128xf32, #tpu.memory_space<vmem>>, vector<1x16xf32>,
    %broadcast_in_dim3A_614 = arith.constant 0.000000e+00 : f32
    %broadcast_in_dim3A_615 = vector.broadcast %broadcast_in_dim3A_614 : f32 to vector<16xf32>
    %swap3A_616 = arith.constant 9 : i32
    %swap3A_617 = arith.index_cast %swap3A_616 : i32 to index
    %swap3A_618 = arith.constant 80 : index
    %swap3A_619 = tpu.vector_load %arg10[%swap3A_617, %swap3A_618] {strides = array<i32>} : memref<40x128xf32, #tpu.memory_space<vmem>>, vector<1x16xf32>,
    %swap3A_620 = vector.shape_cast %swap3A_619 : vector<1x16xf32> to vector<16xf32>
    %swap3A_621 = vector.shape_cast %broadcast_in_dim3A_615 : vector<16xf32> to vector<1x16xf32>
    tpu.vector_store %arg10[%swap3A_617, %swap3A_618], %swap3A_621 {strides = array<i32>} : memref<40x128xf32, #tpu.memory_space<vmem>>, vector<1x16xf32>,
    %broadcast_in_dim3A_622 = arith.constant 0.000000e+00 : f32
    %broadcast_in_dim3A_623 = vector.broadcast %broadcast_in_dim3A_622 : f32 to vector<16xf32>
    %swap3A_624 = arith.constant 9 : i32
    %swap3A_625 = arith.index_cast %swap3A_624 : i32 to index
    %swap3A_626 = arith.constant 96 : index
    %swap3A_627 = tpu.vector_load %arg10[%swap3A_625, %swap3A_626] {strides = array<i32>} : memref<40x128xf32, #tpu.memory_space<vmem>>, vector<1x16xf32>,
    %swap3A_628 = vector.shape_cast %swap3A_627 : vector<1x16xf32> to vector<16xf32>
    %swap3A_629 = vector.shape_cast %broadcast_in_dim3A_623 : vector<16xf32> to vector<1x16xf32>
    tpu.vector_store %arg10[%swap3A_625, %swap3A_626], %swap3A_629 {strides = array<i32>} : memref<40x128xf32, #tpu.memory_space<vmem>>, vector<1x16xf32>,
    %broadcast_in_dim3A_630 = arith.constant 0.000000e+00 : f32
    %broadcast_in_dim3A_631 = vector.broadcast %broadcast_in_dim3A_630 : f32 to vector<16xf32>
    %swap3A_632 = arith.constant 9 : i32
    %swap3A_633 = arith.index_cast %swap3A_632 : i32 to index
    %swap3A_634 = arith.constant 112 : index
    %swap3A_635 = tpu.vector_load %arg10[%swap3A_633, %swap3A_634] {strides = array<i32>} : memref<40x128xf32, #tpu.memory_space<vmem>>, vector<1x16xf32>,
    %swap3A_636 = vector.shape_cast %swap3A_635 : vector<1x16xf32> to vector<16xf32>
    %swap3A_637 = vector.shape_cast %broadcast_in_dim3A_631 : vector<16xf32> to vector<1x16xf32>
    tpu.vector_store %arg10[%swap3A_633, %swap3A_634], %swap3A_637 {strides = array<i32>} : memref<40x128xf32, #tpu.memory_space<vmem>>, vector<1x16xf32>,
    %broadcast_in_dim3A_638 = arith.constant 0.000000e+00 : f32
    %broadcast_in_dim3A_639 = vector.broadcast %broadcast_in_dim3A_638 : f32 to vector<16xf32>
    %swap3A_640 = arith.constant 10 : i32
    %swap3A_641 = arith.index_cast %swap3A_640 : i32 to index
    %swap3A_642 = arith.constant 0 : index
    %swap3A_643 = tpu.vector_load %arg10[%swap3A_641, %swap3A_642] {strides = array<i32>} : memref<40x128xf32, #tpu.memory_space<vmem>>, vector<1x16xf32>,
    %swap3A_644 = vector.shape_cast %swap3A_643 : vector<1x16xf32> to vector<16xf32>
    %swap3A_645 = vector.shape_cast %broadcast_in_dim3A_639 : vector<16xf32> to vector<1x16xf32>
    tpu.vector_store %arg10[%swap3A_641, %swap3A_642], %swap3A_645 {strides = array<i32>} : memref<40x128xf32, #tpu.memory_space<vmem>>, vector<1x16xf32>,
    %broadcast_in_dim3A_646 = arith.constant 0.000000e+00 : f32
    %broadcast_in_dim3A_647 = vector.broadcast %broadcast_in_dim3A_646 : f32 to vector<16xf32>
    %swap3A_648 = arith.constant 10 : i32
    %swap3A_649 = arith.index_cast %swap3A_648 : i32 to index
    %swap3A_650 = arith.constant 16 : index
    %swap3A_651 = tpu.vector_load %arg10[%swap3A_649, %swap3A_650] {strides = array<i32>} : memref<40x128xf32, #tpu.memory_space<vmem>>, vector<1x16xf32>,
    %swap3A_652 = vector.shape_cast %swap3A_651 : vector<1x16xf32> to vector<16xf32>
    %swap3A_653 = vector.shape_cast %broadcast_in_dim3A_647 : vector<16xf32> to vector<1x16xf32>
    tpu.vector_store %arg10[%swap3A_649, %swap3A_650], %swap3A_653 {strides = array<i32>} : memref<40x128xf32, #tpu.memory_space<vmem>>, vector<1x16xf32>,
    %broadcast_in_dim3A_654 = arith.constant 0.000000e+00 : f32
    %broadcast_in_dim3A_655 = vector.broadcast %broadcast_in_dim3A_654 : f32 to vector<16xf32>
    %swap3A_656 = arith.constant 10 : i32
    %swap3A_657 = arith.index_cast %swap3A_656 : i32 to index
    %swap3A_658 = arith.constant 32 : index
    %swap3A_659 = tpu.vector_load %arg10[%swap3A_657, %swap3A_658] {strides = array<i32>} : memref<40x128xf32, #tpu.memory_space<vmem>>, vector<1x16xf32>,
    %swap3A_660 = vector.shape_cast %swap3A_659 : vector<1x16xf32> to vector<16xf32>
    %swap3A_661 = vector.shape_cast %broadcast_in_dim3A_655 : vector<16xf32> to vector<1x16xf32>
    tpu.vector_store %arg10[%swap3A_657, %swap3A_658], %swap3A_661 {strides = array<i32>} : memref<40x128xf32, #tpu.memory_space<vmem>>, vector<1x16xf32>,
    %broadcast_in_dim3A_662 = arith.constant 0.000000e+00 : f32
    %broadcast_in_dim3A_663 = vector.broadcast %broadcast_in_dim3A_662 : f32 to vector<16xf32>
    %swap3A_664 = arith.constant 10 : i32
    %swap3A_665 = arith.index_cast %swap3A_664 : i32 to index
    %swap3A_666 = arith.constant 48 : index
    %swap3A_667 = tpu.vector_load %arg10[%swap3A_665, %swap3A_666] {strides = array<i32>} : memref<40x128xf32, #tpu.memory_space<vmem>>, vector<1x16xf32>,
    %swap3A_668 = vector.shape_cast %swap3A_667 : vector<1x16xf32> to vector<16xf32>
    %swap3A_669 = vector.shape_cast %broadcast_in_dim3A_663 : vector<16xf32> to vector<1x16xf32>
    tpu.vector_store %arg10[%swap3A_665, %swap3A_666], %swap3A_669 {strides = array<i32>} : memref<40x128xf32, #tpu.memory_space<vmem>>, vector<1x16xf32>,
    %broadcast_in_dim3A_670 = arith.constant 0.000000e+00 : f32
    %broadcast_in_dim3A_671 = vector.broadcast %broadcast_in_dim3A_670 : f32 to vector<16xf32>
    %swap3A_672 = arith.constant 10 : i32
    %swap3A_673 = arith.index_cast %swap3A_672 : i32 to index
    %swap3A_674 = arith.constant 64 : index
    %swap3A_675 = tpu.vector_load %arg10[%swap3A_673, %swap3A_674] {strides = array<i32>} : memref<40x128xf32, #tpu.memory_space<vmem>>, vector<1x16xf32>,
    %swap3A_676 = vector.shape_cast %swap3A_675 : vector<1x16xf32> to vector<16xf32>
    %swap3A_677 = vector.shape_cast %broadcast_in_dim3A_671 : vector<16xf32> to vector<1x16xf32>
    tpu.vector_store %arg10[%swap3A_673, %swap3A_674], %swap3A_677 {strides = array<i32>} : memref<40x128xf32, #tpu.memory_space<vmem>>, vector<1x16xf32>,
    %broadcast_in_dim3A_678 = arith.constant 0.000000e+00 : f32
    %broadcast_in_dim3A_679 = vector.broadcast %broadcast_in_dim3A_678 : f32 to vector<16xf32>
    %swap3A_680 = arith.constant 10 : i32
    %swap3A_681 = arith.index_cast %swap3A_680 : i32 to index
    %swap3A_682 = arith.constant 80 : index
    %swap3A_683 = tpu.vector_load %arg10[%swap3A_681, %swap3A_682] {strides = array<i32>} : memref<40x128xf32, #tpu.memory_space<vmem>>, vector<1x16xf32>,
    %swap3A_684 = vector.shape_cast %swap3A_683 : vector<1x16xf32> to vector<16xf32>
    %swap3A_685 = vector.shape_cast %broadcast_in_dim3A_679 : vector<16xf32> to vector<1x16xf32>
    tpu.vector_store %arg10[%swap3A_681, %swap3A_682], %swap3A_685 {strides = array<i32>} : memref<40x128xf32, #tpu.memory_space<vmem>>, vector<1x16xf32>,
    %broadcast_in_dim3A_686 = arith.constant 0.000000e+00 : f32
    %broadcast_in_dim3A_687 = vector.broadcast %broadcast_in_dim3A_686 : f32 to vector<16xf32>
    %swap3A_688 = arith.constant 10 : i32
    %swap3A_689 = arith.index_cast %swap3A_688 : i32 to index
    %swap3A_690 = arith.constant 96 : index
    %swap3A_691 = tpu.vector_load %arg10[%swap3A_689, %swap3A_690] {strides = array<i32>} : memref<40x128xf32, #tpu.memory_space<vmem>>, vector<1x16xf32>,
    %swap3A_692 = vector.shape_cast %swap3A_691 : vector<1x16xf32> to vector<16xf32>
    %swap3A_693 = vector.shape_cast %broadcast_in_dim3A_687 : vector<16xf32> to vector<1x16xf32>
    tpu.vector_store %arg10[%swap3A_689, %swap3A_690], %swap3A_693 {strides = array<i32>} : memref<40x128xf32, #tpu.memory_space<vmem>>, vector<1x16xf32>,
    %broadcast_in_dim3A_694 = arith.constant 0.000000e+00 : f32
    %broadcast_in_dim3A_695 = vector.broadcast %broadcast_in_dim3A_694 : f32 to vector<16xf32>
    %swap3A_696 = arith.constant 10 : i32
    %swap3A_697 = arith.index_cast %swap3A_696 : i32 to index
    %swap3A_698 = arith.constant 112 : index
    %swap3A_699 = tpu.vector_load %arg10[%swap3A_697, %swap3A_698] {strides = array<i32>} : memref<40x128xf32, #tpu.memory_space<vmem>>, vector<1x16xf32>,
    %swap3A_700 = vector.shape_cast %swap3A_699 : vector<1x16xf32> to vector<16xf32>
    %swap3A_701 = vector.shape_cast %broadcast_in_dim3A_695 : vector<16xf32> to vector<1x16xf32>
    tpu.vector_store %arg10[%swap3A_697, %swap3A_698], %swap3A_701 {strides = array<i32>} : memref<40x128xf32, #tpu.memory_space<vmem>>, vector<1x16xf32>,
    %broadcast_in_dim3A_702 = arith.constant 0.000000e+00 : f32
    %broadcast_in_dim3A_703 = vector.broadcast %broadcast_in_dim3A_702 : f32 to vector<16xf32>
    %swap3A_704 = arith.constant 11 : i32
    %swap3A_705 = arith.index_cast %swap3A_704 : i32 to index
    %swap3A_706 = arith.constant 0 : index
    %swap3A_707 = tpu.vector_load %arg10[%swap3A_705, %swap3A_706] {strides = array<i32>} : memref<40x128xf32, #tpu.memory_space<vmem>>, vector<1x16xf32>,
    %swap3A_708 = vector.shape_cast %swap3A_707 : vector<1x16xf32> to vector<16xf32>
    %swap3A_709 = vector.shape_cast %broadcast_in_dim3A_703 : vector<16xf32> to vector<1x16xf32>
    tpu.vector_store %arg10[%swap3A_705, %swap3A_706], %swap3A_709 {strides = array<i32>} : memref<40x128xf32, #tpu.memory_space<vmem>>, vector<1x16xf32>,
    %broadcast_in_dim3A_710 = arith.constant 0.000000e+00 : f32
    %broadcast_in_dim3A_711 = vector.broadcast %broadcast_in_dim3A_710 : f32 to vector<16xf32>
    %swap3A_712 = arith.constant 11 : i32
    %swap3A_713 = arith.index_cast %swap3A_712 : i32 to index
    %swap3A_714 = arith.constant 16 : index
    %swap3A_715 = tpu.vector_load %arg10[%swap3A_713, %swap3A_714] {strides = array<i32>} : memref<40x128xf32, #tpu.memory_space<vmem>>, vector<1x16xf32>,
    %swap3A_716 = vector.shape_cast %swap3A_715 : vector<1x16xf32> to vector<16xf32>
    %swap3A_717 = vector.shape_cast %broadcast_in_dim3A_711 : vector<16xf32> to vector<1x16xf32>
    tpu.vector_store %arg10[%swap3A_713, %swap3A_714], %swap3A_717 {strides = array<i32>} : memref<40x128xf32, #tpu.memory_space<vmem>>, vector<1x16xf32>,
    %broadcast_in_dim3A_718 = arith.constant 0.000000e+00 : f32
    %broadcast_in_dim3A_719 = vector.broadcast %broadcast_in_dim3A_718 : f32 to vector<16xf32>
    %swap3A_720 = arith.constant 11 : i32
    %swap3A_721 = arith.index_cast %swap3A_720 : i32 to index
    %swap3A_722 = arith.constant 32 : index
    %swap3A_723 = tpu.vector_load %arg10[%swap3A_721, %swap3A_722] {strides = array<i32>} : memref<40x128xf32, #tpu.memory_space<vmem>>, vector<1x16xf32>,
    %swap3A_724 = vector.shape_cast %swap3A_723 : vector<1x16xf32> to vector<16xf32>
    %swap3A_725 = vector.shape_cast %broadcast_in_dim3A_719 : vector<16xf32> to vector<1x16xf32>
    tpu.vector_store %arg10[%swap3A_721, %swap3A_722], %swap3A_725 {strides = array<i32>} : memref<40x128xf32, #tpu.memory_space<vmem>>, vector<1x16xf32>,
    %broadcast_in_dim3A_726 = arith.constant 0.000000e+00 : f32
    %broadcast_in_dim3A_727 = vector.broadcast %broadcast_in_dim3A_726 : f32 to vector<16xf32>
    %swap3A_728 = arith.constant 11 : i32
    %swap3A_729 = arith.index_cast %swap3A_728 : i32 to index
    %swap3A_730 = arith.constant 48 : index
    %swap3A_731 = tpu.vector_load %arg10[%swap3A_729, %swap3A_730] {strides = array<i32>} : memref<40x128xf32, #tpu.memory_space<vmem>>, vector<1x16xf32>,
    %swap3A_732 = vector.shape_cast %swap3A_731 : vector<1x16xf32> to vector<16xf32>
    %swap3A_733 = vector.shape_cast %broadcast_in_dim3A_727 : vector<16xf32> to vector<1x16xf32>
    tpu.vector_store %arg10[%swap3A_729, %swap3A_730], %swap3A_733 {strides = array<i32>} : memref<40x128xf32, #tpu.memory_space<vmem>>, vector<1x16xf32>,
    %broadcast_in_dim3A_734 = arith.constant 0.000000e+00 : f32
    %broadcast_in_dim3A_735 = vector.broadcast %broadcast_in_dim3A_734 : f32 to vector<16xf32>
    %swap3A_736 = arith.constant 11 : i32
    %swap3A_737 = arith.index_cast %swap3A_736 : i32 to index
    %swap3A_738 = arith.constant 64 : index
    %swap3A_739 = tpu.vector_load %arg10[%swap3A_737, %swap3A_738] {strides = array<i32>} : memref<40x128xf32, #tpu.memory_space<vmem>>, vector<1x16xf32>,
    %swap3A_740 = vector.shape_cast %swap3A_739 : vector<1x16xf32> to vector<16xf32>
    %swap3A_741 = vector.shape_cast %broadcast_in_dim3A_735 : vector<16xf32> to vector<1x16xf32>
    tpu.vector_store %arg10[%swap3A_737, %swap3A_738], %swap3A_741 {strides = array<i32>} : memref<40x128xf32, #tpu.memory_space<vmem>>, vector<1x16xf32>,
    %broadcast_in_dim3A_742 = arith.constant 0.000000e+00 : f32
    %broadcast_in_dim3A_743 = vector.broadcast %broadcast_in_dim3A_742 : f32 to vector<16xf32>
    %swap3A_744 = arith.constant 11 : i32
    %swap3A_745 = arith.index_cast %swap3A_744 : i32 to index
    %swap3A_746 = arith.constant 80 : index
    %swap3A_747 = tpu.vector_load %arg10[%swap3A_745, %swap3A_746] {strides = array<i32>} : memref<40x128xf32, #tpu.memory_space<vmem>>, vector<1x16xf32>,
    %swap3A_748 = vector.shape_cast %swap3A_747 : vector<1x16xf32> to vector<16xf32>
    %swap3A_749 = vector.shape_cast %broadcast_in_dim3A_743 : vector<16xf32> to vector<1x16xf32>
    tpu.vector_store %arg10[%swap3A_745, %swap3A_746], %swap3A_749 {strides = array<i32>} : memref<40x128xf32, #tpu.memory_space<vmem>>, vector<1x16xf32>,
    %broadcast_in_dim3A_750 = arith.constant 0.000000e+00 : f32
    %broadcast_in_dim3A_751 = vector.broadcast %broadcast_in_dim3A_750 : f32 to vector<16xf32>
    %swap3A_752 = arith.constant 11 : i32
    %swap3A_753 = arith.index_cast %swap3A_752 : i32 to index
    %swap3A_754 = arith.constant 96 : index
    %swap3A_755 = tpu.vector_load %arg10[%swap3A_753, %swap3A_754] {strides = array<i32>} : memref<40x128xf32, #tpu.memory_space<vmem>>, vector<1x16xf32>,
    %swap3A_756 = vector.shape_cast %swap3A_755 : vector<1x16xf32> to vector<16xf32>
    %swap3A_757 = vector.shape_cast %broadcast_in_dim3A_751 : vector<16xf32> to vector<1x16xf32>
    tpu.vector_store %arg10[%swap3A_753, %swap3A_754], %swap3A_757 {strides = array<i32>} : memref<40x128xf32, #tpu.memory_space<vmem>>, vector<1x16xf32>,
    %broadcast_in_dim3A_758 = arith.constant 0.000000e+00 : f32
    %broadcast_in_dim3A_759 = vector.broadcast %broadcast_in_dim3A_758 : f32 to vector<16xf32>
    %swap3A_760 = arith.constant 11 : i32
    %swap3A_761 = arith.index_cast %swap3A_760 : i32 to index
    %swap3A_762 = arith.constant 112 : index
    %swap3A_763 = tpu.vector_load %arg10[%swap3A_761, %swap3A_762] {strides = array<i32>} : memref<40x128xf32, #tpu.memory_space<vmem>>, vector<1x16xf32>,
    %swap3A_764 = vector.shape_cast %swap3A_763 : vector<1x16xf32> to vector<16xf32>
    %swap3A_765 = vector.shape_cast %broadcast_in_dim3A_759 : vector<16xf32> to vector<1x16xf32>
    tpu.vector_store %arg10[%swap3A_761, %swap3A_762], %swap3A_765 {strides = array<i32>} : memref<40x128xf32, #tpu.memory_space<vmem>>, vector<1x16xf32>,
    %broadcast_in_dim3A_766 = arith.constant 0.000000e+00 : f32
    %broadcast_in_dim3A_767 = vector.broadcast %broadcast_in_dim3A_766 : f32 to vector<16xf32>
    %swap3A_768 = arith.constant 12 : i32
    %swap3A_769 = arith.index_cast %swap3A_768 : i32 to index
    %swap3A_770 = arith.constant 0 : index
    %swap3A_771 = tpu.vector_load %arg10[%swap3A_769, %swap3A_770] {strides = array<i32>} : memref<40x128xf32, #tpu.memory_space<vmem>>, vector<1x16xf32>,
    %swap3A_772 = vector.shape_cast %swap3A_771 : vector<1x16xf32> to vector<16xf32>
    %swap3A_773 = vector.shape_cast %broadcast_in_dim3A_767 : vector<16xf32> to vector<1x16xf32>
    tpu.vector_store %arg10[%swap3A_769, %swap3A_770], %swap3A_773 {strides = array<i32>} : memref<40x128xf32, #tpu.memory_space<vmem>>, vector<1x16xf32>,
    %broadcast_in_dim3A_774 = arith.constant 0.000000e+00 : f32
    %broadcast_in_dim3A_775 = vector.broadcast %broadcast_in_dim3A_774 : f32 to vector<16xf32>
    %swap3A_776 = arith.constant 12 : i32
    %swap3A_777 = arith.index_cast %swap3A_776 : i32 to index
    %swap3A_778 = arith.constant 16 : index
    %swap3A_779 = tpu.vector_load %arg10[%swap3A_777, %swap3A_778] {strides = array<i32>} : memref<40x128xf32, #tpu.memory_space<vmem>>, vector<1x16xf32>,
    %swap3A_780 = vector.shape_cast %swap3A_779 : vector<1x16xf32> to vector<16xf32>
    %swap3A_781 = vector.shape_cast %broadcast_in_dim3A_775 : vector<16xf32> to vector<1x16xf32>
    tpu.vector_store %arg10[%swap3A_777, %swap3A_778], %swap3A_781 {strides = array<i32>} : memref<40x128xf32, #tpu.memory_space<vmem>>, vector<1x16xf32>,
    %broadcast_in_dim3A_782 = arith.constant 0.000000e+00 : f32
    %broadcast_in_dim3A_783 = vector.broadcast %broadcast_in_dim3A_782 : f32 to vector<16xf32>
    %swap3A_784 = arith.constant 12 : i32
    %swap3A_785 = arith.index_cast %swap3A_784 : i32 to index
    %swap3A_786 = arith.constant 32 : index
    %swap3A_787 = tpu.vector_load %arg10[%swap3A_785, %swap3A_786] {strides = array<i32>} : memref<40x128xf32, #tpu.memory_space<vmem>>, vector<1x16xf32>,
    %swap3A_788 = vector.shape_cast %swap3A_787 : vector<1x16xf32> to vector<16xf32>
    %swap3A_789 = vector.shape_cast %broadcast_in_dim3A_783 : vector<16xf32> to vector<1x16xf32>
    tpu.vector_store %arg10[%swap3A_785, %swap3A_786], %swap3A_789 {strides = array<i32>} : memref<40x128xf32, #tpu.memory_space<vmem>>, vector<1x16xf32>,
    %broadcast_in_dim3A_790 = arith.constant 0.000000e+00 : f32
    %broadcast_in_dim3A_791 = vector.broadcast %broadcast_in_dim3A_790 : f32 to vector<16xf32>
    %swap3A_792 = arith.constant 12 : i32
    %swap3A_793 = arith.index_cast %swap3A_792 : i32 to index
    %swap3A_794 = arith.constant 48 : index
    %swap3A_795 = tpu.vector_load %arg10[%swap3A_793, %swap3A_794] {strides = array<i32>} : memref<40x128xf32, #tpu.memory_space<vmem>>, vector<1x16xf32>,
    %swap3A_796 = vector.shape_cast %swap3A_795 : vector<1x16xf32> to vector<16xf32>
    %swap3A_797 = vector.shape_cast %broadcast_in_dim3A_791 : vector<16xf32> to vector<1x16xf32>
    tpu.vector_store %arg10[%swap3A_793, %swap3A_794], %swap3A_797 {strides = array<i32>} : memref<40x128xf32, #tpu.memory_space<vmem>>, vector<1x16xf32>,
    %broadcast_in_dim3A_798 = arith.constant 0.000000e+00 : f32
    %broadcast_in_dim3A_799 = vector.broadcast %broadcast_in_dim3A_798 : f32 to vector<16xf32>
    %swap3A_800 = arith.constant 12 : i32
    %swap3A_801 = arith.index_cast %swap3A_800 : i32 to index
    %swap3A_802 = arith.constant 64 : index
    %swap3A_803 = tpu.vector_load %arg10[%swap3A_801, %swap3A_802] {strides = array<i32>} : memref<40x128xf32, #tpu.memory_space<vmem>>, vector<1x16xf32>,
    %swap3A_804 = vector.shape_cast %swap3A_803 : vector<1x16xf32> to vector<16xf32>
    %swap3A_805 = vector.shape_cast %broadcast_in_dim3A_799 : vector<16xf32> to vector<1x16xf32>
    tpu.vector_store %arg10[%swap3A_801, %swap3A_802], %swap3A_805 {strides = array<i32>} : memref<40x128xf32, #tpu.memory_space<vmem>>, vector<1x16xf32>,
    %broadcast_in_dim3A_806 = arith.constant 0.000000e+00 : f32
    %broadcast_in_dim3A_807 = vector.broadcast %broadcast_in_dim3A_806 : f32 to vector<16xf32>
    %swap3A_808 = arith.constant 12 : i32
    %swap3A_809 = arith.index_cast %swap3A_808 : i32 to index
    %swap3A_810 = arith.constant 80 : index
    %swap3A_811 = tpu.vector_load %arg10[%swap3A_809, %swap3A_810] {strides = array<i32>} : memref<40x128xf32, #tpu.memory_space<vmem>>, vector<1x16xf32>,
    %swap3A_812 = vector.shape_cast %swap3A_811 : vector<1x16xf32> to vector<16xf32>
    %swap3A_813 = vector.shape_cast %broadcast_in_dim3A_807 : vector<16xf32> to vector<1x16xf32>
    tpu.vector_store %arg10[%swap3A_809, %swap3A_810], %swap3A_813 {strides = array<i32>} : memref<40x128xf32, #tpu.memory_space<vmem>>, vector<1x16xf32>,
    %broadcast_in_dim3A_814 = arith.constant 0.000000e+00 : f32
    %broadcast_in_dim3A_815 = vector.broadcast %broadcast_in_dim3A_814 : f32 to vector<16xf32>
    %swap3A_816 = arith.constant 12 : i32
    %swap3A_817 = arith.index_cast %swap3A_816 : i32 to index
    %swap3A_818 = arith.constant 96 : index
    %swap3A_819 = tpu.vector_load %arg10[%swap3A_817, %swap3A_818] {strides = array<i32>} : memref<40x128xf32, #tpu.memory_space<vmem>>, vector<1x16xf32>,
    %swap3A_820 = vector.shape_cast %swap3A_819 : vector<1x16xf32> to vector<16xf32>
    %swap3A_821 = vector.shape_cast %broadcast_in_dim3A_815 : vector<16xf32> to vector<1x16xf32>
    tpu.vector_store %arg10[%swap3A_817, %swap3A_818], %swap3A_821 {strides = array<i32>} : memref<40x128xf32, #tpu.memory_space<vmem>>, vector<1x16xf32>,
    %broadcast_in_dim3A_822 = arith.constant 0.000000e+00 : f32
    %broadcast_in_dim3A_823 = vector.broadcast %broadcast_in_dim3A_822 : f32 to vector<16xf32>
    %swap3A_824 = arith.constant 12 : i32
    %swap3A_825 = arith.index_cast %swap3A_824 : i32 to index
    %swap3A_826 = arith.constant 112 : index
    %swap3A_827 = tpu.vector_load %arg10[%swap3A_825, %swap3A_826] {strides = array<i32>} : memref<40x128xf32, #tpu.memory_space<vmem>>, vector<1x16xf32>,
    %swap3A_828 = vector.shape_cast %swap3A_827 : vector<1x16xf32> to vector<16xf32>
    %swap3A_829 = vector.shape_cast %broadcast_in_dim3A_823 : vector<16xf32> to vector<1x16xf32>
    tpu.vector_store %arg10[%swap3A_825, %swap3A_826], %swap3A_829 {strides = array<i32>} : memref<40x128xf32, #tpu.memory_space<vmem>>, vector<1x16xf32>,
    %broadcast_in_dim3A_830 = arith.constant 0.000000e+00 : f32
    %broadcast_in_dim3A_831 = vector.broadcast %broadcast_in_dim3A_830 : f32 to vector<16xf32>
    %swap3A_832 = arith.constant 13 : i32
    %swap3A_833 = arith.index_cast %swap3A_832 : i32 to index
    %swap3A_834 = arith.constant 0 : index
    %swap3A_835 = tpu.vector_load %arg10[%swap3A_833, %swap3A_834] {strides = array<i32>} : memref<40x128xf32, #tpu.memory_space<vmem>>, vector<1x16xf32>,
    %swap3A_836 = vector.shape_cast %swap3A_835 : vector<1x16xf32> to vector<16xf32>
    %swap3A_837 = vector.shape_cast %broadcast_in_dim3A_831 : vector<16xf32> to vector<1x16xf32>
    tpu.vector_store %arg10[%swap3A_833, %swap3A_834], %swap3A_837 {strides = array<i32>} : memref<40x128xf32, #tpu.memory_space<vmem>>, vector<1x16xf32>,
    %broadcast_in_dim3A_838 = arith.constant 0.000000e+00 : f32
    %broadcast_in_dim3A_839 = vector.broadcast %broadcast_in_dim3A_838 : f32 to vector<16xf32>
    %swap3A_840 = arith.constant 13 : i32
    %swap3A_841 = arith.index_cast %swap3A_840 : i32 to index
    %swap3A_842 = arith.constant 16 : index
    %swap3A_843 = tpu.vector_load %arg10[%swap3A_841, %swap3A_842] {strides = array<i32>} : memref<40x128xf32, #tpu.memory_space<vmem>>, vector<1x16xf32>,
    %swap3A_844 = vector.shape_cast %swap3A_843 : vector<1x16xf32> to vector<16xf32>
    %swap3A_845 = vector.shape_cast %broadcast_in_dim3A_839 : vector<16xf32> to vector<1x16xf32>
    tpu.vector_store %arg10[%swap3A_841, %swap3A_842], %swap3A_845 {strides = array<i32>} : memref<40x128xf32, #tpu.memory_space<vmem>>, vector<1x16xf32>,
    %broadcast_in_dim3A_846 = arith.constant 0.000000e+00 : f32
    %broadcast_in_dim3A_847 = vector.broadcast %broadcast_in_dim3A_846 : f32 to vector<16xf32>
    %swap3A_848 = arith.constant 13 : i32
    %swap3A_849 = arith.index_cast %swap3A_848 : i32 to index
    %swap3A_850 = arith.constant 32 : index
    %swap3A_851 = tpu.vector_load %arg10[%swap3A_849, %swap3A_850] {strides = array<i32>} : memref<40x128xf32, #tpu.memory_space<vmem>>, vector<1x16xf32>,
    %swap3A_852 = vector.shape_cast %swap3A_851 : vector<1x16xf32> to vector<16xf32>
    %swap3A_853 = vector.shape_cast %broadcast_in_dim3A_847 : vector<16xf32> to vector<1x16xf32>
    tpu.vector_store %arg10[%swap3A_849, %swap3A_850], %swap3A_853 {strides = array<i32>} : memref<40x128xf32, #tpu.memory_space<vmem>>, vector<1x16xf32>,
    %broadcast_in_dim3A_854 = arith.constant 0.000000e+00 : f32
    %broadcast_in_dim3A_855 = vector.broadcast %broadcast_in_dim3A_854 : f32 to vector<16xf32>
    %swap3A_856 = arith.constant 13 : i32
    %swap3A_857 = arith.index_cast %swap3A_856 : i32 to index
    %swap3A_858 = arith.constant 48 : index
    %swap3A_859 = tpu.vector_load %arg10[%swap3A_857, %swap3A_858] {strides = array<i32>} : memref<40x128xf32, #tpu.memory_space<vmem>>, vector<1x16xf32>,
    %swap3A_860 = vector.shape_cast %swap3A_859 : vector<1x16xf32> to vector<16xf32>
    %swap3A_861 = vector.shape_cast %broadcast_in_dim3A_855 : vector<16xf32> to vector<1x16xf32>
    tpu.vector_store %arg10[%swap3A_857, %swap3A_858], %swap3A_861 {strides = array<i32>} : memref<40x128xf32, #tpu.memory_space<vmem>>, vector<1x16xf32>,
    %broadcast_in_dim3A_862 = arith.constant 0.000000e+00 : f32
    %broadcast_in_dim3A_863 = vector.broadcast %broadcast_in_dim3A_862 : f32 to vector<16xf32>
    %swap3A_864 = arith.constant 13 : i32
    %swap3A_865 = arith.index_cast %swap3A_864 : i32 to index
    %swap3A_866 = arith.constant 64 : index
    %swap3A_867 = tpu.vector_load %arg10[%swap3A_865, %swap3A_866] {strides = array<i32>} : memref<40x128xf32, #tpu.memory_space<vmem>>, vector<1x16xf32>,
    %swap3A_868 = vector.shape_cast %swap3A_867 : vector<1x16xf32> to vector<16xf32>
    %swap3A_869 = vector.shape_cast %broadcast_in_dim3A_863 : vector<16xf32> to vector<1x16xf32>
    tpu.vector_store %arg10[%swap3A_865, %swap3A_866], %swap3A_869 {strides = array<i32>} : memref<40x128xf32, #tpu.memory_space<vmem>>, vector<1x16xf32>,
    %broadcast_in_dim3A_870 = arith.constant 0.000000e+00 : f32
    %broadcast_in_dim3A_871 = vector.broadcast %broadcast_in_dim3A_870 : f32 to vector<16xf32>
    %swap3A_872 = arith.constant 13 : i32
    %swap3A_873 = arith.index_cast %swap3A_872 : i32 to index
    %swap3A_874 = arith.constant 80 : index
    %swap3A_875 = tpu.vector_load %arg10[%swap3A_873, %swap3A_874] {strides = array<i32>} : memref<40x128xf32, #tpu.memory_space<vmem>>, vector<1x16xf32>,
    %swap3A_876 = vector.shape_cast %swap3A_875 : vector<1x16xf32> to vector<16xf32>
    %swap3A_877 = vector.shape_cast %broadcast_in_dim3A_871 : vector<16xf32> to vector<1x16xf32>
    tpu.vector_store %arg10[%swap3A_873, %swap3A_874], %swap3A_877 {strides = array<i32>} : memref<40x128xf32, #tpu.memory_space<vmem>>, vector<1x16xf32>,
    %broadcast_in_dim3A_878 = arith.constant 0.000000e+00 : f32
    %broadcast_in_dim3A_879 = vector.broadcast %broadcast_in_dim3A_878 : f32 to vector<16xf32>
    %swap3A_880 = arith.constant 13 : i32
    %swap3A_881 = arith.index_cast %swap3A_880 : i32 to index
    %swap3A_882 = arith.constant 96 : index
    %swap3A_883 = tpu.vector_load %arg10[%swap3A_881, %swap3A_882] {strides = array<i32>} : memref<40x128xf32, #tpu.memory_space<vmem>>, vector<1x16xf32>,
    %swap3A_884 = vector.shape_cast %swap3A_883 : vector<1x16xf32> to vector<16xf32>
    %swap3A_885 = vector.shape_cast %broadcast_in_dim3A_879 : vector<16xf32> to vector<1x16xf32>
    tpu.vector_store %arg10[%swap3A_881, %swap3A_882], %swap3A_885 {strides = array<i32>} : memref<40x128xf32, #tpu.memory_space<vmem>>, vector<1x16xf32>,
    %broadcast_in_dim3A_886 = arith.constant 0.000000e+00 : f32
    %broadcast_in_dim3A_887 = vector.broadcast %broadcast_in_dim3A_886 : f32 to vector<16xf32>
    %swap3A_888 = arith.constant 13 : i32
    %swap3A_889 = arith.index_cast %swap3A_888 : i32 to index
    %swap3A_890 = arith.constant 112 : index
    %swap3A_891 = tpu.vector_load %arg10[%swap3A_889, %swap3A_890] {strides = array<i32>} : memref<40x128xf32, #tpu.memory_space<vmem>>, vector<1x16xf32>,
    %swap3A_892 = vector.shape_cast %swap3A_891 : vector<1x16xf32> to vector<16xf32>
    %swap3A_893 = vector.shape_cast %broadcast_in_dim3A_887 : vector<16xf32> to vector<1x16xf32>
    tpu.vector_store %arg10[%swap3A_889, %swap3A_890], %swap3A_893 {strides = array<i32>} : memref<40x128xf32, #tpu.memory_space<vmem>>, vector<1x16xf32>,
    %broadcast_in_dim3A_894 = arith.constant 0.000000e+00 : f32
    %broadcast_in_dim3A_895 = vector.broadcast %broadcast_in_dim3A_894 : f32 to vector<16xf32>
    %swap3A_896 = arith.constant 14 : i32
    %swap3A_897 = arith.index_cast %swap3A_896 : i32 to index
    %swap3A_898 = arith.constant 0 : index
    %swap3A_899 = tpu.vector_load %arg10[%swap3A_897, %swap3A_898] {strides = array<i32>} : memref<40x128xf32, #tpu.memory_space<vmem>>, vector<1x16xf32>,
    %swap3A_900 = vector.shape_cast %swap3A_899 : vector<1x16xf32> to vector<16xf32>
    %swap3A_901 = vector.shape_cast %broadcast_in_dim3A_895 : vector<16xf32> to vector<1x16xf32>
    tpu.vector_store %arg10[%swap3A_897, %swap3A_898], %swap3A_901 {strides = array<i32>} : memref<40x128xf32, #tpu.memory_space<vmem>>, vector<1x16xf32>,
    %broadcast_in_dim3A_902 = arith.constant 0.000000e+00 : f32
    %broadcast_in_dim3A_903 = vector.broadcast %broadcast_in_dim3A_902 : f32 to vector<16xf32>
    %swap3A_904 = arith.constant 14 : i32
    %swap3A_905 = arith.index_cast %swap3A_904 : i32 to index
    %swap3A_906 = arith.constant 16 : index
    %swap3A_907 = tpu.vector_load %arg10[%swap3A_905, %swap3A_906] {strides = array<i32>} : memref<40x128xf32, #tpu.memory_space<vmem>>, vector<1x16xf32>,
    %swap3A_908 = vector.shape_cast %swap3A_907 : vector<1x16xf32> to vector<16xf32>
    %swap3A_909 = vector.shape_cast %broadcast_in_dim3A_903 : vector<16xf32> to vector<1x16xf32>
    tpu.vector_store %arg10[%swap3A_905, %swap3A_906], %swap3A_909 {strides = array<i32>} : memref<40x128xf32, #tpu.memory_space<vmem>>, vector<1x16xf32>,
    %broadcast_in_dim3A_910 = arith.constant 0.000000e+00 : f32
    %broadcast_in_dim3A_911 = vector.broadcast %broadcast_in_dim3A_910 : f32 to vector<16xf32>
    %swap3A_912 = arith.constant 14 : i32
    %swap3A_913 = arith.index_cast %swap3A_912 : i32 to index
    %swap3A_914 = arith.constant 32 : index
    %swap3A_915 = tpu.vector_load %arg10[%swap3A_913, %swap3A_914] {strides = array<i32>} : memref<40x128xf32, #tpu.memory_space<vmem>>, vector<1x16xf32>,
    %swap3A_916 = vector.shape_cast %swap3A_915 : vector<1x16xf32> to vector<16xf32>
    %swap3A_917 = vector.shape_cast %broadcast_in_dim3A_911 : vector<16xf32> to vector<1x16xf32>
    tpu.vector_store %arg10[%swap3A_913, %swap3A_914], %swap3A_917 {strides = array<i32>} : memref<40x128xf32, #tpu.memory_space<vmem>>, vector<1x16xf32>,
    %broadcast_in_dim3A_918 = arith.constant 0.000000e+00 : f32
    %broadcast_in_dim3A_919 = vector.broadcast %broadcast_in_dim3A_918 : f32 to vector<16xf32>
    %swap3A_920 = arith.constant 14 : i32
    %swap3A_921 = arith.index_cast %swap3A_920 : i32 to index
    %swap3A_922 = arith.constant 48 : index
    %swap3A_923 = tpu.vector_load %arg10[%swap3A_921, %swap3A_922] {strides = array<i32>} : memref<40x128xf32, #tpu.memory_space<vmem>>, vector<1x16xf32>,
    %swap3A_924 = vector.shape_cast %swap3A_923 : vector<1x16xf32> to vector<16xf32>
    %swap3A_925 = vector.shape_cast %broadcast_in_dim3A_919 : vector<16xf32> to vector<1x16xf32>
    tpu.vector_store %arg10[%swap3A_921, %swap3A_922], %swap3A_925 {strides = array<i32>} : memref<40x128xf32, #tpu.memory_space<vmem>>, vector<1x16xf32>,
    %broadcast_in_dim3A_926 = arith.constant 0.000000e+00 : f32
    %broadcast_in_dim3A_927 = vector.broadcast %broadcast_in_dim3A_926 : f32 to vector<16xf32>
    %swap3A_928 = arith.constant 14 : i32
    %swap3A_929 = arith.index_cast %swap3A_928 : i32 to index
    %swap3A_930 = arith.constant 64 : index
    %swap3A_931 = tpu.vector_load %arg10[%swap3A_929, %swap3A_930] {strides = array<i32>} : memref<40x128xf32, #tpu.memory_space<vmem>>, vector<1x16xf32>,
    %swap3A_932 = vector.shape_cast %swap3A_931 : vector<1x16xf32> to vector<16xf32>
    %swap3A_933 = vector.shape_cast %broadcast_in_dim3A_927 : vector<16xf32> to vector<1x16xf32>
    tpu.vector_store %arg10[%swap3A_929, %swap3A_930], %swap3A_933 {strides = array<i32>} : memref<40x128xf32, #tpu.memory_space<vmem>>, vector<1x16xf32>,
    %broadcast_in_dim3A_934 = arith.constant 0.000000e+00 : f32
    %broadcast_in_dim3A_935 = vector.broadcast %broadcast_in_dim3A_934 : f32 to vector<16xf32>
    %swap3A_936 = arith.constant 14 : i32
    %swap3A_937 = arith.index_cast %swap3A_936 : i32 to index
    %swap3A_938 = arith.constant 80 : index
    %swap3A_939 = tpu.vector_load %arg10[%swap3A_937, %swap3A_938] {strides = array<i32>} : memref<40x128xf32, #tpu.memory_space<vmem>>, vector<1x16xf32>,
    %swap3A_940 = vector.shape_cast %swap3A_939 : vector<1x16xf32> to vector<16xf32>
    %swap3A_941 = vector.shape_cast %broadcast_in_dim3A_935 : vector<16xf32> to vector<1x16xf32>
    tpu.vector_store %arg10[%swap3A_937, %swap3A_938], %swap3A_941 {strides = array<i32>} : memref<40x128xf32, #tpu.memory_space<vmem>>, vector<1x16xf32>,
    %broadcast_in_dim3A_942 = arith.constant 0.000000e+00 : f32
    %broadcast_in_dim3A_943 = vector.broadcast %broadcast_in_dim3A_942 : f32 to vector<16xf32>
    %swap3A_944 = arith.constant 14 : i32
    %swap3A_945 = arith.index_cast %swap3A_944 : i32 to index
    %swap3A_946 = arith.constant 96 : index
    %swap3A_947 = tpu.vector_load %arg10[%swap3A_945, %swap3A_946] {strides = array<i32>} : memref<40x128xf32, #tpu.memory_space<vmem>>, vector<1x16xf32>,
    %swap3A_948 = vector.shape_cast %swap3A_947 : vector<1x16xf32> to vector<16xf32>
    %swap3A_949 = vector.shape_cast %broadcast_in_dim3A_943 : vector<16xf32> to vector<1x16xf32>
    tpu.vector_store %arg10[%swap3A_945, %swap3A_946], %swap3A_949 {strides = array<i32>} : memref<40x128xf32, #tpu.memory_space<vmem>>, vector<1x16xf32>,
    %broadcast_in_dim3A_950 = arith.constant 0.000000e+00 : f32
    %broadcast_in_dim3A_951 = vector.broadcast %broadcast_in_dim3A_950 : f32 to vector<16xf32>
    %swap3A_952 = arith.constant 14 : i32
    %swap3A_953 = arith.index_cast %swap3A_952 : i32 to index
    %swap3A_954 = arith.constant 112 : index
    %swap3A_955 = tpu.vector_load %arg10[%swap3A_953, %swap3A_954] {strides = array<i32>} : memref<40x128xf32, #tpu.memory_space<vmem>>, vector<1x16xf32>,
    %swap3A_956 = vector.shape_cast %swap3A_955 : vector<1x16xf32> to vector<16xf32>
    %swap3A_957 = vector.shape_cast %broadcast_in_dim3A_951 : vector<16xf32> to vector<1x16xf32>
    tpu.vector_store %arg10[%swap3A_953, %swap3A_954], %swap3A_957 {strides = array<i32>} : memref<40x128xf32, #tpu.memory_space<vmem>>, vector<1x16xf32>,
    %broadcast_in_dim3A_958 = arith.constant 0.000000e+00 : f32
    %broadcast_in_dim3A_959 = vector.broadcast %broadcast_in_dim3A_958 : f32 to vector<16xf32>
    %swap3A_960 = arith.constant 15 : i32
    %swap3A_961 = arith.index_cast %swap3A_960 : i32 to index
    %swap3A_962 = arith.constant 0 : index
    %swap3A_963 = tpu.vector_load %arg10[%swap3A_961, %swap3A_962] {strides = array<i32>} : memref<40x128xf32, #tpu.memory_space<vmem>>, vector<1x16xf32>,
    %swap3A_964 = vector.shape_cast %swap3A_963 : vector<1x16xf32> to vector<16xf32>
    %swap3A_965 = vector.shape_cast %broadcast_in_dim3A_959 : vector<16xf32> to vector<1x16xf32>
    tpu.vector_store %arg10[%swap3A_961, %swap3A_962], %swap3A_965 {strides = array<i32>} : memref<40x128xf32, #tpu.memory_space<vmem>>, vector<1x16xf32>,
    %broadcast_in_dim3A_966 = arith.constant 0.000000e+00 : f32
    %broadcast_in_dim3A_967 = vector.broadcast %broadcast_in_dim3A_966 : f32 to vector<16xf32>
    %swap3A_968 = arith.constant 15 : i32
    %swap3A_969 = arith.index_cast %swap3A_968 : i32 to index
    %swap3A_970 = arith.constant 16 : index
    %swap3A_971 = tpu.vector_load %arg10[%swap3A_969, %swap3A_970] {strides = array<i32>} : memref<40x128xf32, #tpu.memory_space<vmem>>, vector<1x16xf32>,
    %swap3A_972 = vector.shape_cast %swap3A_971 : vector<1x16xf32> to vector<16xf32>
    %swap3A_973 = vector.shape_cast %broadcast_in_dim3A_967 : vector<16xf32> to vector<1x16xf32>
    tpu.vector_store %arg10[%swap3A_969, %swap3A_970], %swap3A_973 {strides = array<i32>} : memref<40x128xf32, #tpu.memory_space<vmem>>, vector<1x16xf32>,
    %broadcast_in_dim3A_974 = arith.constant 0.000000e+00 : f32
    %broadcast_in_dim3A_975 = vector.broadcast %broadcast_in_dim3A_974 : f32 to vector<16xf32>
    %swap3A_976 = arith.constant 15 : i32
    %swap3A_977 = arith.index_cast %swap3A_976 : i32 to index
    %swap3A_978 = arith.constant 32 : index
    %swap3A_979 = tpu.vector_load %arg10[%swap3A_977, %swap3A_978] {strides = array<i32>} : memref<40x128xf32, #tpu.memory_space<vmem>>, vector<1x16xf32>,
    %swap3A_980 = vector.shape_cast %swap3A_979 : vector<1x16xf32> to vector<16xf32>
    %swap3A_981 = vector.shape_cast %broadcast_in_dim3A_975 : vector<16xf32> to vector<1x16xf32>
    tpu.vector_store %arg10[%swap3A_977, %swap3A_978], %swap3A_981 {strides = array<i32>} : memref<40x128xf32, #tpu.memory_space<vmem>>, vector<1x16xf32>,
    %broadcast_in_dim3A_982 = arith.constant 0.000000e+00 : f32
    %broadcast_in_dim3A_983 = vector.broadcast %broadcast_in_dim3A_982 : f32 to vector<16xf32>
    %swap3A_984 = arith.constant 15 : i32
    %swap3A_985 = arith.index_cast %swap3A_984 : i32 to index
    %swap3A_986 = arith.constant 48 : index
    %swap3A_987 = tpu.vector_load %arg10[%swap3A_985, %swap3A_986] {strides = array<i32>} : memref<40x128xf32, #tpu.memory_space<vmem>>, vector<1x16xf32>,
    %swap3A_988 = vector.shape_cast %swap3A_987 : vector<1x16xf32> to vector<16xf32>
    %swap3A_989 = vector.shape_cast %broadcast_in_dim3A_983 : vector<16xf32> to vector<1x16xf32>
    tpu.vector_store %arg10[%swap3A_985, %swap3A_986], %swap3A_989 {strides = array<i32>} : memref<40x128xf32, #tpu.memory_space<vmem>>, vector<1x16xf32>,
    %broadcast_in_dim3A_990 = arith.constant 0.000000e+00 : f32
    %broadcast_in_dim3A_991 = vector.broadcast %broadcast_in_dim3A_990 : f32 to vector<16xf32>
    %swap3A_992 = arith.constant 15 : i32
    %swap3A_993 = arith.index_cast %swap3A_992 : i32 to index
    %swap3A_994 = arith.constant 64 : index
    %swap3A_995 = tpu.vector_load %arg10[%swap3A_993, %swap3A_994] {strides = array<i32>} : memref<40x128xf32, #tpu.memory_space<vmem>>, vector<1x16xf32>,
    %swap3A_996 = vector.shape_cast %swap3A_995 : vector<1x16xf32> to vector<16xf32>
    %swap3A_997 = vector.shape_cast %broadcast_in_dim3A_991 : vector<16xf32> to vector<1x16xf32>
    tpu.vector_store %arg10[%swap3A_993, %swap3A_994], %swap3A_997 {strides = array<i32>} : memref<40x128xf32, #tpu.memory_space<vmem>>, vector<1x16xf32>,
    %broadcast_in_dim3A_998 = arith.constant 0.000000e+00 : f32
    %broadcast_in_dim3A_999 = vector.broadcast %broadcast_in_dim3A_998 : f32 to vector<16xf32>
    %swap3A_1000 = arith.constant 15 : i32
    %swap3A_1001 = arith.index_cast %swap3A_1000 : i32 to index
    %swap3A_1002 = arith.constant 80 : index
    %swap3A_1003 = tpu.vector_load %arg10[%swap3A_1001, %swap3A_1002] {strides = array<i32>} : memref<40x128xf32, #tpu.memory_space<vmem>>, vector<1x16xf32>,
    %swap3A_1004 = vector.shape_cast %swap3A_1003 : vector<1x16xf32> to vector<16xf32>
    %swap3A_1005 = vector.shape_cast %broadcast_in_dim3A_999 : vector<16xf32> to vector<1x16xf32>
    tpu.vector_store %arg10[%swap3A_1001, %swap3A_1002], %swap3A_1005 {strides = array<i32>} : memref<40x128xf32, #tpu.memory_space<vmem>>, vector<1x16xf32>,
    %broadcast_in_dim3A_1006 = arith.constant 0.000000e+00 : f32
    %broadcast_in_dim3A_1007 = vector.broadcast %broadcast_in_dim3A_1006 : f32 to vector<16xf32>
    %swap3A_1008 = arith.constant 15 : i32
    %swap3A_1009 = arith.index_cast %swap3A_1008 : i32 to index
    %swap3A_1010 = arith.constant 96 : index
    %swap3A_1011 = tpu.vector_load %arg10[%swap3A_1009, %swap3A_1010] {strides = array<i32>} : memref<40x128xf32, #tpu.memory_space<vmem>>, vector<1x16xf32>,
    %swap3A_1012 = vector.shape_cast %swap3A_1011 : vector<1x16xf32> to vector<16xf32>
    %swap3A_1013 = vector.shape_cast %broadcast_in_dim3A_1007 : vector<16xf32> to vector<1x16xf32>
    tpu.vector_store %arg10[%swap3A_1009, %swap3A_1010], %swap3A_1013 {strides = array<i32>} : memref<40x128xf32, #tpu.memory_space<vmem>>, vector<1x16xf32>,
    %broadcast_in_dim3A_1014 = arith.constant 0.000000e+00 : f32
    %broadcast_in_dim3A_1015 = vector.broadcast %broadcast_in_dim3A_1014 : f32 to vector<16xf32>
    %swap3A_1016 = arith.constant 15 : i32
    %swap3A_1017 = arith.index_cast %swap3A_1016 : i32 to index
    %swap3A_1018 = arith.constant 112 : index
    %swap3A_1019 = tpu.vector_load %arg10[%swap3A_1017, %swap3A_1018] {strides = array<i32>} : memref<40x128xf32, #tpu.memory_space<vmem>>, vector<1x16xf32>,
    %swap3A_1020 = vector.shape_cast %swap3A_1019 : vector<1x16xf32> to vector<16xf32>
    %swap3A_1021 = vector.shape_cast %broadcast_in_dim3A_1015 : vector<16xf32> to vector<1x16xf32>
    tpu.vector_store %arg10[%swap3A_1017, %swap3A_1018], %swap3A_1021 {strides = array<i32>} : memref<40x128xf32, #tpu.memory_space<vmem>>, vector<1x16xf32>,
    %broadcast_in_dim3A_1022 = arith.constant 0.000000e+00 : f32
    %broadcast_in_dim3A_1023 = vector.broadcast %broadcast_in_dim3A_1022 : f32 to vector<16xf32>
    %swap3A_1024 = arith.constant 16 : i32
    %swap3A_1025 = arith.index_cast %swap3A_1024 : i32 to index
    %swap3A_1026 = arith.constant 0 : index
    %swap3A_1027 = tpu.vector_load %arg10[%swap3A_1025, %swap3A_1026] {strides = array<i32>} : memref<40x128xf32, #tpu.memory_space<vmem>>, vector<1x16xf32>,
    %swap3A_1028 = vector.shape_cast %swap3A_1027 : vector<1x16xf32> to vector<16xf32>
    %swap3A_1029 = vector.shape_cast %broadcast_in_dim3A_1023 : vector<16xf32> to vector<1x16xf32>
    tpu.vector_store %arg10[%swap3A_1025, %swap3A_1026], %swap3A_1029 {strides = array<i32>} : memref<40x128xf32, #tpu.memory_space<vmem>>, vector<1x16xf32>,
    %broadcast_in_dim3A_1030 = arith.constant 0.000000e+00 : f32
    %broadcast_in_dim3A_1031 = vector.broadcast %broadcast_in_dim3A_1030 : f32 to vector<16xf32>
    %swap3A_1032 = arith.constant 16 : i32
    %swap3A_1033 = arith.index_cast %swap3A_1032 : i32 to index
    %swap3A_1034 = arith.constant 16 : index
    %swap3A_1035 = tpu.vector_load %arg10[%swap3A_1033, %swap3A_1034] {strides = array<i32>} : memref<40x128xf32, #tpu.memory_space<vmem>>, vector<1x16xf32>,
    %swap3A_1036 = vector.shape_cast %swap3A_1035 : vector<1x16xf32> to vector<16xf32>
    %swap3A_1037 = vector.shape_cast %broadcast_in_dim3A_1031 : vector<16xf32> to vector<1x16xf32>
    tpu.vector_store %arg10[%swap3A_1033, %swap3A_1034], %swap3A_1037 {strides = array<i32>} : memref<40x128xf32, #tpu.memory_space<vmem>>, vector<1x16xf32>,
    %broadcast_in_dim3A_1038 = arith.constant 0.000000e+00 : f32
    %broadcast_in_dim3A_1039 = vector.broadcast %broadcast_in_dim3A_1038 : f32 to vector<16xf32>
    %swap3A_1040 = arith.constant 16 : i32
    %swap3A_1041 = arith.index_cast %swap3A_1040 : i32 to index
    %swap3A_1042 = arith.constant 32 : index
    %swap3A_1043 = tpu.vector_load %arg10[%swap3A_1041, %swap3A_1042] {strides = array<i32>} : memref<40x128xf32, #tpu.memory_space<vmem>>, vector<1x16xf32>,
    %swap3A_1044 = vector.shape_cast %swap3A_1043 : vector<1x16xf32> to vector<16xf32>
    %swap3A_1045 = vector.shape_cast %broadcast_in_dim3A_1039 : vector<16xf32> to vector<1x16xf32>
    tpu.vector_store %arg10[%swap3A_1041, %swap3A_1042], %swap3A_1045 {strides = array<i32>} : memref<40x128xf32, #tpu.memory_space<vmem>>, vector<1x16xf32>,
    %broadcast_in_dim3A_1046 = arith.constant 0.000000e+00 : f32
    %broadcast_in_dim3A_1047 = vector.broadcast %broadcast_in_dim3A_1046 : f32 to vector<16xf32>
    %swap3A_1048 = arith.constant 16 : i32
    %swap3A_1049 = arith.index_cast %swap3A_1048 : i32 to index
    %swap3A_1050 = arith.constant 48 : index
    %swap3A_1051 = tpu.vector_load %arg10[%swap3A_1049, %swap3A_1050] {strides = array<i32>} : memref<40x128xf32, #tpu.memory_space<vmem>>, vector<1x16xf32>,
    %swap3A_1052 = vector.shape_cast %swap3A_1051 : vector<1x16xf32> to vector<16xf32>
    %swap3A_1053 = vector.shape_cast %broadcast_in_dim3A_1047 : vector<16xf32> to vector<1x16xf32>
    tpu.vector_store %arg10[%swap3A_1049, %swap3A_1050], %swap3A_1053 {strides = array<i32>} : memref<40x128xf32, #tpu.memory_space<vmem>>, vector<1x16xf32>,
    %broadcast_in_dim3A_1054 = arith.constant 0.000000e+00 : f32
    %broadcast_in_dim3A_1055 = vector.broadcast %broadcast_in_dim3A_1054 : f32 to vector<16xf32>
    %swap3A_1056 = arith.constant 16 : i32
    %swap3A_1057 = arith.index_cast %swap3A_1056 : i32 to index
    %swap3A_1058 = arith.constant 64 : index
    %swap3A_1059 = tpu.vector_load %arg10[%swap3A_1057, %swap3A_1058] {strides = array<i32>} : memref<40x128xf32, #tpu.memory_space<vmem>>, vector<1x16xf32>,
    %swap3A_1060 = vector.shape_cast %swap3A_1059 : vector<1x16xf32> to vector<16xf32>
    %swap3A_1061 = vector.shape_cast %broadcast_in_dim3A_1055 : vector<16xf32> to vector<1x16xf32>
    tpu.vector_store %arg10[%swap3A_1057, %swap3A_1058], %swap3A_1061 {strides = array<i32>} : memref<40x128xf32, #tpu.memory_space<vmem>>, vector<1x16xf32>,
    %broadcast_in_dim3A_1062 = arith.constant 0.000000e+00 : f32
    %broadcast_in_dim3A_1063 = vector.broadcast %broadcast_in_dim3A_1062 : f32 to vector<16xf32>
    %swap3A_1064 = arith.constant 16 : i32
    %swap3A_1065 = arith.index_cast %swap3A_1064 : i32 to index
    %swap3A_1066 = arith.constant 80 : index
    %swap3A_1067 = tpu.vector_load %arg10[%swap3A_1065, %swap3A_1066] {strides = array<i32>} : memref<40x128xf32, #tpu.memory_space<vmem>>, vector<1x16xf32>,
    %swap3A_1068 = vector.shape_cast %swap3A_1067 : vector<1x16xf32> to vector<16xf32>
    %swap3A_1069 = vector.shape_cast %broadcast_in_dim3A_1063 : vector<16xf32> to vector<1x16xf32>
    tpu.vector_store %arg10[%swap3A_1065, %swap3A_1066], %swap3A_1069 {strides = array<i32>} : memref<40x128xf32, #tpu.memory_space<vmem>>, vector<1x16xf32>,
    %broadcast_in_dim3A_1070 = arith.constant 0.000000e+00 : f32
    %broadcast_in_dim3A_1071 = vector.broadcast %broadcast_in_dim3A_1070 : f32 to vector<16xf32>
    %swap3A_1072 = arith.constant 16 : i32
    %swap3A_1073 = arith.index_cast %swap3A_1072 : i32 to index
    %swap3A_1074 = arith.constant 96 : index
    %swap3A_1075 = tpu.vector_load %arg10[%swap3A_1073, %swap3A_1074] {strides = array<i32>} : memref<40x128xf32, #tpu.memory_space<vmem>>, vector<1x16xf32>,
    %swap3A_1076 = vector.shape_cast %swap3A_1075 : vector<1x16xf32> to vector<16xf32>
    %swap3A_1077 = vector.shape_cast %broadcast_in_dim3A_1071 : vector<16xf32> to vector<1x16xf32>
    tpu.vector_store %arg10[%swap3A_1073, %swap3A_1074], %swap3A_1077 {strides = array<i32>} : memref<40x128xf32, #tpu.memory_space<vmem>>, vector<1x16xf32>,
    %broadcast_in_dim3A_1078 = arith.constant 0.000000e+00 : f32
    %broadcast_in_dim3A_1079 = vector.broadcast %broadcast_in_dim3A_1078 : f32 to vector<16xf32>
    %swap3A_1080 = arith.constant 16 : i32
    %swap3A_1081 = arith.index_cast %swap3A_1080 : i32 to index
    %swap3A_1082 = arith.constant 112 : index
    %swap3A_1083 = tpu.vector_load %arg10[%swap3A_1081, %swap3A_1082] {strides = array<i32>} : memref<40x128xf32, #tpu.memory_space<vmem>>, vector<1x16xf32>,
    %swap3A_1084 = vector.shape_cast %swap3A_1083 : vector<1x16xf32> to vector<16xf32>
    %swap3A_1085 = vector.shape_cast %broadcast_in_dim3A_1079 : vector<16xf32> to vector<1x16xf32>
    tpu.vector_store %arg10[%swap3A_1081, %swap3A_1082], %swap3A_1085 {strides = array<i32>} : memref<40x128xf32, #tpu.memory_space<vmem>>, vector<1x16xf32>,
    %broadcast_in_dim3A_1086 = arith.constant 0.000000e+00 : f32
    %broadcast_in_dim3A_1087 = vector.broadcast %broadcast_in_dim3A_1086 : f32 to vector<16xf32>
    %swap3A_1088 = arith.constant 17 : i32
    %swap3A_1089 = arith.index_cast %swap3A_1088 : i32 to index
    %swap3A_1090 = arith.constant 0 : index
    %swap3A_1091 = tpu.vector_load %arg10[%swap3A_1089, %swap3A_1090] {strides = array<i32>} : memref<40x128xf32, #tpu.memory_space<vmem>>, vector<1x16xf32>,
    %swap3A_1092 = vector.shape_cast %swap3A_1091 : vector<1x16xf32> to vector<16xf32>
    %swap3A_1093 = vector.shape_cast %broadcast_in_dim3A_1087 : vector<16xf32> to vector<1x16xf32>
    tpu.vector_store %arg10[%swap3A_1089, %swap3A_1090], %swap3A_1093 {strides = array<i32>} : memref<40x128xf32, #tpu.memory_space<vmem>>, vector<1x16xf32>,
    %broadcast_in_dim3A_1094 = arith.constant 0.000000e+00 : f32
    %broadcast_in_dim3A_1095 = vector.broadcast %broadcast_in_dim3A_1094 : f32 to vector<16xf32>
    %swap3A_1096 = arith.constant 17 : i32
    %swap3A_1097 = arith.index_cast %swap3A_1096 : i32 to index
    %swap3A_1098 = arith.constant 16 : index
    %swap3A_1099 = tpu.vector_load %arg10[%swap3A_1097, %swap3A_1098] {strides = array<i32>} : memref<40x128xf32, #tpu.memory_space<vmem>>, vector<1x16xf32>,
    %swap3A_1100 = vector.shape_cast %swap3A_1099 : vector<1x16xf32> to vector<16xf32>
    %swap3A_1101 = vector.shape_cast %broadcast_in_dim3A_1095 : vector<16xf32> to vector<1x16xf32>
    tpu.vector_store %arg10[%swap3A_1097, %swap3A_1098], %swap3A_1101 {strides = array<i32>} : memref<40x128xf32, #tpu.memory_space<vmem>>, vector<1x16xf32>,
    %broadcast_in_dim3A_1102 = arith.constant 0.000000e+00 : f32
    %broadcast_in_dim3A_1103 = vector.broadcast %broadcast_in_dim3A_1102 : f32 to vector<16xf32>
    %swap3A_1104 = arith.constant 17 : i32
    %swap3A_1105 = arith.index_cast %swap3A_1104 : i32 to index
    %swap3A_1106 = arith.constant 32 : index
    %swap3A_1107 = tpu.vector_load %arg10[%swap3A_1105, %swap3A_1106] {strides = array<i32>} : memref<40x128xf32, #tpu.memory_space<vmem>>, vector<1x16xf32>,
    %swap3A_1108 = vector.shape_cast %swap3A_1107 : vector<1x16xf32> to vector<16xf32>
    %swap3A_1109 = vector.shape_cast %broadcast_in_dim3A_1103 : vector<16xf32> to vector<1x16xf32>
    tpu.vector_store %arg10[%swap3A_1105, %swap3A_1106], %swap3A_1109 {strides = array<i32>} : memref<40x128xf32, #tpu.memory_space<vmem>>, vector<1x16xf32>,
    %broadcast_in_dim3A_1110 = arith.constant 0.000000e+00 : f32
    %broadcast_in_dim3A_1111 = vector.broadcast %broadcast_in_dim3A_1110 : f32 to vector<16xf32>
    %swap3A_1112 = arith.constant 17 : i32
    %swap3A_1113 = arith.index_cast %swap3A_1112 : i32 to index
    %swap3A_1114 = arith.constant 48 : index
    %swap3A_1115 = tpu.vector_load %arg10[%swap3A_1113, %swap3A_1114] {strides = array<i32>} : memref<40x128xf32, #tpu.memory_space<vmem>>, vector<1x16xf32>,
    %swap3A_1116 = vector.shape_cast %swap3A_1115 : vector<1x16xf32> to vector<16xf32>
    %swap3A_1117 = vector.shape_cast %broadcast_in_dim3A_1111 : vector<16xf32> to vector<1x16xf32>
    tpu.vector_store %arg10[%swap3A_1113, %swap3A_1114], %swap3A_1117 {strides = array<i32>} : memref<40x128xf32, #tpu.memory_space<vmem>>, vector<1x16xf32>,
    %broadcast_in_dim3A_1118 = arith.constant 0.000000e+00 : f32
    %broadcast_in_dim3A_1119 = vector.broadcast %broadcast_in_dim3A_1118 : f32 to vector<16xf32>
    %swap3A_1120 = arith.constant 17 : i32
    %swap3A_1121 = arith.index_cast %swap3A_1120 : i32 to index
    %swap3A_1122 = arith.constant 64 : index
    %swap3A_1123 = tpu.vector_load %arg10[%swap3A_1121, %swap3A_1122] {strides = array<i32>} : memref<40x128xf32, #tpu.memory_space<vmem>>, vector<1x16xf32>,
    %swap3A_1124 = vector.shape_cast %swap3A_1123 : vector<1x16xf32> to vector<16xf32>
    %swap3A_1125 = vector.shape_cast %broadcast_in_dim3A_1119 : vector<16xf32> to vector<1x16xf32>
    tpu.vector_store %arg10[%swap3A_1121, %swap3A_1122], %swap3A_1125 {strides = array<i32>} : memref<40x128xf32, #tpu.memory_space<vmem>>, vector<1x16xf32>,
    %broadcast_in_dim3A_1126 = arith.constant 0.000000e+00 : f32
    %broadcast_in_dim3A_1127 = vector.broadcast %broadcast_in_dim3A_1126 : f32 to vector<16xf32>
    %swap3A_1128 = arith.constant 17 : i32
    %swap3A_1129 = arith.index_cast %swap3A_1128 : i32 to index
    %swap3A_1130 = arith.constant 80 : index
    %swap3A_1131 = tpu.vector_load %arg10[%swap3A_1129, %swap3A_1130] {strides = array<i32>} : memref<40x128xf32, #tpu.memory_space<vmem>>, vector<1x16xf32>,
    %swap3A_1132 = vector.shape_cast %swap3A_1131 : vector<1x16xf32> to vector<16xf32>
    %swap3A_1133 = vector.shape_cast %broadcast_in_dim3A_1127 : vector<16xf32> to vector<1x16xf32>
    tpu.vector_store %arg10[%swap3A_1129, %swap3A_1130], %swap3A_1133 {strides = array<i32>} : memref<40x128xf32, #tpu.memory_space<vmem>>, vector<1x16xf32>,
    %broadcast_in_dim3A_1134 = arith.constant 0.000000e+00 : f32
    %broadcast_in_dim3A_1135 = vector.broadcast %broadcast_in_dim3A_1134 : f32 to vector<16xf32>
    %swap3A_1136 = arith.constant 17 : i32
    %swap3A_1137 = arith.index_cast %swap3A_1136 : i32 to index
    %swap3A_1138 = arith.constant 96 : index
    %swap3A_1139 = tpu.vector_load %arg10[%swap3A_1137, %swap3A_1138] {strides = array<i32>} : memref<40x128xf32, #tpu.memory_space<vmem>>, vector<1x16xf32>,
    %swap3A_1140 = vector.shape_cast %swap3A_1139 : vector<1x16xf32> to vector<16xf32>
    %swap3A_1141 = vector.shape_cast %broadcast_in_dim3A_1135 : vector<16xf32> to vector<1x16xf32>
    tpu.vector_store %arg10[%swap3A_1137, %swap3A_1138], %swap3A_1141 {strides = array<i32>} : memref<40x128xf32, #tpu.memory_space<vmem>>, vector<1x16xf32>,
    %broadcast_in_dim3A_1142 = arith.constant 0.000000e+00 : f32
    %broadcast_in_dim3A_1143 = vector.broadcast %broadcast_in_dim3A_1142 : f32 to vector<16xf32>
    %swap3A_1144 = arith.constant 17 : i32
    %swap3A_1145 = arith.index_cast %swap3A_1144 : i32 to index
    %swap3A_1146 = arith.constant 112 : index
    %swap3A_1147 = tpu.vector_load %arg10[%swap3A_1145, %swap3A_1146] {strides = array<i32>} : memref<40x128xf32, #tpu.memory_space<vmem>>, vector<1x16xf32>,
    %swap3A_1148 = vector.shape_cast %swap3A_1147 : vector<1x16xf32> to vector<16xf32>
    %swap3A_1149 = vector.shape_cast %broadcast_in_dim3A_1143 : vector<16xf32> to vector<1x16xf32>
    tpu.vector_store %arg10[%swap3A_1145, %swap3A_1146], %swap3A_1149 {strides = array<i32>} : memref<40x128xf32, #tpu.memory_space<vmem>>, vector<1x16xf32>,
    %broadcast_in_dim3A_1150 = arith.constant 0.000000e+00 : f32
    %broadcast_in_dim3A_1151 = vector.broadcast %broadcast_in_dim3A_1150 : f32 to vector<16xf32>
    %swap3A_1152 = arith.constant 18 : i32
    %swap3A_1153 = arith.index_cast %swap3A_1152 : i32 to index
    %swap3A_1154 = arith.constant 0 : index
    %swap3A_1155 = tpu.vector_load %arg10[%swap3A_1153, %swap3A_1154] {strides = array<i32>} : memref<40x128xf32, #tpu.memory_space<vmem>>, vector<1x16xf32>,
    %swap3A_1156 = vector.shape_cast %swap3A_1155 : vector<1x16xf32> to vector<16xf32>
    %swap3A_1157 = vector.shape_cast %broadcast_in_dim3A_1151 : vector<16xf32> to vector<1x16xf32>
    tpu.vector_store %arg10[%swap3A_1153, %swap3A_1154], %swap3A_1157 {strides = array<i32>} : memref<40x128xf32, #tpu.memory_space<vmem>>, vector<1x16xf32>,
    %broadcast_in_dim3A_1158 = arith.constant 0.000000e+00 : f32
    %broadcast_in_dim3A_1159 = vector.broadcast %broadcast_in_dim3A_1158 : f32 to vector<16xf32>
    %swap3A_1160 = arith.constant 18 : i32
    %swap3A_1161 = arith.index_cast %swap3A_1160 : i32 to index
    %swap3A_1162 = arith.constant 16 : index
    %swap3A_1163 = tpu.vector_load %arg10[%swap3A_1161, %swap3A_1162] {strides = array<i32>} : memref<40x128xf32, #tpu.memory_space<vmem>>, vector<1x16xf32>,
    %swap3A_1164 = vector.shape_cast %swap3A_1163 : vector<1x16xf32> to vector<16xf32>
    %swap3A_1165 = vector.shape_cast %broadcast_in_dim3A_1159 : vector<16xf32> to vector<1x16xf32>
    tpu.vector_store %arg10[%swap3A_1161, %swap3A_1162], %swap3A_1165 {strides = array<i32>} : memref<40x128xf32, #tpu.memory_space<vmem>>, vector<1x16xf32>,
    %broadcast_in_dim3A_1166 = arith.constant 0.000000e+00 : f32
    %broadcast_in_dim3A_1167 = vector.broadcast %broadcast_in_dim3A_1166 : f32 to vector<16xf32>
    %swap3A_1168 = arith.constant 18 : i32
    %swap3A_1169 = arith.index_cast %swap3A_1168 : i32 to index
    %swap3A_1170 = arith.constant 32 : index
    %swap3A_1171 = tpu.vector_load %arg10[%swap3A_1169, %swap3A_1170] {strides = array<i32>} : memref<40x128xf32, #tpu.memory_space<vmem>>, vector<1x16xf32>,
    %swap3A_1172 = vector.shape_cast %swap3A_1171 : vector<1x16xf32> to vector<16xf32>
    %swap3A_1173 = vector.shape_cast %broadcast_in_dim3A_1167 : vector<16xf32> to vector<1x16xf32>
    tpu.vector_store %arg10[%swap3A_1169, %swap3A_1170], %swap3A_1173 {strides = array<i32>} : memref<40x128xf32, #tpu.memory_space<vmem>>, vector<1x16xf32>,
    %broadcast_in_dim3A_1174 = arith.constant 0.000000e+00 : f32
    %broadcast_in_dim3A_1175 = vector.broadcast %broadcast_in_dim3A_1174 : f32 to vector<16xf32>
    %swap3A_1176 = arith.constant 18 : i32
    %swap3A_1177 = arith.index_cast %swap3A_1176 : i32 to index
    %swap3A_1178 = arith.constant 48 : index
    %swap3A_1179 = tpu.vector_load %arg10[%swap3A_1177, %swap3A_1178] {strides = array<i32>} : memref<40x128xf32, #tpu.memory_space<vmem>>, vector<1x16xf32>,
    %swap3A_1180 = vector.shape_cast %swap3A_1179 : vector<1x16xf32> to vector<16xf32>
    %swap3A_1181 = vector.shape_cast %broadcast_in_dim3A_1175 : vector<16xf32> to vector<1x16xf32>
    tpu.vector_store %arg10[%swap3A_1177, %swap3A_1178], %swap3A_1181 {strides = array<i32>} : memref<40x128xf32, #tpu.memory_space<vmem>>, vector<1x16xf32>,
    %broadcast_in_dim3A_1182 = arith.constant 0.000000e+00 : f32
    %broadcast_in_dim3A_1183 = vector.broadcast %broadcast_in_dim3A_1182 : f32 to vector<16xf32>
    %swap3A_1184 = arith.constant 18 : i32
    %swap3A_1185 = arith.index_cast %swap3A_1184 : i32 to index
    %swap3A_1186 = arith.constant 64 : index
    %swap3A_1187 = tpu.vector_load %arg10[%swap3A_1185, %swap3A_1186] {strides = array<i32>} : memref<40x128xf32, #tpu.memory_space<vmem>>, vector<1x16xf32>,
    %swap3A_1188 = vector.shape_cast %swap3A_1187 : vector<1x16xf32> to vector<16xf32>
    %swap3A_1189 = vector.shape_cast %broadcast_in_dim3A_1183 : vector<16xf32> to vector<1x16xf32>
    tpu.vector_store %arg10[%swap3A_1185, %swap3A_1186], %swap3A_1189 {strides = array<i32>} : memref<40x128xf32, #tpu.memory_space<vmem>>, vector<1x16xf32>,
    %broadcast_in_dim3A_1190 = arith.constant 0.000000e+00 : f32
    %broadcast_in_dim3A_1191 = vector.broadcast %broadcast_in_dim3A_1190 : f32 to vector<16xf32>
    %swap3A_1192 = arith.constant 18 : i32
    %swap3A_1193 = arith.index_cast %swap3A_1192 : i32 to index
    %swap3A_1194 = arith.constant 80 : index
    %swap3A_1195 = tpu.vector_load %arg10[%swap3A_1193, %swap3A_1194] {strides = array<i32>} : memref<40x128xf32, #tpu.memory_space<vmem>>, vector<1x16xf32>,
    %swap3A_1196 = vector.shape_cast %swap3A_1195 : vector<1x16xf32> to vector<16xf32>
    %swap3A_1197 = vector.shape_cast %broadcast_in_dim3A_1191 : vector<16xf32> to vector<1x16xf32>
    tpu.vector_store %arg10[%swap3A_1193, %swap3A_1194], %swap3A_1197 {strides = array<i32>} : memref<40x128xf32, #tpu.memory_space<vmem>>, vector<1x16xf32>,
    %broadcast_in_dim3A_1198 = arith.constant 0.000000e+00 : f32
    %broadcast_in_dim3A_1199 = vector.broadcast %broadcast_in_dim3A_1198 : f32 to vector<16xf32>
    %swap3A_1200 = arith.constant 18 : i32
    %swap3A_1201 = arith.index_cast %swap3A_1200 : i32 to index
    %swap3A_1202 = arith.constant 96 : index
    %swap3A_1203 = tpu.vector_load %arg10[%swap3A_1201, %swap3A_1202] {strides = array<i32>} : memref<40x128xf32, #tpu.memory_space<vmem>>, vector<1x16xf32>,
    %swap3A_1204 = vector.shape_cast %swap3A_1203 : vector<1x16xf32> to vector<16xf32>
    %swap3A_1205 = vector.shape_cast %broadcast_in_dim3A_1199 : vector<16xf32> to vector<1x16xf32>
    tpu.vector_store %arg10[%swap3A_1201, %swap3A_1202], %swap3A_1205 {strides = array<i32>} : memref<40x128xf32, #tpu.memory_space<vmem>>, vector<1x16xf32>,
    %broadcast_in_dim3A_1206 = arith.constant 0.000000e+00 : f32
    %broadcast_in_dim3A_1207 = vector.broadcast %broadcast_in_dim3A_1206 : f32 to vector<16xf32>
    %swap3A_1208 = arith.constant 18 : i32
    %swap3A_1209 = arith.index_cast %swap3A_1208 : i32 to index
    %swap3A_1210 = arith.constant 112 : index
    %swap3A_1211 = tpu.vector_load %arg10[%swap3A_1209, %swap3A_1210] {strides = array<i32>} : memref<40x128xf32, #tpu.memory_space<vmem>>, vector<1x16xf32>,
    %swap3A_1212 = vector.shape_cast %swap3A_1211 : vector<1x16xf32> to vector<16xf32>
    %swap3A_1213 = vector.shape_cast %broadcast_in_dim3A_1207 : vector<16xf32> to vector<1x16xf32>
    tpu.vector_store %arg10[%swap3A_1209, %swap3A_1210], %swap3A_1213 {strides = array<i32>} : memref<40x128xf32, #tpu.memory_space<vmem>>, vector<1x16xf32>,
    %broadcast_in_dim3A_1214 = arith.constant 0.000000e+00 : f32
    %broadcast_in_dim3A_1215 = vector.broadcast %broadcast_in_dim3A_1214 : f32 to vector<16xf32>
    %swap3A_1216 = arith.constant 19 : i32
    %swap3A_1217 = arith.index_cast %swap3A_1216 : i32 to index
    %swap3A_1218 = arith.constant 0 : index
    %swap3A_1219 = tpu.vector_load %arg10[%swap3A_1217, %swap3A_1218] {strides = array<i32>} : memref<40x128xf32, #tpu.memory_space<vmem>>, vector<1x16xf32>,
    %swap3A_1220 = vector.shape_cast %swap3A_1219 : vector<1x16xf32> to vector<16xf32>
    %swap3A_1221 = vector.shape_cast %broadcast_in_dim3A_1215 : vector<16xf32> to vector<1x16xf32>
    tpu.vector_store %arg10[%swap3A_1217, %swap3A_1218], %swap3A_1221 {strides = array<i32>} : memref<40x128xf32, #tpu.memory_space<vmem>>, vector<1x16xf32>,
    %broadcast_in_dim3A_1222 = arith.constant 0.000000e+00 : f32
    %broadcast_in_dim3A_1223 = vector.broadcast %broadcast_in_dim3A_1222 : f32 to vector<16xf32>
    %swap3A_1224 = arith.constant 19 : i32
    %swap3A_1225 = arith.index_cast %swap3A_1224 : i32 to index
    %swap3A_1226 = arith.constant 16 : index
    %swap3A_1227 = tpu.vector_load %arg10[%swap3A_1225, %swap3A_1226] {strides = array<i32>} : memref<40x128xf32, #tpu.memory_space<vmem>>, vector<1x16xf32>,
    %swap3A_1228 = vector.shape_cast %swap3A_1227 : vector<1x16xf32> to vector<16xf32>
    %swap3A_1229 = vector.shape_cast %broadcast_in_dim3A_1223 : vector<16xf32> to vector<1x16xf32>
    tpu.vector_store %arg10[%swap3A_1225, %swap3A_1226], %swap3A_1229 {strides = array<i32>} : memref<40x128xf32, #tpu.memory_space<vmem>>, vector<1x16xf32>,
    %broadcast_in_dim3A_1230 = arith.constant 0.000000e+00 : f32
    %broadcast_in_dim3A_1231 = vector.broadcast %broadcast_in_dim3A_1230 : f32 to vector<16xf32>
    %swap3A_1232 = arith.constant 19 : i32
    %swap3A_1233 = arith.index_cast %swap3A_1232 : i32 to index
    %swap3A_1234 = arith.constant 32 : index
    %swap3A_1235 = tpu.vector_load %arg10[%swap3A_1233, %swap3A_1234] {strides = array<i32>} : memref<40x128xf32, #tpu.memory_space<vmem>>, vector<1x16xf32>,
    %swap3A_1236 = vector.shape_cast %swap3A_1235 : vector<1x16xf32> to vector<16xf32>
    %swap3A_1237 = vector.shape_cast %broadcast_in_dim3A_1231 : vector<16xf32> to vector<1x16xf32>
    tpu.vector_store %arg10[%swap3A_1233, %swap3A_1234], %swap3A_1237 {strides = array<i32>} : memref<40x128xf32, #tpu.memory_space<vmem>>, vector<1x16xf32>,
    %broadcast_in_dim3A_1238 = arith.constant 0.000000e+00 : f32
    %broadcast_in_dim3A_1239 = vector.broadcast %broadcast_in_dim3A_1238 : f32 to vector<16xf32>
    %swap3A_1240 = arith.constant 19 : i32
    %swap3A_1241 = arith.index_cast %swap3A_1240 : i32 to index
    %swap3A_1242 = arith.constant 48 : index
    %swap3A_1243 = tpu.vector_load %arg10[%swap3A_1241, %swap3A_1242] {strides = array<i32>} : memref<40x128xf32, #tpu.memory_space<vmem>>, vector<1x16xf32>,
    %swap3A_1244 = vector.shape_cast %swap3A_1243 : vector<1x16xf32> to vector<16xf32>
    %swap3A_1245 = vector.shape_cast %broadcast_in_dim3A_1239 : vector<16xf32> to vector<1x16xf32>
    tpu.vector_store %arg10[%swap3A_1241, %swap3A_1242], %swap3A_1245 {strides = array<i32>} : memref<40x128xf32, #tpu.memory_space<vmem>>, vector<1x16xf32>,
    %broadcast_in_dim3A_1246 = arith.constant 0.000000e+00 : f32
    %broadcast_in_dim3A_1247 = vector.broadcast %broadcast_in_dim3A_1246 : f32 to vector<16xf32>
    %swap3A_1248 = arith.constant 19 : i32
    %swap3A_1249 = arith.index_cast %swap3A_1248 : i32 to index
    %swap3A_1250 = arith.constant 64 : index
    %swap3A_1251 = tpu.vector_load %arg10[%swap3A_1249, %swap3A_1250] {strides = array<i32>} : memref<40x128xf32, #tpu.memory_space<vmem>>, vector<1x16xf32>,
    %swap3A_1252 = vector.shape_cast %swap3A_1251 : vector<1x16xf32> to vector<16xf32>
    %swap3A_1253 = vector.shape_cast %broadcast_in_dim3A_1247 : vector<16xf32> to vector<1x16xf32>
    tpu.vector_store %arg10[%swap3A_1249, %swap3A_1250], %swap3A_1253 {strides = array<i32>} : memref<40x128xf32, #tpu.memory_space<vmem>>, vector<1x16xf32>,
    %broadcast_in_dim3A_1254 = arith.constant 0.000000e+00 : f32
    %broadcast_in_dim3A_1255 = vector.broadcast %broadcast_in_dim3A_1254 : f32 to vector<16xf32>
    %swap3A_1256 = arith.constant 19 : i32
    %swap3A_1257 = arith.index_cast %swap3A_1256 : i32 to index
    %swap3A_1258 = arith.constant 80 : index
    %swap3A_1259 = tpu.vector_load %arg10[%swap3A_1257, %swap3A_1258] {strides = array<i32>} : memref<40x128xf32, #tpu.memory_space<vmem>>, vector<1x16xf32>,
    %swap3A_1260 = vector.shape_cast %swap3A_1259 : vector<1x16xf32> to vector<16xf32>
    %swap3A_1261 = vector.shape_cast %broadcast_in_dim3A_1255 : vector<16xf32> to vector<1x16xf32>
    tpu.vector_store %arg10[%swap3A_1257, %swap3A_1258], %swap3A_1261 {strides = array<i32>} : memref<40x128xf32, #tpu.memory_space<vmem>>, vector<1x16xf32>,
    %broadcast_in_dim3A_1262 = arith.constant 0.000000e+00 : f32
    %broadcast_in_dim3A_1263 = vector.broadcast %broadcast_in_dim3A_1262 : f32 to vector<16xf32>
    %swap3A_1264 = arith.constant 19 : i32
    %swap3A_1265 = arith.index_cast %swap3A_1264 : i32 to index
    %swap3A_1266 = arith.constant 96 : index
    %swap3A_1267 = tpu.vector_load %arg10[%swap3A_1265, %swap3A_1266] {strides = array<i32>} : memref<40x128xf32, #tpu.memory_space<vmem>>, vector<1x16xf32>,
    %swap3A_1268 = vector.shape_cast %swap3A_1267 : vector<1x16xf32> to vector<16xf32>
    %swap3A_1269 = vector.shape_cast %broadcast_in_dim3A_1263 : vector<16xf32> to vector<1x16xf32>
    tpu.vector_store %arg10[%swap3A_1265, %swap3A_1266], %swap3A_1269 {strides = array<i32>} : memref<40x128xf32, #tpu.memory_space<vmem>>, vector<1x16xf32>,
    %broadcast_in_dim3A_1270 = arith.constant 0.000000e+00 : f32
    %broadcast_in_dim3A_1271 = vector.broadcast %broadcast_in_dim3A_1270 : f32 to vector<16xf32>
    %swap3A_1272 = arith.constant 19 : i32
    %swap3A_1273 = arith.index_cast %swap3A_1272 : i32 to index
    %swap3A_1274 = arith.constant 112 : index
    %swap3A_1275 = tpu.vector_load %arg10[%swap3A_1273, %swap3A_1274] {strides = array<i32>} : memref<40x128xf32, #tpu.memory_space<vmem>>, vector<1x16xf32>,
    %swap3A_1276 = vector.shape_cast %swap3A_1275 : vector<1x16xf32> to vector<16xf32>
    %swap3A_1277 = vector.shape_cast %broadcast_in_dim3A_1271 : vector<16xf32> to vector<1x16xf32>
    tpu.vector_store %arg10[%swap3A_1273, %swap3A_1274], %swap3A_1277 {strides = array<i32>} : memref<40x128xf32, #tpu.memory_space<vmem>>, vector<1x16xf32>,
    %broadcast_in_dim3A_1278 = arith.constant 0.000000e+00 : f32
    %broadcast_in_dim3A_1279 = vector.broadcast %broadcast_in_dim3A_1278 : f32 to vector<16xf32>
    %swap3A_1280 = arith.constant 20 : i32
    %swap3A_1281 = arith.index_cast %swap3A_1280 : i32 to index
    %swap3A_1282 = arith.constant 0 : index
    %swap3A_1283 = tpu.vector_load %arg10[%swap3A_1281, %swap3A_1282] {strides = array<i32>} : memref<40x128xf32, #tpu.memory_space<vmem>>, vector<1x16xf32>,
    %swap3A_1284 = vector.shape_cast %swap3A_1283 : vector<1x16xf32> to vector<16xf32>
    %swap3A_1285 = vector.shape_cast %broadcast_in_dim3A_1279 : vector<16xf32> to vector<1x16xf32>
    tpu.vector_store %arg10[%swap3A_1281, %swap3A_1282], %swap3A_1285 {strides = array<i32>} : memref<40x128xf32, #tpu.memory_space<vmem>>, vector<1x16xf32>,
    %broadcast_in_dim3A_1286 = arith.constant 0.000000e+00 : f32
    %broadcast_in_dim3A_1287 = vector.broadcast %broadcast_in_dim3A_1286 : f32 to vector<16xf32>
    %swap3A_1288 = arith.constant 20 : i32
    %swap3A_1289 = arith.index_cast %swap3A_1288 : i32 to index
    %swap3A_1290 = arith.constant 16 : index
    %swap3A_1291 = tpu.vector_load %arg10[%swap3A_1289, %swap3A_1290] {strides = array<i32>} : memref<40x128xf32, #tpu.memory_space<vmem>>, vector<1x16xf32>,
    %swap3A_1292 = vector.shape_cast %swap3A_1291 : vector<1x16xf32> to vector<16xf32>
    %swap3A_1293 = vector.shape_cast %broadcast_in_dim3A_1287 : vector<16xf32> to vector<1x16xf32>
    tpu.vector_store %arg10[%swap3A_1289, %swap3A_1290], %swap3A_1293 {strides = array<i32>} : memref<40x128xf32, #tpu.memory_space<vmem>>, vector<1x16xf32>,
    %broadcast_in_dim3A_1294 = arith.constant 0.000000e+00 : f32
    %broadcast_in_dim3A_1295 = vector.broadcast %broadcast_in_dim3A_1294 : f32 to vector<16xf32>
    %swap3A_1296 = arith.constant 20 : i32
    %swap3A_1297 = arith.index_cast %swap3A_1296 : i32 to index
    %swap3A_1298 = arith.constant 32 : index
    %swap3A_1299 = tpu.vector_load %arg10[%swap3A_1297, %swap3A_1298] {strides = array<i32>} : memref<40x128xf32, #tpu.memory_space<vmem>>, vector<1x16xf32>,
    %swap3A_1300 = vector.shape_cast %swap3A_1299 : vector<1x16xf32> to vector<16xf32>
    %swap3A_1301 = vector.shape_cast %broadcast_in_dim3A_1295 : vector<16xf32> to vector<1x16xf32>
    tpu.vector_store %arg10[%swap3A_1297, %swap3A_1298], %swap3A_1301 {strides = array<i32>} : memref<40x128xf32, #tpu.memory_space<vmem>>, vector<1x16xf32>,
    %broadcast_in_dim3A_1302 = arith.constant 0.000000e+00 : f32
    %broadcast_in_dim3A_1303 = vector.broadcast %broadcast_in_dim3A_1302 : f32 to vector<16xf32>
    %swap3A_1304 = arith.constant 20 : i32
    %swap3A_1305 = arith.index_cast %swap3A_1304 : i32 to index
    %swap3A_1306 = arith.constant 48 : index
    %swap3A_1307 = tpu.vector_load %arg10[%swap3A_1305, %swap3A_1306] {strides = array<i32>} : memref<40x128xf32, #tpu.memory_space<vmem>>, vector<1x16xf32>,
    %swap3A_1308 = vector.shape_cast %swap3A_1307 : vector<1x16xf32> to vector<16xf32>
    %swap3A_1309 = vector.shape_cast %broadcast_in_dim3A_1303 : vector<16xf32> to vector<1x16xf32>
    tpu.vector_store %arg10[%swap3A_1305, %swap3A_1306], %swap3A_1309 {strides = array<i32>} : memref<40x128xf32, #tpu.memory_space<vmem>>, vector<1x16xf32>,
    %broadcast_in_dim3A_1310 = arith.constant 0.000000e+00 : f32
    %broadcast_in_dim3A_1311 = vector.broadcast %broadcast_in_dim3A_1310 : f32 to vector<16xf32>
    %swap3A_1312 = arith.constant 20 : i32
    %swap3A_1313 = arith.index_cast %swap3A_1312 : i32 to index
    %swap3A_1314 = arith.constant 64 : index
    %swap3A_1315 = tpu.vector_load %arg10[%swap3A_1313, %swap3A_1314] {strides = array<i32>} : memref<40x128xf32, #tpu.memory_space<vmem>>, vector<1x16xf32>,
    %swap3A_1316 = vector.shape_cast %swap3A_1315 : vector<1x16xf32> to vector<16xf32>
    %swap3A_1317 = vector.shape_cast %broadcast_in_dim3A_1311 : vector<16xf32> to vector<1x16xf32>
    tpu.vector_store %arg10[%swap3A_1313, %swap3A_1314], %swap3A_1317 {strides = array<i32>} : memref<40x128xf32, #tpu.memory_space<vmem>>, vector<1x16xf32>,
    %broadcast_in_dim3A_1318 = arith.constant 0.000000e+00 : f32
    %broadcast_in_dim3A_1319 = vector.broadcast %broadcast_in_dim3A_1318 : f32 to vector<16xf32>
    %swap3A_1320 = arith.constant 20 : i32
    %swap3A_1321 = arith.index_cast %swap3A_1320 : i32 to index
    %swap3A_1322 = arith.constant 80 : index
    %swap3A_1323 = tpu.vector_load %arg10[%swap3A_1321, %swap3A_1322] {strides = array<i32>} : memref<40x128xf32, #tpu.memory_space<vmem>>, vector<1x16xf32>,
    %swap3A_1324 = vector.shape_cast %swap3A_1323 : vector<1x16xf32> to vector<16xf32>
    %swap3A_1325 = vector.shape_cast %broadcast_in_dim3A_1319 : vector<16xf32> to vector<1x16xf32>
    tpu.vector_store %arg10[%swap3A_1321, %swap3A_1322], %swap3A_1325 {strides = array<i32>} : memref<40x128xf32, #tpu.memory_space<vmem>>, vector<1x16xf32>,
    %broadcast_in_dim3A_1326 = arith.constant 0.000000e+00 : f32
    %broadcast_in_dim3A_1327 = vector.broadcast %broadcast_in_dim3A_1326 : f32 to vector<16xf32>
    %swap3A_1328 = arith.constant 20 : i32
    %swap3A_1329 = arith.index_cast %swap3A_1328 : i32 to index
    %swap3A_1330 = arith.constant 96 : index
    %swap3A_1331 = tpu.vector_load %arg10[%swap3A_1329, %swap3A_1330] {strides = array<i32>} : memref<40x128xf32, #tpu.memory_space<vmem>>, vector<1x16xf32>,
    %swap3A_1332 = vector.shape_cast %swap3A_1331 : vector<1x16xf32> to vector<16xf32>
    %swap3A_1333 = vector.shape_cast %broadcast_in_dim3A_1327 : vector<16xf32> to vector<1x16xf32>
    tpu.vector_store %arg10[%swap3A_1329, %swap3A_1330], %swap3A_1333 {strides = array<i32>} : memref<40x128xf32, #tpu.memory_space<vmem>>, vector<1x16xf32>,
    %broadcast_in_dim3A_1334 = arith.constant 0.000000e+00 : f32
    %broadcast_in_dim3A_1335 = vector.broadcast %broadcast_in_dim3A_1334 : f32 to vector<16xf32>
    %swap3A_1336 = arith.constant 20 : i32
    %swap3A_1337 = arith.index_cast %swap3A_1336 : i32 to index
    %swap3A_1338 = arith.constant 112 : index
    %swap3A_1339 = tpu.vector_load %arg10[%swap3A_1337, %swap3A_1338] {strides = array<i32>} : memref<40x128xf32, #tpu.memory_space<vmem>>, vector<1x16xf32>,
    %swap3A_1340 = vector.shape_cast %swap3A_1339 : vector<1x16xf32> to vector<16xf32>
    %swap3A_1341 = vector.shape_cast %broadcast_in_dim3A_1335 : vector<16xf32> to vector<1x16xf32>
    tpu.vector_store %arg10[%swap3A_1337, %swap3A_1338], %swap3A_1341 {strides = array<i32>} : memref<40x128xf32, #tpu.memory_space<vmem>>, vector<1x16xf32>,
    %broadcast_in_dim3A_1342 = arith.constant 0.000000e+00 : f32
    %broadcast_in_dim3A_1343 = vector.broadcast %broadcast_in_dim3A_1342 : f32 to vector<16xf32>
    %swap3A_1344 = arith.constant 21 : i32
    %swap3A_1345 = arith.index_cast %swap3A_1344 : i32 to index
    %swap3A_1346 = arith.constant 0 : index
    %swap3A_1347 = tpu.vector_load %arg10[%swap3A_1345, %swap3A_1346] {strides = array<i32>} : memref<40x128xf32, #tpu.memory_space<vmem>>, vector<1x16xf32>,
    %swap3A_1348 = vector.shape_cast %swap3A_1347 : vector<1x16xf32> to vector<16xf32>
    %swap3A_1349 = vector.shape_cast %broadcast_in_dim3A_1343 : vector<16xf32> to vector<1x16xf32>
    tpu.vector_store %arg10[%swap3A_1345, %swap3A_1346], %swap3A_1349 {strides = array<i32>} : memref<40x128xf32, #tpu.memory_space<vmem>>, vector<1x16xf32>,
    %broadcast_in_dim3A_1350 = arith.constant 0.000000e+00 : f32
    %broadcast_in_dim3A_1351 = vector.broadcast %broadcast_in_dim3A_1350 : f32 to vector<16xf32>
    %swap3A_1352 = arith.constant 21 : i32
    %swap3A_1353 = arith.index_cast %swap3A_1352 : i32 to index
    %swap3A_1354 = arith.constant 16 : index
    %swap3A_1355 = tpu.vector_load %arg10[%swap3A_1353, %swap3A_1354] {strides = array<i32>} : memref<40x128xf32, #tpu.memory_space<vmem>>, vector<1x16xf32>,
    %swap3A_1356 = vector.shape_cast %swap3A_1355 : vector<1x16xf32> to vector<16xf32>
    %swap3A_1357 = vector.shape_cast %broadcast_in_dim3A_1351 : vector<16xf32> to vector<1x16xf32>
    tpu.vector_store %arg10[%swap3A_1353, %swap3A_1354], %swap3A_1357 {strides = array<i32>} : memref<40x128xf32, #tpu.memory_space<vmem>>, vector<1x16xf32>,
    %broadcast_in_dim3A_1358 = arith.constant 0.000000e+00 : f32
    %broadcast_in_dim3A_1359 = vector.broadcast %broadcast_in_dim3A_1358 : f32 to vector<16xf32>
    %swap3A_1360 = arith.constant 21 : i32
    %swap3A_1361 = arith.index_cast %swap3A_1360 : i32 to index
    %swap3A_1362 = arith.constant 32 : index
    %swap3A_1363 = tpu.vector_load %arg10[%swap3A_1361, %swap3A_1362] {strides = array<i32>} : memref<40x128xf32, #tpu.memory_space<vmem>>, vector<1x16xf32>,
    %swap3A_1364 = vector.shape_cast %swap3A_1363 : vector<1x16xf32> to vector<16xf32>
    %swap3A_1365 = vector.shape_cast %broadcast_in_dim3A_1359 : vector<16xf32> to vector<1x16xf32>
    tpu.vector_store %arg10[%swap3A_1361, %swap3A_1362], %swap3A_1365 {strides = array<i32>} : memref<40x128xf32, #tpu.memory_space<vmem>>, vector<1x16xf32>,
    %broadcast_in_dim3A_1366 = arith.constant 0.000000e+00 : f32
    %broadcast_in_dim3A_1367 = vector.broadcast %broadcast_in_dim3A_1366 : f32 to vector<16xf32>
    %swap3A_1368 = arith.constant 21 : i32
    %swap3A_1369 = arith.index_cast %swap3A_1368 : i32 to index
    %swap3A_1370 = arith.constant 48 : index
    %swap3A_1371 = tpu.vector_load %arg10[%swap3A_1369, %swap3A_1370] {strides = array<i32>} : memref<40x128xf32, #tpu.memory_space<vmem>>, vector<1x16xf32>,
    %swap3A_1372 = vector.shape_cast %swap3A_1371 : vector<1x16xf32> to vector<16xf32>
    %swap3A_1373 = vector.shape_cast %broadcast_in_dim3A_1367 : vector<16xf32> to vector<1x16xf32>
    tpu.vector_store %arg10[%swap3A_1369, %swap3A_1370], %swap3A_1373 {strides = array<i32>} : memref<40x128xf32, #tpu.memory_space<vmem>>, vector<1x16xf32>,
    %broadcast_in_dim3A_1374 = arith.constant 0.000000e+00 : f32
    %broadcast_in_dim3A_1375 = vector.broadcast %broadcast_in_dim3A_1374 : f32 to vector<16xf32>
    %swap3A_1376 = arith.constant 21 : i32
    %swap3A_1377 = arith.index_cast %swap3A_1376 : i32 to index
    %swap3A_1378 = arith.constant 64 : index
    %swap3A_1379 = tpu.vector_load %arg10[%swap3A_1377, %swap3A_1378] {strides = array<i32>} : memref<40x128xf32, #tpu.memory_space<vmem>>, vector<1x16xf32>,
    %swap3A_1380 = vector.shape_cast %swap3A_1379 : vector<1x16xf32> to vector<16xf32>
    %swap3A_1381 = vector.shape_cast %broadcast_in_dim3A_1375 : vector<16xf32> to vector<1x16xf32>
    tpu.vector_store %arg10[%swap3A_1377, %swap3A_1378], %swap3A_1381 {strides = array<i32>} : memref<40x128xf32, #tpu.memory_space<vmem>>, vector<1x16xf32>,
    %broadcast_in_dim3A_1382 = arith.constant 0.000000e+00 : f32
    %broadcast_in_dim3A_1383 = vector.broadcast %broadcast_in_dim3A_1382 : f32 to vector<16xf32>
    %swap3A_1384 = arith.constant 21 : i32
    %swap3A_1385 = arith.index_cast %swap3A_1384 : i32 to index
    %swap3A_1386 = arith.constant 80 : index
    %swap3A_1387 = tpu.vector_load %arg10[%swap3A_1385, %swap3A_1386] {strides = array<i32>} : memref<40x128xf32, #tpu.memory_space<vmem>>, vector<1x16xf32>,
    %swap3A_1388 = vector.shape_cast %swap3A_1387 : vector<1x16xf32> to vector<16xf32>
    %swap3A_1389 = vector.shape_cast %broadcast_in_dim3A_1383 : vector<16xf32> to vector<1x16xf32>
    tpu.vector_store %arg10[%swap3A_1385, %swap3A_1386], %swap3A_1389 {strides = array<i32>} : memref<40x128xf32, #tpu.memory_space<vmem>>, vector<1x16xf32>,
    %broadcast_in_dim3A_1390 = arith.constant 0.000000e+00 : f32
    %broadcast_in_dim3A_1391 = vector.broadcast %broadcast_in_dim3A_1390 : f32 to vector<16xf32>
    %swap3A_1392 = arith.constant 21 : i32
    %swap3A_1393 = arith.index_cast %swap3A_1392 : i32 to index
    %swap3A_1394 = arith.constant 96 : index
    %swap3A_1395 = tpu.vector_load %arg10[%swap3A_1393, %swap3A_1394] {strides = array<i32>} : memref<40x128xf32, #tpu.memory_space<vmem>>, vector<1x16xf32>,
    %swap3A_1396 = vector.shape_cast %swap3A_1395 : vector<1x16xf32> to vector<16xf32>
    %swap3A_1397 = vector.shape_cast %broadcast_in_dim3A_1391 : vector<16xf32> to vector<1x16xf32>
    tpu.vector_store %arg10[%swap3A_1393, %swap3A_1394], %swap3A_1397 {strides = array<i32>} : memref<40x128xf32, #tpu.memory_space<vmem>>, vector<1x16xf32>,
    %broadcast_in_dim3A_1398 = arith.constant 0.000000e+00 : f32
    %broadcast_in_dim3A_1399 = vector.broadcast %broadcast_in_dim3A_1398 : f32 to vector<16xf32>
    %swap3A_1400 = arith.constant 21 : i32
    %swap3A_1401 = arith.index_cast %swap3A_1400 : i32 to index
    %swap3A_1402 = arith.constant 112 : index
    %swap3A_1403 = tpu.vector_load %arg10[%swap3A_1401, %swap3A_1402] {strides = array<i32>} : memref<40x128xf32, #tpu.memory_space<vmem>>, vector<1x16xf32>,
    %swap3A_1404 = vector.shape_cast %swap3A_1403 : vector<1x16xf32> to vector<16xf32>
    %swap3A_1405 = vector.shape_cast %broadcast_in_dim3A_1399 : vector<16xf32> to vector<1x16xf32>
    tpu.vector_store %arg10[%swap3A_1401, %swap3A_1402], %swap3A_1405 {strides = array<i32>} : memref<40x128xf32, #tpu.memory_space<vmem>>, vector<1x16xf32>,
    %broadcast_in_dim3A_1406 = arith.constant 0.000000e+00 : f32
    %broadcast_in_dim3A_1407 = vector.broadcast %broadcast_in_dim3A_1406 : f32 to vector<16xf32>
    %swap3A_1408 = arith.constant 22 : i32
    %swap3A_1409 = arith.index_cast %swap3A_1408 : i32 to index
    %swap3A_1410 = arith.constant 0 : index
    %swap3A_1411 = tpu.vector_load %arg10[%swap3A_1409, %swap3A_1410] {strides = array<i32>} : memref<40x128xf32, #tpu.memory_space<vmem>>, vector<1x16xf32>,
    %swap3A_1412 = vector.shape_cast %swap3A_1411 : vector<1x16xf32> to vector<16xf32>
    %swap3A_1413 = vector.shape_cast %broadcast_in_dim3A_1407 : vector<16xf32> to vector<1x16xf32>
    tpu.vector_store %arg10[%swap3A_1409, %swap3A_1410], %swap3A_1413 {strides = array<i32>} : memref<40x128xf32, #tpu.memory_space<vmem>>, vector<1x16xf32>,
    %broadcast_in_dim3A_1414 = arith.constant 0.000000e+00 : f32
    %broadcast_in_dim3A_1415 = vector.broadcast %broadcast_in_dim3A_1414 : f32 to vector<16xf32>
    %swap3A_1416 = arith.constant 22 : i32
    %swap3A_1417 = arith.index_cast %swap3A_1416 : i32 to index
    %swap3A_1418 = arith.constant 16 : index
    %swap3A_1419 = tpu.vector_load %arg10[%swap3A_1417, %swap3A_1418] {strides = array<i32>} : memref<40x128xf32, #tpu.memory_space<vmem>>, vector<1x16xf32>,
    %swap3A_1420 = vector.shape_cast %swap3A_1419 : vector<1x16xf32> to vector<16xf32>
    %swap3A_1421 = vector.shape_cast %broadcast_in_dim3A_1415 : vector<16xf32> to vector<1x16xf32>
    tpu.vector_store %arg10[%swap3A_1417, %swap3A_1418], %swap3A_1421 {strides = array<i32>} : memref<40x128xf32, #tpu.memory_space<vmem>>, vector<1x16xf32>,
    %broadcast_in_dim3A_1422 = arith.constant 0.000000e+00 : f32
    %broadcast_in_dim3A_1423 = vector.broadcast %broadcast_in_dim3A_1422 : f32 to vector<16xf32>
    %swap3A_1424 = arith.constant 22 : i32
    %swap3A_1425 = arith.index_cast %swap3A_1424 : i32 to index
    %swap3A_1426 = arith.constant 32 : index
    %swap3A_1427 = tpu.vector_load %arg10[%swap3A_1425, %swap3A_1426] {strides = array<i32>} : memref<40x128xf32, #tpu.memory_space<vmem>>, vector<1x16xf32>,
    %swap3A_1428 = vector.shape_cast %swap3A_1427 : vector<1x16xf32> to vector<16xf32>
    %swap3A_1429 = vector.shape_cast %broadcast_in_dim3A_1423 : vector<16xf32> to vector<1x16xf32>
    tpu.vector_store %arg10[%swap3A_1425, %swap3A_1426], %swap3A_1429 {strides = array<i32>} : memref<40x128xf32, #tpu.memory_space<vmem>>, vector<1x16xf32>,
    %broadcast_in_dim3A_1430 = arith.constant 0.000000e+00 : f32
    %broadcast_in_dim3A_1431 = vector.broadcast %broadcast_in_dim3A_1430 : f32 to vector<16xf32>
    %swap3A_1432 = arith.constant 22 : i32
    %swap3A_1433 = arith.index_cast %swap3A_1432 : i32 to index
    %swap3A_1434 = arith.constant 48 : index
    %swap3A_1435 = tpu.vector_load %arg10[%swap3A_1433, %swap3A_1434] {strides = array<i32>} : memref<40x128xf32, #tpu.memory_space<vmem>>, vector<1x16xf32>,
    %swap3A_1436 = vector.shape_cast %swap3A_1435 : vector<1x16xf32> to vector<16xf32>
    %swap3A_1437 = vector.shape_cast %broadcast_in_dim3A_1431 : vector<16xf32> to vector<1x16xf32>
    tpu.vector_store %arg10[%swap3A_1433, %swap3A_1434], %swap3A_1437 {strides = array<i32>} : memref<40x128xf32, #tpu.memory_space<vmem>>, vector<1x16xf32>,
    %broadcast_in_dim3A_1438 = arith.constant 0.000000e+00 : f32
    %broadcast_in_dim3A_1439 = vector.broadcast %broadcast_in_dim3A_1438 : f32 to vector<16xf32>
    %swap3A_1440 = arith.constant 22 : i32
    %swap3A_1441 = arith.index_cast %swap3A_1440 : i32 to index
    %swap3A_1442 = arith.constant 64 : index
    %swap3A_1443 = tpu.vector_load %arg10[%swap3A_1441, %swap3A_1442] {strides = array<i32>} : memref<40x128xf32, #tpu.memory_space<vmem>>, vector<1x16xf32>,
    %swap3A_1444 = vector.shape_cast %swap3A_1443 : vector<1x16xf32> to vector<16xf32>
    %swap3A_1445 = vector.shape_cast %broadcast_in_dim3A_1439 : vector<16xf32> to vector<1x16xf32>
    tpu.vector_store %arg10[%swap3A_1441, %swap3A_1442], %swap3A_1445 {strides = array<i32>} : memref<40x128xf32, #tpu.memory_space<vmem>>, vector<1x16xf32>,
    %broadcast_in_dim3A_1446 = arith.constant 0.000000e+00 : f32
    %broadcast_in_dim3A_1447 = vector.broadcast %broadcast_in_dim3A_1446 : f32 to vector<16xf32>
    %swap3A_1448 = arith.constant 22 : i32
    %swap3A_1449 = arith.index_cast %swap3A_1448 : i32 to index
    %swap3A_1450 = arith.constant 80 : index
    %swap3A_1451 = tpu.vector_load %arg10[%swap3A_1449, %swap3A_1450] {strides = array<i32>} : memref<40x128xf32, #tpu.memory_space<vmem>>, vector<1x16xf32>,
    %swap3A_1452 = vector.shape_cast %swap3A_1451 : vector<1x16xf32> to vector<16xf32>
    %swap3A_1453 = vector.shape_cast %broadcast_in_dim3A_1447 : vector<16xf32> to vector<1x16xf32>
    tpu.vector_store %arg10[%swap3A_1449, %swap3A_1450], %swap3A_1453 {strides = array<i32>} : memref<40x128xf32, #tpu.memory_space<vmem>>, vector<1x16xf32>,
    %broadcast_in_dim3A_1454 = arith.constant 0.000000e+00 : f32
    %broadcast_in_dim3A_1455 = vector.broadcast %broadcast_in_dim3A_1454 : f32 to vector<16xf32>
    %swap3A_1456 = arith.constant 22 : i32
    %swap3A_1457 = arith.index_cast %swap3A_1456 : i32 to index
    %swap3A_1458 = arith.constant 96 : index
    %swap3A_1459 = tpu.vector_load %arg10[%swap3A_1457, %swap3A_1458] {strides = array<i32>} : memref<40x128xf32, #tpu.memory_space<vmem>>, vector<1x16xf32>,
    %swap3A_1460 = vector.shape_cast %swap3A_1459 : vector<1x16xf32> to vector<16xf32>
    %swap3A_1461 = vector.shape_cast %broadcast_in_dim3A_1455 : vector<16xf32> to vector<1x16xf32>
    tpu.vector_store %arg10[%swap3A_1457, %swap3A_1458], %swap3A_1461 {strides = array<i32>} : memref<40x128xf32, #tpu.memory_space<vmem>>, vector<1x16xf32>,
    %broadcast_in_dim3A_1462 = arith.constant 0.000000e+00 : f32
    %broadcast_in_dim3A_1463 = vector.broadcast %broadcast_in_dim3A_1462 : f32 to vector<16xf32>
    %swap3A_1464 = arith.constant 22 : i32
    %swap3A_1465 = arith.index_cast %swap3A_1464 : i32 to index
    %swap3A_1466 = arith.constant 112 : index
    %swap3A_1467 = tpu.vector_load %arg10[%swap3A_1465, %swap3A_1466] {strides = array<i32>} : memref<40x128xf32, #tpu.memory_space<vmem>>, vector<1x16xf32>,
    %swap3A_1468 = vector.shape_cast %swap3A_1467 : vector<1x16xf32> to vector<16xf32>
    %swap3A_1469 = vector.shape_cast %broadcast_in_dim3A_1463 : vector<16xf32> to vector<1x16xf32>
    tpu.vector_store %arg10[%swap3A_1465, %swap3A_1466], %swap3A_1469 {strides = array<i32>} : memref<40x128xf32, #tpu.memory_space<vmem>>, vector<1x16xf32>,
    %broadcast_in_dim3A_1470 = arith.constant 0.000000e+00 : f32
    %broadcast_in_dim3A_1471 = vector.broadcast %broadcast_in_dim3A_1470 : f32 to vector<16xf32>
    %swap3A_1472 = arith.constant 23 : i32
    %swap3A_1473 = arith.index_cast %swap3A_1472 : i32 to index
    %swap3A_1474 = arith.constant 0 : index
    %swap3A_1475 = tpu.vector_load %arg10[%swap3A_1473, %swap3A_1474] {strides = array<i32>} : memref<40x128xf32, #tpu.memory_space<vmem>>, vector<1x16xf32>,
    %swap3A_1476 = vector.shape_cast %swap3A_1475 : vector<1x16xf32> to vector<16xf32>
    %swap3A_1477 = vector.shape_cast %broadcast_in_dim3A_1471 : vector<16xf32> to vector<1x16xf32>
    tpu.vector_store %arg10[%swap3A_1473, %swap3A_1474], %swap3A_1477 {strides = array<i32>} : memref<40x128xf32, #tpu.memory_space<vmem>>, vector<1x16xf32>,
    %broadcast_in_dim3A_1478 = arith.constant 0.000000e+00 : f32
    %broadcast_in_dim3A_1479 = vector.broadcast %broadcast_in_dim3A_1478 : f32 to vector<16xf32>
    %swap3A_1480 = arith.constant 23 : i32
    %swap3A_1481 = arith.index_cast %swap3A_1480 : i32 to index
    %swap3A_1482 = arith.constant 16 : index
    %swap3A_1483 = tpu.vector_load %arg10[%swap3A_1481, %swap3A_1482] {strides = array<i32>} : memref<40x128xf32, #tpu.memory_space<vmem>>, vector<1x16xf32>,
    %swap3A_1484 = vector.shape_cast %swap3A_1483 : vector<1x16xf32> to vector<16xf32>
    %swap3A_1485 = vector.shape_cast %broadcast_in_dim3A_1479 : vector<16xf32> to vector<1x16xf32>
    tpu.vector_store %arg10[%swap3A_1481, %swap3A_1482], %swap3A_1485 {strides = array<i32>} : memref<40x128xf32, #tpu.memory_space<vmem>>, vector<1x16xf32>,
    %broadcast_in_dim3A_1486 = arith.constant 0.000000e+00 : f32
    %broadcast_in_dim3A_1487 = vector.broadcast %broadcast_in_dim3A_1486 : f32 to vector<16xf32>
    %swap3A_1488 = arith.constant 23 : i32
    %swap3A_1489 = arith.index_cast %swap3A_1488 : i32 to index
    %swap3A_1490 = arith.constant 32 : index
    %swap3A_1491 = tpu.vector_load %arg10[%swap3A_1489, %swap3A_1490] {strides = array<i32>} : memref<40x128xf32, #tpu.memory_space<vmem>>, vector<1x16xf32>,
    %swap3A_1492 = vector.shape_cast %swap3A_1491 : vector<1x16xf32> to vector<16xf32>
    %swap3A_1493 = vector.shape_cast %broadcast_in_dim3A_1487 : vector<16xf32> to vector<1x16xf32>
    tpu.vector_store %arg10[%swap3A_1489, %swap3A_1490], %swap3A_1493 {strides = array<i32>} : memref<40x128xf32, #tpu.memory_space<vmem>>, vector<1x16xf32>,
    %broadcast_in_dim3A_1494 = arith.constant 0.000000e+00 : f32
    %broadcast_in_dim3A_1495 = vector.broadcast %broadcast_in_dim3A_1494 : f32 to vector<16xf32>
    %swap3A_1496 = arith.constant 23 : i32
    %swap3A_1497 = arith.index_cast %swap3A_1496 : i32 to index
    %swap3A_1498 = arith.constant 48 : index
    %swap3A_1499 = tpu.vector_load %arg10[%swap3A_1497, %swap3A_1498] {strides = array<i32>} : memref<40x128xf32, #tpu.memory_space<vmem>>, vector<1x16xf32>,
    %swap3A_1500 = vector.shape_cast %swap3A_1499 : vector<1x16xf32> to vector<16xf32>
    %swap3A_1501 = vector.shape_cast %broadcast_in_dim3A_1495 : vector<16xf32> to vector<1x16xf32>
    tpu.vector_store %arg10[%swap3A_1497, %swap3A_1498], %swap3A_1501 {strides = array<i32>} : memref<40x128xf32, #tpu.memory_space<vmem>>, vector<1x16xf32>,
    %broadcast_in_dim3A_1502 = arith.constant 0.000000e+00 : f32
    %broadcast_in_dim3A_1503 = vector.broadcast %broadcast_in_dim3A_1502 : f32 to vector<16xf32>
    %swap3A_1504 = arith.constant 23 : i32
    %swap3A_1505 = arith.index_cast %swap3A_1504 : i32 to index
    %swap3A_1506 = arith.constant 64 : index
    %swap3A_1507 = tpu.vector_load %arg10[%swap3A_1505, %swap3A_1506] {strides = array<i32>} : memref<40x128xf32, #tpu.memory_space<vmem>>, vector<1x16xf32>,
    %swap3A_1508 = vector.shape_cast %swap3A_1507 : vector<1x16xf32> to vector<16xf32>
    %swap3A_1509 = vector.shape_cast %broadcast_in_dim3A_1503 : vector<16xf32> to vector<1x16xf32>
    tpu.vector_store %arg10[%swap3A_1505, %swap3A_1506], %swap3A_1509 {strides = array<i32>} : memref<40x128xf32, #tpu.memory_space<vmem>>, vector<1x16xf32>,
    %broadcast_in_dim3A_1510 = arith.constant 0.000000e+00 : f32
    %broadcast_in_dim3A_1511 = vector.broadcast %broadcast_in_dim3A_1510 : f32 to vector<16xf32>
    %swap3A_1512 = arith.constant 23 : i32
    %swap3A_1513 = arith.index_cast %swap3A_1512 : i32 to index
    %swap3A_1514 = arith.constant 80 : index
    %swap3A_1515 = tpu.vector_load %arg10[%swap3A_1513, %swap3A_1514] {strides = array<i32>} : memref<40x128xf32, #tpu.memory_space<vmem>>, vector<1x16xf32>,
    %swap3A_1516 = vector.shape_cast %swap3A_1515 : vector<1x16xf32> to vector<16xf32>
    %swap3A_1517 = vector.shape_cast %broadcast_in_dim3A_1511 : vector<16xf32> to vector<1x16xf32>
    tpu.vector_store %arg10[%swap3A_1513, %swap3A_1514], %swap3A_1517 {strides = array<i32>} : memref<40x128xf32, #tpu.memory_space<vmem>>, vector<1x16xf32>,
    %broadcast_in_dim3A_1518 = arith.constant 0.000000e+00 : f32
    %broadcast_in_dim3A_1519 = vector.broadcast %broadcast_in_dim3A_1518 : f32 to vector<16xf32>
    %swap3A_1520 = arith.constant 23 : i32
    %swap3A_1521 = arith.index_cast %swap3A_1520 : i32 to index
    %swap3A_1522 = arith.constant 96 : index
    %swap3A_1523 = tpu.vector_load %arg10[%swap3A_1521, %swap3A_1522] {strides = array<i32>} : memref<40x128xf32, #tpu.memory_space<vmem>>, vector<1x16xf32>,
    %swap3A_1524 = vector.shape_cast %swap3A_1523 : vector<1x16xf32> to vector<16xf32>
    %swap3A_1525 = vector.shape_cast %broadcast_in_dim3A_1519 : vector<16xf32> to vector<1x16xf32>
    tpu.vector_store %arg10[%swap3A_1521, %swap3A_1522], %swap3A_1525 {strides = array<i32>} : memref<40x128xf32, #tpu.memory_space<vmem>>, vector<1x16xf32>,
    %broadcast_in_dim3A_1526 = arith.constant 0.000000e+00 : f32
    %broadcast_in_dim3A_1527 = vector.broadcast %broadcast_in_dim3A_1526 : f32 to vector<16xf32>
    %swap3A_1528 = arith.constant 23 : i32
    %swap3A_1529 = arith.index_cast %swap3A_1528 : i32 to index
    %swap3A_1530 = arith.constant 112 : index
    %swap3A_1531 = tpu.vector_load %arg10[%swap3A_1529, %swap3A_1530] {strides = array<i32>} : memref<40x128xf32, #tpu.memory_space<vmem>>, vector<1x16xf32>,
    %swap3A_1532 = vector.shape_cast %swap3A_1531 : vector<1x16xf32> to vector<16xf32>
    %swap3A_1533 = vector.shape_cast %broadcast_in_dim3A_1527 : vector<16xf32> to vector<1x16xf32>
    tpu.vector_store %arg10[%swap3A_1529, %swap3A_1530], %swap3A_1533 {strides = array<i32>} : memref<40x128xf32, #tpu.memory_space<vmem>>, vector<1x16xf32>,
    %broadcast_in_dim3A_1534 = arith.constant 0.000000e+00 : f32
    %broadcast_in_dim3A_1535 = vector.broadcast %broadcast_in_dim3A_1534 : f32 to vector<16xf32>
    %swap3A_1536 = arith.constant 24 : i32
    %swap3A_1537 = arith.index_cast %swap3A_1536 : i32 to index
    %swap3A_1538 = arith.constant 0 : index
    %swap3A_1539 = tpu.vector_load %arg10[%swap3A_1537, %swap3A_1538] {strides = array<i32>} : memref<40x128xf32, #tpu.memory_space<vmem>>, vector<1x16xf32>,
    %swap3A_1540 = vector.shape_cast %swap3A_1539 : vector<1x16xf32> to vector<16xf32>
    %swap3A_1541 = vector.shape_cast %broadcast_in_dim3A_1535 : vector<16xf32> to vector<1x16xf32>
    tpu.vector_store %arg10[%swap3A_1537, %swap3A_1538], %swap3A_1541 {strides = array<i32>} : memref<40x128xf32, #tpu.memory_space<vmem>>, vector<1x16xf32>,
    %broadcast_in_dim3A_1542 = arith.constant 0.000000e+00 : f32
    %broadcast_in_dim3A_1543 = vector.broadcast %broadcast_in_dim3A_1542 : f32 to vector<16xf32>
    %swap3A_1544 = arith.constant 24 : i32
    %swap3A_1545 = arith.index_cast %swap3A_1544 : i32 to index
    %swap3A_1546 = arith.constant 16 : index
    %swap3A_1547 = tpu.vector_load %arg10[%swap3A_1545, %swap3A_1546] {strides = array<i32>} : memref<40x128xf32, #tpu.memory_space<vmem>>, vector<1x16xf32>,
    %swap3A_1548 = vector.shape_cast %swap3A_1547 : vector<1x16xf32> to vector<16xf32>
    %swap3A_1549 = vector.shape_cast %broadcast_in_dim3A_1543 : vector<16xf32> to vector<1x16xf32>
    tpu.vector_store %arg10[%swap3A_1545, %swap3A_1546], %swap3A_1549 {strides = array<i32>} : memref<40x128xf32, #tpu.memory_space<vmem>>, vector<1x16xf32>,
    %broadcast_in_dim3A_1550 = arith.constant 0.000000e+00 : f32
    %broadcast_in_dim3A_1551 = vector.broadcast %broadcast_in_dim3A_1550 : f32 to vector<16xf32>
    %swap3A_1552 = arith.constant 24 : i32
    %swap3A_1553 = arith.index_cast %swap3A_1552 : i32 to index
    %swap3A_1554 = arith.constant 32 : index
    %swap3A_1555 = tpu.vector_load %arg10[%swap3A_1553, %swap3A_1554] {strides = array<i32>} : memref<40x128xf32, #tpu.memory_space<vmem>>, vector<1x16xf32>,
    %swap3A_1556 = vector.shape_cast %swap3A_1555 : vector<1x16xf32> to vector<16xf32>
    %swap3A_1557 = vector.shape_cast %broadcast_in_dim3A_1551 : vector<16xf32> to vector<1x16xf32>
    tpu.vector_store %arg10[%swap3A_1553, %swap3A_1554], %swap3A_1557 {strides = array<i32>} : memref<40x128xf32, #tpu.memory_space<vmem>>, vector<1x16xf32>,
    %broadcast_in_dim3A_1558 = arith.constant 0.000000e+00 : f32
    %broadcast_in_dim3A_1559 = vector.broadcast %broadcast_in_dim3A_1558 : f32 to vector<16xf32>
    %swap3A_1560 = arith.constant 24 : i32
    %swap3A_1561 = arith.index_cast %swap3A_1560 : i32 to index
    %swap3A_1562 = arith.constant 48 : index
    %swap3A_1563 = tpu.vector_load %arg10[%swap3A_1561, %swap3A_1562] {strides = array<i32>} : memref<40x128xf32, #tpu.memory_space<vmem>>, vector<1x16xf32>,
    %swap3A_1564 = vector.shape_cast %swap3A_1563 : vector<1x16xf32> to vector<16xf32>
    %swap3A_1565 = vector.shape_cast %broadcast_in_dim3A_1559 : vector<16xf32> to vector<1x16xf32>
    tpu.vector_store %arg10[%swap3A_1561, %swap3A_1562], %swap3A_1565 {strides = array<i32>} : memref<40x128xf32, #tpu.memory_space<vmem>>, vector<1x16xf32>,
    %broadcast_in_dim3A_1566 = arith.constant 0.000000e+00 : f32
    %broadcast_in_dim3A_1567 = vector.broadcast %broadcast_in_dim3A_1566 : f32 to vector<16xf32>
    %swap3A_1568 = arith.constant 24 : i32
    %swap3A_1569 = arith.index_cast %swap3A_1568 : i32 to index
    %swap3A_1570 = arith.constant 64 : index
    %swap3A_1571 = tpu.vector_load %arg10[%swap3A_1569, %swap3A_1570] {strides = array<i32>} : memref<40x128xf32, #tpu.memory_space<vmem>>, vector<1x16xf32>,
    %swap3A_1572 = vector.shape_cast %swap3A_1571 : vector<1x16xf32> to vector<16xf32>
    %swap3A_1573 = vector.shape_cast %broadcast_in_dim3A_1567 : vector<16xf32> to vector<1x16xf32>
    tpu.vector_store %arg10[%swap3A_1569, %swap3A_1570], %swap3A_1573 {strides = array<i32>} : memref<40x128xf32, #tpu.memory_space<vmem>>, vector<1x16xf32>,
    %broadcast_in_dim3A_1574 = arith.constant 0.000000e+00 : f32
    %broadcast_in_dim3A_1575 = vector.broadcast %broadcast_in_dim3A_1574 : f32 to vector<16xf32>
    %swap3A_1576 = arith.constant 24 : i32
    %swap3A_1577 = arith.index_cast %swap3A_1576 : i32 to index
    %swap3A_1578 = arith.constant 80 : index
    %swap3A_1579 = tpu.vector_load %arg10[%swap3A_1577, %swap3A_1578] {strides = array<i32>} : memref<40x128xf32, #tpu.memory_space<vmem>>, vector<1x16xf32>,
    %swap3A_1580 = vector.shape_cast %swap3A_1579 : vector<1x16xf32> to vector<16xf32>
    %swap3A_1581 = vector.shape_cast %broadcast_in_dim3A_1575 : vector<16xf32> to vector<1x16xf32>
    tpu.vector_store %arg10[%swap3A_1577, %swap3A_1578], %swap3A_1581 {strides = array<i32>} : memref<40x128xf32, #tpu.memory_space<vmem>>, vector<1x16xf32>,
    %broadcast_in_dim3A_1582 = arith.constant 0.000000e+00 : f32
    %broadcast_in_dim3A_1583 = vector.broadcast %broadcast_in_dim3A_1582 : f32 to vector<16xf32>
    %swap3A_1584 = arith.constant 24 : i32
    %swap3A_1585 = arith.index_cast %swap3A_1584 : i32 to index
    %swap3A_1586 = arith.constant 96 : index
    %swap3A_1587 = tpu.vector_load %arg10[%swap3A_1585, %swap3A_1586] {strides = array<i32>} : memref<40x128xf32, #tpu.memory_space<vmem>>, vector<1x16xf32>,
    %swap3A_1588 = vector.shape_cast %swap3A_1587 : vector<1x16xf32> to vector<16xf32>
    %swap3A_1589 = vector.shape_cast %broadcast_in_dim3A_1583 : vector<16xf32> to vector<1x16xf32>
    tpu.vector_store %arg10[%swap3A_1585, %swap3A_1586], %swap3A_1589 {strides = array<i32>} : memref<40x128xf32, #tpu.memory_space<vmem>>, vector<1x16xf32>,
    %broadcast_in_dim3A_1590 = arith.constant 0.000000e+00 : f32
    %broadcast_in_dim3A_1591 = vector.broadcast %broadcast_in_dim3A_1590 : f32 to vector<16xf32>
    %swap3A_1592 = arith.constant 24 : i32
    %swap3A_1593 = arith.index_cast %swap3A_1592 : i32 to index
    %swap3A_1594 = arith.constant 112 : index
    %swap3A_1595 = tpu.vector_load %arg10[%swap3A_1593, %swap3A_1594] {strides = array<i32>} : memref<40x128xf32, #tpu.memory_space<vmem>>, vector<1x16xf32>,
    %swap3A_1596 = vector.shape_cast %swap3A_1595 : vector<1x16xf32> to vector<16xf32>
    %swap3A_1597 = vector.shape_cast %broadcast_in_dim3A_1591 : vector<16xf32> to vector<1x16xf32>
    tpu.vector_store %arg10[%swap3A_1593, %swap3A_1594], %swap3A_1597 {strides = array<i32>} : memref<40x128xf32, #tpu.memory_space<vmem>>, vector<1x16xf32>,
    %broadcast_in_dim3A_1598 = arith.constant 0.000000e+00 : f32
    %broadcast_in_dim3A_1599 = vector.broadcast %broadcast_in_dim3A_1598 : f32 to vector<16xf32>
    %swap3A_1600 = arith.constant 25 : i32
    %swap3A_1601 = arith.index_cast %swap3A_1600 : i32 to index
    %swap3A_1602 = arith.constant 0 : index
    %swap3A_1603 = tpu.vector_load %arg10[%swap3A_1601, %swap3A_1602] {strides = array<i32>} : memref<40x128xf32, #tpu.memory_space<vmem>>, vector<1x16xf32>,
    %swap3A_1604 = vector.shape_cast %swap3A_1603 : vector<1x16xf32> to vector<16xf32>
    %swap3A_1605 = vector.shape_cast %broadcast_in_dim3A_1599 : vector<16xf32> to vector<1x16xf32>
    tpu.vector_store %arg10[%swap3A_1601, %swap3A_1602], %swap3A_1605 {strides = array<i32>} : memref<40x128xf32, #tpu.memory_space<vmem>>, vector<1x16xf32>,
    %broadcast_in_dim3A_1606 = arith.constant 0.000000e+00 : f32
    %broadcast_in_dim3A_1607 = vector.broadcast %broadcast_in_dim3A_1606 : f32 to vector<16xf32>
    %swap3A_1608 = arith.constant 25 : i32
    %swap3A_1609 = arith.index_cast %swap3A_1608 : i32 to index
    %swap3A_1610 = arith.constant 16 : index
    %swap3A_1611 = tpu.vector_load %arg10[%swap3A_1609, %swap3A_1610] {strides = array<i32>} : memref<40x128xf32, #tpu.memory_space<vmem>>, vector<1x16xf32>,
    %swap3A_1612 = vector.shape_cast %swap3A_1611 : vector<1x16xf32> to vector<16xf32>
    %swap3A_1613 = vector.shape_cast %broadcast_in_dim3A_1607 : vector<16xf32> to vector<1x16xf32>
    tpu.vector_store %arg10[%swap3A_1609, %swap3A_1610], %swap3A_1613 {strides = array<i32>} : memref<40x128xf32, #tpu.memory_space<vmem>>, vector<1x16xf32>,
    %broadcast_in_dim3A_1614 = arith.constant 0.000000e+00 : f32
    %broadcast_in_dim3A_1615 = vector.broadcast %broadcast_in_dim3A_1614 : f32 to vector<16xf32>
    %swap3A_1616 = arith.constant 25 : i32
    %swap3A_1617 = arith.index_cast %swap3A_1616 : i32 to index
    %swap3A_1618 = arith.constant 32 : index
    %swap3A_1619 = tpu.vector_load %arg10[%swap3A_1617, %swap3A_1618] {strides = array<i32>} : memref<40x128xf32, #tpu.memory_space<vmem>>, vector<1x16xf32>,
    %swap3A_1620 = vector.shape_cast %swap3A_1619 : vector<1x16xf32> to vector<16xf32>
    %swap3A_1621 = vector.shape_cast %broadcast_in_dim3A_1615 : vector<16xf32> to vector<1x16xf32>
    tpu.vector_store %arg10[%swap3A_1617, %swap3A_1618], %swap3A_1621 {strides = array<i32>} : memref<40x128xf32, #tpu.memory_space<vmem>>, vector<1x16xf32>,
    %broadcast_in_dim3A_1622 = arith.constant 0.000000e+00 : f32
    %broadcast_in_dim3A_1623 = vector.broadcast %broadcast_in_dim3A_1622 : f32 to vector<16xf32>
    %swap3A_1624 = arith.constant 25 : i32
    %swap3A_1625 = arith.index_cast %swap3A_1624 : i32 to index
    %swap3A_1626 = arith.constant 48 : index
    %swap3A_1627 = tpu.vector_load %arg10[%swap3A_1625, %swap3A_1626] {strides = array<i32>} : memref<40x128xf32, #tpu.memory_space<vmem>>, vector<1x16xf32>,
    %swap3A_1628 = vector.shape_cast %swap3A_1627 : vector<1x16xf32> to vector<16xf32>
    %swap3A_1629 = vector.shape_cast %broadcast_in_dim3A_1623 : vector<16xf32> to vector<1x16xf32>
    tpu.vector_store %arg10[%swap3A_1625, %swap3A_1626], %swap3A_1629 {strides = array<i32>} : memref<40x128xf32, #tpu.memory_space<vmem>>, vector<1x16xf32>,
    %broadcast_in_dim3A_1630 = arith.constant 0.000000e+00 : f32
    %broadcast_in_dim3A_1631 = vector.broadcast %broadcast_in_dim3A_1630 : f32 to vector<16xf32>
    %swap3A_1632 = arith.constant 25 : i32
    %swap3A_1633 = arith.index_cast %swap3A_1632 : i32 to index
    %swap3A_1634 = arith.constant 64 : index
    %swap3A_1635 = tpu.vector_load %arg10[%swap3A_1633, %swap3A_1634] {strides = array<i32>} : memref<40x128xf32, #tpu.memory_space<vmem>>, vector<1x16xf32>,
    %swap3A_1636 = vector.shape_cast %swap3A_1635 : vector<1x16xf32> to vector<16xf32>
    %swap3A_1637 = vector.shape_cast %broadcast_in_dim3A_1631 : vector<16xf32> to vector<1x16xf32>
    tpu.vector_store %arg10[%swap3A_1633, %swap3A_1634], %swap3A_1637 {strides = array<i32>} : memref<40x128xf32, #tpu.memory_space<vmem>>, vector<1x16xf32>,
    %broadcast_in_dim3A_1638 = arith.constant 0.000000e+00 : f32
    %broadcast_in_dim3A_1639 = vector.broadcast %broadcast_in_dim3A_1638 : f32 to vector<16xf32>
    %swap3A_1640 = arith.constant 25 : i32
    %swap3A_1641 = arith.index_cast %swap3A_1640 : i32 to index
    %swap3A_1642 = arith.constant 80 : index
    %swap3A_1643 = tpu.vector_load %arg10[%swap3A_1641, %swap3A_1642] {strides = array<i32>} : memref<40x128xf32, #tpu.memory_space<vmem>>, vector<1x16xf32>,
    %swap3A_1644 = vector.shape_cast %swap3A_1643 : vector<1x16xf32> to vector<16xf32>
    %swap3A_1645 = vector.shape_cast %broadcast_in_dim3A_1639 : vector<16xf32> to vector<1x16xf32>
    tpu.vector_store %arg10[%swap3A_1641, %swap3A_1642], %swap3A_1645 {strides = array<i32>} : memref<40x128xf32, #tpu.memory_space<vmem>>, vector<1x16xf32>,
    %broadcast_in_dim3A_1646 = arith.constant 0.000000e+00 : f32
    %broadcast_in_dim3A_1647 = vector.broadcast %broadcast_in_dim3A_1646 : f32 to vector<16xf32>
    %swap3A_1648 = arith.constant 25 : i32
    %swap3A_1649 = arith.index_cast %swap3A_1648 : i32 to index
    %swap3A_1650 = arith.constant 96 : index
    %swap3A_1651 = tpu.vector_load %arg10[%swap3A_1649, %swap3A_1650] {strides = array<i32>} : memref<40x128xf32, #tpu.memory_space<vmem>>, vector<1x16xf32>,
    %swap3A_1652 = vector.shape_cast %swap3A_1651 : vector<1x16xf32> to vector<16xf32>
    %swap3A_1653 = vector.shape_cast %broadcast_in_dim3A_1647 : vector<16xf32> to vector<1x16xf32>
    tpu.vector_store %arg10[%swap3A_1649, %swap3A_1650], %swap3A_1653 {strides = array<i32>} : memref<40x128xf32, #tpu.memory_space<vmem>>, vector<1x16xf32>,
    %broadcast_in_dim3A_1654 = arith.constant 0.000000e+00 : f32
    %broadcast_in_dim3A_1655 = vector.broadcast %broadcast_in_dim3A_1654 : f32 to vector<16xf32>
    %swap3A_1656 = arith.constant 25 : i32
    %swap3A_1657 = arith.index_cast %swap3A_1656 : i32 to index
    %swap3A_1658 = arith.constant 112 : index
    %swap3A_1659 = tpu.vector_load %arg10[%swap3A_1657, %swap3A_1658] {strides = array<i32>} : memref<40x128xf32, #tpu.memory_space<vmem>>, vector<1x16xf32>,
    %swap3A_1660 = vector.shape_cast %swap3A_1659 : vector<1x16xf32> to vector<16xf32>
    %swap3A_1661 = vector.shape_cast %broadcast_in_dim3A_1655 : vector<16xf32> to vector<1x16xf32>
    tpu.vector_store %arg10[%swap3A_1657, %swap3A_1658], %swap3A_1661 {strides = array<i32>} : memref<40x128xf32, #tpu.memory_space<vmem>>, vector<1x16xf32>,
    %broadcast_in_dim3A_1662 = arith.constant 0.000000e+00 : f32
    %broadcast_in_dim3A_1663 = vector.broadcast %broadcast_in_dim3A_1662 : f32 to vector<16xf32>
    %swap3A_1664 = arith.constant 26 : i32
    %swap3A_1665 = arith.index_cast %swap3A_1664 : i32 to index
    %swap3A_1666 = arith.constant 0 : index
    %swap3A_1667 = tpu.vector_load %arg10[%swap3A_1665, %swap3A_1666] {strides = array<i32>} : memref<40x128xf32, #tpu.memory_space<vmem>>, vector<1x16xf32>,
    %swap3A_1668 = vector.shape_cast %swap3A_1667 : vector<1x16xf32> to vector<16xf32>
    %swap3A_1669 = vector.shape_cast %broadcast_in_dim3A_1663 : vector<16xf32> to vector<1x16xf32>
    tpu.vector_store %arg10[%swap3A_1665, %swap3A_1666], %swap3A_1669 {strides = array<i32>} : memref<40x128xf32, #tpu.memory_space<vmem>>, vector<1x16xf32>,
    %broadcast_in_dim3A_1670 = arith.constant 0.000000e+00 : f32
    %broadcast_in_dim3A_1671 = vector.broadcast %broadcast_in_dim3A_1670 : f32 to vector<16xf32>
    %swap3A_1672 = arith.constant 26 : i32
    %swap3A_1673 = arith.index_cast %swap3A_1672 : i32 to index
    %swap3A_1674 = arith.constant 16 : index
    %swap3A_1675 = tpu.vector_load %arg10[%swap3A_1673, %swap3A_1674] {strides = array<i32>} : memref<40x128xf32, #tpu.memory_space<vmem>>, vector<1x16xf32>,
    %swap3A_1676 = vector.shape_cast %swap3A_1675 : vector<1x16xf32> to vector<16xf32>
    %swap3A_1677 = vector.shape_cast %broadcast_in_dim3A_1671 : vector<16xf32> to vector<1x16xf32>
    tpu.vector_store %arg10[%swap3A_1673, %swap3A_1674], %swap3A_1677 {strides = array<i32>} : memref<40x128xf32, #tpu.memory_space<vmem>>, vector<1x16xf32>,
    %broadcast_in_dim3A_1678 = arith.constant 0.000000e+00 : f32
    %broadcast_in_dim3A_1679 = vector.broadcast %broadcast_in_dim3A_1678 : f32 to vector<16xf32>
    %swap3A_1680 = arith.constant 26 : i32
    %swap3A_1681 = arith.index_cast %swap3A_1680 : i32 to index
    %swap3A_1682 = arith.constant 32 : index
    %swap3A_1683 = tpu.vector_load %arg10[%swap3A_1681, %swap3A_1682] {strides = array<i32>} : memref<40x128xf32, #tpu.memory_space<vmem>>, vector<1x16xf32>,
    %swap3A_1684 = vector.shape_cast %swap3A_1683 : vector<1x16xf32> to vector<16xf32>
    %swap3A_1685 = vector.shape_cast %broadcast_in_dim3A_1679 : vector<16xf32> to vector<1x16xf32>
    tpu.vector_store %arg10[%swap3A_1681, %swap3A_1682], %swap3A_1685 {strides = array<i32>} : memref<40x128xf32, #tpu.memory_space<vmem>>, vector<1x16xf32>,
    %broadcast_in_dim3A_1686 = arith.constant 0.000000e+00 : f32
    %broadcast_in_dim3A_1687 = vector.broadcast %broadcast_in_dim3A_1686 : f32 to vector<16xf32>
    %swap3A_1688 = arith.constant 26 : i32
    %swap3A_1689 = arith.index_cast %swap3A_1688 : i32 to index
    %swap3A_1690 = arith.constant 48 : index
    %swap3A_1691 = tpu.vector_load %arg10[%swap3A_1689, %swap3A_1690] {strides = array<i32>} : memref<40x128xf32, #tpu.memory_space<vmem>>, vector<1x16xf32>,
    %swap3A_1692 = vector.shape_cast %swap3A_1691 : vector<1x16xf32> to vector<16xf32>
    %swap3A_1693 = vector.shape_cast %broadcast_in_dim3A_1687 : vector<16xf32> to vector<1x16xf32>
    tpu.vector_store %arg10[%swap3A_1689, %swap3A_1690], %swap3A_1693 {strides = array<i32>} : memref<40x128xf32, #tpu.memory_space<vmem>>, vector<1x16xf32>,
    %broadcast_in_dim3A_1694 = arith.constant 0.000000e+00 : f32
    %broadcast_in_dim3A_1695 = vector.broadcast %broadcast_in_dim3A_1694 : f32 to vector<16xf32>
    %swap3A_1696 = arith.constant 26 : i32
    %swap3A_1697 = arith.index_cast %swap3A_1696 : i32 to index
    %swap3A_1698 = arith.constant 64 : index
    %swap3A_1699 = tpu.vector_load %arg10[%swap3A_1697, %swap3A_1698] {strides = array<i32>} : memref<40x128xf32, #tpu.memory_space<vmem>>, vector<1x16xf32>,
    %swap3A_1700 = vector.shape_cast %swap3A_1699 : vector<1x16xf32> to vector<16xf32>
    %swap3A_1701 = vector.shape_cast %broadcast_in_dim3A_1695 : vector<16xf32> to vector<1x16xf32>
    tpu.vector_store %arg10[%swap3A_1697, %swap3A_1698], %swap3A_1701 {strides = array<i32>} : memref<40x128xf32, #tpu.memory_space<vmem>>, vector<1x16xf32>,
    %broadcast_in_dim3A_1702 = arith.constant 0.000000e+00 : f32
    %broadcast_in_dim3A_1703 = vector.broadcast %broadcast_in_dim3A_1702 : f32 to vector<16xf32>
    %swap3A_1704 = arith.constant 26 : i32
    %swap3A_1705 = arith.index_cast %swap3A_1704 : i32 to index
    %swap3A_1706 = arith.constant 80 : index
    %swap3A_1707 = tpu.vector_load %arg10[%swap3A_1705, %swap3A_1706] {strides = array<i32>} : memref<40x128xf32, #tpu.memory_space<vmem>>, vector<1x16xf32>,
    %swap3A_1708 = vector.shape_cast %swap3A_1707 : vector<1x16xf32> to vector<16xf32>
    %swap3A_1709 = vector.shape_cast %broadcast_in_dim3A_1703 : vector<16xf32> to vector<1x16xf32>
    tpu.vector_store %arg10[%swap3A_1705, %swap3A_1706], %swap3A_1709 {strides = array<i32>} : memref<40x128xf32, #tpu.memory_space<vmem>>, vector<1x16xf32>,
    %broadcast_in_dim3A_1710 = arith.constant 0.000000e+00 : f32
    %broadcast_in_dim3A_1711 = vector.broadcast %broadcast_in_dim3A_1710 : f32 to vector<16xf32>
    %swap3A_1712 = arith.constant 26 : i32
    %swap3A_1713 = arith.index_cast %swap3A_1712 : i32 to index
    %swap3A_1714 = arith.constant 96 : index
    %swap3A_1715 = tpu.vector_load %arg10[%swap3A_1713, %swap3A_1714] {strides = array<i32>} : memref<40x128xf32, #tpu.memory_space<vmem>>, vector<1x16xf32>,
    %swap3A_1716 = vector.shape_cast %swap3A_1715 : vector<1x16xf32> to vector<16xf32>
    %swap3A_1717 = vector.shape_cast %broadcast_in_dim3A_1711 : vector<16xf32> to vector<1x16xf32>
    tpu.vector_store %arg10[%swap3A_1713, %swap3A_1714], %swap3A_1717 {strides = array<i32>} : memref<40x128xf32, #tpu.memory_space<vmem>>, vector<1x16xf32>,
    %broadcast_in_dim3A_1718 = arith.constant 0.000000e+00 : f32
    %broadcast_in_dim3A_1719 = vector.broadcast %broadcast_in_dim3A_1718 : f32 to vector<16xf32>
    %swap3A_1720 = arith.constant 26 : i32
    %swap3A_1721 = arith.index_cast %swap3A_1720 : i32 to index
    %swap3A_1722 = arith.constant 112 : index
    %swap3A_1723 = tpu.vector_load %arg10[%swap3A_1721, %swap3A_1722] {strides = array<i32>} : memref<40x128xf32, #tpu.memory_space<vmem>>, vector<1x16xf32>,
    %swap3A_1724 = vector.shape_cast %swap3A_1723 : vector<1x16xf32> to vector<16xf32>
    %swap3A_1725 = vector.shape_cast %broadcast_in_dim3A_1719 : vector<16xf32> to vector<1x16xf32>
    tpu.vector_store %arg10[%swap3A_1721, %swap3A_1722], %swap3A_1725 {strides = array<i32>} : memref<40x128xf32, #tpu.memory_space<vmem>>, vector<1x16xf32>,
    %broadcast_in_dim3A_1726 = arith.constant 0.000000e+00 : f32
    %broadcast_in_dim3A_1727 = vector.broadcast %broadcast_in_dim3A_1726 : f32 to vector<16xf32>
    %swap3A_1728 = arith.constant 27 : i32
    %swap3A_1729 = arith.index_cast %swap3A_1728 : i32 to index
    %swap3A_1730 = arith.constant 0 : index
    %swap3A_1731 = tpu.vector_load %arg10[%swap3A_1729, %swap3A_1730] {strides = array<i32>} : memref<40x128xf32, #tpu.memory_space<vmem>>, vector<1x16xf32>,
    %swap3A_1732 = vector.shape_cast %swap3A_1731 : vector<1x16xf32> to vector<16xf32>
    %swap3A_1733 = vector.shape_cast %broadcast_in_dim3A_1727 : vector<16xf32> to vector<1x16xf32>
    tpu.vector_store %arg10[%swap3A_1729, %swap3A_1730], %swap3A_1733 {strides = array<i32>} : memref<40x128xf32, #tpu.memory_space<vmem>>, vector<1x16xf32>,
    %broadcast_in_dim3A_1734 = arith.constant 0.000000e+00 : f32
    %broadcast_in_dim3A_1735 = vector.broadcast %broadcast_in_dim3A_1734 : f32 to vector<16xf32>
    %swap3A_1736 = arith.constant 27 : i32
    %swap3A_1737 = arith.index_cast %swap3A_1736 : i32 to index
    %swap3A_1738 = arith.constant 16 : index
    %swap3A_1739 = tpu.vector_load %arg10[%swap3A_1737, %swap3A_1738] {strides = array<i32>} : memref<40x128xf32, #tpu.memory_space<vmem>>, vector<1x16xf32>,
    %swap3A_1740 = vector.shape_cast %swap3A_1739 : vector<1x16xf32> to vector<16xf32>
    %swap3A_1741 = vector.shape_cast %broadcast_in_dim3A_1735 : vector<16xf32> to vector<1x16xf32>
    tpu.vector_store %arg10[%swap3A_1737, %swap3A_1738], %swap3A_1741 {strides = array<i32>} : memref<40x128xf32, #tpu.memory_space<vmem>>, vector<1x16xf32>,
    %broadcast_in_dim3A_1742 = arith.constant 0.000000e+00 : f32
    %broadcast_in_dim3A_1743 = vector.broadcast %broadcast_in_dim3A_1742 : f32 to vector<16xf32>
    %swap3A_1744 = arith.constant 27 : i32
    %swap3A_1745 = arith.index_cast %swap3A_1744 : i32 to index
    %swap3A_1746 = arith.constant 32 : index
    %swap3A_1747 = tpu.vector_load %arg10[%swap3A_1745, %swap3A_1746] {strides = array<i32>} : memref<40x128xf32, #tpu.memory_space<vmem>>, vector<1x16xf32>,
    %swap3A_1748 = vector.shape_cast %swap3A_1747 : vector<1x16xf32> to vector<16xf32>
    %swap3A_1749 = vector.shape_cast %broadcast_in_dim3A_1743 : vector<16xf32> to vector<1x16xf32>
    tpu.vector_store %arg10[%swap3A_1745, %swap3A_1746], %swap3A_1749 {strides = array<i32>} : memref<40x128xf32, #tpu.memory_space<vmem>>, vector<1x16xf32>,
    %broadcast_in_dim3A_1750 = arith.constant 0.000000e+00 : f32
    %broadcast_in_dim3A_1751 = vector.broadcast %broadcast_in_dim3A_1750 : f32 to vector<16xf32>
    %swap3A_1752 = arith.constant 27 : i32
    %swap3A_1753 = arith.index_cast %swap3A_1752 : i32 to index
    %swap3A_1754 = arith.constant 48 : index
    %swap3A_1755 = tpu.vector_load %arg10[%swap3A_1753, %swap3A_1754] {strides = array<i32>} : memref<40x128xf32, #tpu.memory_space<vmem>>, vector<1x16xf32>,
    %swap3A_1756 = vector.shape_cast %swap3A_1755 : vector<1x16xf32> to vector<16xf32>
    %swap3A_1757 = vector.shape_cast %broadcast_in_dim3A_1751 : vector<16xf32> to vector<1x16xf32>
    tpu.vector_store %arg10[%swap3A_1753, %swap3A_1754], %swap3A_1757 {strides = array<i32>} : memref<40x128xf32, #tpu.memory_space<vmem>>, vector<1x16xf32>,
    %broadcast_in_dim3A_1758 = arith.constant 0.000000e+00 : f32
    %broadcast_in_dim3A_1759 = vector.broadcast %broadcast_in_dim3A_1758 : f32 to vector<16xf32>
    %swap3A_1760 = arith.constant 27 : i32
    %swap3A_1761 = arith.index_cast %swap3A_1760 : i32 to index
    %swap3A_1762 = arith.constant 64 : index
    %swap3A_1763 = tpu.vector_load %arg10[%swap3A_1761, %swap3A_1762] {strides = array<i32>} : memref<40x128xf32, #tpu.memory_space<vmem>>, vector<1x16xf32>,
    %swap3A_1764 = vector.shape_cast %swap3A_1763 : vector<1x16xf32> to vector<16xf32>
    %swap3A_1765 = vector.shape_cast %broadcast_in_dim3A_1759 : vector<16xf32> to vector<1x16xf32>
    tpu.vector_store %arg10[%swap3A_1761, %swap3A_1762], %swap3A_1765 {strides = array<i32>} : memref<40x128xf32, #tpu.memory_space<vmem>>, vector<1x16xf32>,
    %broadcast_in_dim3A_1766 = arith.constant 0.000000e+00 : f32
    %broadcast_in_dim3A_1767 = vector.broadcast %broadcast_in_dim3A_1766 : f32 to vector<16xf32>
    %swap3A_1768 = arith.constant 27 : i32
    %swap3A_1769 = arith.index_cast %swap3A_1768 : i32 to index
    %swap3A_1770 = arith.constant 80 : index
    %swap3A_1771 = tpu.vector_load %arg10[%swap3A_1769, %swap3A_1770] {strides = array<i32>} : memref<40x128xf32, #tpu.memory_space<vmem>>, vector<1x16xf32>,
    %swap3A_1772 = vector.shape_cast %swap3A_1771 : vector<1x16xf32> to vector<16xf32>
    %swap3A_1773 = vector.shape_cast %broadcast_in_dim3A_1767 : vector<16xf32> to vector<1x16xf32>
    tpu.vector_store %arg10[%swap3A_1769, %swap3A_1770], %swap3A_1773 {strides = array<i32>} : memref<40x128xf32, #tpu.memory_space<vmem>>, vector<1x16xf32>,
    %broadcast_in_dim3A_1774 = arith.constant 0.000000e+00 : f32
    %broadcast_in_dim3A_1775 = vector.broadcast %broadcast_in_dim3A_1774 : f32 to vector<16xf32>
    %swap3A_1776 = arith.constant 27 : i32
    %swap3A_1777 = arith.index_cast %swap3A_1776 : i32 to index
    %swap3A_1778 = arith.constant 96 : index
    %swap3A_1779 = tpu.vector_load %arg10[%swap3A_1777, %swap3A_1778] {strides = array<i32>} : memref<40x128xf32, #tpu.memory_space<vmem>>, vector<1x16xf32>,
    %swap3A_1780 = vector.shape_cast %swap3A_1779 : vector<1x16xf32> to vector<16xf32>
    %swap3A_1781 = vector.shape_cast %broadcast_in_dim3A_1775 : vector<16xf32> to vector<1x16xf32>
    tpu.vector_store %arg10[%swap3A_1777, %swap3A_1778], %swap3A_1781 {strides = array<i32>} : memref<40x128xf32, #tpu.memory_space<vmem>>, vector<1x16xf32>,
    %broadcast_in_dim3A_1782 = arith.constant 0.000000e+00 : f32
    %broadcast_in_dim3A_1783 = vector.broadcast %broadcast_in_dim3A_1782 : f32 to vector<16xf32>
    %swap3A_1784 = arith.constant 27 : i32
    %swap3A_1785 = arith.index_cast %swap3A_1784 : i32 to index
    %swap3A_1786 = arith.constant 112 : index
    %swap3A_1787 = tpu.vector_load %arg10[%swap3A_1785, %swap3A_1786] {strides = array<i32>} : memref<40x128xf32, #tpu.memory_space<vmem>>, vector<1x16xf32>,
    %swap3A_1788 = vector.shape_cast %swap3A_1787 : vector<1x16xf32> to vector<16xf32>
    %swap3A_1789 = vector.shape_cast %broadcast_in_dim3A_1783 : vector<16xf32> to vector<1x16xf32>
    tpu.vector_store %arg10[%swap3A_1785, %swap3A_1786], %swap3A_1789 {strides = array<i32>} : memref<40x128xf32, #tpu.memory_space<vmem>>, vector<1x16xf32>,
    %broadcast_in_dim3A_1790 = arith.constant 0.000000e+00 : f32
    %broadcast_in_dim3A_1791 = vector.broadcast %broadcast_in_dim3A_1790 : f32 to vector<16xf32>
    %swap3A_1792 = arith.constant 28 : i32
    %swap3A_1793 = arith.index_cast %swap3A_1792 : i32 to index
    %swap3A_1794 = arith.constant 0 : index
    %swap3A_1795 = tpu.vector_load %arg10[%swap3A_1793, %swap3A_1794] {strides = array<i32>} : memref<40x128xf32, #tpu.memory_space<vmem>>, vector<1x16xf32>,
    %swap3A_1796 = vector.shape_cast %swap3A_1795 : vector<1x16xf32> to vector<16xf32>
    %swap3A_1797 = vector.shape_cast %broadcast_in_dim3A_1791 : vector<16xf32> to vector<1x16xf32>
    tpu.vector_store %arg10[%swap3A_1793, %swap3A_1794], %swap3A_1797 {strides = array<i32>} : memref<40x128xf32, #tpu.memory_space<vmem>>, vector<1x16xf32>,
    %broadcast_in_dim3A_1798 = arith.constant 0.000000e+00 : f32
    %broadcast_in_dim3A_1799 = vector.broadcast %broadcast_in_dim3A_1798 : f32 to vector<16xf32>
    %swap3A_1800 = arith.constant 28 : i32
    %swap3A_1801 = arith.index_cast %swap3A_1800 : i32 to index
    %swap3A_1802 = arith.constant 16 : index
    %swap3A_1803 = tpu.vector_load %arg10[%swap3A_1801, %swap3A_1802] {strides = array<i32>} : memref<40x128xf32, #tpu.memory_space<vmem>>, vector<1x16xf32>,
    %swap3A_1804 = vector.shape_cast %swap3A_1803 : vector<1x16xf32> to vector<16xf32>
    %swap3A_1805 = vector.shape_cast %broadcast_in_dim3A_1799 : vector<16xf32> to vector<1x16xf32>
    tpu.vector_store %arg10[%swap3A_1801, %swap3A_1802], %swap3A_1805 {strides = array<i32>} : memref<40x128xf32, #tpu.memory_space<vmem>>, vector<1x16xf32>,
    %broadcast_in_dim3A_1806 = arith.constant 0.000000e+00 : f32
    %broadcast_in_dim3A_1807 = vector.broadcast %broadcast_in_dim3A_1806 : f32 to vector<16xf32>
    %swap3A_1808 = arith.constant 28 : i32
    %swap3A_1809 = arith.index_cast %swap3A_1808 : i32 to index
    %swap3A_1810 = arith.constant 32 : index
    %swap3A_1811 = tpu.vector_load %arg10[%swap3A_1809, %swap3A_1810] {strides = array<i32>} : memref<40x128xf32, #tpu.memory_space<vmem>>, vector<1x16xf32>,
    %swap3A_1812 = vector.shape_cast %swap3A_1811 : vector<1x16xf32> to vector<16xf32>
    %swap3A_1813 = vector.shape_cast %broadcast_in_dim3A_1807 : vector<16xf32> to vector<1x16xf32>
    tpu.vector_store %arg10[%swap3A_1809, %swap3A_1810], %swap3A_1813 {strides = array<i32>} : memref<40x128xf32, #tpu.memory_space<vmem>>, vector<1x16xf32>,
    %broadcast_in_dim3A_1814 = arith.constant 0.000000e+00 : f32
    %broadcast_in_dim3A_1815 = vector.broadcast %broadcast_in_dim3A_1814 : f32 to vector<16xf32>
    %swap3A_1816 = arith.constant 28 : i32
    %swap3A_1817 = arith.index_cast %swap3A_1816 : i32 to index
    %swap3A_1818 = arith.constant 48 : index
    %swap3A_1819 = tpu.vector_load %arg10[%swap3A_1817, %swap3A_1818] {strides = array<i32>} : memref<40x128xf32, #tpu.memory_space<vmem>>, vector<1x16xf32>,
    %swap3A_1820 = vector.shape_cast %swap3A_1819 : vector<1x16xf32> to vector<16xf32>
    %swap3A_1821 = vector.shape_cast %broadcast_in_dim3A_1815 : vector<16xf32> to vector<1x16xf32>
    tpu.vector_store %arg10[%swap3A_1817, %swap3A_1818], %swap3A_1821 {strides = array<i32>} : memref<40x128xf32, #tpu.memory_space<vmem>>, vector<1x16xf32>,
    %broadcast_in_dim3A_1822 = arith.constant 0.000000e+00 : f32
    %broadcast_in_dim3A_1823 = vector.broadcast %broadcast_in_dim3A_1822 : f32 to vector<16xf32>
    %swap3A_1824 = arith.constant 28 : i32
    %swap3A_1825 = arith.index_cast %swap3A_1824 : i32 to index
    %swap3A_1826 = arith.constant 64 : index
    %swap3A_1827 = tpu.vector_load %arg10[%swap3A_1825, %swap3A_1826] {strides = array<i32>} : memref<40x128xf32, #tpu.memory_space<vmem>>, vector<1x16xf32>,
    %swap3A_1828 = vector.shape_cast %swap3A_1827 : vector<1x16xf32> to vector<16xf32>
    %swap3A_1829 = vector.shape_cast %broadcast_in_dim3A_1823 : vector<16xf32> to vector<1x16xf32>
    tpu.vector_store %arg10[%swap3A_1825, %swap3A_1826], %swap3A_1829 {strides = array<i32>} : memref<40x128xf32, #tpu.memory_space<vmem>>, vector<1x16xf32>,
    %broadcast_in_dim3A_1830 = arith.constant 0.000000e+00 : f32
    %broadcast_in_dim3A_1831 = vector.broadcast %broadcast_in_dim3A_1830 : f32 to vector<16xf32>
    %swap3A_1832 = arith.constant 28 : i32
    %swap3A_1833 = arith.index_cast %swap3A_1832 : i32 to index
    %swap3A_1834 = arith.constant 80 : index
    %swap3A_1835 = tpu.vector_load %arg10[%swap3A_1833, %swap3A_1834] {strides = array<i32>} : memref<40x128xf32, #tpu.memory_space<vmem>>, vector<1x16xf32>,
    %swap3A_1836 = vector.shape_cast %swap3A_1835 : vector<1x16xf32> to vector<16xf32>
    %swap3A_1837 = vector.shape_cast %broadcast_in_dim3A_1831 : vector<16xf32> to vector<1x16xf32>
    tpu.vector_store %arg10[%swap3A_1833, %swap3A_1834], %swap3A_1837 {strides = array<i32>} : memref<40x128xf32, #tpu.memory_space<vmem>>, vector<1x16xf32>,
    %broadcast_in_dim3A_1838 = arith.constant 0.000000e+00 : f32
    %broadcast_in_dim3A_1839 = vector.broadcast %broadcast_in_dim3A_1838 : f32 to vector<16xf32>
    %swap3A_1840 = arith.constant 28 : i32
    %swap3A_1841 = arith.index_cast %swap3A_1840 : i32 to index
    %swap3A_1842 = arith.constant 96 : index
    %swap3A_1843 = tpu.vector_load %arg10[%swap3A_1841, %swap3A_1842] {strides = array<i32>} : memref<40x128xf32, #tpu.memory_space<vmem>>, vector<1x16xf32>,
    %swap3A_1844 = vector.shape_cast %swap3A_1843 : vector<1x16xf32> to vector<16xf32>
    %swap3A_1845 = vector.shape_cast %broadcast_in_dim3A_1839 : vector<16xf32> to vector<1x16xf32>
    tpu.vector_store %arg10[%swap3A_1841, %swap3A_1842], %swap3A_1845 {strides = array<i32>} : memref<40x128xf32, #tpu.memory_space<vmem>>, vector<1x16xf32>,
    %broadcast_in_dim3A_1846 = arith.constant 0.000000e+00 : f32
    %broadcast_in_dim3A_1847 = vector.broadcast %broadcast_in_dim3A_1846 : f32 to vector<16xf32>
    %swap3A_1848 = arith.constant 28 : i32
    %swap3A_1849 = arith.index_cast %swap3A_1848 : i32 to index
    %swap3A_1850 = arith.constant 112 : index
    %swap3A_1851 = tpu.vector_load %arg10[%swap3A_1849, %swap3A_1850] {strides = array<i32>} : memref<40x128xf32, #tpu.memory_space<vmem>>, vector<1x16xf32>,
    %swap3A_1852 = vector.shape_cast %swap3A_1851 : vector<1x16xf32> to vector<16xf32>
    %swap3A_1853 = vector.shape_cast %broadcast_in_dim3A_1847 : vector<16xf32> to vector<1x16xf32>
    tpu.vector_store %arg10[%swap3A_1849, %swap3A_1850], %swap3A_1853 {strides = array<i32>} : memref<40x128xf32, #tpu.memory_space<vmem>>, vector<1x16xf32>,
    %broadcast_in_dim3A_1854 = arith.constant 0.000000e+00 : f32
    %broadcast_in_dim3A_1855 = vector.broadcast %broadcast_in_dim3A_1854 : f32 to vector<16xf32>
    %swap3A_1856 = arith.constant 29 : i32
    %swap3A_1857 = arith.index_cast %swap3A_1856 : i32 to index
    %swap3A_1858 = arith.constant 0 : index
    %swap3A_1859 = tpu.vector_load %arg10[%swap3A_1857, %swap3A_1858] {strides = array<i32>} : memref<40x128xf32, #tpu.memory_space<vmem>>, vector<1x16xf32>,
    %swap3A_1860 = vector.shape_cast %swap3A_1859 : vector<1x16xf32> to vector<16xf32>
    %swap3A_1861 = vector.shape_cast %broadcast_in_dim3A_1855 : vector<16xf32> to vector<1x16xf32>
    tpu.vector_store %arg10[%swap3A_1857, %swap3A_1858], %swap3A_1861 {strides = array<i32>} : memref<40x128xf32, #tpu.memory_space<vmem>>, vector<1x16xf32>,
    %broadcast_in_dim3A_1862 = arith.constant 0.000000e+00 : f32
    %broadcast_in_dim3A_1863 = vector.broadcast %broadcast_in_dim3A_1862 : f32 to vector<16xf32>
    %swap3A_1864 = arith.constant 29 : i32
    %swap3A_1865 = arith.index_cast %swap3A_1864 : i32 to index
    %swap3A_1866 = arith.constant 16 : index
    %swap3A_1867 = tpu.vector_load %arg10[%swap3A_1865, %swap3A_1866] {strides = array<i32>} : memref<40x128xf32, #tpu.memory_space<vmem>>, vector<1x16xf32>,
    %swap3A_1868 = vector.shape_cast %swap3A_1867 : vector<1x16xf32> to vector<16xf32>
    %swap3A_1869 = vector.shape_cast %broadcast_in_dim3A_1863 : vector<16xf32> to vector<1x16xf32>
    tpu.vector_store %arg10[%swap3A_1865, %swap3A_1866], %swap3A_1869 {strides = array<i32>} : memref<40x128xf32, #tpu.memory_space<vmem>>, vector<1x16xf32>,
    %broadcast_in_dim3A_1870 = arith.constant 0.000000e+00 : f32
    %broadcast_in_dim3A_1871 = vector.broadcast %broadcast_in_dim3A_1870 : f32 to vector<16xf32>
    %swap3A_1872 = arith.constant 29 : i32
    %swap3A_1873 = arith.index_cast %swap3A_1872 : i32 to index
    %swap3A_1874 = arith.constant 32 : index
    %swap3A_1875 = tpu.vector_load %arg10[%swap3A_1873, %swap3A_1874] {strides = array<i32>} : memref<40x128xf32, #tpu.memory_space<vmem>>, vector<1x16xf32>,
    %swap3A_1876 = vector.shape_cast %swap3A_1875 : vector<1x16xf32> to vector<16xf32>
    %swap3A_1877 = vector.shape_cast %broadcast_in_dim3A_1871 : vector<16xf32> to vector<1x16xf32>
    tpu.vector_store %arg10[%swap3A_1873, %swap3A_1874], %swap3A_1877 {strides = array<i32>} : memref<40x128xf32, #tpu.memory_space<vmem>>, vector<1x16xf32>,
    %broadcast_in_dim3A_1878 = arith.constant 0.000000e+00 : f32
    %broadcast_in_dim3A_1879 = vector.broadcast %broadcast_in_dim3A_1878 : f32 to vector<16xf32>
    %swap3A_1880 = arith.constant 29 : i32
    %swap3A_1881 = arith.index_cast %swap3A_1880 : i32 to index
    %swap3A_1882 = arith.constant 48 : index
    %swap3A_1883 = tpu.vector_load %arg10[%swap3A_1881, %swap3A_1882] {strides = array<i32>} : memref<40x128xf32, #tpu.memory_space<vmem>>, vector<1x16xf32>,
    %swap3A_1884 = vector.shape_cast %swap3A_1883 : vector<1x16xf32> to vector<16xf32>
    %swap3A_1885 = vector.shape_cast %broadcast_in_dim3A_1879 : vector<16xf32> to vector<1x16xf32>
    tpu.vector_store %arg10[%swap3A_1881, %swap3A_1882], %swap3A_1885 {strides = array<i32>} : memref<40x128xf32, #tpu.memory_space<vmem>>, vector<1x16xf32>,
    %broadcast_in_dim3A_1886 = arith.constant 0.000000e+00 : f32
    %broadcast_in_dim3A_1887 = vector.broadcast %broadcast_in_dim3A_1886 : f32 to vector<16xf32>
    %swap3A_1888 = arith.constant 29 : i32
    %swap3A_1889 = arith.index_cast %swap3A_1888 : i32 to index
    %swap3A_1890 = arith.constant 64 : index
    %swap3A_1891 = tpu.vector_load %arg10[%swap3A_1889, %swap3A_1890] {strides = array<i32>} : memref<40x128xf32, #tpu.memory_space<vmem>>, vector<1x16xf32>,
    %swap3A_1892 = vector.shape_cast %swap3A_1891 : vector<1x16xf32> to vector<16xf32>
    %swap3A_1893 = vector.shape_cast %broadcast_in_dim3A_1887 : vector<16xf32> to vector<1x16xf32>
    tpu.vector_store %arg10[%swap3A_1889, %swap3A_1890], %swap3A_1893 {strides = array<i32>} : memref<40x128xf32, #tpu.memory_space<vmem>>, vector<1x16xf32>,
    %broadcast_in_dim3A_1894 = arith.constant 0.000000e+00 : f32
    %broadcast_in_dim3A_1895 = vector.broadcast %broadcast_in_dim3A_1894 : f32 to vector<16xf32>
    %swap3A_1896 = arith.constant 29 : i32
    %swap3A_1897 = arith.index_cast %swap3A_1896 : i32 to index
    %swap3A_1898 = arith.constant 80 : index
    %swap3A_1899 = tpu.vector_load %arg10[%swap3A_1897, %swap3A_1898] {strides = array<i32>} : memref<40x128xf32, #tpu.memory_space<vmem>>, vector<1x16xf32>,
    %swap3A_1900 = vector.shape_cast %swap3A_1899 : vector<1x16xf32> to vector<16xf32>
    %swap3A_1901 = vector.shape_cast %broadcast_in_dim3A_1895 : vector<16xf32> to vector<1x16xf32>
    tpu.vector_store %arg10[%swap3A_1897, %swap3A_1898], %swap3A_1901 {strides = array<i32>} : memref<40x128xf32, #tpu.memory_space<vmem>>, vector<1x16xf32>,
    %broadcast_in_dim3A_1902 = arith.constant 0.000000e+00 : f32
    %broadcast_in_dim3A_1903 = vector.broadcast %broadcast_in_dim3A_1902 : f32 to vector<16xf32>
    %swap3A_1904 = arith.constant 29 : i32
    %swap3A_1905 = arith.index_cast %swap3A_1904 : i32 to index
    %swap3A_1906 = arith.constant 96 : index
    %swap3A_1907 = tpu.vector_load %arg10[%swap3A_1905, %swap3A_1906] {strides = array<i32>} : memref<40x128xf32, #tpu.memory_space<vmem>>, vector<1x16xf32>,
    %swap3A_1908 = vector.shape_cast %swap3A_1907 : vector<1x16xf32> to vector<16xf32>
    %swap3A_1909 = vector.shape_cast %broadcast_in_dim3A_1903 : vector<16xf32> to vector<1x16xf32>
    tpu.vector_store %arg10[%swap3A_1905, %swap3A_1906], %swap3A_1909 {strides = array<i32>} : memref<40x128xf32, #tpu.memory_space<vmem>>, vector<1x16xf32>,
    %broadcast_in_dim3A_1910 = arith.constant 0.000000e+00 : f32
    %broadcast_in_dim3A_1911 = vector.broadcast %broadcast_in_dim3A_1910 : f32 to vector<16xf32>
    %swap3A_1912 = arith.constant 29 : i32
    %swap3A_1913 = arith.index_cast %swap3A_1912 : i32 to index
    %swap3A_1914 = arith.constant 112 : index
    %swap3A_1915 = tpu.vector_load %arg10[%swap3A_1913, %swap3A_1914] {strides = array<i32>} : memref<40x128xf32, #tpu.memory_space<vmem>>, vector<1x16xf32>,
    %swap3A_1916 = vector.shape_cast %swap3A_1915 : vector<1x16xf32> to vector<16xf32>
    %swap3A_1917 = vector.shape_cast %broadcast_in_dim3A_1911 : vector<16xf32> to vector<1x16xf32>
    tpu.vector_store %arg10[%swap3A_1913, %swap3A_1914], %swap3A_1917 {strides = array<i32>} : memref<40x128xf32, #tpu.memory_space<vmem>>, vector<1x16xf32>,
    %broadcast_in_dim3A_1918 = arith.constant 0.000000e+00 : f32
    %broadcast_in_dim3A_1919 = vector.broadcast %broadcast_in_dim3A_1918 : f32 to vector<16xf32>
    %swap3A_1920 = arith.constant 30 : i32
    %swap3A_1921 = arith.index_cast %swap3A_1920 : i32 to index
    %swap3A_1922 = arith.constant 0 : index
    %swap3A_1923 = tpu.vector_load %arg10[%swap3A_1921, %swap3A_1922] {strides = array<i32>} : memref<40x128xf32, #tpu.memory_space<vmem>>, vector<1x16xf32>,
    %swap3A_1924 = vector.shape_cast %swap3A_1923 : vector<1x16xf32> to vector<16xf32>
    %swap3A_1925 = vector.shape_cast %broadcast_in_dim3A_1919 : vector<16xf32> to vector<1x16xf32>
    tpu.vector_store %arg10[%swap3A_1921, %swap3A_1922], %swap3A_1925 {strides = array<i32>} : memref<40x128xf32, #tpu.memory_space<vmem>>, vector<1x16xf32>,
    %broadcast_in_dim3A_1926 = arith.constant 0.000000e+00 : f32
    %broadcast_in_dim3A_1927 = vector.broadcast %broadcast_in_dim3A_1926 : f32 to vector<16xf32>
    %swap3A_1928 = arith.constant 30 : i32
    %swap3A_1929 = arith.index_cast %swap3A_1928 : i32 to index
    %swap3A_1930 = arith.constant 16 : index
    %swap3A_1931 = tpu.vector_load %arg10[%swap3A_1929, %swap3A_1930] {strides = array<i32>} : memref<40x128xf32, #tpu.memory_space<vmem>>, vector<1x16xf32>,
    %swap3A_1932 = vector.shape_cast %swap3A_1931 : vector<1x16xf32> to vector<16xf32>
    %swap3A_1933 = vector.shape_cast %broadcast_in_dim3A_1927 : vector<16xf32> to vector<1x16xf32>
    tpu.vector_store %arg10[%swap3A_1929, %swap3A_1930], %swap3A_1933 {strides = array<i32>} : memref<40x128xf32, #tpu.memory_space<vmem>>, vector<1x16xf32>,
    %broadcast_in_dim3A_1934 = arith.constant 0.000000e+00 : f32
    %broadcast_in_dim3A_1935 = vector.broadcast %broadcast_in_dim3A_1934 : f32 to vector<16xf32>
    %swap3A_1936 = arith.constant 30 : i32
    %swap3A_1937 = arith.index_cast %swap3A_1936 : i32 to index
    %swap3A_1938 = arith.constant 32 : index
    %swap3A_1939 = tpu.vector_load %arg10[%swap3A_1937, %swap3A_1938] {strides = array<i32>} : memref<40x128xf32, #tpu.memory_space<vmem>>, vector<1x16xf32>,
    %swap3A_1940 = vector.shape_cast %swap3A_1939 : vector<1x16xf32> to vector<16xf32>
    %swap3A_1941 = vector.shape_cast %broadcast_in_dim3A_1935 : vector<16xf32> to vector<1x16xf32>
    tpu.vector_store %arg10[%swap3A_1937, %swap3A_1938], %swap3A_1941 {strides = array<i32>} : memref<40x128xf32, #tpu.memory_space<vmem>>, vector<1x16xf32>,
    %broadcast_in_dim3A_1942 = arith.constant 0.000000e+00 : f32
    %broadcast_in_dim3A_1943 = vector.broadcast %broadcast_in_dim3A_1942 : f32 to vector<16xf32>
    %swap3A_1944 = arith.constant 30 : i32
    %swap3A_1945 = arith.index_cast %swap3A_1944 : i32 to index
    %swap3A_1946 = arith.constant 48 : index
    %swap3A_1947 = tpu.vector_load %arg10[%swap3A_1945, %swap3A_1946] {strides = array<i32>} : memref<40x128xf32, #tpu.memory_space<vmem>>, vector<1x16xf32>,
    %swap3A_1948 = vector.shape_cast %swap3A_1947 : vector<1x16xf32> to vector<16xf32>
    %swap3A_1949 = vector.shape_cast %broadcast_in_dim3A_1943 : vector<16xf32> to vector<1x16xf32>
    tpu.vector_store %arg10[%swap3A_1945, %swap3A_1946], %swap3A_1949 {strides = array<i32>} : memref<40x128xf32, #tpu.memory_space<vmem>>, vector<1x16xf32>,
    %broadcast_in_dim3A_1950 = arith.constant 0.000000e+00 : f32
    %broadcast_in_dim3A_1951 = vector.broadcast %broadcast_in_dim3A_1950 : f32 to vector<16xf32>
    %swap3A_1952 = arith.constant 30 : i32
    %swap3A_1953 = arith.index_cast %swap3A_1952 : i32 to index
    %swap3A_1954 = arith.constant 64 : index
    %swap3A_1955 = tpu.vector_load %arg10[%swap3A_1953, %swap3A_1954] {strides = array<i32>} : memref<40x128xf32, #tpu.memory_space<vmem>>, vector<1x16xf32>,
    %swap3A_1956 = vector.shape_cast %swap3A_1955 : vector<1x16xf32> to vector<16xf32>
    %swap3A_1957 = vector.shape_cast %broadcast_in_dim3A_1951 : vector<16xf32> to vector<1x16xf32>
    tpu.vector_store %arg10[%swap3A_1953, %swap3A_1954], %swap3A_1957 {strides = array<i32>} : memref<40x128xf32, #tpu.memory_space<vmem>>, vector<1x16xf32>,
    %broadcast_in_dim3A_1958 = arith.constant 0.000000e+00 : f32
    %broadcast_in_dim3A_1959 = vector.broadcast %broadcast_in_dim3A_1958 : f32 to vector<16xf32>
    %swap3A_1960 = arith.constant 30 : i32
    %swap3A_1961 = arith.index_cast %swap3A_1960 : i32 to index
    %swap3A_1962 = arith.constant 80 : index
    %swap3A_1963 = tpu.vector_load %arg10[%swap3A_1961, %swap3A_1962] {strides = array<i32>} : memref<40x128xf32, #tpu.memory_space<vmem>>, vector<1x16xf32>,
    %swap3A_1964 = vector.shape_cast %swap3A_1963 : vector<1x16xf32> to vector<16xf32>
    %swap3A_1965 = vector.shape_cast %broadcast_in_dim3A_1959 : vector<16xf32> to vector<1x16xf32>
    tpu.vector_store %arg10[%swap3A_1961, %swap3A_1962], %swap3A_1965 {strides = array<i32>} : memref<40x128xf32, #tpu.memory_space<vmem>>, vector<1x16xf32>,
    %broadcast_in_dim3A_1966 = arith.constant 0.000000e+00 : f32
    %broadcast_in_dim3A_1967 = vector.broadcast %broadcast_in_dim3A_1966 : f32 to vector<16xf32>
    %swap3A_1968 = arith.constant 30 : i32
    %swap3A_1969 = arith.index_cast %swap3A_1968 : i32 to index
    %swap3A_1970 = arith.constant 96 : index
    %swap3A_1971 = tpu.vector_load %arg10[%swap3A_1969, %swap3A_1970] {strides = array<i32>} : memref<40x128xf32, #tpu.memory_space<vmem>>, vector<1x16xf32>,
    %swap3A_1972 = vector.shape_cast %swap3A_1971 : vector<1x16xf32> to vector<16xf32>
    %swap3A_1973 = vector.shape_cast %broadcast_in_dim3A_1967 : vector<16xf32> to vector<1x16xf32>
    tpu.vector_store %arg10[%swap3A_1969, %swap3A_1970], %swap3A_1973 {strides = array<i32>} : memref<40x128xf32, #tpu.memory_space<vmem>>, vector<1x16xf32>,
    %broadcast_in_dim3A_1974 = arith.constant 0.000000e+00 : f32
    %broadcast_in_dim3A_1975 = vector.broadcast %broadcast_in_dim3A_1974 : f32 to vector<16xf32>
    %swap3A_1976 = arith.constant 30 : i32
    %swap3A_1977 = arith.index_cast %swap3A_1976 : i32 to index
    %swap3A_1978 = arith.constant 112 : index
    %swap3A_1979 = tpu.vector_load %arg10[%swap3A_1977, %swap3A_1978] {strides = array<i32>} : memref<40x128xf32, #tpu.memory_space<vmem>>, vector<1x16xf32>,
    %swap3A_1980 = vector.shape_cast %swap3A_1979 : vector<1x16xf32> to vector<16xf32>
    %swap3A_1981 = vector.shape_cast %broadcast_in_dim3A_1975 : vector<16xf32> to vector<1x16xf32>
    tpu.vector_store %arg10[%swap3A_1977, %swap3A_1978], %swap3A_1981 {strides = array<i32>} : memref<40x128xf32, #tpu.memory_space<vmem>>, vector<1x16xf32>,
    %broadcast_in_dim3A_1982 = arith.constant 0.000000e+00 : f32
    %broadcast_in_dim3A_1983 = vector.broadcast %broadcast_in_dim3A_1982 : f32 to vector<16xf32>
    %swap3A_1984 = arith.constant 31 : i32
    %swap3A_1985 = arith.index_cast %swap3A_1984 : i32 to index
    %swap3A_1986 = arith.constant 0 : index
    %swap3A_1987 = tpu.vector_load %arg10[%swap3A_1985, %swap3A_1986] {strides = array<i32>} : memref<40x128xf32, #tpu.memory_space<vmem>>, vector<1x16xf32>,
    %swap3A_1988 = vector.shape_cast %swap3A_1987 : vector<1x16xf32> to vector<16xf32>
    %swap3A_1989 = vector.shape_cast %broadcast_in_dim3A_1983 : vector<16xf32> to vector<1x16xf32>
    tpu.vector_store %arg10[%swap3A_1985, %swap3A_1986], %swap3A_1989 {strides = array<i32>} : memref<40x128xf32, #tpu.memory_space<vmem>>, vector<1x16xf32>,
    %broadcast_in_dim3A_1990 = arith.constant 0.000000e+00 : f32
    %broadcast_in_dim3A_1991 = vector.broadcast %broadcast_in_dim3A_1990 : f32 to vector<16xf32>
    %swap3A_1992 = arith.constant 31 : i32
    %swap3A_1993 = arith.index_cast %swap3A_1992 : i32 to index
    %swap3A_1994 = arith.constant 16 : index
    %swap3A_1995 = tpu.vector_load %arg10[%swap3A_1993, %swap3A_1994] {strides = array<i32>} : memref<40x128xf32, #tpu.memory_space<vmem>>, vector<1x16xf32>,
    %swap3A_1996 = vector.shape_cast %swap3A_1995 : vector<1x16xf32> to vector<16xf32>
    %swap3A_1997 = vector.shape_cast %broadcast_in_dim3A_1991 : vector<16xf32> to vector<1x16xf32>
    tpu.vector_store %arg10[%swap3A_1993, %swap3A_1994], %swap3A_1997 {strides = array<i32>} : memref<40x128xf32, #tpu.memory_space<vmem>>, vector<1x16xf32>,
    %broadcast_in_dim3A_1998 = arith.constant 0.000000e+00 : f32
    %broadcast_in_dim3A_1999 = vector.broadcast %broadcast_in_dim3A_1998 : f32 to vector<16xf32>
    %swap3A_2000 = arith.constant 31 : i32
    %swap3A_2001 = arith.index_cast %swap3A_2000 : i32 to index
    %swap3A_2002 = arith.constant 32 : index
    %swap3A_2003 = tpu.vector_load %arg10[%swap3A_2001, %swap3A_2002] {strides = array<i32>} : memref<40x128xf32, #tpu.memory_space<vmem>>, vector<1x16xf32>,
    %swap3A_2004 = vector.shape_cast %swap3A_2003 : vector<1x16xf32> to vector<16xf32>
    %swap3A_2005 = vector.shape_cast %broadcast_in_dim3A_1999 : vector<16xf32> to vector<1x16xf32>
    tpu.vector_store %arg10[%swap3A_2001, %swap3A_2002], %swap3A_2005 {strides = array<i32>} : memref<40x128xf32, #tpu.memory_space<vmem>>, vector<1x16xf32>,
    %broadcast_in_dim3A_2006 = arith.constant 0.000000e+00 : f32
    %broadcast_in_dim3A_2007 = vector.broadcast %broadcast_in_dim3A_2006 : f32 to vector<16xf32>
    %swap3A_2008 = arith.constant 31 : i32
    %swap3A_2009 = arith.index_cast %swap3A_2008 : i32 to index
    %swap3A_2010 = arith.constant 48 : index
    %swap3A_2011 = tpu.vector_load %arg10[%swap3A_2009, %swap3A_2010] {strides = array<i32>} : memref<40x128xf32, #tpu.memory_space<vmem>>, vector<1x16xf32>,
    %swap3A_2012 = vector.shape_cast %swap3A_2011 : vector<1x16xf32> to vector<16xf32>
    %swap3A_2013 = vector.shape_cast %broadcast_in_dim3A_2007 : vector<16xf32> to vector<1x16xf32>
    tpu.vector_store %arg10[%swap3A_2009, %swap3A_2010], %swap3A_2013 {strides = array<i32>} : memref<40x128xf32, #tpu.memory_space<vmem>>, vector<1x16xf32>,
    %broadcast_in_dim3A_2014 = arith.constant 0.000000e+00 : f32
    %broadcast_in_dim3A_2015 = vector.broadcast %broadcast_in_dim3A_2014 : f32 to vector<16xf32>
    %swap3A_2016 = arith.constant 31 : i32
    %swap3A_2017 = arith.index_cast %swap3A_2016 : i32 to index
    %swap3A_2018 = arith.constant 64 : index
    %swap3A_2019 = tpu.vector_load %arg10[%swap3A_2017, %swap3A_2018] {strides = array<i32>} : memref<40x128xf32, #tpu.memory_space<vmem>>, vector<1x16xf32>,
    %swap3A_2020 = vector.shape_cast %swap3A_2019 : vector<1x16xf32> to vector<16xf32>
    %swap3A_2021 = vector.shape_cast %broadcast_in_dim3A_2015 : vector<16xf32> to vector<1x16xf32>
    tpu.vector_store %arg10[%swap3A_2017, %swap3A_2018], %swap3A_2021 {strides = array<i32>} : memref<40x128xf32, #tpu.memory_space<vmem>>, vector<1x16xf32>,
    %broadcast_in_dim3A_2022 = arith.constant 0.000000e+00 : f32
    %broadcast_in_dim3A_2023 = vector.broadcast %broadcast_in_dim3A_2022 : f32 to vector<16xf32>
    %swap3A_2024 = arith.constant 31 : i32
    %swap3A_2025 = arith.index_cast %swap3A_2024 : i32 to index
    %swap3A_2026 = arith.constant 80 : index
    %swap3A_2027 = tpu.vector_load %arg10[%swap3A_2025, %swap3A_2026] {strides = array<i32>} : memref<40x128xf32, #tpu.memory_space<vmem>>, vector<1x16xf32>,
    %swap3A_2028 = vector.shape_cast %swap3A_2027 : vector<1x16xf32> to vector<16xf32>
    %swap3A_2029 = vector.shape_cast %broadcast_in_dim3A_2023 : vector<16xf32> to vector<1x16xf32>
    tpu.vector_store %arg10[%swap3A_2025, %swap3A_2026], %swap3A_2029 {strides = array<i32>} : memref<40x128xf32, #tpu.memory_space<vmem>>, vector<1x16xf32>,
    %broadcast_in_dim3A_2030 = arith.constant 0.000000e+00 : f32
    %broadcast_in_dim3A_2031 = vector.broadcast %broadcast_in_dim3A_2030 : f32 to vector<16xf32>
    %swap3A_2032 = arith.constant 31 : i32
    %swap3A_2033 = arith.index_cast %swap3A_2032 : i32 to index
    %swap3A_2034 = arith.constant 96 : index
    %swap3A_2035 = tpu.vector_load %arg10[%swap3A_2033, %swap3A_2034] {strides = array<i32>} : memref<40x128xf32, #tpu.memory_space<vmem>>, vector<1x16xf32>,
    %swap3A_2036 = vector.shape_cast %swap3A_2035 : vector<1x16xf32> to vector<16xf32>
    %swap3A_2037 = vector.shape_cast %broadcast_in_dim3A_2031 : vector<16xf32> to vector<1x16xf32>
    tpu.vector_store %arg10[%swap3A_2033, %swap3A_2034], %swap3A_2037 {strides = array<i32>} : memref<40x128xf32, #tpu.memory_space<vmem>>, vector<1x16xf32>,
    %broadcast_in_dim3A_2038 = arith.constant 0.000000e+00 : f32
    %broadcast_in_dim3A_2039 = vector.broadcast %broadcast_in_dim3A_2038 : f32 to vector<16xf32>
    %swap3A_2040 = arith.constant 31 : i32
    %swap3A_2041 = arith.index_cast %swap3A_2040 : i32 to index
    %swap3A_2042 = arith.constant 112 : index
    %swap3A_2043 = tpu.vector_load %arg10[%swap3A_2041, %swap3A_2042] {strides = array<i32>} : memref<40x128xf32, #tpu.memory_space<vmem>>, vector<1x16xf32>,
    %swap3A_2044 = vector.shape_cast %swap3A_2043 : vector<1x16xf32> to vector<16xf32>
    %swap3A_2045 = vector.shape_cast %broadcast_in_dim3A_2039 : vector<16xf32> to vector<1x16xf32>
    tpu.vector_store %arg10[%swap3A_2041, %swap3A_2042], %swap3A_2045 {strides = array<i32>} : memref<40x128xf32, #tpu.memory_space<vmem>>, vector<1x16xf32>,
    %broadcast_in_dim3A_2046 = arith.constant 0.000000e+00 : f32
    %broadcast_in_dim3A_2047 = vector.broadcast %broadcast_in_dim3A_2046 : f32 to vector<16xf32>
    %swap3A_2048 = arith.constant 32 : i32
    %swap3A_2049 = arith.index_cast %swap3A_2048 : i32 to index
    %swap3A_2050 = arith.constant 0 : index
    %swap3A_2051 = tpu.vector_load %arg10[%swap3A_2049, %swap3A_2050] {strides = array<i32>} : memref<40x128xf32, #tpu.memory_space<vmem>>, vector<1x16xf32>,
    %swap3A_2052 = vector.shape_cast %swap3A_2051 : vector<1x16xf32> to vector<16xf32>
    %swap3A_2053 = vector.shape_cast %broadcast_in_dim3A_2047 : vector<16xf32> to vector<1x16xf32>
    tpu.vector_store %arg10[%swap3A_2049, %swap3A_2050], %swap3A_2053 {strides = array<i32>} : memref<40x128xf32, #tpu.memory_space<vmem>>, vector<1x16xf32>,
    %broadcast_in_dim3A_2054 = arith.constant 0.000000e+00 : f32
    %broadcast_in_dim3A_2055 = vector.broadcast %broadcast_in_dim3A_2054 : f32 to vector<16xf32>
    %swap3A_2056 = arith.constant 32 : i32
    %swap3A_2057 = arith.index_cast %swap3A_2056 : i32 to index
    %swap3A_2058 = arith.constant 16 : index
    %swap3A_2059 = tpu.vector_load %arg10[%swap3A_2057, %swap3A_2058] {strides = array<i32>} : memref<40x128xf32, #tpu.memory_space<vmem>>, vector<1x16xf32>,
    %swap3A_2060 = vector.shape_cast %swap3A_2059 : vector<1x16xf32> to vector<16xf32>
    %swap3A_2061 = vector.shape_cast %broadcast_in_dim3A_2055 : vector<16xf32> to vector<1x16xf32>
    tpu.vector_store %arg10[%swap3A_2057, %swap3A_2058], %swap3A_2061 {strides = array<i32>} : memref<40x128xf32, #tpu.memory_space<vmem>>, vector<1x16xf32>,
    %broadcast_in_dim3A_2062 = arith.constant 0.000000e+00 : f32
    %broadcast_in_dim3A_2063 = vector.broadcast %broadcast_in_dim3A_2062 : f32 to vector<16xf32>
    %swap3A_2064 = arith.constant 32 : i32
    %swap3A_2065 = arith.index_cast %swap3A_2064 : i32 to index
    %swap3A_2066 = arith.constant 32 : index
    %swap3A_2067 = tpu.vector_load %arg10[%swap3A_2065, %swap3A_2066] {strides = array<i32>} : memref<40x128xf32, #tpu.memory_space<vmem>>, vector<1x16xf32>,
    %swap3A_2068 = vector.shape_cast %swap3A_2067 : vector<1x16xf32> to vector<16xf32>
    %swap3A_2069 = vector.shape_cast %broadcast_in_dim3A_2063 : vector<16xf32> to vector<1x16xf32>
    tpu.vector_store %arg10[%swap3A_2065, %swap3A_2066], %swap3A_2069 {strides = array<i32>} : memref<40x128xf32, #tpu.memory_space<vmem>>, vector<1x16xf32>,
    %broadcast_in_dim3A_2070 = arith.constant 0.000000e+00 : f32
    %broadcast_in_dim3A_2071 = vector.broadcast %broadcast_in_dim3A_2070 : f32 to vector<16xf32>
    %swap3A_2072 = arith.constant 32 : i32
    %swap3A_2073 = arith.index_cast %swap3A_2072 : i32 to index
    %swap3A_2074 = arith.constant 48 : index
    %swap3A_2075 = tpu.vector_load %arg10[%swap3A_2073, %swap3A_2074] {strides = array<i32>} : memref<40x128xf32, #tpu.memory_space<vmem>>, vector<1x16xf32>,
    %swap3A_2076 = vector.shape_cast %swap3A_2075 : vector<1x16xf32> to vector<16xf32>
    %swap3A_2077 = vector.shape_cast %broadcast_in_dim3A_2071 : vector<16xf32> to vector<1x16xf32>
    tpu.vector_store %arg10[%swap3A_2073, %swap3A_2074], %swap3A_2077 {strides = array<i32>} : memref<40x128xf32, #tpu.memory_space<vmem>>, vector<1x16xf32>,
    %broadcast_in_dim3A_2078 = arith.constant 0.000000e+00 : f32
    %broadcast_in_dim3A_2079 = vector.broadcast %broadcast_in_dim3A_2078 : f32 to vector<16xf32>
    %swap3A_2080 = arith.constant 32 : i32
    %swap3A_2081 = arith.index_cast %swap3A_2080 : i32 to index
    %swap3A_2082 = arith.constant 64 : index
    %swap3A_2083 = tpu.vector_load %arg10[%swap3A_2081, %swap3A_2082] {strides = array<i32>} : memref<40x128xf32, #tpu.memory_space<vmem>>, vector<1x16xf32>,
    %swap3A_2084 = vector.shape_cast %swap3A_2083 : vector<1x16xf32> to vector<16xf32>
    %swap3A_2085 = vector.shape_cast %broadcast_in_dim3A_2079 : vector<16xf32> to vector<1x16xf32>
    tpu.vector_store %arg10[%swap3A_2081, %swap3A_2082], %swap3A_2085 {strides = array<i32>} : memref<40x128xf32, #tpu.memory_space<vmem>>, vector<1x16xf32>,
    %broadcast_in_dim3A_2086 = arith.constant 0.000000e+00 : f32
    %broadcast_in_dim3A_2087 = vector.broadcast %broadcast_in_dim3A_2086 : f32 to vector<16xf32>
    %swap3A_2088 = arith.constant 32 : i32
    %swap3A_2089 = arith.index_cast %swap3A_2088 : i32 to index
    %swap3A_2090 = arith.constant 80 : index
    %swap3A_2091 = tpu.vector_load %arg10[%swap3A_2089, %swap3A_2090] {strides = array<i32>} : memref<40x128xf32, #tpu.memory_space<vmem>>, vector<1x16xf32>,
    %swap3A_2092 = vector.shape_cast %swap3A_2091 : vector<1x16xf32> to vector<16xf32>
    %swap3A_2093 = vector.shape_cast %broadcast_in_dim3A_2087 : vector<16xf32> to vector<1x16xf32>
    tpu.vector_store %arg10[%swap3A_2089, %swap3A_2090], %swap3A_2093 {strides = array<i32>} : memref<40x128xf32, #tpu.memory_space<vmem>>, vector<1x16xf32>,
    %broadcast_in_dim3A_2094 = arith.constant 0.000000e+00 : f32
    %broadcast_in_dim3A_2095 = vector.broadcast %broadcast_in_dim3A_2094 : f32 to vector<16xf32>
    %swap3A_2096 = arith.constant 32 : i32
    %swap3A_2097 = arith.index_cast %swap3A_2096 : i32 to index
    %swap3A_2098 = arith.constant 96 : index
    %swap3A_2099 = tpu.vector_load %arg10[%swap3A_2097, %swap3A_2098] {strides = array<i32>} : memref<40x128xf32, #tpu.memory_space<vmem>>, vector<1x16xf32>,
    %swap3A_2100 = vector.shape_cast %swap3A_2099 : vector<1x16xf32> to vector<16xf32>
    %swap3A_2101 = vector.shape_cast %broadcast_in_dim3A_2095 : vector<16xf32> to vector<1x16xf32>
    tpu.vector_store %arg10[%swap3A_2097, %swap3A_2098], %swap3A_2101 {strides = array<i32>} : memref<40x128xf32, #tpu.memory_space<vmem>>, vector<1x16xf32>,
    %broadcast_in_dim3A_2102 = arith.constant 0.000000e+00 : f32
    %broadcast_in_dim3A_2103 = vector.broadcast %broadcast_in_dim3A_2102 : f32 to vector<16xf32>
    %swap3A_2104 = arith.constant 32 : i32
    %swap3A_2105 = arith.index_cast %swap3A_2104 : i32 to index
    %swap3A_2106 = arith.constant 112 : index
    %swap3A_2107 = tpu.vector_load %arg10[%swap3A_2105, %swap3A_2106] {strides = array<i32>} : memref<40x128xf32, #tpu.memory_space<vmem>>, vector<1x16xf32>,
    %swap3A_2108 = vector.shape_cast %swap3A_2107 : vector<1x16xf32> to vector<16xf32>
    %swap3A_2109 = vector.shape_cast %broadcast_in_dim3A_2103 : vector<16xf32> to vector<1x16xf32>
    tpu.vector_store %arg10[%swap3A_2105, %swap3A_2106], %swap3A_2109 {strides = array<i32>} : memref<40x128xf32, #tpu.memory_space<vmem>>, vector<1x16xf32>,
    %broadcast_in_dim3A_2110 = arith.constant 0.000000e+00 : f32
    %broadcast_in_dim3A_2111 = vector.broadcast %broadcast_in_dim3A_2110 : f32 to vector<16xf32>
    %swap3A_2112 = arith.constant 33 : i32
    %swap3A_2113 = arith.index_cast %swap3A_2112 : i32 to index
    %swap3A_2114 = arith.constant 0 : index
    %swap3A_2115 = tpu.vector_load %arg10[%swap3A_2113, %swap3A_2114] {strides = array<i32>} : memref<40x128xf32, #tpu.memory_space<vmem>>, vector<1x16xf32>,
    %swap3A_2116 = vector.shape_cast %swap3A_2115 : vector<1x16xf32> to vector<16xf32>
    %swap3A_2117 = vector.shape_cast %broadcast_in_dim3A_2111 : vector<16xf32> to vector<1x16xf32>
    tpu.vector_store %arg10[%swap3A_2113, %swap3A_2114], %swap3A_2117 {strides = array<i32>} : memref<40x128xf32, #tpu.memory_space<vmem>>, vector<1x16xf32>,
    %broadcast_in_dim3A_2118 = arith.constant 0.000000e+00 : f32
    %broadcast_in_dim3A_2119 = vector.broadcast %broadcast_in_dim3A_2118 : f32 to vector<16xf32>
    %swap3A_2120 = arith.constant 33 : i32
    %swap3A_2121 = arith.index_cast %swap3A_2120 : i32 to index
    %swap3A_2122 = arith.constant 16 : index
    %swap3A_2123 = tpu.vector_load %arg10[%swap3A_2121, %swap3A_2122] {strides = array<i32>} : memref<40x128xf32, #tpu.memory_space<vmem>>, vector<1x16xf32>,
    %swap3A_2124 = vector.shape_cast %swap3A_2123 : vector<1x16xf32> to vector<16xf32>
    %swap3A_2125 = vector.shape_cast %broadcast_in_dim3A_2119 : vector<16xf32> to vector<1x16xf32>
    tpu.vector_store %arg10[%swap3A_2121, %swap3A_2122], %swap3A_2125 {strides = array<i32>} : memref<40x128xf32, #tpu.memory_space<vmem>>, vector<1x16xf32>,
    %broadcast_in_dim3A_2126 = arith.constant 0.000000e+00 : f32
    %broadcast_in_dim3A_2127 = vector.broadcast %broadcast_in_dim3A_2126 : f32 to vector<16xf32>
    %swap3A_2128 = arith.constant 33 : i32
    %swap3A_2129 = arith.index_cast %swap3A_2128 : i32 to index
    %swap3A_2130 = arith.constant 32 : index
    %swap3A_2131 = tpu.vector_load %arg10[%swap3A_2129, %swap3A_2130] {strides = array<i32>} : memref<40x128xf32, #tpu.memory_space<vmem>>, vector<1x16xf32>,
    %swap3A_2132 = vector.shape_cast %swap3A_2131 : vector<1x16xf32> to vector<16xf32>
    %swap3A_2133 = vector.shape_cast %broadcast_in_dim3A_2127 : vector<16xf32> to vector<1x16xf32>
    tpu.vector_store %arg10[%swap3A_2129, %swap3A_2130], %swap3A_2133 {strides = array<i32>} : memref<40x128xf32, #tpu.memory_space<vmem>>, vector<1x16xf32>,
    %broadcast_in_dim3A_2134 = arith.constant 0.000000e+00 : f32
    %broadcast_in_dim3A_2135 = vector.broadcast %broadcast_in_dim3A_2134 : f32 to vector<16xf32>
    %swap3A_2136 = arith.constant 33 : i32
    %swap3A_2137 = arith.index_cast %swap3A_2136 : i32 to index
    %swap3A_2138 = arith.constant 48 : index
    %swap3A_2139 = tpu.vector_load %arg10[%swap3A_2137, %swap3A_2138] {strides = array<i32>} : memref<40x128xf32, #tpu.memory_space<vmem>>, vector<1x16xf32>,
    %swap3A_2140 = vector.shape_cast %swap3A_2139 : vector<1x16xf32> to vector<16xf32>
    %swap3A_2141 = vector.shape_cast %broadcast_in_dim3A_2135 : vector<16xf32> to vector<1x16xf32>
    tpu.vector_store %arg10[%swap3A_2137, %swap3A_2138], %swap3A_2141 {strides = array<i32>} : memref<40x128xf32, #tpu.memory_space<vmem>>, vector<1x16xf32>,
    %broadcast_in_dim3A_2142 = arith.constant 0.000000e+00 : f32
    %broadcast_in_dim3A_2143 = vector.broadcast %broadcast_in_dim3A_2142 : f32 to vector<16xf32>
    %swap3A_2144 = arith.constant 33 : i32
    %swap3A_2145 = arith.index_cast %swap3A_2144 : i32 to index
    %swap3A_2146 = arith.constant 64 : index
    %swap3A_2147 = tpu.vector_load %arg10[%swap3A_2145, %swap3A_2146] {strides = array<i32>} : memref<40x128xf32, #tpu.memory_space<vmem>>, vector<1x16xf32>,
    %swap3A_2148 = vector.shape_cast %swap3A_2147 : vector<1x16xf32> to vector<16xf32>
    %swap3A_2149 = vector.shape_cast %broadcast_in_dim3A_2143 : vector<16xf32> to vector<1x16xf32>
    tpu.vector_store %arg10[%swap3A_2145, %swap3A_2146], %swap3A_2149 {strides = array<i32>} : memref<40x128xf32, #tpu.memory_space<vmem>>, vector<1x16xf32>,
    %broadcast_in_dim3A_2150 = arith.constant 0.000000e+00 : f32
    %broadcast_in_dim3A_2151 = vector.broadcast %broadcast_in_dim3A_2150 : f32 to vector<16xf32>
    %swap3A_2152 = arith.constant 33 : i32
    %swap3A_2153 = arith.index_cast %swap3A_2152 : i32 to index
    %swap3A_2154 = arith.constant 80 : index
    %swap3A_2155 = tpu.vector_load %arg10[%swap3A_2153, %swap3A_2154] {strides = array<i32>} : memref<40x128xf32, #tpu.memory_space<vmem>>, vector<1x16xf32>,
    %swap3A_2156 = vector.shape_cast %swap3A_2155 : vector<1x16xf32> to vector<16xf32>
    %swap3A_2157 = vector.shape_cast %broadcast_in_dim3A_2151 : vector<16xf32> to vector<1x16xf32>
    tpu.vector_store %arg10[%swap3A_2153, %swap3A_2154], %swap3A_2157 {strides = array<i32>} : memref<40x128xf32, #tpu.memory_space<vmem>>, vector<1x16xf32>,
    %broadcast_in_dim3A_2158 = arith.constant 0.000000e+00 : f32
    %broadcast_in_dim3A_2159 = vector.broadcast %broadcast_in_dim3A_2158 : f32 to vector<16xf32>
    %swap3A_2160 = arith.constant 33 : i32
    %swap3A_2161 = arith.index_cast %swap3A_2160 : i32 to index
    %swap3A_2162 = arith.constant 96 : index
    %swap3A_2163 = tpu.vector_load %arg10[%swap3A_2161, %swap3A_2162] {strides = array<i32>} : memref<40x128xf32, #tpu.memory_space<vmem>>, vector<1x16xf32>,
    %swap3A_2164 = vector.shape_cast %swap3A_2163 : vector<1x16xf32> to vector<16xf32>
    %swap3A_2165 = vector.shape_cast %broadcast_in_dim3A_2159 : vector<16xf32> to vector<1x16xf32>
    tpu.vector_store %arg10[%swap3A_2161, %swap3A_2162], %swap3A_2165 {strides = array<i32>} : memref<40x128xf32, #tpu.memory_space<vmem>>, vector<1x16xf32>,
    %broadcast_in_dim3A_2166 = arith.constant 0.000000e+00 : f32
    %broadcast_in_dim3A_2167 = vector.broadcast %broadcast_in_dim3A_2166 : f32 to vector<16xf32>
    %swap3A_2168 = arith.constant 33 : i32
    %swap3A_2169 = arith.index_cast %swap3A_2168 : i32 to index
    %swap3A_2170 = arith.constant 112 : index
    %swap3A_2171 = tpu.vector_load %arg10[%swap3A_2169, %swap3A_2170] {strides = array<i32>} : memref<40x128xf32, #tpu.memory_space<vmem>>, vector<1x16xf32>,
    %swap3A_2172 = vector.shape_cast %swap3A_2171 : vector<1x16xf32> to vector<16xf32>
    %swap3A_2173 = vector.shape_cast %broadcast_in_dim3A_2167 : vector<16xf32> to vector<1x16xf32>
    tpu.vector_store %arg10[%swap3A_2169, %swap3A_2170], %swap3A_2173 {strides = array<i32>} : memref<40x128xf32, #tpu.memory_space<vmem>>, vector<1x16xf32>,
    %broadcast_in_dim3A_2174 = arith.constant 0.000000e+00 : f32
    %broadcast_in_dim3A_2175 = vector.broadcast %broadcast_in_dim3A_2174 : f32 to vector<16xf32>
    %swap3A_2176 = arith.constant 34 : i32
    %swap3A_2177 = arith.index_cast %swap3A_2176 : i32 to index
    %swap3A_2178 = arith.constant 0 : index
    %swap3A_2179 = tpu.vector_load %arg10[%swap3A_2177, %swap3A_2178] {strides = array<i32>} : memref<40x128xf32, #tpu.memory_space<vmem>>, vector<1x16xf32>,
    %swap3A_2180 = vector.shape_cast %swap3A_2179 : vector<1x16xf32> to vector<16xf32>
    %swap3A_2181 = vector.shape_cast %broadcast_in_dim3A_2175 : vector<16xf32> to vector<1x16xf32>
    tpu.vector_store %arg10[%swap3A_2177, %swap3A_2178], %swap3A_2181 {strides = array<i32>} : memref<40x128xf32, #tpu.memory_space<vmem>>, vector<1x16xf32>,
    %broadcast_in_dim3A_2182 = arith.constant 0.000000e+00 : f32
    %broadcast_in_dim3A_2183 = vector.broadcast %broadcast_in_dim3A_2182 : f32 to vector<16xf32>
    %swap3A_2184 = arith.constant 34 : i32
    %swap3A_2185 = arith.index_cast %swap3A_2184 : i32 to index
    %swap3A_2186 = arith.constant 16 : index
    %swap3A_2187 = tpu.vector_load %arg10[%swap3A_2185, %swap3A_2186] {strides = array<i32>} : memref<40x128xf32, #tpu.memory_space<vmem>>, vector<1x16xf32>,
    %swap3A_2188 = vector.shape_cast %swap3A_2187 : vector<1x16xf32> to vector<16xf32>
    %swap3A_2189 = vector.shape_cast %broadcast_in_dim3A_2183 : vector<16xf32> to vector<1x16xf32>
    tpu.vector_store %arg10[%swap3A_2185, %swap3A_2186], %swap3A_2189 {strides = array<i32>} : memref<40x128xf32, #tpu.memory_space<vmem>>, vector<1x16xf32>,
    %broadcast_in_dim3A_2190 = arith.constant 0.000000e+00 : f32
    %broadcast_in_dim3A_2191 = vector.broadcast %broadcast_in_dim3A_2190 : f32 to vector<16xf32>
    %swap3A_2192 = arith.constant 34 : i32
    %swap3A_2193 = arith.index_cast %swap3A_2192 : i32 to index
    %swap3A_2194 = arith.constant 32 : index
    %swap3A_2195 = tpu.vector_load %arg10[%swap3A_2193, %swap3A_2194] {strides = array<i32>} : memref<40x128xf32, #tpu.memory_space<vmem>>, vector<1x16xf32>,
    %swap3A_2196 = vector.shape_cast %swap3A_2195 : vector<1x16xf32> to vector<16xf32>
    %swap3A_2197 = vector.shape_cast %broadcast_in_dim3A_2191 : vector<16xf32> to vector<1x16xf32>
    tpu.vector_store %arg10[%swap3A_2193, %swap3A_2194], %swap3A_2197 {strides = array<i32>} : memref<40x128xf32, #tpu.memory_space<vmem>>, vector<1x16xf32>,
    %broadcast_in_dim3A_2198 = arith.constant 0.000000e+00 : f32
    %broadcast_in_dim3A_2199 = vector.broadcast %broadcast_in_dim3A_2198 : f32 to vector<16xf32>
    %swap3A_2200 = arith.constant 34 : i32
    %swap3A_2201 = arith.index_cast %swap3A_2200 : i32 to index
    %swap3A_2202 = arith.constant 48 : index
    %swap3A_2203 = tpu.vector_load %arg10[%swap3A_2201, %swap3A_2202] {strides = array<i32>} : memref<40x128xf32, #tpu.memory_space<vmem>>, vector<1x16xf32>,
    %swap3A_2204 = vector.shape_cast %swap3A_2203 : vector<1x16xf32> to vector<16xf32>
    %swap3A_2205 = vector.shape_cast %broadcast_in_dim3A_2199 : vector<16xf32> to vector<1x16xf32>
    tpu.vector_store %arg10[%swap3A_2201, %swap3A_2202], %swap3A_2205 {strides = array<i32>} : memref<40x128xf32, #tpu.memory_space<vmem>>, vector<1x16xf32>,
    %broadcast_in_dim3A_2206 = arith.constant 0.000000e+00 : f32
    %broadcast_in_dim3A_2207 = vector.broadcast %broadcast_in_dim3A_2206 : f32 to vector<16xf32>
    %swap3A_2208 = arith.constant 34 : i32
    %swap3A_2209 = arith.index_cast %swap3A_2208 : i32 to index
    %swap3A_2210 = arith.constant 64 : index
    %swap3A_2211 = tpu.vector_load %arg10[%swap3A_2209, %swap3A_2210] {strides = array<i32>} : memref<40x128xf32, #tpu.memory_space<vmem>>, vector<1x16xf32>,
    %swap3A_2212 = vector.shape_cast %swap3A_2211 : vector<1x16xf32> to vector<16xf32>
    %swap3A_2213 = vector.shape_cast %broadcast_in_dim3A_2207 : vector<16xf32> to vector<1x16xf32>
    tpu.vector_store %arg10[%swap3A_2209, %swap3A_2210], %swap3A_2213 {strides = array<i32>} : memref<40x128xf32, #tpu.memory_space<vmem>>, vector<1x16xf32>,
    %broadcast_in_dim3A_2214 = arith.constant 0.000000e+00 : f32
    %broadcast_in_dim3A_2215 = vector.broadcast %broadcast_in_dim3A_2214 : f32 to vector<16xf32>
    %swap3A_2216 = arith.constant 34 : i32
    %swap3A_2217 = arith.index_cast %swap3A_2216 : i32 to index
    %swap3A_2218 = arith.constant 80 : index
    %swap3A_2219 = tpu.vector_load %arg10[%swap3A_2217, %swap3A_2218] {strides = array<i32>} : memref<40x128xf32, #tpu.memory_space<vmem>>, vector<1x16xf32>,
    %swap3A_2220 = vector.shape_cast %swap3A_2219 : vector<1x16xf32> to vector<16xf32>
    %swap3A_2221 = vector.shape_cast %broadcast_in_dim3A_2215 : vector<16xf32> to vector<1x16xf32>
    tpu.vector_store %arg10[%swap3A_2217, %swap3A_2218], %swap3A_2221 {strides = array<i32>} : memref<40x128xf32, #tpu.memory_space<vmem>>, vector<1x16xf32>,
    %broadcast_in_dim3A_2222 = arith.constant 0.000000e+00 : f32
    %broadcast_in_dim3A_2223 = vector.broadcast %broadcast_in_dim3A_2222 : f32 to vector<16xf32>
    %swap3A_2224 = arith.constant 34 : i32
    %swap3A_2225 = arith.index_cast %swap3A_2224 : i32 to index
    %swap3A_2226 = arith.constant 96 : index
    %swap3A_2227 = tpu.vector_load %arg10[%swap3A_2225, %swap3A_2226] {strides = array<i32>} : memref<40x128xf32, #tpu.memory_space<vmem>>, vector<1x16xf32>,
    %swap3A_2228 = vector.shape_cast %swap3A_2227 : vector<1x16xf32> to vector<16xf32>
    %swap3A_2229 = vector.shape_cast %broadcast_in_dim3A_2223 : vector<16xf32> to vector<1x16xf32>
    tpu.vector_store %arg10[%swap3A_2225, %swap3A_2226], %swap3A_2229 {strides = array<i32>} : memref<40x128xf32, #tpu.memory_space<vmem>>, vector<1x16xf32>,
    %broadcast_in_dim3A_2230 = arith.constant 0.000000e+00 : f32
    %broadcast_in_dim3A_2231 = vector.broadcast %broadcast_in_dim3A_2230 : f32 to vector<16xf32>
    %swap3A_2232 = arith.constant 34 : i32
    %swap3A_2233 = arith.index_cast %swap3A_2232 : i32 to index
    %swap3A_2234 = arith.constant 112 : index
    %swap3A_2235 = tpu.vector_load %arg10[%swap3A_2233, %swap3A_2234] {strides = array<i32>} : memref<40x128xf32, #tpu.memory_space<vmem>>, vector<1x16xf32>,
    %swap3A_2236 = vector.shape_cast %swap3A_2235 : vector<1x16xf32> to vector<16xf32>
    %swap3A_2237 = vector.shape_cast %broadcast_in_dim3A_2231 : vector<16xf32> to vector<1x16xf32>
    tpu.vector_store %arg10[%swap3A_2233, %swap3A_2234], %swap3A_2237 {strides = array<i32>} : memref<40x128xf32, #tpu.memory_space<vmem>>, vector<1x16xf32>,
    %broadcast_in_dim3A_2238 = arith.constant 0.000000e+00 : f32
    %broadcast_in_dim3A_2239 = vector.broadcast %broadcast_in_dim3A_2238 : f32 to vector<16xf32>
    %swap3A_2240 = arith.constant 35 : i32
    %swap3A_2241 = arith.index_cast %swap3A_2240 : i32 to index
    %swap3A_2242 = arith.constant 0 : index
    %swap3A_2243 = tpu.vector_load %arg10[%swap3A_2241, %swap3A_2242] {strides = array<i32>} : memref<40x128xf32, #tpu.memory_space<vmem>>, vector<1x16xf32>,
    %swap3A_2244 = vector.shape_cast %swap3A_2243 : vector<1x16xf32> to vector<16xf32>
    %swap3A_2245 = vector.shape_cast %broadcast_in_dim3A_2239 : vector<16xf32> to vector<1x16xf32>
    tpu.vector_store %arg10[%swap3A_2241, %swap3A_2242], %swap3A_2245 {strides = array<i32>} : memref<40x128xf32, #tpu.memory_space<vmem>>, vector<1x16xf32>,
    %broadcast_in_dim3A_2246 = arith.constant 0.000000e+00 : f32
    %broadcast_in_dim3A_2247 = vector.broadcast %broadcast_in_dim3A_2246 : f32 to vector<16xf32>
    %swap3A_2248 = arith.constant 35 : i32
    %swap3A_2249 = arith.index_cast %swap3A_2248 : i32 to index
    %swap3A_2250 = arith.constant 16 : index
    %swap3A_2251 = tpu.vector_load %arg10[%swap3A_2249, %swap3A_2250] {strides = array<i32>} : memref<40x128xf32, #tpu.memory_space<vmem>>, vector<1x16xf32>,
    %swap3A_2252 = vector.shape_cast %swap3A_2251 : vector<1x16xf32> to vector<16xf32>
    %swap3A_2253 = vector.shape_cast %broadcast_in_dim3A_2247 : vector<16xf32> to vector<1x16xf32>
    tpu.vector_store %arg10[%swap3A_2249, %swap3A_2250], %swap3A_2253 {strides = array<i32>} : memref<40x128xf32, #tpu.memory_space<vmem>>, vector<1x16xf32>,
    %broadcast_in_dim3A_2254 = arith.constant 0.000000e+00 : f32
    %broadcast_in_dim3A_2255 = vector.broadcast %broadcast_in_dim3A_2254 : f32 to vector<16xf32>
    %swap3A_2256 = arith.constant 35 : i32
    %swap3A_2257 = arith.index_cast %swap3A_2256 : i32 to index
    %swap3A_2258 = arith.constant 32 : index
    %swap3A_2259 = tpu.vector_load %arg10[%swap3A_2257, %swap3A_2258] {strides = array<i32>} : memref<40x128xf32, #tpu.memory_space<vmem>>, vector<1x16xf32>,
    %swap3A_2260 = vector.shape_cast %swap3A_2259 : vector<1x16xf32> to vector<16xf32>
    %swap3A_2261 = vector.shape_cast %broadcast_in_dim3A_2255 : vector<16xf32> to vector<1x16xf32>
    tpu.vector_store %arg10[%swap3A_2257, %swap3A_2258], %swap3A_2261 {strides = array<i32>} : memref<40x128xf32, #tpu.memory_space<vmem>>, vector<1x16xf32>,
    %broadcast_in_dim3A_2262 = arith.constant 0.000000e+00 : f32
    %broadcast_in_dim3A_2263 = vector.broadcast %broadcast_in_dim3A_2262 : f32 to vector<16xf32>
    %swap3A_2264 = arith.constant 35 : i32
    %swap3A_2265 = arith.index_cast %swap3A_2264 : i32 to index
    %swap3A_2266 = arith.constant 48 : index
    %swap3A_2267 = tpu.vector_load %arg10[%swap3A_2265, %swap3A_2266] {strides = array<i32>} : memref<40x128xf32, #tpu.memory_space<vmem>>, vector<1x16xf32>,
    %swap3A_2268 = vector.shape_cast %swap3A_2267 : vector<1x16xf32> to vector<16xf32>
    %swap3A_2269 = vector.shape_cast %broadcast_in_dim3A_2263 : vector<16xf32> to vector<1x16xf32>
    tpu.vector_store %arg10[%swap3A_2265, %swap3A_2266], %swap3A_2269 {strides = array<i32>} : memref<40x128xf32, #tpu.memory_space<vmem>>, vector<1x16xf32>,
    %broadcast_in_dim3A_2270 = arith.constant 0.000000e+00 : f32
    %broadcast_in_dim3A_2271 = vector.broadcast %broadcast_in_dim3A_2270 : f32 to vector<16xf32>
    %swap3A_2272 = arith.constant 35 : i32
    %swap3A_2273 = arith.index_cast %swap3A_2272 : i32 to index
    %swap3A_2274 = arith.constant 64 : index
    %swap3A_2275 = tpu.vector_load %arg10[%swap3A_2273, %swap3A_2274] {strides = array<i32>} : memref<40x128xf32, #tpu.memory_space<vmem>>, vector<1x16xf32>,
    %swap3A_2276 = vector.shape_cast %swap3A_2275 : vector<1x16xf32> to vector<16xf32>
    %swap3A_2277 = vector.shape_cast %broadcast_in_dim3A_2271 : vector<16xf32> to vector<1x16xf32>
    tpu.vector_store %arg10[%swap3A_2273, %swap3A_2274], %swap3A_2277 {strides = array<i32>} : memref<40x128xf32, #tpu.memory_space<vmem>>, vector<1x16xf32>,
    %broadcast_in_dim3A_2278 = arith.constant 0.000000e+00 : f32
    %broadcast_in_dim3A_2279 = vector.broadcast %broadcast_in_dim3A_2278 : f32 to vector<16xf32>
    %swap3A_2280 = arith.constant 35 : i32
    %swap3A_2281 = arith.index_cast %swap3A_2280 : i32 to index
    %swap3A_2282 = arith.constant 80 : index
    %swap3A_2283 = tpu.vector_load %arg10[%swap3A_2281, %swap3A_2282] {strides = array<i32>} : memref<40x128xf32, #tpu.memory_space<vmem>>, vector<1x16xf32>,
    %swap3A_2284 = vector.shape_cast %swap3A_2283 : vector<1x16xf32> to vector<16xf32>
    %swap3A_2285 = vector.shape_cast %broadcast_in_dim3A_2279 : vector<16xf32> to vector<1x16xf32>
    tpu.vector_store %arg10[%swap3A_2281, %swap3A_2282], %swap3A_2285 {strides = array<i32>} : memref<40x128xf32, #tpu.memory_space<vmem>>, vector<1x16xf32>,
    %broadcast_in_dim3A_2286 = arith.constant 0.000000e+00 : f32
    %broadcast_in_dim3A_2287 = vector.broadcast %broadcast_in_dim3A_2286 : f32 to vector<16xf32>
    %swap3A_2288 = arith.constant 35 : i32
    %swap3A_2289 = arith.index_cast %swap3A_2288 : i32 to index
    %swap3A_2290 = arith.constant 96 : index
    %swap3A_2291 = tpu.vector_load %arg10[%swap3A_2289, %swap3A_2290] {strides = array<i32>} : memref<40x128xf32, #tpu.memory_space<vmem>>, vector<1x16xf32>,
    %swap3A_2292 = vector.shape_cast %swap3A_2291 : vector<1x16xf32> to vector<16xf32>
    %swap3A_2293 = vector.shape_cast %broadcast_in_dim3A_2287 : vector<16xf32> to vector<1x16xf32>
    tpu.vector_store %arg10[%swap3A_2289, %swap3A_2290], %swap3A_2293 {strides = array<i32>} : memref<40x128xf32, #tpu.memory_space<vmem>>, vector<1x16xf32>,
    %broadcast_in_dim3A_2294 = arith.constant 0.000000e+00 : f32
    %broadcast_in_dim3A_2295 = vector.broadcast %broadcast_in_dim3A_2294 : f32 to vector<16xf32>
    %swap3A_2296 = arith.constant 35 : i32
    %swap3A_2297 = arith.index_cast %swap3A_2296 : i32 to index
    %swap3A_2298 = arith.constant 112 : index
    %swap3A_2299 = tpu.vector_load %arg10[%swap3A_2297, %swap3A_2298] {strides = array<i32>} : memref<40x128xf32, #tpu.memory_space<vmem>>, vector<1x16xf32>,
    %swap3A_2300 = vector.shape_cast %swap3A_2299 : vector<1x16xf32> to vector<16xf32>
    %swap3A_2301 = vector.shape_cast %broadcast_in_dim3A_2295 : vector<16xf32> to vector<1x16xf32>
    tpu.vector_store %arg10[%swap3A_2297, %swap3A_2298], %swap3A_2301 {strides = array<i32>} : memref<40x128xf32, #tpu.memory_space<vmem>>, vector<1x16xf32>,
    %broadcast_in_dim3A_2302 = arith.constant 0.000000e+00 : f32
    %broadcast_in_dim3A_2303 = vector.broadcast %broadcast_in_dim3A_2302 : f32 to vector<16xf32>
    %swap3A_2304 = arith.constant 36 : i32
    %swap3A_2305 = arith.index_cast %swap3A_2304 : i32 to index
    %swap3A_2306 = arith.constant 0 : index
    %swap3A_2307 = tpu.vector_load %arg10[%swap3A_2305, %swap3A_2306] {strides = array<i32>} : memref<40x128xf32, #tpu.memory_space<vmem>>, vector<1x16xf32>,
    %swap3A_2308 = vector.shape_cast %swap3A_2307 : vector<1x16xf32> to vector<16xf32>
    %swap3A_2309 = vector.shape_cast %broadcast_in_dim3A_2303 : vector<16xf32> to vector<1x16xf32>
    tpu.vector_store %arg10[%swap3A_2305, %swap3A_2306], %swap3A_2309 {strides = array<i32>} : memref<40x128xf32, #tpu.memory_space<vmem>>, vector<1x16xf32>,
    %broadcast_in_dim3A_2310 = arith.constant 0.000000e+00 : f32
    %broadcast_in_dim3A_2311 = vector.broadcast %broadcast_in_dim3A_2310 : f32 to vector<16xf32>
    %swap3A_2312 = arith.constant 36 : i32
    %swap3A_2313 = arith.index_cast %swap3A_2312 : i32 to index
    %swap3A_2314 = arith.constant 16 : index
    %swap3A_2315 = tpu.vector_load %arg10[%swap3A_2313, %swap3A_2314] {strides = array<i32>} : memref<40x128xf32, #tpu.memory_space<vmem>>, vector<1x16xf32>,
    %swap3A_2316 = vector.shape_cast %swap3A_2315 : vector<1x16xf32> to vector<16xf32>
    %swap3A_2317 = vector.shape_cast %broadcast_in_dim3A_2311 : vector<16xf32> to vector<1x16xf32>
    tpu.vector_store %arg10[%swap3A_2313, %swap3A_2314], %swap3A_2317 {strides = array<i32>} : memref<40x128xf32, #tpu.memory_space<vmem>>, vector<1x16xf32>,
    %broadcast_in_dim3A_2318 = arith.constant 0.000000e+00 : f32
    %broadcast_in_dim3A_2319 = vector.broadcast %broadcast_in_dim3A_2318 : f32 to vector<16xf32>
    %swap3A_2320 = arith.constant 36 : i32
    %swap3A_2321 = arith.index_cast %swap3A_2320 : i32 to index
    %swap3A_2322 = arith.constant 32 : index
    %swap3A_2323 = tpu.vector_load %arg10[%swap3A_2321, %swap3A_2322] {strides = array<i32>} : memref<40x128xf32, #tpu.memory_space<vmem>>, vector<1x16xf32>,
    %swap3A_2324 = vector.shape_cast %swap3A_2323 : vector<1x16xf32> to vector<16xf32>
    %swap3A_2325 = vector.shape_cast %broadcast_in_dim3A_2319 : vector<16xf32> to vector<1x16xf32>
    tpu.vector_store %arg10[%swap3A_2321, %swap3A_2322], %swap3A_2325 {strides = array<i32>} : memref<40x128xf32, #tpu.memory_space<vmem>>, vector<1x16xf32>,
    %broadcast_in_dim3A_2326 = arith.constant 0.000000e+00 : f32
    %broadcast_in_dim3A_2327 = vector.broadcast %broadcast_in_dim3A_2326 : f32 to vector<16xf32>
    %swap3A_2328 = arith.constant 36 : i32
    %swap3A_2329 = arith.index_cast %swap3A_2328 : i32 to index
    %swap3A_2330 = arith.constant 48 : index
    %swap3A_2331 = tpu.vector_load %arg10[%swap3A_2329, %swap3A_2330] {strides = array<i32>} : memref<40x128xf32, #tpu.memory_space<vmem>>, vector<1x16xf32>,
    %swap3A_2332 = vector.shape_cast %swap3A_2331 : vector<1x16xf32> to vector<16xf32>
    %swap3A_2333 = vector.shape_cast %broadcast_in_dim3A_2327 : vector<16xf32> to vector<1x16xf32>
    tpu.vector_store %arg10[%swap3A_2329, %swap3A_2330], %swap3A_2333 {strides = array<i32>} : memref<40x128xf32, #tpu.memory_space<vmem>>, vector<1x16xf32>,
    %broadcast_in_dim3A_2334 = arith.constant 0.000000e+00 : f32
    %broadcast_in_dim3A_2335 = vector.broadcast %broadcast_in_dim3A_2334 : f32 to vector<16xf32>
    %swap3A_2336 = arith.constant 36 : i32
    %swap3A_2337 = arith.index_cast %swap3A_2336 : i32 to index
    %swap3A_2338 = arith.constant 64 : index
    %swap3A_2339 = tpu.vector_load %arg10[%swap3A_2337, %swap3A_2338] {strides = array<i32>} : memref<40x128xf32, #tpu.memory_space<vmem>>, vector<1x16xf32>,
    %swap3A_2340 = vector.shape_cast %swap3A_2339 : vector<1x16xf32> to vector<16xf32>
    %swap3A_2341 = vector.shape_cast %broadcast_in_dim3A_2335 : vector<16xf32> to vector<1x16xf32>
    tpu.vector_store %arg10[%swap3A_2337, %swap3A_2338], %swap3A_2341 {strides = array<i32>} : memref<40x128xf32, #tpu.memory_space<vmem>>, vector<1x16xf32>,
    %broadcast_in_dim3A_2342 = arith.constant 0.000000e+00 : f32
    %broadcast_in_dim3A_2343 = vector.broadcast %broadcast_in_dim3A_2342 : f32 to vector<16xf32>
    %swap3A_2344 = arith.constant 36 : i32
    %swap3A_2345 = arith.index_cast %swap3A_2344 : i32 to index
    %swap3A_2346 = arith.constant 80 : index
    %swap3A_2347 = tpu.vector_load %arg10[%swap3A_2345, %swap3A_2346] {strides = array<i32>} : memref<40x128xf32, #tpu.memory_space<vmem>>, vector<1x16xf32>,
    %swap3A_2348 = vector.shape_cast %swap3A_2347 : vector<1x16xf32> to vector<16xf32>
    %swap3A_2349 = vector.shape_cast %broadcast_in_dim3A_2343 : vector<16xf32> to vector<1x16xf32>
    tpu.vector_store %arg10[%swap3A_2345, %swap3A_2346], %swap3A_2349 {strides = array<i32>} : memref<40x128xf32, #tpu.memory_space<vmem>>, vector<1x16xf32>,
    %broadcast_in_dim3A_2350 = arith.constant 0.000000e+00 : f32
    %broadcast_in_dim3A_2351 = vector.broadcast %broadcast_in_dim3A_2350 : f32 to vector<16xf32>
    %swap3A_2352 = arith.constant 36 : i32
    %swap3A_2353 = arith.index_cast %swap3A_2352 : i32 to index
    %swap3A_2354 = arith.constant 96 : index
    %swap3A_2355 = tpu.vector_load %arg10[%swap3A_2353, %swap3A_2354] {strides = array<i32>} : memref<40x128xf32, #tpu.memory_space<vmem>>, vector<1x16xf32>,
    %swap3A_2356 = vector.shape_cast %swap3A_2355 : vector<1x16xf32> to vector<16xf32>
    %swap3A_2357 = vector.shape_cast %broadcast_in_dim3A_2351 : vector<16xf32> to vector<1x16xf32>
    tpu.vector_store %arg10[%swap3A_2353, %swap3A_2354], %swap3A_2357 {strides = array<i32>} : memref<40x128xf32, #tpu.memory_space<vmem>>, vector<1x16xf32>,
    %broadcast_in_dim3A_2358 = arith.constant 0.000000e+00 : f32
    %broadcast_in_dim3A_2359 = vector.broadcast %broadcast_in_dim3A_2358 : f32 to vector<16xf32>
    %swap3A_2360 = arith.constant 36 : i32
    %swap3A_2361 = arith.index_cast %swap3A_2360 : i32 to index
    %swap3A_2362 = arith.constant 112 : index
    %swap3A_2363 = tpu.vector_load %arg10[%swap3A_2361, %swap3A_2362] {strides = array<i32>} : memref<40x128xf32, #tpu.memory_space<vmem>>, vector<1x16xf32>,
    %swap3A_2364 = vector.shape_cast %swap3A_2363 : vector<1x16xf32> to vector<16xf32>
    %swap3A_2365 = vector.shape_cast %broadcast_in_dim3A_2359 : vector<16xf32> to vector<1x16xf32>
    tpu.vector_store %arg10[%swap3A_2361, %swap3A_2362], %swap3A_2365 {strides = array<i32>} : memref<40x128xf32, #tpu.memory_space<vmem>>, vector<1x16xf32>,
    %broadcast_in_dim3A_2366 = arith.constant 0.000000e+00 : f32
    %broadcast_in_dim3A_2367 = vector.broadcast %broadcast_in_dim3A_2366 : f32 to vector<16xf32>
    %swap3A_2368 = arith.constant 37 : i32
    %swap3A_2369 = arith.index_cast %swap3A_2368 : i32 to index
    %swap3A_2370 = arith.constant 0 : index
    %swap3A_2371 = tpu.vector_load %arg10[%swap3A_2369, %swap3A_2370] {strides = array<i32>} : memref<40x128xf32, #tpu.memory_space<vmem>>, vector<1x16xf32>,
    %swap3A_2372 = vector.shape_cast %swap3A_2371 : vector<1x16xf32> to vector<16xf32>
    %swap3A_2373 = vector.shape_cast %broadcast_in_dim3A_2367 : vector<16xf32> to vector<1x16xf32>
    tpu.vector_store %arg10[%swap3A_2369, %swap3A_2370], %swap3A_2373 {strides = array<i32>} : memref<40x128xf32, #tpu.memory_space<vmem>>, vector<1x16xf32>,
    %broadcast_in_dim3A_2374 = arith.constant 0.000000e+00 : f32
    %broadcast_in_dim3A_2375 = vector.broadcast %broadcast_in_dim3A_2374 : f32 to vector<16xf32>
    %swap3A_2376 = arith.constant 37 : i32
    %swap3A_2377 = arith.index_cast %swap3A_2376 : i32 to index
    %swap3A_2378 = arith.constant 16 : index
    %swap3A_2379 = tpu.vector_load %arg10[%swap3A_2377, %swap3A_2378] {strides = array<i32>} : memref<40x128xf32, #tpu.memory_space<vmem>>, vector<1x16xf32>,
    %swap3A_2380 = vector.shape_cast %swap3A_2379 : vector<1x16xf32> to vector<16xf32>
    %swap3A_2381 = vector.shape_cast %broadcast_in_dim3A_2375 : vector<16xf32> to vector<1x16xf32>
    tpu.vector_store %arg10[%swap3A_2377, %swap3A_2378], %swap3A_2381 {strides = array<i32>} : memref<40x128xf32, #tpu.memory_space<vmem>>, vector<1x16xf32>,
    %broadcast_in_dim3A_2382 = arith.constant 0.000000e+00 : f32
    %broadcast_in_dim3A_2383 = vector.broadcast %broadcast_in_dim3A_2382 : f32 to vector<16xf32>
    %swap3A_2384 = arith.constant 37 : i32
    %swap3A_2385 = arith.index_cast %swap3A_2384 : i32 to index
    %swap3A_2386 = arith.constant 32 : index
    %swap3A_2387 = tpu.vector_load %arg10[%swap3A_2385, %swap3A_2386] {strides = array<i32>} : memref<40x128xf32, #tpu.memory_space<vmem>>, vector<1x16xf32>,
    %swap3A_2388 = vector.shape_cast %swap3A_2387 : vector<1x16xf32> to vector<16xf32>
    %swap3A_2389 = vector.shape_cast %broadcast_in_dim3A_2383 : vector<16xf32> to vector<1x16xf32>
    tpu.vector_store %arg10[%swap3A_2385, %swap3A_2386], %swap3A_2389 {strides = array<i32>} : memref<40x128xf32, #tpu.memory_space<vmem>>, vector<1x16xf32>,
    %broadcast_in_dim3A_2390 = arith.constant 0.000000e+00 : f32
    %broadcast_in_dim3A_2391 = vector.broadcast %broadcast_in_dim3A_2390 : f32 to vector<16xf32>
    %swap3A_2392 = arith.constant 37 : i32
    %swap3A_2393 = arith.index_cast %swap3A_2392 : i32 to index
    %swap3A_2394 = arith.constant 48 : index
    %swap3A_2395 = tpu.vector_load %arg10[%swap3A_2393, %swap3A_2394] {strides = array<i32>} : memref<40x128xf32, #tpu.memory_space<vmem>>, vector<1x16xf32>,
    %swap3A_2396 = vector.shape_cast %swap3A_2395 : vector<1x16xf32> to vector<16xf32>
    %swap3A_2397 = vector.shape_cast %broadcast_in_dim3A_2391 : vector<16xf32> to vector<1x16xf32>
    tpu.vector_store %arg10[%swap3A_2393, %swap3A_2394], %swap3A_2397 {strides = array<i32>} : memref<40x128xf32, #tpu.memory_space<vmem>>, vector<1x16xf32>,
    %broadcast_in_dim3A_2398 = arith.constant 0.000000e+00 : f32
    %broadcast_in_dim3A_2399 = vector.broadcast %broadcast_in_dim3A_2398 : f32 to vector<16xf32>
    %swap3A_2400 = arith.constant 37 : i32
    %swap3A_2401 = arith.index_cast %swap3A_2400 : i32 to index
    %swap3A_2402 = arith.constant 64 : index
    %swap3A_2403 = tpu.vector_load %arg10[%swap3A_2401, %swap3A_2402] {strides = array<i32>} : memref<40x128xf32, #tpu.memory_space<vmem>>, vector<1x16xf32>,
    %swap3A_2404 = vector.shape_cast %swap3A_2403 : vector<1x16xf32> to vector<16xf32>
    %swap3A_2405 = vector.shape_cast %broadcast_in_dim3A_2399 : vector<16xf32> to vector<1x16xf32>
    tpu.vector_store %arg10[%swap3A_2401, %swap3A_2402], %swap3A_2405 {strides = array<i32>} : memref<40x128xf32, #tpu.memory_space<vmem>>, vector<1x16xf32>,
    %broadcast_in_dim3A_2406 = arith.constant 0.000000e+00 : f32
    %broadcast_in_dim3A_2407 = vector.broadcast %broadcast_in_dim3A_2406 : f32 to vector<16xf32>
    %swap3A_2408 = arith.constant 37 : i32
    %swap3A_2409 = arith.index_cast %swap3A_2408 : i32 to index
    %swap3A_2410 = arith.constant 80 : index
    %swap3A_2411 = tpu.vector_load %arg10[%swap3A_2409, %swap3A_2410] {strides = array<i32>} : memref<40x128xf32, #tpu.memory_space<vmem>>, vector<1x16xf32>,
    %swap3A_2412 = vector.shape_cast %swap3A_2411 : vector<1x16xf32> to vector<16xf32>
    %swap3A_2413 = vector.shape_cast %broadcast_in_dim3A_2407 : vector<16xf32> to vector<1x16xf32>
    tpu.vector_store %arg10[%swap3A_2409, %swap3A_2410], %swap3A_2413 {strides = array<i32>} : memref<40x128xf32, #tpu.memory_space<vmem>>, vector<1x16xf32>,
    %broadcast_in_dim3A_2414 = arith.constant 0.000000e+00 : f32
    %broadcast_in_dim3A_2415 = vector.broadcast %broadcast_in_dim3A_2414 : f32 to vector<16xf32>
    %swap3A_2416 = arith.constant 37 : i32
    %swap3A_2417 = arith.index_cast %swap3A_2416 : i32 to index
    %swap3A_2418 = arith.constant 96 : index
    %swap3A_2419 = tpu.vector_load %arg10[%swap3A_2417, %swap3A_2418] {strides = array<i32>} : memref<40x128xf32, #tpu.memory_space<vmem>>, vector<1x16xf32>,
    %swap3A_2420 = vector.shape_cast %swap3A_2419 : vector<1x16xf32> to vector<16xf32>
    %swap3A_2421 = vector.shape_cast %broadcast_in_dim3A_2415 : vector<16xf32> to vector<1x16xf32>
    tpu.vector_store %arg10[%swap3A_2417, %swap3A_2418], %swap3A_2421 {strides = array<i32>} : memref<40x128xf32, #tpu.memory_space<vmem>>, vector<1x16xf32>,
    %broadcast_in_dim3A_2422 = arith.constant 0.000000e+00 : f32
    %broadcast_in_dim3A_2423 = vector.broadcast %broadcast_in_dim3A_2422 : f32 to vector<16xf32>
    %swap3A_2424 = arith.constant 37 : i32
    %swap3A_2425 = arith.index_cast %swap3A_2424 : i32 to index
    %swap3A_2426 = arith.constant 112 : index
    %swap3A_2427 = tpu.vector_load %arg10[%swap3A_2425, %swap3A_2426] {strides = array<i32>} : memref<40x128xf32, #tpu.memory_space<vmem>>, vector<1x16xf32>,
    %swap3A_2428 = vector.shape_cast %swap3A_2427 : vector<1x16xf32> to vector<16xf32>
    %swap3A_2429 = vector.shape_cast %broadcast_in_dim3A_2423 : vector<16xf32> to vector<1x16xf32>
    tpu.vector_store %arg10[%swap3A_2425, %swap3A_2426], %swap3A_2429 {strides = array<i32>} : memref<40x128xf32, #tpu.memory_space<vmem>>, vector<1x16xf32>,
    %broadcast_in_dim3A_2430 = arith.constant 0.000000e+00 : f32
    %broadcast_in_dim3A_2431 = vector.broadcast %broadcast_in_dim3A_2430 : f32 to vector<16xf32>
    %swap3A_2432 = arith.constant 38 : i32
    %swap3A_2433 = arith.index_cast %swap3A_2432 : i32 to index
    %swap3A_2434 = arith.constant 0 : index
    %swap3A_2435 = tpu.vector_load %arg10[%swap3A_2433, %swap3A_2434] {strides = array<i32>} : memref<40x128xf32, #tpu.memory_space<vmem>>, vector<1x16xf32>,
    %swap3A_2436 = vector.shape_cast %swap3A_2435 : vector<1x16xf32> to vector<16xf32>
    %swap3A_2437 = vector.shape_cast %broadcast_in_dim3A_2431 : vector<16xf32> to vector<1x16xf32>
    tpu.vector_store %arg10[%swap3A_2433, %swap3A_2434], %swap3A_2437 {strides = array<i32>} : memref<40x128xf32, #tpu.memory_space<vmem>>, vector<1x16xf32>,
    %broadcast_in_dim3A_2438 = arith.constant 0.000000e+00 : f32
    %broadcast_in_dim3A_2439 = vector.broadcast %broadcast_in_dim3A_2438 : f32 to vector<16xf32>
    %swap3A_2440 = arith.constant 38 : i32
    %swap3A_2441 = arith.index_cast %swap3A_2440 : i32 to index
    %swap3A_2442 = arith.constant 16 : index
    %swap3A_2443 = tpu.vector_load %arg10[%swap3A_2441, %swap3A_2442] {strides = array<i32>} : memref<40x128xf32, #tpu.memory_space<vmem>>, vector<1x16xf32>,
    %swap3A_2444 = vector.shape_cast %swap3A_2443 : vector<1x16xf32> to vector<16xf32>
    %swap3A_2445 = vector.shape_cast %broadcast_in_dim3A_2439 : vector<16xf32> to vector<1x16xf32>
    tpu.vector_store %arg10[%swap3A_2441, %swap3A_2442], %swap3A_2445 {strides = array<i32>} : memref<40x128xf32, #tpu.memory_space<vmem>>, vector<1x16xf32>,
    %broadcast_in_dim3A_2446 = arith.constant 0.000000e+00 : f32
    %broadcast_in_dim3A_2447 = vector.broadcast %broadcast_in_dim3A_2446 : f32 to vector<16xf32>
    %swap3A_2448 = arith.constant 38 : i32
    %swap3A_2449 = arith.index_cast %swap3A_2448 : i32 to index
    %swap3A_2450 = arith.constant 32 : index
    %swap3A_2451 = tpu.vector_load %arg10[%swap3A_2449, %swap3A_2450] {strides = array<i32>} : memref<40x128xf32, #tpu.memory_space<vmem>>, vector<1x16xf32>,
    %swap3A_2452 = vector.shape_cast %swap3A_2451 : vector<1x16xf32> to vector<16xf32>
    %swap3A_2453 = vector.shape_cast %broadcast_in_dim3A_2447 : vector<16xf32> to vector<1x16xf32>
    tpu.vector_store %arg10[%swap3A_2449, %swap3A_2450], %swap3A_2453 {strides = array<i32>} : memref<40x128xf32, #tpu.memory_space<vmem>>, vector<1x16xf32>,
    %broadcast_in_dim3A_2454 = arith.constant 0.000000e+00 : f32
    %broadcast_in_dim3A_2455 = vector.broadcast %broadcast_in_dim3A_2454 : f32 to vector<16xf32>
    %swap3A_2456 = arith.constant 38 : i32
    %swap3A_2457 = arith.index_cast %swap3A_2456 : i32 to index
    %swap3A_2458 = arith.constant 48 : index
    %swap3A_2459 = tpu.vector_load %arg10[%swap3A_2457, %swap3A_2458] {strides = array<i32>} : memref<40x128xf32, #tpu.memory_space<vmem>>, vector<1x16xf32>,
    %swap3A_2460 = vector.shape_cast %swap3A_2459 : vector<1x16xf32> to vector<16xf32>
    %swap3A_2461 = vector.shape_cast %broadcast_in_dim3A_2455 : vector<16xf32> to vector<1x16xf32>
    tpu.vector_store %arg10[%swap3A_2457, %swap3A_2458], %swap3A_2461 {strides = array<i32>} : memref<40x128xf32, #tpu.memory_space<vmem>>, vector<1x16xf32>,
    %broadcast_in_dim3A_2462 = arith.constant 0.000000e+00 : f32
    %broadcast_in_dim3A_2463 = vector.broadcast %broadcast_in_dim3A_2462 : f32 to vector<16xf32>
    %swap3A_2464 = arith.constant 38 : i32
    %swap3A_2465 = arith.index_cast %swap3A_2464 : i32 to index
    %swap3A_2466 = arith.constant 64 : index
    %swap3A_2467 = tpu.vector_load %arg10[%swap3A_2465, %swap3A_2466] {strides = array<i32>} : memref<40x128xf32, #tpu.memory_space<vmem>>, vector<1x16xf32>,
    %swap3A_2468 = vector.shape_cast %swap3A_2467 : vector<1x16xf32> to vector<16xf32>
    %swap3A_2469 = vector.shape_cast %broadcast_in_dim3A_2463 : vector<16xf32> to vector<1x16xf32>
    tpu.vector_store %arg10[%swap3A_2465, %swap3A_2466], %swap3A_2469 {strides = array<i32>} : memref<40x128xf32, #tpu.memory_space<vmem>>, vector<1x16xf32>,
    %broadcast_in_dim3A_2470 = arith.constant 0.000000e+00 : f32
    %broadcast_in_dim3A_2471 = vector.broadcast %broadcast_in_dim3A_2470 : f32 to vector<16xf32>
    %swap3A_2472 = arith.constant 38 : i32
    %swap3A_2473 = arith.index_cast %swap3A_2472 : i32 to index
    %swap3A_2474 = arith.constant 80 : index
    %swap3A_2475 = tpu.vector_load %arg10[%swap3A_2473, %swap3A_2474] {strides = array<i32>} : memref<40x128xf32, #tpu.memory_space<vmem>>, vector<1x16xf32>,
    %swap3A_2476 = vector.shape_cast %swap3A_2475 : vector<1x16xf32> to vector<16xf32>
    %swap3A_2477 = vector.shape_cast %broadcast_in_dim3A_2471 : vector<16xf32> to vector<1x16xf32>
    tpu.vector_store %arg10[%swap3A_2473, %swap3A_2474], %swap3A_2477 {strides = array<i32>} : memref<40x128xf32, #tpu.memory_space<vmem>>, vector<1x16xf32>,
    %broadcast_in_dim3A_2478 = arith.constant 0.000000e+00 : f32
    %broadcast_in_dim3A_2479 = vector.broadcast %broadcast_in_dim3A_2478 : f32 to vector<16xf32>
    %swap3A_2480 = arith.constant 38 : i32
    %swap3A_2481 = arith.index_cast %swap3A_2480 : i32 to index
    %swap3A_2482 = arith.constant 96 : index
    %swap3A_2483 = tpu.vector_load %arg10[%swap3A_2481, %swap3A_2482] {strides = array<i32>} : memref<40x128xf32, #tpu.memory_space<vmem>>, vector<1x16xf32>,
    %swap3A_2484 = vector.shape_cast %swap3A_2483 : vector<1x16xf32> to vector<16xf32>
    %swap3A_2485 = vector.shape_cast %broadcast_in_dim3A_2479 : vector<16xf32> to vector<1x16xf32>
    tpu.vector_store %arg10[%swap3A_2481, %swap3A_2482], %swap3A_2485 {strides = array<i32>} : memref<40x128xf32, #tpu.memory_space<vmem>>, vector<1x16xf32>,
    %broadcast_in_dim3A_2486 = arith.constant 0.000000e+00 : f32
    %broadcast_in_dim3A_2487 = vector.broadcast %broadcast_in_dim3A_2486 : f32 to vector<16xf32>
    %swap3A_2488 = arith.constant 38 : i32
    %swap3A_2489 = arith.index_cast %swap3A_2488 : i32 to index
    %swap3A_2490 = arith.constant 112 : index
    %swap3A_2491 = tpu.vector_load %arg10[%swap3A_2489, %swap3A_2490] {strides = array<i32>} : memref<40x128xf32, #tpu.memory_space<vmem>>, vector<1x16xf32>,
    %swap3A_2492 = vector.shape_cast %swap3A_2491 : vector<1x16xf32> to vector<16xf32>
    %swap3A_2493 = vector.shape_cast %broadcast_in_dim3A_2487 : vector<16xf32> to vector<1x16xf32>
    tpu.vector_store %arg10[%swap3A_2489, %swap3A_2490], %swap3A_2493 {strides = array<i32>} : memref<40x128xf32, #tpu.memory_space<vmem>>, vector<1x16xf32>,
    %broadcast_in_dim3A_2494 = arith.constant 0.000000e+00 : f32
    %broadcast_in_dim3A_2495 = vector.broadcast %broadcast_in_dim3A_2494 : f32 to vector<16xf32>
    %swap3A_2496 = arith.constant 39 : i32
    %swap3A_2497 = arith.index_cast %swap3A_2496 : i32 to index
    %swap3A_2498 = arith.constant 0 : index
    %swap3A_2499 = tpu.vector_load %arg10[%swap3A_2497, %swap3A_2498] {strides = array<i32>} : memref<40x128xf32, #tpu.memory_space<vmem>>, vector<1x16xf32>,
    %swap3A_2500 = vector.shape_cast %swap3A_2499 : vector<1x16xf32> to vector<16xf32>
    %swap3A_2501 = vector.shape_cast %broadcast_in_dim3A_2495 : vector<16xf32> to vector<1x16xf32>
    tpu.vector_store %arg10[%swap3A_2497, %swap3A_2498], %swap3A_2501 {strides = array<i32>} : memref<40x128xf32, #tpu.memory_space<vmem>>, vector<1x16xf32>,
    %broadcast_in_dim3A_2502 = arith.constant 0.000000e+00 : f32
    %broadcast_in_dim3A_2503 = vector.broadcast %broadcast_in_dim3A_2502 : f32 to vector<16xf32>
    %swap3A_2504 = arith.constant 39 : i32
    %swap3A_2505 = arith.index_cast %swap3A_2504 : i32 to index
    %swap3A_2506 = arith.constant 16 : index
    %swap3A_2507 = tpu.vector_load %arg10[%swap3A_2505, %swap3A_2506] {strides = array<i32>} : memref<40x128xf32, #tpu.memory_space<vmem>>, vector<1x16xf32>,
    %swap3A_2508 = vector.shape_cast %swap3A_2507 : vector<1x16xf32> to vector<16xf32>
    %swap3A_2509 = vector.shape_cast %broadcast_in_dim3A_2503 : vector<16xf32> to vector<1x16xf32>
    tpu.vector_store %arg10[%swap3A_2505, %swap3A_2506], %swap3A_2509 {strides = array<i32>} : memref<40x128xf32, #tpu.memory_space<vmem>>, vector<1x16xf32>,
    %broadcast_in_dim3A_2510 = arith.constant 0.000000e+00 : f32
    %broadcast_in_dim3A_2511 = vector.broadcast %broadcast_in_dim3A_2510 : f32 to vector<16xf32>
    %swap3A_2512 = arith.constant 39 : i32
    %swap3A_2513 = arith.index_cast %swap3A_2512 : i32 to index
    %swap3A_2514 = arith.constant 32 : index
    %swap3A_2515 = tpu.vector_load %arg10[%swap3A_2513, %swap3A_2514] {strides = array<i32>} : memref<40x128xf32, #tpu.memory_space<vmem>>, vector<1x16xf32>,
    %swap3A_2516 = vector.shape_cast %swap3A_2515 : vector<1x16xf32> to vector<16xf32>
    %swap3A_2517 = vector.shape_cast %broadcast_in_dim3A_2511 : vector<16xf32> to vector<1x16xf32>
    tpu.vector_store %arg10[%swap3A_2513, %swap3A_2514], %swap3A_2517 {strides = array<i32>} : memref<40x128xf32, #tpu.memory_space<vmem>>, vector<1x16xf32>,
    %broadcast_in_dim3A_2518 = arith.constant 0.000000e+00 : f32
    %broadcast_in_dim3A_2519 = vector.broadcast %broadcast_in_dim3A_2518 : f32 to vector<16xf32>
    %swap3A_2520 = arith.constant 39 : i32
    %swap3A_2521 = arith.index_cast %swap3A_2520 : i32 to index
    %swap3A_2522 = arith.constant 48 : index
    %swap3A_2523 = tpu.vector_load %arg10[%swap3A_2521, %swap3A_2522] {strides = array<i32>} : memref<40x128xf32, #tpu.memory_space<vmem>>, vector<1x16xf32>,
    %swap3A_2524 = vector.shape_cast %swap3A_2523 : vector<1x16xf32> to vector<16xf32>
    %swap3A_2525 = vector.shape_cast %broadcast_in_dim3A_2519 : vector<16xf32> to vector<1x16xf32>
    tpu.vector_store %arg10[%swap3A_2521, %swap3A_2522], %swap3A_2525 {strides = array<i32>} : memref<40x128xf32, #tpu.memory_space<vmem>>, vector<1x16xf32>,
    %broadcast_in_dim3A_2526 = arith.constant 0.000000e+00 : f32
    %broadcast_in_dim3A_2527 = vector.broadcast %broadcast_in_dim3A_2526 : f32 to vector<16xf32>
    %swap3A_2528 = arith.constant 39 : i32
    %swap3A_2529 = arith.index_cast %swap3A_2528 : i32 to index
    %swap3A_2530 = arith.constant 64 : index
    %swap3A_2531 = tpu.vector_load %arg10[%swap3A_2529, %swap3A_2530] {strides = array<i32>} : memref<40x128xf32, #tpu.memory_space<vmem>>, vector<1x16xf32>,
    %swap3A_2532 = vector.shape_cast %swap3A_2531 : vector<1x16xf32> to vector<16xf32>
    %swap3A_2533 = vector.shape_cast %broadcast_in_dim3A_2527 : vector<16xf32> to vector<1x16xf32>
    tpu.vector_store %arg10[%swap3A_2529, %swap3A_2530], %swap3A_2533 {strides = array<i32>} : memref<40x128xf32, #tpu.memory_space<vmem>>, vector<1x16xf32>,
    %broadcast_in_dim3A_2534 = arith.constant 0.000000e+00 : f32
    %broadcast_in_dim3A_2535 = vector.broadcast %broadcast_in_dim3A_2534 : f32 to vector<16xf32>
    %swap3A_2536 = arith.constant 39 : i32
    %swap3A_2537 = arith.index_cast %swap3A_2536 : i32 to index
    %swap3A_2538 = arith.constant 80 : index
    %swap3A_2539 = tpu.vector_load %arg10[%swap3A_2537, %swap3A_2538] {strides = array<i32>} : memref<40x128xf32, #tpu.memory_space<vmem>>, vector<1x16xf32>,
    %swap3A_2540 = vector.shape_cast %swap3A_2539 : vector<1x16xf32> to vector<16xf32>
    %swap3A_2541 = vector.shape_cast %broadcast_in_dim3A_2535 : vector<16xf32> to vector<1x16xf32>
    tpu.vector_store %arg10[%swap3A_2537, %swap3A_2538], %swap3A_2541 {strides = array<i32>} : memref<40x128xf32, #tpu.memory_space<vmem>>, vector<1x16xf32>,
    %broadcast_in_dim3A_2542 = arith.constant 0.000000e+00 : f32
    %broadcast_in_dim3A_2543 = vector.broadcast %broadcast_in_dim3A_2542 : f32 to vector<16xf32>
    %swap3A_2544 = arith.constant 39 : i32
    %swap3A_2545 = arith.index_cast %swap3A_2544 : i32 to index
    %swap3A_2546 = arith.constant 96 : index
    %swap3A_2547 = tpu.vector_load %arg10[%swap3A_2545, %swap3A_2546] {strides = array<i32>} : memref<40x128xf32, #tpu.memory_space<vmem>>, vector<1x16xf32>,
    %swap3A_2548 = vector.shape_cast %swap3A_2547 : vector<1x16xf32> to vector<16xf32>
    %swap3A_2549 = vector.shape_cast %broadcast_in_dim3A_2543 : vector<16xf32> to vector<1x16xf32>
    tpu.vector_store %arg10[%swap3A_2545, %swap3A_2546], %swap3A_2549 {strides = array<i32>} : memref<40x128xf32, #tpu.memory_space<vmem>>, vector<1x16xf32>,
    %broadcast_in_dim3A_2550 = arith.constant 0.000000e+00 : f32
    %broadcast_in_dim3A_2551 = vector.broadcast %broadcast_in_dim3A_2550 : f32 to vector<16xf32>
    %swap3A_2552 = arith.constant 39 : i32
    %swap3A_2553 = arith.index_cast %swap3A_2552 : i32 to index
    %swap3A_2554 = arith.constant 112 : index
    %swap3A_2555 = tpu.vector_load %arg10[%swap3A_2553, %swap3A_2554] {strides = array<i32>} : memref<40x128xf32, #tpu.memory_space<vmem>>, vector<1x16xf32>,
    %swap3A_2556 = vector.shape_cast %swap3A_2555 : vector<1x16xf32> to vector<16xf32>
    %swap3A_2557 = vector.shape_cast %broadcast_in_dim3A_2551 : vector<16xf32> to vector<1x16xf32>
    tpu.vector_store %arg10[%swap3A_2553, %swap3A_2554], %swap3A_2557 {strides = array<i32>} : memref<40x128xf32, #tpu.memory_space<vmem>>, vector<1x16xf32>,
    %scan3A = arith.constant 0 : i32
    %scan3A_2558 = arith.constant 0 : i32
    %scan3A_2559 = arith.constant 8 : i32
    %scan3A_2560 = arith.addi %scan3A_2558, %scan3A_2559 : i32
    %scan3A_2561 = arith.constant 1 : i32
    %scan3A_2562 = scf.for %scan3A_2605 = %scan3A_2558 to %scan3A_2560 step %scan3A_2561 iter_args(%scan3A_2606 = %scan3A) -> (i32)  : i32 {
      %mul3A = arith.constant 320 : i32
      %mul3A_2607 = arith.muli %mul3A, %arg1 : i32
      %mul3A_2608 = arith.constant 40 : i32
      %mul3A_2609 = arith.muli %mul3A_2608, %scan3A_2605 : i32
      %add3A = arith.addi %mul3A_2607, %mul3A_2609 : i32
      "tpu.region"() ({
        %run_scoped3A = tpu.sem_alloc : memref<!tpu.dma_semaphore, #tpu.memory_space<semaphore_mem>>
        %dma_start3A_2611 = arith.constant 0 : i32
        %dma_start3A_2612 = tpu.memref_slice %arg13[%add3A, %dma_start3A_2611] : memref<5120x128xf32, #tpu.memory_space<vmem_shared>> -> memref<40x128xf32, #tpu.memory_space<vmem_shared>>
        %dma_start3A_2613 = arith.constant 0 : i32
        %dma_start3A_2614 = tpu.memref_slice %arg13[%add3A, %dma_start3A_2613] : memref<5120x128xf32, #tpu.memory_space<vmem_shared>> -> memref<40x128xf32, #tpu.memory_space<vmem_shared>>
        tpu.enqueue_dma source(%arg10 : memref<40x128xf32, #tpu.memory_space<vmem>>) target(%dma_start3A_2614 : memref<40x128xf32, #tpu.memory_space<vmem_shared>>) target_semaphore(%run_scoped3A : memref<!tpu.dma_semaphore, #tpu.memory_space<semaphore_mem>>)
        %dma_wait3A = arith.constant 0 : i32
        %dma_wait3A_2615 = tpu.memref_slice %arg13[%add3A, %dma_wait3A] : memref<5120x128xf32, #tpu.memory_space<vmem_shared>> -> memref<40x128xf32, #tpu.memory_space<vmem_shared>>
        %dma_wait3A_2616 = arith.constant 0 : i32
        %dma_wait3A_2617 = tpu.memref_slice %arg13[%add3A, %dma_wait3A_2616] : memref<5120x128xf32, #tpu.memory_space<vmem_shared>> -> memref<40x128xf32, #tpu.memory_space<vmem_shared>>
        tpu.wait_dma2 semaphore(%run_scoped3A : memref<!tpu.dma_semaphore, #tpu.memory_space<semaphore_mem>>) src(%arg10 : memref<40x128xf32, #tpu.memory_space<vmem>>) dst(%dma_wait3A_2617 : memref<40x128xf32, #tpu.memory_space<vmem_shared>>)
        tpu.yield
      }) : () -> ()
      %scan3A_2610 = arith.constant 0 : i32
      scf.yield %scan3A_2610 : i32
    }
    %scan3A_2563 = arith.constant 8 : i32
    "tpu.region"() ({
      %run_scoped3A = tpu.sem_alloc : memref<!tpu.dma_semaphore, #tpu.memory_space<semaphore_mem>>
      %dma_start3A_2605 = arith.constant 0 : i32
      %dma_start3A_2606 = arith.constant 0 : i32
      %dma_start3A_2607 = tpu.memref_slice %arg2[%arg1, %arg0, %dma_start3A_2605, %dma_start3A_2606] : memref<16x2x80x128xi32, #tpu.memory_space<hbm>> -> memref<1x1x80x128xi32, #tpu.memory_space<hbm>>
      %dma_start3A_2608 = tpu.memref_squeeze %dma_start3A_2607 : memref<1x1x80x128xi32, #tpu.memory_space<hbm>> -> memref<80x128xi32, #tpu.memory_space<hbm>>
      %dma_start3A_2609 = arith.constant 0 : i32
      %dma_start3A_2610 = arith.constant 0 : i32
      %dma_start3A_2611 = tpu.memref_slice %arg2[%arg1, %arg0, %dma_start3A_2609, %dma_start3A_2610] : memref<16x2x80x128xi32, #tpu.memory_space<hbm>> -> memref<1x1x80x128xi32, #tpu.memory_space<hbm>>
      %dma_start3A_2612 = tpu.memref_squeeze %dma_start3A_2611 : memref<1x1x80x128xi32, #tpu.memory_space<hbm>> -> memref<80x128xi32, #tpu.memory_space<hbm>>
      tpu.enqueue_dma source(%dma_start3A_2612 : memref<80x128xi32, #tpu.memory_space<hbm>>) target(%arg6 : memref<80x128xi32, #tpu.memory_space<vmem>>) target_semaphore(%run_scoped3A : memref<!tpu.dma_semaphore, #tpu.memory_space<semaphore_mem>>)
      %dma_wait3A = arith.constant 0 : i32
      %dma_wait3A_2613 = arith.constant 0 : i32
      %dma_wait3A_2614 = tpu.memref_slice %arg2[%arg1, %arg0, %dma_wait3A, %dma_wait3A_2613] : memref<16x2x80x128xi32, #tpu.memory_space<hbm>> -> memref<1x1x80x128xi32, #tpu.memory_space<hbm>>
      %dma_wait3A_2615 = tpu.memref_squeeze %dma_wait3A_2614 : memref<1x1x80x128xi32, #tpu.memory_space<hbm>> -> memref<80x128xi32, #tpu.memory_space<hbm>>
      %dma_wait3A_2616 = arith.constant 0 : i32
      %dma_wait3A_2617 = arith.constant 0 : i32
      %dma_wait3A_2618 = tpu.memref_slice %arg2[%arg1, %arg0, %dma_wait3A_2616, %dma_wait3A_2617] : memref<16x2x80x128xi32, #tpu.memory_space<hbm>> -> memref<1x1x80x128xi32, #tpu.memory_space<hbm>>
      %dma_wait3A_2619 = tpu.memref_squeeze %dma_wait3A_2618 : memref<1x1x80x128xi32, #tpu.memory_space<hbm>> -> memref<80x128xi32, #tpu.memory_space<hbm>>
      tpu.wait_dma2 semaphore(%run_scoped3A : memref<!tpu.dma_semaphore, #tpu.memory_space<semaphore_mem>>) src(%dma_wait3A_2619 : memref<80x128xi32, #tpu.memory_space<hbm>>) dst(%arg6 : memref<80x128xi32, #tpu.memory_space<vmem>>)
      tpu.yield
    }) : () -> ()
    "tpu.region"() ({
      %run_scoped3A = tpu.sem_alloc : memref<!tpu.dma_semaphore, #tpu.memory_space<semaphore_mem>>
      %dma_start3A_2605 = arith.constant 0 : i32
      %dma_start3A_2606 = arith.constant 0 : i32
      %dma_start3A_2607 = tpu.memref_slice %arg3[%arg1, %arg0, %dma_start3A_2605, %dma_start3A_2606] : memref<16x2x80x128xi32, #tpu.memory_space<hbm>> -> memref<1x1x80x128xi32, #tpu.memory_space<hbm>>
      %dma_start3A_2608 = tpu.memref_squeeze %dma_start3A_2607 : memref<1x1x80x128xi32, #tpu.memory_space<hbm>> -> memref<80x128xi32, #tpu.memory_space<hbm>>
      %dma_start3A_2609 = arith.constant 0 : i32
      %dma_start3A_2610 = arith.constant 0 : i32
      %dma_start3A_2611 = tpu.memref_slice %arg3[%arg1, %arg0, %dma_start3A_2609, %dma_start3A_2610] : memref<16x2x80x128xi32, #tpu.memory_space<hbm>> -> memref<1x1x80x128xi32, #tpu.memory_space<hbm>>
      %dma_start3A_2612 = tpu.memref_squeeze %dma_start3A_2611 : memref<1x1x80x128xi32, #tpu.memory_space<hbm>> -> memref<80x128xi32, #tpu.memory_space<hbm>>
      tpu.enqueue_dma source(%dma_start3A_2612 : memref<80x128xi32, #tpu.memory_space<hbm>>) target(%arg7 : memref<80x128xi32, #tpu.memory_space<vmem>>) target_semaphore(%run_scoped3A : memref<!tpu.dma_semaphore, #tpu.memory_space<semaphore_mem>>)
      %dma_wait3A = arith.constant 0 : i32
      %dma_wait3A_2613 = arith.constant 0 : i32
      %dma_wait3A_2614 = tpu.memref_slice %arg3[%arg1, %arg0, %dma_wait3A, %dma_wait3A_2613] : memref<16x2x80x128xi32, #tpu.memory_space<hbm>> -> memref<1x1x80x128xi32, #tpu.memory_space<hbm>>
      %dma_wait3A_2615 = tpu.memref_squeeze %dma_wait3A_2614 : memref<1x1x80x128xi32, #tpu.memory_space<hbm>> -> memref<80x128xi32, #tpu.memory_space<hbm>>
      %dma_wait3A_2616 = arith.constant 0 : i32
      %dma_wait3A_2617 = arith.constant 0 : i32
      %dma_wait3A_2618 = tpu.memref_slice %arg3[%arg1, %arg0, %dma_wait3A_2616, %dma_wait3A_2617] : memref<16x2x80x128xi32, #tpu.memory_space<hbm>> -> memref<1x1x80x128xi32, #tpu.memory_space<hbm>>
      %dma_wait3A_2619 = tpu.memref_squeeze %dma_wait3A_2618 : memref<1x1x80x128xi32, #tpu.memory_space<hbm>> -> memref<80x128xi32, #tpu.memory_space<hbm>>
      tpu.wait_dma2 semaphore(%run_scoped3A : memref<!tpu.dma_semaphore, #tpu.memory_space<semaphore_mem>>) src(%dma_wait3A_2619 : memref<80x128xi32, #tpu.memory_space<hbm>>) dst(%arg7 : memref<80x128xi32, #tpu.memory_space<vmem>>)
      tpu.yield
    }) : () -> ()
    %scan3A_2564 = arith.constant 0 : i32
    %scan3A_2565 = arith.constant 0 : i32
    %scan3A_2566 = arith.constant 80 : i32
    %scan3A_2567 = arith.addi %scan3A_2565, %scan3A_2566 : i32
    %scan3A_2568 = arith.constant 1 : i32
    %scan3A_2569 = scf.for %scan3A_2605 = %scan3A_2565 to %scan3A_2567 step %scan3A_2568 iter_args(%scan3A_2606 = %scan3A_2564) -> (i32)  : i32 {
      %get3A = arith.index_cast %scan3A_2605 : i32 to index
      %get3A_2607 = arith.constant 0 : index
      %get3A_2608 = tpu.vector_load %arg7[%get3A, %get3A_2607] {strides = array<i32>} : memref<80x128xi32, #tpu.memory_space<vmem>>, vector<1x16xi32>,
      %get3A_2609 = vector.shape_cast %get3A_2608 : vector<1x16xi32> to vector<16xi32>
      %get3A_2610 = arith.index_cast %scan3A_2605 : i32 to index
      %get3A_2611 = arith.constant 0 : index
      %get3A_2612 = tpu.vector_load %arg6[%get3A_2610, %get3A_2611] {strides = array<i32>} : memref<80x128xi32, #tpu.memory_space<vmem>>, vector<1x16xi32>,
      %get3A_2613 = vector.shape_cast %get3A_2612 : vector<1x16xi32> to vector<16xi32>
      %and3A = arith.constant 1 : i32
      %and3A_2614 = vector.broadcast %and3A : i32 to vector<16xi32>
      %and3A_2615 = arith.andi %get3A_2609, %and3A_2614 : vector<16xi32>
      %mul3A = arith.constant 10000 : i32
      %mul3A_2616 = vector.broadcast %mul3A : i32 to vector<16xi32>
      %mul3A_2617 = arith.muli %and3A_2615, %mul3A_2616 : vector<16xi32>
      %add3A = arith.addi %get3A_2613, %mul3A_2617 : vector<16xi32>
      %swap3A_2618 = arith.index_cast %scan3A_2605 : i32 to index
      %swap3A_2619 = arith.constant 0 : index
      %swap3A_2620 = tpu.vector_load %arg6[%swap3A_2618, %swap3A_2619] {strides = array<i32>} : memref<80x128xi32, #tpu.memory_space<vmem>>, vector<1x16xi32>,
      %swap3A_2621 = vector.shape_cast %swap3A_2620 : vector<1x16xi32> to vector<16xi32>
      %swap3A_2622 = vector.shape_cast %add3A : vector<16xi32> to vector<1x16xi32>
      tpu.vector_store %arg6[%swap3A_2618, %swap3A_2619], %swap3A_2622 {strides = array<i32>} : memref<80x128xi32, #tpu.memory_space<vmem>>, vector<1x16xi32>,
      %shift_right_logical3A = arith.constant 1 : i32
      %shift_right_logical3A_2623 = vector.broadcast %shift_right_logical3A : i32 to vector<16xi32>
      %shift_right_logical3A_2624 = arith.shrui %get3A_2609, %shift_right_logical3A_2623 : vector<16xi32>
      %swap3A_2625 = arith.index_cast %scan3A_2605 : i32 to index
      %swap3A_2626 = arith.constant 0 : index
      %swap3A_2627 = tpu.vector_load %arg7[%swap3A_2625, %swap3A_2626] {strides = array<i32>} : memref<80x128xi32, #tpu.memory_space<vmem>>, vector<1x16xi32>,
      %swap3A_2628 = vector.shape_cast %swap3A_2627 : vector<1x16xi32> to vector<16xi32>
      %swap3A_2629 = vector.shape_cast %shift_right_logical3A_2624 : vector<16xi32> to vector<1x16xi32>
      tpu.vector_store %arg7[%swap3A_2625, %swap3A_2626], %swap3A_2629 {strides = array<i32>} : memref<80x128xi32, #tpu.memory_space<vmem>>, vector<1x16xi32>,
      %get3A_2630 = arith.index_cast %scan3A_2605 : i32 to index
      %get3A_2631 = arith.constant 16 : index
      %get3A_2632 = tpu.vector_load %arg7[%get3A_2630, %get3A_2631] {strides = array<i32>} : memref<80x128xi32, #tpu.memory_space<vmem>>, vector<1x16xi32>,
      %get3A_2633 = vector.shape_cast %get3A_2632 : vector<1x16xi32> to vector<16xi32>
      %get3A_2634 = arith.index_cast %scan3A_2605 : i32 to index
      %get3A_2635 = arith.constant 16 : index
      %get3A_2636 = tpu.vector_load %arg6[%get3A_2634, %get3A_2635] {strides = array<i32>} : memref<80x128xi32, #tpu.memory_space<vmem>>, vector<1x16xi32>,
      %get3A_2637 = vector.shape_cast %get3A_2636 : vector<1x16xi32> to vector<16xi32>
      %and3A_2638 = arith.constant 1 : i32
      %and3A_2639 = vector.broadcast %and3A_2638 : i32 to vector<16xi32>
      %and3A_2640 = arith.andi %get3A_2633, %and3A_2639 : vector<16xi32>
      %mul3A_2641 = arith.constant 10000 : i32
      %mul3A_2642 = vector.broadcast %mul3A_2641 : i32 to vector<16xi32>
      %mul3A_2643 = arith.muli %and3A_2640, %mul3A_2642 : vector<16xi32>
      %add3A_2644 = arith.addi %get3A_2637, %mul3A_2643 : vector<16xi32>
      %swap3A_2645 = arith.index_cast %scan3A_2605 : i32 to index
      %swap3A_2646 = arith.constant 16 : index
      %swap3A_2647 = tpu.vector_load %arg6[%swap3A_2645, %swap3A_2646] {strides = array<i32>} : memref<80x128xi32, #tpu.memory_space<vmem>>, vector<1x16xi32>,
      %swap3A_2648 = vector.shape_cast %swap3A_2647 : vector<1x16xi32> to vector<16xi32>
      %swap3A_2649 = vector.shape_cast %add3A_2644 : vector<16xi32> to vector<1x16xi32>
      tpu.vector_store %arg6[%swap3A_2645, %swap3A_2646], %swap3A_2649 {strides = array<i32>} : memref<80x128xi32, #tpu.memory_space<vmem>>, vector<1x16xi32>,
      %shift_right_logical3A_2650 = arith.constant 1 : i32
      %shift_right_logical3A_2651 = vector.broadcast %shift_right_logical3A_2650 : i32 to vector<16xi32>
      %shift_right_logical3A_2652 = arith.shrui %get3A_2633, %shift_right_logical3A_2651 : vector<16xi32>
      %swap3A_2653 = arith.index_cast %scan3A_2605 : i32 to index
      %swap3A_2654 = arith.constant 16 : index
      %swap3A_2655 = tpu.vector_load %arg7[%swap3A_2653, %swap3A_2654] {strides = array<i32>} : memref<80x128xi32, #tpu.memory_space<vmem>>, vector<1x16xi32>,
      %swap3A_2656 = vector.shape_cast %swap3A_2655 : vector<1x16xi32> to vector<16xi32>
      %swap3A_2657 = vector.shape_cast %shift_right_logical3A_2652 : vector<16xi32> to vector<1x16xi32>
      tpu.vector_store %arg7[%swap3A_2653, %swap3A_2654], %swap3A_2657 {strides = array<i32>} : memref<80x128xi32, #tpu.memory_space<vmem>>, vector<1x16xi32>,
      %get3A_2658 = arith.index_cast %scan3A_2605 : i32 to index
      %get3A_2659 = arith.constant 32 : index
      %get3A_2660 = tpu.vector_load %arg7[%get3A_2658, %get3A_2659] {strides = array<i32>} : memref<80x128xi32, #tpu.memory_space<vmem>>, vector<1x16xi32>,
      %get3A_2661 = vector.shape_cast %get3A_2660 : vector<1x16xi32> to vector<16xi32>
      %get3A_2662 = arith.index_cast %scan3A_2605 : i32 to index
      %get3A_2663 = arith.constant 32 : index
      %get3A_2664 = tpu.vector_load %arg6[%get3A_2662, %get3A_2663] {strides = array<i32>} : memref<80x128xi32, #tpu.memory_space<vmem>>, vector<1x16xi32>,
      %get3A_2665 = vector.shape_cast %get3A_2664 : vector<1x16xi32> to vector<16xi32>
      %and3A_2666 = arith.constant 1 : i32
      %and3A_2667 = vector.broadcast %and3A_2666 : i32 to vector<16xi32>
      %and3A_2668 = arith.andi %get3A_2661, %and3A_2667 : vector<16xi32>
      %mul3A_2669 = arith.constant 10000 : i32
      %mul3A_2670 = vector.broadcast %mul3A_2669 : i32 to vector<16xi32>
      %mul3A_2671 = arith.muli %and3A_2668, %mul3A_2670 : vector<16xi32>
      %add3A_2672 = arith.addi %get3A_2665, %mul3A_2671 : vector<16xi32>
      %swap3A_2673 = arith.index_cast %scan3A_2605 : i32 to index
      %swap3A_2674 = arith.constant 32 : index
      %swap3A_2675 = tpu.vector_load %arg6[%swap3A_2673, %swap3A_2674] {strides = array<i32>} : memref<80x128xi32, #tpu.memory_space<vmem>>, vector<1x16xi32>,
      %swap3A_2676 = vector.shape_cast %swap3A_2675 : vector<1x16xi32> to vector<16xi32>
      %swap3A_2677 = vector.shape_cast %add3A_2672 : vector<16xi32> to vector<1x16xi32>
      tpu.vector_store %arg6[%swap3A_2673, %swap3A_2674], %swap3A_2677 {strides = array<i32>} : memref<80x128xi32, #tpu.memory_space<vmem>>, vector<1x16xi32>,
      %shift_right_logical3A_2678 = arith.constant 1 : i32
      %shift_right_logical3A_2679 = vector.broadcast %shift_right_logical3A_2678 : i32 to vector<16xi32>
      %shift_right_logical3A_2680 = arith.shrui %get3A_2661, %shift_right_logical3A_2679 : vector<16xi32>
      %swap3A_2681 = arith.index_cast %scan3A_2605 : i32 to index
      %swap3A_2682 = arith.constant 32 : index
      %swap3A_2683 = tpu.vector_load %arg7[%swap3A_2681, %swap3A_2682] {strides = array<i32>} : memref<80x128xi32, #tpu.memory_space<vmem>>, vector<1x16xi32>,
      %swap3A_2684 = vector.shape_cast %swap3A_2683 : vector<1x16xi32> to vector<16xi32>
      %swap3A_2685 = vector.shape_cast %shift_right_logical3A_2680 : vector<16xi32> to vector<1x16xi32>
      tpu.vector_store %arg7[%swap3A_2681, %swap3A_2682], %swap3A_2685 {strides = array<i32>} : memref<80x128xi32, #tpu.memory_space<vmem>>, vector<1x16xi32>,
      %get3A_2686 = arith.index_cast %scan3A_2605 : i32 to index
      %get3A_2687 = arith.constant 48 : index
      %get3A_2688 = tpu.vector_load %arg7[%get3A_2686, %get3A_2687] {strides = array<i32>} : memref<80x128xi32, #tpu.memory_space<vmem>>, vector<1x16xi32>,
      %get3A_2689 = vector.shape_cast %get3A_2688 : vector<1x16xi32> to vector<16xi32>
      %get3A_2690 = arith.index_cast %scan3A_2605 : i32 to index
      %get3A_2691 = arith.constant 48 : index
      %get3A_2692 = tpu.vector_load %arg6[%get3A_2690, %get3A_2691] {strides = array<i32>} : memref<80x128xi32, #tpu.memory_space<vmem>>, vector<1x16xi32>,
      %get3A_2693 = vector.shape_cast %get3A_2692 : vector<1x16xi32> to vector<16xi32>
      %and3A_2694 = arith.constant 1 : i32
      %and3A_2695 = vector.broadcast %and3A_2694 : i32 to vector<16xi32>
      %and3A_2696 = arith.andi %get3A_2689, %and3A_2695 : vector<16xi32>
      %mul3A_2697 = arith.constant 10000 : i32
      %mul3A_2698 = vector.broadcast %mul3A_2697 : i32 to vector<16xi32>
      %mul3A_2699 = arith.muli %and3A_2696, %mul3A_2698 : vector<16xi32>
      %add3A_2700 = arith.addi %get3A_2693, %mul3A_2699 : vector<16xi32>
      %swap3A_2701 = arith.index_cast %scan3A_2605 : i32 to index
      %swap3A_2702 = arith.constant 48 : index
      %swap3A_2703 = tpu.vector_load %arg6[%swap3A_2701, %swap3A_2702] {strides = array<i32>} : memref<80x128xi32, #tpu.memory_space<vmem>>, vector<1x16xi32>,
      %swap3A_2704 = vector.shape_cast %swap3A_2703 : vector<1x16xi32> to vector<16xi32>
      %swap3A_2705 = vector.shape_cast %add3A_2700 : vector<16xi32> to vector<1x16xi32>
      tpu.vector_store %arg6[%swap3A_2701, %swap3A_2702], %swap3A_2705 {strides = array<i32>} : memref<80x128xi32, #tpu.memory_space<vmem>>, vector<1x16xi32>,
      %shift_right_logical3A_2706 = arith.constant 1 : i32
      %shift_right_logical3A_2707 = vector.broadcast %shift_right_logical3A_2706 : i32 to vector<16xi32>
      %shift_right_logical3A_2708 = arith.shrui %get3A_2689, %shift_right_logical3A_2707 : vector<16xi32>
      %swap3A_2709 = arith.index_cast %scan3A_2605 : i32 to index
      %swap3A_2710 = arith.constant 48 : index
      %swap3A_2711 = tpu.vector_load %arg7[%swap3A_2709, %swap3A_2710] {strides = array<i32>} : memref<80x128xi32, #tpu.memory_space<vmem>>, vector<1x16xi32>,
      %swap3A_2712 = vector.shape_cast %swap3A_2711 : vector<1x16xi32> to vector<16xi32>
      %swap3A_2713 = vector.shape_cast %shift_right_logical3A_2708 : vector<16xi32> to vector<1x16xi32>
      tpu.vector_store %arg7[%swap3A_2709, %swap3A_2710], %swap3A_2713 {strides = array<i32>} : memref<80x128xi32, #tpu.memory_space<vmem>>, vector<1x16xi32>,
      %get3A_2714 = arith.index_cast %scan3A_2605 : i32 to index
      %get3A_2715 = arith.constant 64 : index
      %get3A_2716 = tpu.vector_load %arg7[%get3A_2714, %get3A_2715] {strides = array<i32>} : memref<80x128xi32, #tpu.memory_space<vmem>>, vector<1x16xi32>,
      %get3A_2717 = vector.shape_cast %get3A_2716 : vector<1x16xi32> to vector<16xi32>
      %get3A_2718 = arith.index_cast %scan3A_2605 : i32 to index
      %get3A_2719 = arith.constant 64 : index
      %get3A_2720 = tpu.vector_load %arg6[%get3A_2718, %get3A_2719] {strides = array<i32>} : memref<80x128xi32, #tpu.memory_space<vmem>>, vector<1x16xi32>,
      %get3A_2721 = vector.shape_cast %get3A_2720 : vector<1x16xi32> to vector<16xi32>
      %and3A_2722 = arith.constant 1 : i32
      %and3A_2723 = vector.broadcast %and3A_2722 : i32 to vector<16xi32>
      %and3A_2724 = arith.andi %get3A_2717, %and3A_2723 : vector<16xi32>
      %mul3A_2725 = arith.constant 10000 : i32
      %mul3A_2726 = vector.broadcast %mul3A_2725 : i32 to vector<16xi32>
      %mul3A_2727 = arith.muli %and3A_2724, %mul3A_2726 : vector<16xi32>
      %add3A_2728 = arith.addi %get3A_2721, %mul3A_2727 : vector<16xi32>
      %swap3A_2729 = arith.index_cast %scan3A_2605 : i32 to index
      %swap3A_2730 = arith.constant 64 : index
      %swap3A_2731 = tpu.vector_load %arg6[%swap3A_2729, %swap3A_2730] {strides = array<i32>} : memref<80x128xi32, #tpu.memory_space<vmem>>, vector<1x16xi32>,
      %swap3A_2732 = vector.shape_cast %swap3A_2731 : vector<1x16xi32> to vector<16xi32>
      %swap3A_2733 = vector.shape_cast %add3A_2728 : vector<16xi32> to vector<1x16xi32>
      tpu.vector_store %arg6[%swap3A_2729, %swap3A_2730], %swap3A_2733 {strides = array<i32>} : memref<80x128xi32, #tpu.memory_space<vmem>>, vector<1x16xi32>,
      %shift_right_logical3A_2734 = arith.constant 1 : i32
      %shift_right_logical3A_2735 = vector.broadcast %shift_right_logical3A_2734 : i32 to vector<16xi32>
      %shift_right_logical3A_2736 = arith.shrui %get3A_2717, %shift_right_logical3A_2735 : vector<16xi32>
      %swap3A_2737 = arith.index_cast %scan3A_2605 : i32 to index
      %swap3A_2738 = arith.constant 64 : index
      %swap3A_2739 = tpu.vector_load %arg7[%swap3A_2737, %swap3A_2738] {strides = array<i32>} : memref<80x128xi32, #tpu.memory_space<vmem>>, vector<1x16xi32>,
      %swap3A_2740 = vector.shape_cast %swap3A_2739 : vector<1x16xi32> to vector<16xi32>
      %swap3A_2741 = vector.shape_cast %shift_right_logical3A_2736 : vector<16xi32> to vector<1x16xi32>
      tpu.vector_store %arg7[%swap3A_2737, %swap3A_2738], %swap3A_2741 {strides = array<i32>} : memref<80x128xi32, #tpu.memory_space<vmem>>, vector<1x16xi32>,
      %get3A_2742 = arith.index_cast %scan3A_2605 : i32 to index
      %get3A_2743 = arith.constant 80 : index
      %get3A_2744 = tpu.vector_load %arg7[%get3A_2742, %get3A_2743] {strides = array<i32>} : memref<80x128xi32, #tpu.memory_space<vmem>>, vector<1x16xi32>,
      %get3A_2745 = vector.shape_cast %get3A_2744 : vector<1x16xi32> to vector<16xi32>
      %get3A_2746 = arith.index_cast %scan3A_2605 : i32 to index
      %get3A_2747 = arith.constant 80 : index
      %get3A_2748 = tpu.vector_load %arg6[%get3A_2746, %get3A_2747] {strides = array<i32>} : memref<80x128xi32, #tpu.memory_space<vmem>>, vector<1x16xi32>,
      %get3A_2749 = vector.shape_cast %get3A_2748 : vector<1x16xi32> to vector<16xi32>
      %and3A_2750 = arith.constant 1 : i32
      %and3A_2751 = vector.broadcast %and3A_2750 : i32 to vector<16xi32>
      %and3A_2752 = arith.andi %get3A_2745, %and3A_2751 : vector<16xi32>
      %mul3A_2753 = arith.constant 10000 : i32
      %mul3A_2754 = vector.broadcast %mul3A_2753 : i32 to vector<16xi32>
      %mul3A_2755 = arith.muli %and3A_2752, %mul3A_2754 : vector<16xi32>
      %add3A_2756 = arith.addi %get3A_2749, %mul3A_2755 : vector<16xi32>
      %swap3A_2757 = arith.index_cast %scan3A_2605 : i32 to index
      %swap3A_2758 = arith.constant 80 : index
      %swap3A_2759 = tpu.vector_load %arg6[%swap3A_2757, %swap3A_2758] {strides = array<i32>} : memref<80x128xi32, #tpu.memory_space<vmem>>, vector<1x16xi32>,
      %swap3A_2760 = vector.shape_cast %swap3A_2759 : vector<1x16xi32> to vector<16xi32>
      %swap3A_2761 = vector.shape_cast %add3A_2756 : vector<16xi32> to vector<1x16xi32>
      tpu.vector_store %arg6[%swap3A_2757, %swap3A_2758], %swap3A_2761 {strides = array<i32>} : memref<80x128xi32, #tpu.memory_space<vmem>>, vector<1x16xi32>,
      %shift_right_logical3A_2762 = arith.constant 1 : i32
      %shift_right_logical3A_2763 = vector.broadcast %shift_right_logical3A_2762 : i32 to vector<16xi32>
      %shift_right_logical3A_2764 = arith.shrui %get3A_2745, %shift_right_logical3A_2763 : vector<16xi32>
      %swap3A_2765 = arith.index_cast %scan3A_2605 : i32 to index
      %swap3A_2766 = arith.constant 80 : index
      %swap3A_2767 = tpu.vector_load %arg7[%swap3A_2765, %swap3A_2766] {strides = array<i32>} : memref<80x128xi32, #tpu.memory_space<vmem>>, vector<1x16xi32>,
      %swap3A_2768 = vector.shape_cast %swap3A_2767 : vector<1x16xi32> to vector<16xi32>
      %swap3A_2769 = vector.shape_cast %shift_right_logical3A_2764 : vector<16xi32> to vector<1x16xi32>
      tpu.vector_store %arg7[%swap3A_2765, %swap3A_2766], %swap3A_2769 {strides = array<i32>} : memref<80x128xi32, #tpu.memory_space<vmem>>, vector<1x16xi32>,
      %get3A_2770 = arith.index_cast %scan3A_2605 : i32 to index
      %get3A_2771 = arith.constant 96 : index
      %get3A_2772 = tpu.vector_load %arg7[%get3A_2770, %get3A_2771] {strides = array<i32>} : memref<80x128xi32, #tpu.memory_space<vmem>>, vector<1x16xi32>,
      %get3A_2773 = vector.shape_cast %get3A_2772 : vector<1x16xi32> to vector<16xi32>
      %get3A_2774 = arith.index_cast %scan3A_2605 : i32 to index
      %get3A_2775 = arith.constant 96 : index
      %get3A_2776 = tpu.vector_load %arg6[%get3A_2774, %get3A_2775] {strides = array<i32>} : memref<80x128xi32, #tpu.memory_space<vmem>>, vector<1x16xi32>,
      %get3A_2777 = vector.shape_cast %get3A_2776 : vector<1x16xi32> to vector<16xi32>
      %and3A_2778 = arith.constant 1 : i32
      %and3A_2779 = vector.broadcast %and3A_2778 : i32 to vector<16xi32>
      %and3A_2780 = arith.andi %get3A_2773, %and3A_2779 : vector<16xi32>
      %mul3A_2781 = arith.constant 10000 : i32
      %mul3A_2782 = vector.broadcast %mul3A_2781 : i32 to vector<16xi32>
      %mul3A_2783 = arith.muli %and3A_2780, %mul3A_2782 : vector<16xi32>
      %add3A_2784 = arith.addi %get3A_2777, %mul3A_2783 : vector<16xi32>
      %swap3A_2785 = arith.index_cast %scan3A_2605 : i32 to index
      %swap3A_2786 = arith.constant 96 : index
      %swap3A_2787 = tpu.vector_load %arg6[%swap3A_2785, %swap3A_2786] {strides = array<i32>} : memref<80x128xi32, #tpu.memory_space<vmem>>, vector<1x16xi32>,
      %swap3A_2788 = vector.shape_cast %swap3A_2787 : vector<1x16xi32> to vector<16xi32>
      %swap3A_2789 = vector.shape_cast %add3A_2784 : vector<16xi32> to vector<1x16xi32>
      tpu.vector_store %arg6[%swap3A_2785, %swap3A_2786], %swap3A_2789 {strides = array<i32>} : memref<80x128xi32, #tpu.memory_space<vmem>>, vector<1x16xi32>,
      %shift_right_logical3A_2790 = arith.constant 1 : i32
      %shift_right_logical3A_2791 = vector.broadcast %shift_right_logical3A_2790 : i32 to vector<16xi32>
      %shift_right_logical3A_2792 = arith.shrui %get3A_2773, %shift_right_logical3A_2791 : vector<16xi32>
      %swap3A_2793 = arith.index_cast %scan3A_2605 : i32 to index
      %swap3A_2794 = arith.constant 96 : index
      %swap3A_2795 = tpu.vector_load %arg7[%swap3A_2793, %swap3A_2794] {strides = array<i32>} : memref<80x128xi32, #tpu.memory_space<vmem>>, vector<1x16xi32>,
      %swap3A_2796 = vector.shape_cast %swap3A_2795 : vector<1x16xi32> to vector<16xi32>
      %swap3A_2797 = vector.shape_cast %shift_right_logical3A_2792 : vector<16xi32> to vector<1x16xi32>
      tpu.vector_store %arg7[%swap3A_2793, %swap3A_2794], %swap3A_2797 {strides = array<i32>} : memref<80x128xi32, #tpu.memory_space<vmem>>, vector<1x16xi32>,
      %get3A_2798 = arith.index_cast %scan3A_2605 : i32 to index
      %get3A_2799 = arith.constant 112 : index
      %get3A_2800 = tpu.vector_load %arg7[%get3A_2798, %get3A_2799] {strides = array<i32>} : memref<80x128xi32, #tpu.memory_space<vmem>>, vector<1x16xi32>,
      %get3A_2801 = vector.shape_cast %get3A_2800 : vector<1x16xi32> to vector<16xi32>
      %get3A_2802 = arith.index_cast %scan3A_2605 : i32 to index
      %get3A_2803 = arith.constant 112 : index
      %get3A_2804 = tpu.vector_load %arg6[%get3A_2802, %get3A_2803] {strides = array<i32>} : memref<80x128xi32, #tpu.memory_space<vmem>>, vector<1x16xi32>,
      %get3A_2805 = vector.shape_cast %get3A_2804 : vector<1x16xi32> to vector<16xi32>
      %and3A_2806 = arith.constant 1 : i32
      %and3A_2807 = vector.broadcast %and3A_2806 : i32 to vector<16xi32>
      %and3A_2808 = arith.andi %get3A_2801, %and3A_2807 : vector<16xi32>
      %mul3A_2809 = arith.constant 10000 : i32
      %mul3A_2810 = vector.broadcast %mul3A_2809 : i32 to vector<16xi32>
      %mul3A_2811 = arith.muli %and3A_2808, %mul3A_2810 : vector<16xi32>
      %add3A_2812 = arith.addi %get3A_2805, %mul3A_2811 : vector<16xi32>
      %swap3A_2813 = arith.index_cast %scan3A_2605 : i32 to index
      %swap3A_2814 = arith.constant 112 : index
      %swap3A_2815 = tpu.vector_load %arg6[%swap3A_2813, %swap3A_2814] {strides = array<i32>} : memref<80x128xi32, #tpu.memory_space<vmem>>, vector<1x16xi32>,
      %swap3A_2816 = vector.shape_cast %swap3A_2815 : vector<1x16xi32> to vector<16xi32>
      %swap3A_2817 = vector.shape_cast %add3A_2812 : vector<16xi32> to vector<1x16xi32>
      tpu.vector_store %arg6[%swap3A_2813, %swap3A_2814], %swap3A_2817 {strides = array<i32>} : memref<80x128xi32, #tpu.memory_space<vmem>>, vector<1x16xi32>,
      %shift_right_logical3A_2818 = arith.constant 1 : i32
      %shift_right_logical3A_2819 = vector.broadcast %shift_right_logical3A_2818 : i32 to vector<16xi32>
      %shift_right_logical3A_2820 = arith.shrui %get3A_2801, %shift_right_logical3A_2819 : vector<16xi32>
      %swap3A_2821 = arith.index_cast %scan3A_2605 : i32 to index
      %swap3A_2822 = arith.constant 112 : index
      %swap3A_2823 = tpu.vector_load %arg7[%swap3A_2821, %swap3A_2822] {strides = array<i32>} : memref<80x128xi32, #tpu.memory_space<vmem>>, vector<1x16xi32>,
      %swap3A_2824 = vector.shape_cast %swap3A_2823 : vector<1x16xi32> to vector<16xi32>
      %swap3A_2825 = vector.shape_cast %shift_right_logical3A_2820 : vector<16xi32> to vector<1x16xi32>
      tpu.vector_store %arg7[%swap3A_2821, %swap3A_2822], %swap3A_2825 {strides = array<i32>} : memref<80x128xi32, #tpu.memory_space<vmem>>, vector<1x16xi32>,
      %scan3A_2826 = arith.constant 0 : i32
      scf.yield %scan3A_2826 : i32
    }
    %scan3A_2570 = arith.constant 80 : i32
    %barrier3A = arith.constant 0 : index
    tpu.barrier barrier_id(%barrier3A)
    %dma_start3A = arith.constant 0 : i32
    %dma_start3A_2571 = arith.constant 0 : i32
    %dma_start3A_2572 = tpu.memref_slice %arg6[%dma_start3A, %dma_start3A_2571] : memref<80x128xi32, #tpu.memory_space<vmem>> -> memref<1x128xi32, #tpu.memory_space<vmem>>
    %dma_start3A_2573 = tpu.memref_squeeze %dma_start3A_2572 : memref<1x128xi32, #tpu.memory_space<vmem>> -> memref<128xi32, #tpu.memory_space<vmem>>
    %dma_start3A_2574 = arith.constant 0 : i32
    %dma_start3A_2575 = arith.constant 0 : i32
    %dma_start3A_2576 = tpu.memref_slice %arg4[%dma_start3A_2574, %dma_start3A_2575] : memref<20000x128xf32, #tpu.memory_space<hbm>> -> memref<20000x128xf32, #tpu.memory_space<hbm>>
    tpu.enqueue_indirect_dma source(%dma_start3A_2576 : memref<20000x128xf32, #tpu.memory_space<hbm>>) target(%arg8 : memref<128x128xf32, #tpu.memory_space<vmem>>) offsets(%dma_start3A_2573 : memref<128xi32, #tpu.memory_space<vmem>>) semaphore(%arg11 : memref<!tpu.dma_semaphore, #tpu.memory_space<semaphore_mem>>)
    %dma_start3A_2577 = arith.constant 1 : i32
    %dma_start3A_2578 = arith.constant 0 : i32
    %dma_start3A_2579 = tpu.memref_slice %arg6[%dma_start3A_2577, %dma_start3A_2578] : memref<80x128xi32, #tpu.memory_space<vmem>> -> memref<1x128xi32, #tpu.memory_space<vmem>>
    %dma_start3A_2580 = tpu.memref_squeeze %dma_start3A_2579 : memref<1x128xi32, #tpu.memory_space<vmem>> -> memref<128xi32, #tpu.memory_space<vmem>>
    %dma_start3A_2581 = arith.constant 0 : i32
    %dma_start3A_2582 = arith.constant 0 : i32
    %dma_start3A_2583 = tpu.memref_slice %arg4[%dma_start3A_2581, %dma_start3A_2582] : memref<20000x128xf32, #tpu.memory_space<hbm>> -> memref<20000x128xf32, #tpu.memory_space<hbm>>
    tpu.enqueue_indirect_dma source(%dma_start3A_2583 : memref<20000x128xf32, #tpu.memory_space<hbm>>) target(%arg9 : memref<128x128xf32, #tpu.memory_space<vmem>>) offsets(%dma_start3A_2580 : memref<128xi32, #tpu.memory_space<vmem>>) semaphore(%arg12 : memref<!tpu.dma_semaphore, #tpu.memory_space<semaphore_mem>>)
    %scan3A_2584 = arith.constant 0 : i32
    %scan3A_2585 = arith.constant 0 : i32
    %scan3A_2586 = arith.constant 40 : i32
    %scan3A_2587 = arith.addi %scan3A_2585, %scan3A_2586 : i32
    %scan3A_2588 = arith.constant 1 : i32
    %scan3A_2589 = scf.for %scan3A_2605 = %scan3A_2585 to %scan3A_2587 step %scan3A_2588 iter_args(%scan3A_2606 = %scan3A_2584) -> (i32)  : i32 {
      %mul3A = arith.constant 2 : i32
      %mul3A_2607 = arith.muli %mul3A, %scan3A_2605 : i32
      %add3A = arith.constant 0 : i32
      %add3A_2608 = arith.addi %mul3A_2607, %add3A : i32
      %dma_wait3A = arith.constant 0 : i32
      %dma_wait3A_2609 = tpu.memref_slice %arg6[%add3A_2608, %dma_wait3A] : memref<80x128xi32, #tpu.memory_space<vmem>> -> memref<1x128xi32, #tpu.memory_space<vmem>>
      %dma_wait3A_2610 = tpu.memref_squeeze %dma_wait3A_2609 : memref<1x128xi32, #tpu.memory_space<vmem>> -> memref<128xi32, #tpu.memory_space<vmem>>
      %dma_wait3A_2611 = arith.constant 0 : i32
      %dma_wait3A_2612 = arith.constant 0 : i32
      %dma_wait3A_2613 = tpu.memref_slice %arg4[%dma_wait3A_2611, %dma_wait3A_2612] : memref<20000x128xf32, #tpu.memory_space<hbm>> -> memref<20000x128xf32, #tpu.memory_space<hbm>>
      tpu.wait_indirect_dma semaphore(%arg11 : memref<!tpu.dma_semaphore, #tpu.memory_space<semaphore_mem>>) src(%dma_wait3A_2613 : memref<20000x128xf32, #tpu.memory_space<hbm>>) dst(%arg8 : memref<128x128xf32, #tpu.memory_space<vmem>>)
      %add3A_2614 = arith.constant 0 : i32
      %add3A_2615 = arith.addi %mul3A_2607, %add3A_2614 : i32
      "tpu.region"() ({
        %run_scoped3A = tpu.sem_alloc : memref<!tpu.dma_semaphore, #tpu.memory_space<semaphore_mem>>
        %dma_start3A_2642 = arith.constant 0 : i32
        %dma_start3A_2643 = tpu.memref_slice %arg7[%add3A_2615, %dma_start3A_2642] : memref<80x128xi32, #tpu.memory_space<vmem>> -> memref<1x128xi32, #tpu.memory_space<vmem>>
        %dma_start3A_2644 = tpu.memref_squeeze %dma_start3A_2643 : memref<1x128xi32, #tpu.memory_space<vmem>> -> memref<128xi32, #tpu.memory_space<vmem>>
        %dma_start3A_2645 = arith.constant 0 : i32
        %dma_start3A_2646 = arith.constant 0 : i32
        %dma_start3A_2647 = tpu.memref_slice %arg13[%dma_start3A_2645, %dma_start3A_2646] : memref<5120x128xf32, #tpu.memory_space<vmem_shared>> -> memref<5120x128xf32, #tpu.memory_space<vmem_shared>>
        tpu.enqueue_indirect_dma source(%arg8 : memref<128x128xf32, #tpu.memory_space<vmem>>) target(%dma_start3A_2647 : memref<5120x128xf32, #tpu.memory_space<vmem_shared>>) offsets(%dma_start3A_2644 : memref<128xi32, #tpu.memory_space<vmem>>) semaphore(%run_scoped3A : memref<!tpu.dma_semaphore, #tpu.memory_space<semaphore_mem>>) {add = true}
        %dma_wait3A_2648 = arith.constant 0 : i32
        %dma_wait3A_2649 = tpu.memref_slice %arg7[%add3A_2615, %dma_wait3A_2648] : memref<80x128xi32, #tpu.memory_space<vmem>> -> memref<1x128xi32, #tpu.memory_space<vmem>>
        %dma_wait3A_2650 = tpu.memref_squeeze %dma_wait3A_2649 : memref<1x128xi32, #tpu.memory_space<vmem>> -> memref<128xi32, #tpu.memory_space<vmem>>
        %dma_wait3A_2651 = arith.constant 0 : i32
        %dma_wait3A_2652 = arith.constant 0 : i32
        %dma_wait3A_2653 = tpu.memref_slice %arg13[%dma_wait3A_2651, %dma_wait3A_2652] : memref<5120x128xf32, #tpu.memory_space<vmem_shared>> -> memref<5120x128xf32, #tpu.memory_space<vmem_shared>>
        tpu.wait_indirect_dma semaphore(%run_scoped3A : memref<!tpu.dma_semaphore, #tpu.memory_space<semaphore_mem>>) src(%arg8 : memref<128x128xf32, #tpu.memory_space<vmem>>) dst(%dma_wait3A_2653 : memref<5120x128xf32, #tpu.memory_space<vmem_shared>>)
        tpu.yield
      }) : () -> ()
      %add3A_2616 = arith.constant 0 : i32
      %add3A_2617 = arith.addi %mul3A_2607, %add3A_2616 : i32
      %add3A_2618 = arith.constant 2 : i32
      %add3A_2619 = arith.addi %add3A_2617, %add3A_2618 : i32
      %lt3A = arith.constant 80 : i32
      %lt3A_2620 = arith.cmpi slt, %add3A_2619, %lt3A : i32
      %convert_element_type3A = arith.extui %lt3A_2620 : i1 to i32
      %cond3A = arith.constant 0 : i32
      %cond3A_2621 = arith.cmpi ne, %convert_element_type3A, %cond3A : i32
      scf.if %cond3A_2621 {
        %add3A_2642 = arith.constant 0 : i32
        %add3A_2643 = arith.addi %mul3A_2607, %add3A_2642 : i32
        %add3A_2644 = arith.constant 2 : i32
        %add3A_2645 = arith.addi %add3A_2643, %add3A_2644 : i32
        %dma_start3A_2646 = arith.constant 0 : i32
        %dma_start3A_2647 = tpu.memref_slice %arg6[%add3A_2645, %dma_start3A_2646] : memref<80x128xi32, #tpu.memory_space<vmem>> -> memref<1x128xi32, #tpu.memory_space<vmem>>
        %dma_start3A_2648 = tpu.memref_squeeze %dma_start3A_2647 : memref<1x128xi32, #tpu.memory_space<vmem>> -> memref<128xi32, #tpu.memory_space<vmem>>
        %dma_start3A_2649 = arith.constant 0 : i32
        %dma_start3A_2650 = arith.constant 0 : i32
        %dma_start3A_2651 = tpu.memref_slice %arg4[%dma_start3A_2649, %dma_start3A_2650] : memref<20000x128xf32, #tpu.memory_space<hbm>> -> memref<20000x128xf32, #tpu.memory_space<hbm>>
        tpu.enqueue_indirect_dma source(%dma_start3A_2651 : memref<20000x128xf32, #tpu.memory_space<hbm>>) target(%arg8 : memref<128x128xf32, #tpu.memory_space<vmem>>) offsets(%dma_start3A_2648 : memref<128xi32, #tpu.memory_space<vmem>>) semaphore(%arg11 : memref<!tpu.dma_semaphore, #tpu.memory_space<semaphore_mem>>)
      } else {
      }
      %add3A_2622 = arith.constant 1 : i32
      %add3A_2623 = arith.addi %mul3A_2607, %add3A_2622 : i32
      %dma_wait3A_2624 = arith.constant 0 : i32
      %dma_wait3A_2625 = tpu.memref_slice %arg6[%add3A_2623, %dma_wait3A_2624] : memref<80x128xi32, #tpu.memory_space<vmem>> -> memref<1x128xi32, #tpu.memory_space<vmem>>
      %dma_wait3A_2626 = tpu.memref_squeeze %dma_wait3A_2625 : memref<1x128xi32, #tpu.memory_space<vmem>> -> memref<128xi32, #tpu.memory_space<vmem>>
      %dma_wait3A_2627 = arith.constant 0 : i32
      %dma_wait3A_2628 = arith.constant 0 : i32
      %dma_wait3A_2629 = tpu.memref_slice %arg4[%dma_wait3A_2627, %dma_wait3A_2628] : memref<20000x128xf32, #tpu.memory_space<hbm>> -> memref<20000x128xf32, #tpu.memory_space<hbm>>
      tpu.wait_indirect_dma semaphore(%arg12 : memref<!tpu.dma_semaphore, #tpu.memory_space<semaphore_mem>>) src(%dma_wait3A_2629 : memref<20000x128xf32, #tpu.memory_space<hbm>>) dst(%arg9 : memref<128x128xf32, #tpu.memory_space<vmem>>)
      %add3A_2630 = arith.constant 1 : i32
      %add3A_2631 = arith.addi %mul3A_2607, %add3A_2630 : i32
      "tpu.region"() ({
        %run_scoped3A = tpu.sem_alloc : memref<!tpu.dma_semaphore, #tpu.memory_space<semaphore_mem>>
        %dma_start3A_2642 = arith.constant 0 : i32
        %dma_start3A_2643 = tpu.memref_slice %arg7[%add3A_2631, %dma_start3A_2642] : memref<80x128xi32, #tpu.memory_space<vmem>> -> memref<1x128xi32, #tpu.memory_space<vmem>>
        %dma_start3A_2644 = tpu.memref_squeeze %dma_start3A_2643 : memref<1x128xi32, #tpu.memory_space<vmem>> -> memref<128xi32, #tpu.memory_space<vmem>>
        %dma_start3A_2645 = arith.constant 0 : i32
        %dma_start3A_2646 = arith.constant 0 : i32
        %dma_start3A_2647 = tpu.memref_slice %arg13[%dma_start3A_2645, %dma_start3A_2646] : memref<5120x128xf32, #tpu.memory_space<vmem_shared>> -> memref<5120x128xf32, #tpu.memory_space<vmem_shared>>
        tpu.enqueue_indirect_dma source(%arg9 : memref<128x128xf32, #tpu.memory_space<vmem>>) target(%dma_start3A_2647 : memref<5120x128xf32, #tpu.memory_space<vmem_shared>>) offsets(%dma_start3A_2644 : memref<128xi32, #tpu.memory_space<vmem>>) semaphore(%run_scoped3A : memref<!tpu.dma_semaphore, #tpu.memory_space<semaphore_mem>>) {add = true}
        %dma_wait3A_2648 = arith.constant 0 : i32
        %dma_wait3A_2649 = tpu.memref_slice %arg7[%add3A_2631, %dma_wait3A_2648] : memref<80x128xi32, #tpu.memory_space<vmem>> -> memref<1x128xi32, #tpu.memory_space<vmem>>
        %dma_wait3A_2650 = tpu.memref_squeeze %dma_wait3A_2649 : memref<1x128xi32, #tpu.memory_space<vmem>> -> memref<128xi32, #tpu.memory_space<vmem>>
        %dma_wait3A_2651 = arith.constant 0 : i32
        %dma_wait3A_2652 = arith.constant 0 : i32
        %dma_wait3A_2653 = tpu.memref_slice %arg13[%dma_wait3A_2651, %dma_wait3A_2652] : memref<5120x128xf32, #tpu.memory_space<vmem_shared>> -> memref<5120x128xf32, #tpu.memory_space<vmem_shared>>
        tpu.wait_indirect_dma semaphore(%run_scoped3A : memref<!tpu.dma_semaphore, #tpu.memory_space<semaphore_mem>>) src(%arg9 : memref<128x128xf32, #tpu.memory_space<vmem>>) dst(%dma_wait3A_2653 : memref<5120x128xf32, #tpu.memory_space<vmem_shared>>)
        tpu.yield
      }) : () -> ()
      %add3A_2632 = arith.constant 1 : i32
      %add3A_2633 = arith.addi %mul3A_2607, %add3A_2632 : i32
      %add3A_2634 = arith.constant 2 : i32
      %add3A_2635 = arith.addi %add3A_2633, %add3A_2634 : i32
      %lt3A_2636 = arith.constant 80 : i32
      %lt3A_2637 = arith.cmpi slt, %add3A_2635, %lt3A_2636 : i32
      %convert_element_type3A_2638 = arith.extui %lt3A_2637 : i1 to i32
      %cond3A_2639 = arith.constant 0 : i32
      %cond3A_2640 = arith.cmpi ne, %convert_element_type3A_2638, %cond3A_2639 : i32
      scf.if %cond3A_2640 {
        %add3A_2642 = arith.constant 1 : i32
        %add3A_2643 = arith.addi %mul3A_2607, %add3A_2642 : i32
        %add3A_2644 = arith.constant 2 : i32
        %add3A_2645 = arith.addi %add3A_2643, %add3A_2644 : i32
        %dma_start3A_2646 = arith.constant 0 : i32
        %dma_start3A_2647 = tpu.memref_slice %arg6[%add3A_2645, %dma_start3A_2646] : memref<80x128xi32, #tpu.memory_space<vmem>> -> memref<1x128xi32, #tpu.memory_space<vmem>>
        %dma_start3A_2648 = tpu.memref_squeeze %dma_start3A_2647 : memref<1x128xi32, #tpu.memory_space<vmem>> -> memref<128xi32, #tpu.memory_space<vmem>>
        %dma_start3A_2649 = arith.constant 0 : i32
        %dma_start3A_2650 = arith.constant 0 : i32
        %dma_start3A_2651 = tpu.memref_slice %arg4[%dma_start3A_2649, %dma_start3A_2650] : memref<20000x128xf32, #tpu.memory_space<hbm>> -> memref<20000x128xf32, #tpu.memory_space<hbm>>
        tpu.enqueue_indirect_dma source(%dma_start3A_2651 : memref<20000x128xf32, #tpu.memory_space<hbm>>) target(%arg9 : memref<128x128xf32, #tpu.memory_space<vmem>>) offsets(%dma_start3A_2648 : memref<128xi32, #tpu.memory_space<vmem>>) semaphore(%arg12 : memref<!tpu.dma_semaphore, #tpu.memory_space<semaphore_mem>>)
      } else {
      }
      %scan3A_2641 = arith.constant 0 : i32
      scf.yield %scan3A_2641 : i32
    }
    %scan3A_2590 = arith.constant 40 : i32
    %barrier3A_2591 = arith.constant 0 : index
    tpu.barrier barrier_id(%barrier3A_2591)
    %eq3A = arith.constant 15 : i32
    %eq3A_2592 = arith.cmpi eq, %arg1, %eq3A : i32
    %jit3A = arith.constant 5 : i32
    %jit3A_2593 = arith.constant 8 : i32
    %select_n3A = arith.select %eq3A_2592, %jit3A, %jit3A_2593 : i32
    %while3A = arith.constant 0 : i32
    %while3A_2594 = arith.constant 0 : i32
    %while3A_2595 = arith.subi %select_n3A, %while3A : i32
    %while3A_2596 = arith.addi %while3A, %while3A_2595 : i32
    %while3A_2597 = arith.constant 1 : i32
    %while3A_2598 = arith.divsi %while3A_2595, %while3A_2597 : i32
    %while3A_2599 = arith.muli %while3A_2598, %while3A_2597 : i32
    %while3A_2600 = arith.addi %while3A, %while3A_2599 : i32
    %while3A_2601 = arith.constant 1 : i32
    %while3A_2602 = scf.for %while3A_2605 = %while3A to %while3A_2600 step %while3A_2601 iter_args(%while3A_2606 = %while3A_2594) -> (i32)  : i32 {
      %mul3A = arith.constant 320 : i32
      %mul3A_2607 = arith.muli %mul3A, %arg1 : i32
      %mul3A_2608 = arith.constant 40 : i32
      %mul3A_2609 = arith.muli %mul3A_2608, %while3A_2605 : i32
      %add3A = arith.addi %mul3A_2607, %mul3A_2609 : i32
      "tpu.region"() ({
        %run_scoped3A = tpu.sem_alloc : memref<!tpu.dma_semaphore, #tpu.memory_space<semaphore_mem>>
        %dma_start3A_2619 = arith.constant 0 : i32
        %dma_start3A_2620 = tpu.memref_slice %arg13[%add3A, %dma_start3A_2619] : memref<5120x128xf32, #tpu.memory_space<vmem_shared>> -> memref<40x128xf32, #tpu.memory_space<vmem_shared>>
        %dma_start3A_2621 = arith.constant 0 : i32
        %dma_start3A_2622 = tpu.memref_slice %arg13[%add3A, %dma_start3A_2621] : memref<5120x128xf32, #tpu.memory_space<vmem_shared>> -> memref<40x128xf32, #tpu.memory_space<vmem_shared>>
        tpu.enqueue_dma source(%dma_start3A_2622 : memref<40x128xf32, #tpu.memory_space<vmem_shared>>) target(%arg10 : memref<40x128xf32, #tpu.memory_space<vmem>>) target_semaphore(%run_scoped3A : memref<!tpu.dma_semaphore, #tpu.memory_space<semaphore_mem>>)
        %dma_wait3A = arith.constant 0 : i32
        %dma_wait3A_2623 = tpu.memref_slice %arg13[%add3A, %dma_wait3A] : memref<5120x128xf32, #tpu.memory_space<vmem_shared>> -> memref<40x128xf32, #tpu.memory_space<vmem_shared>>
        %dma_wait3A_2624 = arith.constant 0 : i32
        %dma_wait3A_2625 = tpu.memref_slice %arg13[%add3A, %dma_wait3A_2624] : memref<5120x128xf32, #tpu.memory_space<vmem_shared>> -> memref<40x128xf32, #tpu.memory_space<vmem_shared>>
        tpu.wait_dma2 semaphore(%run_scoped3A : memref<!tpu.dma_semaphore, #tpu.memory_space<semaphore_mem>>) src(%dma_wait3A_2625 : memref<40x128xf32, #tpu.memory_space<vmem_shared>>) dst(%arg10 : memref<40x128xf32, #tpu.memory_space<vmem>>)
        tpu.yield
      }) : () -> ()
      %mul3A_2610 = arith.constant 5000 : i32
      %mul3A_2611 = arith.muli %arg0, %mul3A_2610 : i32
      %mul3A_2612 = arith.constant 320 : i32
      %mul3A_2613 = arith.muli %mul3A_2612, %arg1 : i32
      %add3A_2614 = arith.addi %mul3A_2611, %mul3A_2613 : i32
      %mul3A_2615 = arith.constant 40 : i32
      %mul3A_2616 = arith.muli %mul3A_2615, %while3A_2605 : i32
      %add3A_2617 = arith.addi %add3A_2614, %mul3A_2616 : i32
      "tpu.region"() ({
        %run_scoped3A = tpu.sem_alloc : memref<!tpu.dma_semaphore, #tpu.memory_space<semaphore_mem>>
        %dma_start3A_2619 = arith.constant 0 : i32
        %dma_start3A_2620 = tpu.memref_slice %arg5[%add3A_2617, %dma_start3A_2619] : memref<10000x128xf32, #tpu.memory_space<hbm>> -> memref<40x128xf32, #tpu.memory_space<hbm>>
        %dma_start3A_2621 = arith.constant 0 : i32
        %dma_start3A_2622 = tpu.memref_slice %arg5[%add3A_2617, %dma_start3A_2621] : memref<10000x128xf32, #tpu.memory_space<hbm>> -> memref<40x128xf32, #tpu.memory_space<hbm>>
        tpu.enqueue_dma source(%arg10 : memref<40x128xf32, #tpu.memory_space<vmem>>) target(%dma_start3A_2622 : memref<40x128xf32, #tpu.memory_space<hbm>>) target_semaphore(%run_scoped3A : memref<!tpu.dma_semaphore, #tpu.memory_space<semaphore_mem>>)
        %dma_wait3A = arith.constant 0 : i32
        %dma_wait3A_2623 = tpu.memref_slice %arg5[%add3A_2617, %dma_wait3A] : memref<10000x128xf32, #tpu.memory_space<hbm>> -> memref<40x128xf32, #tpu.memory_space<hbm>>
        %dma_wait3A_2624 = arith.constant 0 : i32
        %dma_wait3A_2625 = tpu.memref_slice %arg5[%add3A_2617, %dma_wait3A_2624] : memref<10000x128xf32, #tpu.memory_space<hbm>> -> memref<40x128xf32, #tpu.memory_space<hbm>>
        tpu.wait_dma2 semaphore(%run_scoped3A : memref<!tpu.dma_semaphore, #tpu.memory_space<semaphore_mem>>) src(%arg10 : memref<40x128xf32, #tpu.memory_space<vmem>>) dst(%dma_wait3A_2625 : memref<40x128xf32, #tpu.memory_space<hbm>>)
        tpu.yield
      }) : () -> ()
      %while3A_2618 = arith.constant 0 : i32
      scf.yield %while3A_2618 : i32
    }
    %while3A_2603 = arith.constant 1 : i32
    %while3A_2604 = scf.for %while3A_2605 = %while3A_2600 to %while3A_2596 step %while3A_2603 iter_args(%while3A_2606 = %while3A_2602) -> (i32)  : i32 {
      %mul3A = arith.constant 320 : i32
      %mul3A_2607 = arith.muli %mul3A, %arg1 : i32
      %mul3A_2608 = arith.constant 40 : i32
      %mul3A_2609 = arith.muli %mul3A_2608, %while3A_2605 : i32
      %add3A = arith.addi %mul3A_2607, %mul3A_2609 : i32
      "tpu.region"() ({
        %run_scoped3A = tpu.sem_alloc : memref<!tpu.dma_semaphore, #tpu.memory_space<semaphore_mem>>
        %dma_start3A_2619 = arith.constant 0 : i32
        %dma_start3A_2620 = tpu.memref_slice %arg13[%add3A, %dma_start3A_2619] : memref<5120x128xf32, #tpu.memory_space<vmem_shared>> -> memref<40x128xf32, #tpu.memory_space<vmem_shared>>
        %dma_start3A_2621 = arith.constant 0 : i32
        %dma_start3A_2622 = tpu.memref_slice %arg13[%add3A, %dma_start3A_2621] : memref<5120x128xf32, #tpu.memory_space<vmem_shared>> -> memref<40x128xf32, #tpu.memory_space<vmem_shared>>
        tpu.enqueue_dma source(%dma_start3A_2622 : memref<40x128xf32, #tpu.memory_space<vmem_shared>>) target(%arg10 : memref<40x128xf32, #tpu.memory_space<vmem>>) target_semaphore(%run_scoped3A : memref<!tpu.dma_semaphore, #tpu.memory_space<semaphore_mem>>)
        %dma_wait3A = arith.constant 0 : i32
        %dma_wait3A_2623 = tpu.memref_slice %arg13[%add3A, %dma_wait3A] : memref<5120x128xf32, #tpu.memory_space<vmem_shared>> -> memref<40x128xf32, #tpu.memory_space<vmem_shared>>
        %dma_wait3A_2624 = arith.constant 0 : i32
        %dma_wait3A_2625 = tpu.memref_slice %arg13[%add3A, %dma_wait3A_2624] : memref<5120x128xf32, #tpu.memory_space<vmem_shared>> -> memref<40x128xf32, #tpu.memory_space<vmem_shared>>
        tpu.wait_dma2 semaphore(%run_scoped3A : memref<!tpu.dma_semaphore, #tpu.memory_space<semaphore_mem>>) src(%dma_wait3A_2625 : memref<40x128xf32, #tpu.memory_space<vmem_shared>>) dst(%arg10 : memref<40x128xf32, #tpu.memory_space<vmem>>)
        tpu.yield
      }) : () -> ()
      %mul3A_2610 = arith.constant 5000 : i32
      %mul3A_2611 = arith.muli %arg0, %mul3A_2610 : i32
      %mul3A_2612 = arith.constant 320 : i32
      %mul3A_2613 = arith.muli %mul3A_2612, %arg1 : i32
      %add3A_2614 = arith.addi %mul3A_2611, %mul3A_2613 : i32
      %mul3A_2615 = arith.constant 40 : i32
      %mul3A_2616 = arith.muli %mul3A_2615, %while3A_2605 : i32
      %add3A_2617 = arith.addi %add3A_2614, %mul3A_2616 : i32
      "tpu.region"() ({
        %run_scoped3A = tpu.sem_alloc : memref<!tpu.dma_semaphore, #tpu.memory_space<semaphore_mem>>
        %dma_start3A_2619 = arith.constant 0 : i32
        %dma_start3A_2620 = tpu.memref_slice %arg5[%add3A_2617, %dma_start3A_2619] : memref<10000x128xf32, #tpu.memory_space<hbm>> -> memref<40x128xf32, #tpu.memory_space<hbm>>
        %dma_start3A_2621 = arith.constant 0 : i32
        %dma_start3A_2622 = tpu.memref_slice %arg5[%add3A_2617, %dma_start3A_2621] : memref<10000x128xf32, #tpu.memory_space<hbm>> -> memref<40x128xf32, #tpu.memory_space<hbm>>
        tpu.enqueue_dma source(%arg10 : memref<40x128xf32, #tpu.memory_space<vmem>>) target(%dma_start3A_2622 : memref<40x128xf32, #tpu.memory_space<hbm>>) target_semaphore(%run_scoped3A : memref<!tpu.dma_semaphore, #tpu.memory_space<semaphore_mem>>)
        %dma_wait3A = arith.constant 0 : i32
        %dma_wait3A_2623 = tpu.memref_slice %arg5[%add3A_2617, %dma_wait3A] : memref<10000x128xf32, #tpu.memory_space<hbm>> -> memref<40x128xf32, #tpu.memory_space<hbm>>
        %dma_wait3A_2624 = arith.constant 0 : i32
        %dma_wait3A_2625 = tpu.memref_slice %arg5[%add3A_2617, %dma_wait3A_2624] : memref<10000x128xf32, #tpu.memory_space<hbm>> -> memref<40x128xf32, #tpu.memory_space<hbm>>
        tpu.wait_dma2 semaphore(%run_scoped3A : memref<!tpu.dma_semaphore, #tpu.memory_space<semaphore_mem>>) src(%arg10 : memref<40x128xf32, #tpu.memory_space<vmem>>) dst(%dma_wait3A_2625 : memref<40x128xf32, #tpu.memory_space<hbm>>)
        tpu.yield
      }) : () -> ()
      %while3A_2618 = arith.constant 0 : i32
      scf.yield %while3A_2618 : i32
    }
    return
  }
}

module attributes {stable_mosaic.version = 14 : i64} {
  func.func @_prep_body(%arg0: i32, %arg1: i32, %arg2: memref<2000x2xf32, #tpu.memory_space<vmem>>, %arg3: memref<2000x128xf32, #tpu.memory_space<vmem>>, %arg4: memref<128x128xf32, #tpu.memory_space<vmem>>, %arg5: memref<128x64xf32, #tpu.memory_space<vmem>>, %arg6: memref<2000x128xf32, #tpu.memory_space<vmem>>, %arg7: memref<2000x1xf32, #tpu.memory_space<vmem>>) attributes {dimension_semantics = [#tpu.dimension_semantics<arbitrary>, #tpu.dimension_semantics<arbitrary>], iteration_bounds = array<i64: 5, 2>, scalar_prefetch = 0 : i64, scratch_operands = 0 : i64, tpu.core_type = #tpu.core_type<tc>, window_params = [{transform_indices = @transform_0, window_bounds = array<i64: 2000, 2>}, {transform_indices = @transform_1, window_bounds = array<i64: 2000, 128>}, {pipeline_mode = #tpu.pipeline_mode<synchronous>, transform_indices = @transform_2, window_bounds = array<i64: 128, 128>}, {pipeline_mode = #tpu.pipeline_mode<synchronous>, transform_indices = @transform_3, window_bounds = array<i64: 128, 64>}, {transform_indices = @transform_4, window_bounds = array<i64: 2000, 128>}, {transform_indices = @transform_5, window_bounds = array<i64: 2000, 1>}]} {
    %get3A = arith.constant 0 : index
    %get3A_0 = arith.constant 0 : index
    %get3A_1 = vector.load %arg2[%get3A, %get3A_0] : memref<2000x2xf32, #tpu.memory_space<vmem>>, vector<2000x1xf32>
    %add3A = arith.constant 1.000000e+00 : f32
    %add3A_2 = vector.broadcast %add3A : f32 to vector<2000x1xf32>
    %add3A_3 = arith.addf %add3A_2, %get3A_1 : vector<2000x1xf32>
    %get3A_4 = arith.constant 0 : index
    %get3A_5 = arith.constant 1 : index
    %get3A_6 = vector.load %arg2[%get3A_4, %get3A_5] : memref<2000x2xf32, #tpu.memory_space<vmem>>, vector<2000x1xf32>
    %add3A_7 = arith.addf %add3A_3, %get3A_6 : vector<2000x1xf32>
    %rsqrt3A = math.rsqrt %add3A_7 : vector<2000x1xf32>
    %get3A_8 = arith.constant 0 : index
    %get3A_9 = arith.constant 0 : index
    %get3A_10 = vector.load %arg3[%get3A_8, %get3A_9] : memref<2000x128xf32, #tpu.memory_space<vmem>>, vector<2000x128xf32>
    %get3A_11 = arith.constant 0 : index
    %get3A_12 = arith.constant 0 : index
    %get3A_13 = vector.load %arg4[%get3A_11, %get3A_12] : memref<128x128xf32, #tpu.memory_space<vmem>>, vector<128x128xf32>
    %dot_general3A = arith.constant dense<0.000000e+00> : vector<2000x128xf32>
    %dot_general3A_14 = tpu.matmul %get3A_10, %get3A_13, %dot_general3A {dimension_numbers = #tpu.dot_dimension_numbers<[1], [0], [0], [1], [0, 0, 1, 1], [], []>, transpose_lhs_hint = false} : vector<2000x128xf32>, vector<128x128xf32>, vector<2000x128xf32> -> vector<2000x128xf32>
    %get3A_15 = arith.constant 0 : index
    %get3A_16 = arith.constant 0 : index
    %get3A_17 = vector.load %arg5[%get3A_15, %get3A_16] : memref<128x64xf32, #tpu.memory_space<vmem>>, vector<128x64xf32>
    %dot_general3A_18 = arith.constant dense<0.000000e+00> : vector<2000x64xf32>
    %dot_general3A_19 = tpu.matmul %dot_general3A_14, %get3A_17, %dot_general3A_18 {dimension_numbers = #tpu.dot_dimension_numbers<[1], [0], [0], [1], [0, 0, 1, 1], [], []>, transpose_lhs_hint = false} : vector<2000x128xf32>, vector<128x64xf32>, vector<2000x64xf32> -> vector<2000x64xf32>
    %mul3A = vector.broadcast %rsqrt3A : vector<2000x1xf32> to vector<2000x64xf32>
    %mul3A_20 = arith.mulf %mul3A, %dot_general3A_19 : vector<2000x64xf32>
    %broadcast_in_dim3A = arith.constant 0.000000e+00 : f32
    %broadcast_in_dim3A_21 = vector.broadcast %broadcast_in_dim3A : f32 to vector<2000x64xf32>
    %eq3A = arith.constant 0 : i32
    %eq3A_22 = arith.cmpi eq, %arg1, %eq3A : i32
    %convert_element_type3A = arith.extui %eq3A_22 : i1 to i32
    %cond3A = arith.constant 0 : i32
    %cond3A_23 = arith.cmpi ne, %convert_element_type3A, %cond3A : i32
    scf.if %cond3A_23 {
      %swap3A_31 = arith.constant 0 : index
      %swap3A_32 = arith.constant 0 : index
      %swap3A_33 = vector.load %arg6[%swap3A_31, %swap3A_32] : memref<2000x128xf32, #tpu.memory_space<vmem>>, vector<2000x64xf32>
      tpu.vector_store %arg6[%swap3A_31, %swap3A_32], %mul3A_20 {strides = array<i32>} : memref<2000x128xf32, #tpu.memory_space<vmem>>, vector<2000x64xf32>,
      %swap3A_34 = arith.constant 0 : index
      %swap3A_35 = arith.constant 64 : index
      %swap3A_36 = vector.load %arg6[%swap3A_34, %swap3A_35] : memref<2000x128xf32, #tpu.memory_space<vmem>>, vector<2000x64xf32>
      tpu.vector_store %arg6[%swap3A_34, %swap3A_35], %broadcast_in_dim3A_21 {strides = array<i32>} : memref<2000x128xf32, #tpu.memory_space<vmem>>, vector<2000x64xf32>,
    } else {
    }
    %eq3A_24 = arith.constant 1 : i32
    %eq3A_25 = arith.cmpi eq, %arg1, %eq3A_24 : i32
    %convert_element_type3A_26 = arith.extui %eq3A_25 : i1 to i32
    %cond3A_27 = arith.constant 0 : i32
    %cond3A_28 = arith.cmpi ne, %convert_element_type3A_26, %cond3A_27 : i32
    scf.if %cond3A_28 {
      %swap3A_31 = arith.constant 0 : index
      %swap3A_32 = arith.constant 0 : index
      %swap3A_33 = vector.load %arg6[%swap3A_31, %swap3A_32] : memref<2000x128xf32, #tpu.memory_space<vmem>>, vector<2000x64xf32>
      tpu.vector_store %arg6[%swap3A_31, %swap3A_32], %broadcast_in_dim3A_21 {strides = array<i32>} : memref<2000x128xf32, #tpu.memory_space<vmem>>, vector<2000x64xf32>,
      %swap3A_34 = arith.constant 0 : index
      %swap3A_35 = arith.constant 64 : index
      %swap3A_36 = vector.load %arg6[%swap3A_34, %swap3A_35] : memref<2000x128xf32, #tpu.memory_space<vmem>>, vector<2000x64xf32>
      tpu.vector_store %arg6[%swap3A_34, %swap3A_35], %mul3A_20 {strides = array<i32>} : memref<2000x128xf32, #tpu.memory_space<vmem>>, vector<2000x64xf32>,
    } else {
    }
    %swap3A = arith.constant 0 : index
    %swap3A_29 = arith.constant 0 : index
    %swap3A_30 = vector.load %arg7[%swap3A, %swap3A_29] : memref<2000x1xf32, #tpu.memory_space<vmem>>, vector<2000x1xf32>
    tpu.vector_store %arg7[%swap3A, %swap3A_29], %rsqrt3A {strides = array<i32>} : memref<2000x1xf32, #tpu.memory_space<vmem>>, vector<2000x1xf32>,
    return
  }
  func.func @transform_0(%arg0: i32, %arg1: i32) -> (i32, i32) {
    %c0_i32 = arith.constant 0 : i32
    %c0_i32_0 = arith.constant 0 : i32
    return %arg0, %c0_i32 : i32, i32
  }
  func.func @transform_1(%arg0: i32, %arg1: i32) -> (i32, i32) {
    %c0_i32 = arith.constant 0 : i32
    %c0_i32_0 = arith.constant 0 : i32
    return %arg0, %c0_i32 : i32, i32
  }
  func.func @transform_2(%arg0: i32, %arg1: i32) -> (i32, i32) {
    %c0_i32 = arith.constant 0 : i32
    %c0_i32_0 = arith.constant 0 : i32
    %c0_i32_1 = arith.constant 0 : i32
    return %c0_i32, %c0_i32_0 : i32, i32
  }
  func.func @transform_3(%arg0: i32, %arg1: i32) -> (i32, i32) {
    %c0_i32 = arith.constant 0 : i32
    %c0_i32_0 = arith.constant 0 : i32
    %c0_i32_1 = arith.constant 0 : i32
    return %c0_i32, %c0_i32_0 : i32, i32
  }
  func.func @transform_4(%arg0: i32, %arg1: i32) -> (i32, i32) {
    %mul3A = arith.constant 5 : i32
    %mul3A_0 = arith.muli %arg1, %mul3A : i32
    %add3A = arith.addi %mul3A_0, %arg0 : i32
    %c0_i32 = arith.constant 0 : i32
    %c0_i32_1 = arith.constant 0 : i32
    return %add3A, %c0_i32 : i32, i32
  }
  func.func @transform_5(%arg0: i32, %arg1: i32) -> (i32, i32) {
    %c0_i32 = arith.constant 0 : i32
    %c0_i32_0 = arith.constant 0 : i32
    return %arg0, %c0_i32 : i32, i32
  }
}

module attributes {stable_mosaic.version = 14 : i64} {
  func.func @_fin_body(%arg0: i32, %arg1: memref<2x2000x64xf32, #tpu.memory_space<vmem>>, %arg2: memref<2000x128xf32, #tpu.memory_space<vmem>>, %arg3: memref<2000x1xf32, #tpu.memory_space<vmem>>, %arg4: memref<1x128xf32, #tpu.memory_space<vmem>>, %arg5: memref<128x64xf32, #tpu.memory_space<vmem>>, %arg6: memref<1x64xf32, #tpu.memory_space<vmem>>, %arg7: memref<2000x64xf32, #tpu.memory_space<vmem>>) attributes {dimension_semantics = [#tpu.dimension_semantics<arbitrary>], iteration_bounds = array<i64: 5>, scalar_prefetch = 0 : i64, scratch_operands = 0 : i64, tpu.core_type = #tpu.core_type<tc>, window_params = [{transform_indices = @transform_0, window_bounds = array<i64: 2, 2000, 64>}, {transform_indices = @transform_1, window_bounds = array<i64: 2000, 128>}, {transform_indices = @transform_2, window_bounds = array<i64: 2000, 1>}, {pipeline_mode = #tpu.pipeline_mode<synchronous>, transform_indices = @transform_3, window_bounds = array<i64: 1, 128>}, {pipeline_mode = #tpu.pipeline_mode<synchronous>, transform_indices = @transform_4, window_bounds = array<i64: 128, 64>}, {pipeline_mode = #tpu.pipeline_mode<synchronous>, transform_indices = @transform_5, window_bounds = array<i64: 1, 64>}, {transform_indices = @transform_6, window_bounds = array<i64: 2000, 64>}]} {
    %get3A = arith.constant 0 : index
    %get3A_0 = arith.constant 0 : index
    %get3A_1 = arith.constant 0 : index
    %get3A_2 = vector.load %arg1[%get3A, %get3A_0, %get3A_1] : memref<2x2000x64xf32, #tpu.memory_space<vmem>>, vector<1x2000x64xf32>
    %get3A_3 = vector.shape_cast %get3A_2 : vector<1x2000x64xf32> to vector<2000x64xf32>
    %get3A_4 = arith.constant 1 : index
    %get3A_5 = arith.constant 0 : index
    %get3A_6 = arith.constant 0 : index
    %get3A_7 = vector.load %arg1[%get3A_4, %get3A_5, %get3A_6] : memref<2x2000x64xf32, #tpu.memory_space<vmem>>, vector<1x2000x64xf32>
    %get3A_8 = vector.shape_cast %get3A_7 : vector<1x2000x64xf32> to vector<2000x64xf32>
    %add3A = arith.addf %get3A_3, %get3A_8 : vector<2000x64xf32>
    %get3A_9 = arith.constant 0 : index
    %get3A_10 = arith.constant 0 : index
    %get3A_11 = vector.load %arg2[%get3A_9, %get3A_10] : memref<2000x128xf32, #tpu.memory_space<vmem>>, vector<2000x64xf32>
    %add3A_12 = arith.addf %add3A, %get3A_11 : vector<2000x64xf32>
    %get3A_13 = arith.constant 0 : index
    %get3A_14 = arith.constant 0 : index
    %get3A_15 = vector.load %arg4[%get3A_13, %get3A_14] : memref<1x128xf32, #tpu.memory_space<vmem>>, vector<1x128xf32>
    %get3A_16 = arith.constant 0 : index
    %get3A_17 = arith.constant 0 : index
    %get3A_18 = vector.load %arg5[%get3A_16, %get3A_17] : memref<128x64xf32, #tpu.memory_space<vmem>>, vector<128x64xf32>
    %dot_general3A = arith.constant dense<0.000000e+00> : vector<1x64xf32>
    %dot_general3A_19 = tpu.matmul %get3A_15, %get3A_18, %dot_general3A {dimension_numbers = #tpu.dot_dimension_numbers<[1], [0], [0], [1], [0, 0, 1, 1], [], []>, transpose_lhs_hint = false} : vector<1x128xf32>, vector<128x64xf32>, vector<1x64xf32> -> vector<1x64xf32>
    %get3A_20 = arith.constant 0 : index
    %get3A_21 = arith.constant 0 : index
    %get3A_22 = vector.load %arg6[%get3A_20, %get3A_21] : memref<1x64xf32, #tpu.memory_space<vmem>>, vector<1x64xf32>
    %add3A_23 = arith.addf %dot_general3A_19, %get3A_22 : vector<1x64xf32>
    %get3A_24 = arith.constant 0 : index
    %get3A_25 = arith.constant 0 : index
    %get3A_26 = vector.load %arg3[%get3A_24, %get3A_25] : memref<2000x1xf32, #tpu.memory_space<vmem>>, vector<2000x1xf32>
    %mul3A = vector.broadcast %get3A_26 : vector<2000x1xf32> to vector<2000x64xf32>
    %mul3A_27 = arith.mulf %mul3A, %add3A_12 : vector<2000x64xf32>
    %add3A_28 = vector.broadcast %add3A_23 : vector<1x64xf32> to vector<2000x64xf32>
    %add3A_29 = arith.addf %mul3A_27, %add3A_28 : vector<2000x64xf32>
    %swap3A = arith.constant 0 : index
    %swap3A_30 = arith.constant 0 : index
    %swap3A_31 = vector.load %arg7[%swap3A, %swap3A_30] : memref<2000x64xf32, #tpu.memory_space<vmem>>, vector<2000x64xf32>
    tpu.vector_store %arg7[%swap3A, %swap3A_30], %add3A_29 {strides = array<i32>} : memref<2000x64xf32, #tpu.memory_space<vmem>>, vector<2000x64xf32>,
    return
  }
  func.func @transform_0(%arg0: i32) -> (i32, i32, i32) {
    %c0_i32 = arith.constant 0 : i32
    %c0_i32_0 = arith.constant 0 : i32
    %c0_i32_1 = arith.constant 0 : i32
    return %c0_i32, %arg0, %c0_i32_0 : i32, i32, i32
  }
  func.func @transform_1(%arg0: i32) -> (i32, i32) {
    %c0_i32 = arith.constant 0 : i32
    %c0_i32_0 = arith.constant 0 : i32
    return %arg0, %c0_i32 : i32, i32
  }
  func.func @transform_2(%arg0: i32) -> (i32, i32) {
    %c0_i32 = arith.constant 0 : i32
    %c0_i32_0 = arith.constant 0 : i32
    return %arg0, %c0_i32 : i32, i32
  }
  func.func @transform_3(%arg0: i32) -> (i32, i32) {
    %c0_i32 = arith.constant 0 : i32
    %c0_i32_0 = arith.constant 0 : i32
    %c0_i32_1 = arith.constant 0 : i32
    return %c0_i32, %c0_i32_0 : i32, i32
  }
  func.func @transform_4(%arg0: i32) -> (i32, i32) {
    %c0_i32 = arith.constant 0 : i32
    %c0_i32_0 = arith.constant 0 : i32
    %c0_i32_1 = arith.constant 0 : i32
    return %c0_i32, %c0_i32_0 : i32, i32
  }
  func.func @transform_5(%arg0: i32) -> (i32, i32) {
    %c0_i32 = arith.constant 0 : i32
    %c0_i32_0 = arith.constant 0 : i32
    %c0_i32_1 = arith.constant 0 : i32
    return %c0_i32, %c0_i32_0 : i32, i32
  }
  func.func @transform_6(%arg0: i32) -> (i32, i32) {
    %c0_i32 = arith.constant 0 : i32
    %c0_i32_0 = arith.constant 0 : i32
    return %arg0, %c0_i32 : i32, i32
  }
}

</mosaic_0001>

<sc_bundles>
// kernel: kernel.6.cloned.1.call-start
scs
__scs_entry_jumppad:
0x0: {  	(pc) =	sbr.rel $0x88, $3  }
0x1: {  	(tag) =	ssettag $0x0;
	lr =	simm.s32 $0x1  }
0x2: {  	[smem:$0x3F9B] =	sst lr;
	_ =	strace $0xD0000000  }
0x3: {  	_ = 	snop  }
0x4: {  	_ = 	snop  }
0x5: {  	_ = 	snop  }
0x6: {  	_ = 	snop  }
0x7: {  	_ = 	snop  }
__scs_overlays_trampoline_lowered:
0x8: {  	[smem:$0x3FAA] =	sst s0  }
0x9: {  	[smem:$0x3FAB] =	sst s1  }
0xa: {  	[smem:$0x3FAC] =	sst s2  }
0xb: {  	[smem:$0x3FAD] =	sst s3  }
0xc: {  	[smem:$0x3FAE] =	sst s4  }
0xd: {  	[smem:$0x3FAF] =	sst s5  }
0xe: {  	[smem:$0x3FB0] =	sst s6  }
0xf: {  	[smem:$0x3FB1] =	sst s7  }
0x10: {  	[smem:$0x3FB2] =	sst s8  }
0x11: {  	[smem:$0x3FB3] =	sst s9;
	s0 =	simm.s32 @!p0 $0x0  }
0x12: {  	s1 =	sld [smem:$0x3F99];
	s0 =	simm.s32 @p0 $0x1  }
0x13: {  	[smem:$0x3FB4] =	sst s0;
	s0 =	simm.s32 @!p1 $0x0  }
0x14: {  	s2 =	sld [smem:$0x3F98];
	s0 =	simm.s32 @p1 $0x1  }
0x15: {  	[smem:$0x3FB5] =	sst s0;
	s0 =	simm.s32 @!p2 $0x0  }
0x16: {  	s3 =	sld [smem:$0x3FDB];
	s0 =	simm.s32 @p2 $0x1  }
0x17: {  	s4 =	simm.s32 $0x1BF5;
	[smem:$0x3FB7] =	sst s0  }
0x18: {  	s0 =	sld [smem:$0x3F9A];
	_ =	swait.ge [sflag:s4], $0x0  }
0x19: {  	s7 =	sld [smem:$0x3F9B]  }
0x1a: {  	s8 =	sadd.s32 $0xFFFFE003, lr  }
0x1b: {  	s9 =	sadd.s32 $0xFFFFFEF7, lr;
	s5 =	simm.s32 $0xFFFFFFFF;
	p2 =	slt.u32 s8, $0xFFFFF086  }
0x1c: {  	p1 =	slt.u32 s9, $0xF7A;
	s5 =	simm.s32 @!p2 $0x0  }
0x1d: {  	s5 =	simm.s32 @p1 $0x1;
	p0 =	seq.s32 s7, s2  }
0x1e: {  	s7 =	smul.u32 @!p0 $0xF7A, s2;
	p2 =	seq.s32 @!p0 s5, $0x0  }
0x1f: {  	s9 =	smul.u32 $0xF7A, s1;
	s8 =	simm.s32 @!p0 $0x1BF5;
	p2 =	por !p2, p0  }
0x20: {  	[sflag:s8] =	ssyncset.s32 @!p0 $0xFFFFF086;
	s6 =	sadd.s32 @!p0 s3, s7;
	s7 =	simm.s32 @!p0 $0x108  }
0x21: {  	s3 =	sadd.s32 s3, s9;
	s6 =	sadd.s32 @!p0 $0x88, s6;
	s7 =	simm.s32 @p2 $0x1082  }
0x22: {  	[simem:s7], [sflag:s8] =	dma.local @!p0 [hbm:s6], $0xF7A  }
0x23: {  	s9 =	sor.u32 $0xD0000000, s2;
	s6 =	simm.s32 $0x108;
	_ =	swait.ge @!p0 [sflag:s8], $0x0  }
0x24: {  	s3 =	sadd.s32 $0x88, s3;
	s6 =	simm.s32 @!p1 $0x1082;
	[sflag:s4] =	ssyncset.s32 $0xFFFFF086  }
0x25: {  	[simem:s6], [sflag:s4] =	dma.local [hbm:s3], $0xF7A  }
0x26: {  	[smem:$0x3F9B] =	sst s1;
	(tag) =	ssettag s2;
	_ =	strace s9  }
0x27: {  	s1 =	sld [smem:$0x3FAB]  }
0x28: {  	s2 =	sld [smem:$0x3FAC]  }
0x29: {  	s4 =	sld [smem:$0x3FAE]  }
0x2a: {  	p0 =	seq.s32 s5, $0x0;
	s5 =	sld [smem:$0x3FAF]  }
0x2b: {  	s6 =	sld [smem:$0x3FB0]  }
0x2c: {  	s7 =	sld [smem:$0x3FB1]  }
0x2d: {  	s3 =	simm.s32 $0x108;
	s8 =	sld [smem:$0x3FB2]  }
0x2e: {  	s3 =	simm.s32 @!p0 $0x1082;
	s9 =	sld [smem:$0x3FB3]  }
0x2f: {  	lr =	sadd.s32 s0, s3;
	s0 =	sld [smem:$0x3FAA]  }
0x30: {  	s3 =	sld [smem:$0x3FAD]  }
0x31: {  	[smem:$0x3FB6] =	sst s10  }
0x32: {  	s10 =	sld [smem:$0x3FB4];
	_ =	sdelay $0x3  }
0x33: {  	p0 =	seq.s32 s10, $0x1;
	s10 =	sld [smem:$0x3FB6];
	_ =	sdelay $0x3  }
0x34: {  	[smem:$0x3FB6] =	sst s10  }
0x35: {  	s10 =	sld [smem:$0x3FB5];
	_ =	sdelay $0x3  }
0x36: {  	p1 =	seq.s32 s10, $0x1;
	s10 =	sld [smem:$0x3FB6];
	_ =	sdelay $0x3  }
0x37: {  	[smem:$0x3FB6] =	sst s10  }
0x38: {  	s10 =	sld [smem:$0x3FB7]  }
0x39: {  	_ = 	snop;
	(pc) =	sbr.ind lr, $3  }
0x3a: {  	_ = 	snop  }
0x3b: {  	_ = 	snop  }
0x3c: {  	p2 =	seq.s32 s10, $0x1;
	s10 =	sld [smem:$0x3FB6]  }
0x3d: {  	_ =	shalt  }
0x3e: {  	_ =	shalt  }
0x3f: {  	_ =	shalt  }
0x40: {  	_ =	shalt  }
0x41: {  	_ =	shalt  }
0x42: {  	_ =	shalt  }
0x43: {  	_ =	shalt  }
0x44: {  	_ =	shalt  }
0x45: {  	_ =	shalt  }
0x46: {  	_ =	shalt  }
0x47: {  	_ =	shalt  }
0x48: {  	_ =	shalt  }
0x49: {  	_ =	shalt  }
0x4a: {  	_ =	shalt  }
0x4b: {  	_ =	shalt  }
0x4c: {  	_ =	shalt  }
0x4d: {  	_ =	shalt  }
0x4e: {  	_ =	shalt  }
0x4f: {  	_ =	shalt  }
0x50: {  	_ =	shalt  }
0x51: {  	_ =	shalt  }
0x52: {  	_ =	shalt  }
0x53: {  	_ =	shalt  }
0x54: {  	_ =	shalt  }
0x55: {  	_ =	shalt  }
0x56: {  	_ =	shalt  }
0x57: {  	_ =	shalt  }
0x58: {  	_ =	shalt  }
0x59: {  	_ =	shalt  }
0x5a: {  	_ =	shalt  }
0x5b: {  	_ =	shalt  }
0x5c: {  	_ =	shalt  }
0x5d: {  	_ =	shalt  }
0x5e: {  	_ =	shalt  }
0x5f: {  	_ =	shalt  }
0x60: {  	_ =	shalt  }
0x61: {  	_ =	shalt  }
0x62: {  	_ =	shalt  }
0x63: {  	_ =	shalt  }
0x64: {  	_ =	shalt  }
0x65: {  	_ =	shalt  }
0x66: {  	_ =	shalt  }
0x67: {  	_ =	shalt  }
0x68: {  	_ =	shalt  }
0x69: {  	_ =	shalt  }
0x6a: {  	_ =	shalt  }
0x6b: {  	_ =	shalt  }
0x6c: {  	_ =	shalt  }
0x6d: {  	_ =	shalt  }
0x6e: {  	_ =	shalt  }
0x6f: {  	_ =	shalt  }
0x70: {  	_ =	shalt  }
0x71: {  	_ =	shalt  }
0x72: {  	_ =	shalt  }
0x73: {  	_ =	shalt  }
0x74: {  	_ =	shalt  }
0x75: {  	_ =	shalt  }
0x76: {  	_ =	shalt  }
0x77: {  	_ =	shalt  }
0x78: {  	_ =	shalt  }
0x79: {  	_ =	shalt  }
0x7a: {  	_ =	shalt  }
0x7b: {  	_ =	shalt  }
0x7c: {  	_ =	shalt  }
0x7d: {  	_ =	shalt  }
0x7e: {  	_ =	shalt  }
0x7f: {  	_ =	shalt  }
0x80: {  	_ =	shalt  }
0x81: {  	_ =	shalt  }
0x82: {  	_ =	shalt  }
0x83: {  	_ =	shalt  }
0x84: {  	_ =	shalt  }
0x85: {  	_ =	shalt  }
0x86: {  	_ =	shalt  }
0x87: {  	_ =	shalt  }
.Lfunc_end0:
.L_simem_size_0:
called_computation_lowered:
.L_overlay_start_0:
0x88: {  	s2 =	sld [smem:$0x3FD9]  }
0x89: {  	s3 =	sld [smem:$0x3FFE];
	_ =	sdelay $0x1  }
0x8a: {  	s1 =	srdreg.scid  }
0x8b: {  	s0 =	sand.u32 $0x1, s1  }
0x8c: {  	s16 =	sshll.u32 s0, $0xA;
	s2 =	sadd.s32 s3, s2  }
0x8d: {  	s2 =	sadd.s32 s2, s16  }
0x8e: {  	[smem:$0x3FC2] =	sst s2  }
0x8f: {  	_ = 	snop  }
0x90: {  	(tm) =	ssettm $0x1  }
0x91: {  	s17 =	sld [smem:$0x3FFB];
	_ =	sdelay $0x3  }
0x92: {  	_ =	strace s17  }
0x93: {  	s2 =	sld [smem:$0x3FFC];
	_ =	sdelay $0x3  }
0x94: {  	_ =	strace s2  }
0x95: {  	s2 =	sld [smem:$0x3FFD];
	_ =	sdelay $0x3  }
0x96: {  	_ =	strace s2  }
0x97: {  	_ =	strace $0x8FFFFFFF  }
0x98: {  	s18 =	sld [smem:$0x3FDB];
	_ =	sdelay $0x1  }
0x99: {  	s19 =	simm.s32 $_scs_section_size  }
0x9a: {  	s4 =	simm.s32 $_size__tile_overlayer_lowered;
	s5 =	simm.s32 $_tile_overlayer_lowered  }
0x9b: {  	s22 =	simm.s32 $0x1BFF;
	s21 =	sshll.u32 s5, $0x1;
	s2 =	sadd.s32 s19, s18  }
0x9c: {  	s6 =	simm.s32 $0x0;
	s20 =	sshll.u32 s4, $0x1;
	s4 =	sadd.s32 s21, s2  }
0x9d: {  	[timem:s6], [sflag:s22] =	dma.local [hbm:s4], s20  }
0x9e: {  	_ =	swait.ge [sflag:s22], s20  }
0x9f: {  	s3 =	ssub.s32 $0x0, s20;
	[sflag:s22] =	ssyncset.done $0x0  }
0xa0: {  	[sflag:s22] =	ssyncadd.s32 s3;
	_ =	sdelay $0x1  }
0xa1: {  	s23 =	simm.s32 $0x1B8B  }
0xa2: {  	_ =	swait.ge [sflag:s23], $0x1  }
0xa3: {  	[sflag:s23] =	ssyncset.done $0x0  }
0xa4: {  	s25 =	simm.s32 $0x1B8E;
	s24 =	sld [smem:$0x3FFE];
	[sflag:s23] =	ssyncadd.s32 $0xFFFFFFFF  }
0xa5: {  	s26 =	simm.s32 $execute0_lowered;
	[smem:$0x3FD2] =	sst s25  }
0xa6: {  	s4 =	sshll.u32 s26, $0x1;
	_ =	strace $0x80000046;
	[dreg:$0x1] =	wrdreg $0xFFFFFFFF  }
0xa7: {  	s28 =	simm.s32 $_size_execute0_lowered;
	s2 =	sadd.s32 s2, s4;
	[dreg:$0x0] =	wrdreg $0x0  }
0xa8: {  	s4 =	sshll.u32 s28, $0x1;
	[dreg:$0x2] =	wrdreg s2  }
0xa9: {  	[dreg:$0x3] =	wrdreg s4  }
0xaa: {  	[dreg:$0x4] =	wrdreg $0xC0  }
0xab: {  	_ =	task [dreg:s6], $0x5FFFF  }
0xac: {  	[dreg:$0x1] =	wrdreg $0xFFFFFFFF  }
0xad: {  	[dreg:$0x0] =	wrdreg $0x60  }
0xae: {  	[dreg:$0x2] =	wrdreg s24  }
0xaf: {  	[dreg:$0x3] =	wrdreg $0x2B000  }
0xb0: {  	[dreg:$0x4] =	wrdreg $0x9  }
0xb1: {  	_ =	task.clear_ibuf [dreg:s6], $0x5FFFF;
	_ =	strace $0x90000046  }
0xb2: {  	s29 =	simm.s32 $0x9;
	_ =	strace $0x80000048  }
0xb3: {  	_ =	swait.ge [sflag:s29], $0x1  }
0xb4: {  	[sflag:s29] =	ssyncadd.s32 $0xFFFFFFFF  }
0xb5: {  	_ =	strace $0x90000048  }
0xb6: {  	_ =	sfence  }
0xb7: {  	s30 =	sld [smem:$0x0];
	_ =	sdelay $0x2  }
0xb8: {  	s31 =	sshll.u32 s1, $0xD;
	s1 =	sshrl.u32 s1, $0x2  }
0xb9: {  	s3 =	sand.u32 $0x4000, s31;
	s1 =	sadd.s32 s1, s30  }
0xba: {  	s0 =	sor.u32 s3, s0;
	s1 =	sshll.u32 s1, $0x11  }
0xbb: {  	s0 =	sor.u32 s1, s0  }
0xbc: {  	s0 =	sadd.s32 $0x8F2B, s0  }
0xbd: {  	[sflag:s0] =	ssyncadd.remote.s32 $0x1  }
0xbe: {  	_ =	sfence.sel $0xFFFF  }
0xbf: {  	[dreg:$0x0] =	wrdreg $0xFFFFFFFF;
	(pc) =	sbr.abs _section_cstart, $3  }
0xc0: {  	[dreg:$0x1] =	wrdreg $0xFFFFFFFF  }
0xc1: {  	_ =	task.clear_ibuf [dreg:s6], $0x2FFFF;
	_ =	strace $0x9FFFFFFF  }
0xc2: {  	(tm) =	ssettm $0x7FFFFFFF  }
0xc3: {  	_ =	shalt  }
tec
execute0_lowered:
.L_overlay_start_1:
0x0: {  	(tag) =	ssettag $0x1  }
0x1: {  	s1 =	srdreg.scid  }
0x2: {  	s0 =	stileid.u32;
	s4 =	rddreg [dreg:$0x0]  }
0x3: {  	s2 =	rddreg [dreg:$0x1];
	s3 =	simm.s32 $0x0;
	s11 =	simm.s32 $0x1  }
0x4: {  	s12 =	simm.s32 $0x80;
	s13 =	simm.s32 $0x2800;
	s6 =	smul.u32 $0x5000, s0  }
0x5: {  	s5 =	sand.u32 $0x1, s1;
	s1 =	rddreg [dreg:$0x2];
	s28 =	smul.u32 $0x280, s0  }
0x6: {  	s14 =	simm.s32 $0x0;
	[smem:$0x7FF] =	sst s3;
	s7 =	smul.u32 $0x2800, s5  }
0x7: {  	s10 =	sadd.s32 $0xB400, s4;
	s8 =	ssub.s32 $0x2, s5;
	s5 =	smul.u32 $0x2710, s5  }
0x8: {  	p0 =	seq.s32 s0, $0xF;
	_ =	strace $0x80000047;
	s9 =	sshrl.u32 s8, $0x1  }
0x9: {  	s6 =	sadd.s32 s7, s6;
	s9 =	ssub.s32 s8, s9;
	s29 =	sadd.s32 s28, s5  }
0xa: {  	s31 =	sshrl.u32 s5, $0x3;
	s7 =	sadd.s32 $0x2580, s2;
	s6 =	sshrl.u32 s6, $0x3  }
0xb: {  	s30 =	sshrl.u32 s29, $0x3;
	s8 =	sadd.s32 s10, s31;
	s9 =	smax.u32 s9, $0x1  }
0xc: {  	s6 =	sadd.s32 s6, s4;
	s4 =	sadd.s32 s28, s2;
	s8 =	sadd.s32 $0x4B0, s8  }
0xd: {  	v0 =	vimm.f32 $1.000000000e+00;
	v1 =	vimm.f32 $0.0e+00;
	s5 =	sadd.s32 $0x1400, s6;
	s6 =	sadd.s32 s10, s30;
	s10 =	simm.s32 $0x2880  }
.LBB2_1:
0xe: {  	[tilespmem:$0x2800] =	vst v0  }
0xf: {  	[tilespmem:$0x2810] =	vst v0  }
0x10: {  	[tilespmem:$0x2820] =	vst v0  }
0x11: {  	[tilespmem:$0x2830] =	vst v0  }
0x12: {  	[tilespmem:$0x2840] =	vst v0  }
0x13: {  	[tilespmem:$0x2850] =	vst v0  }
0x14: {  	[tilespmem:$0x2860] =	vst v0  }
0x15: {  	[tilespmem:$0x2870] =	vst v0  }
0x16: {  	[tilespmem:$0x2880] =	vst v1  }
0x17: {  	[tilespmem:$0x2890] =	vst v1  }
0x18: {  	[tilespmem:$0x28A0] =	vst v1  }
0x19: {  	[tilespmem:$0x28B0] =	vst v1  }
0x1a: {  	[tilespmem:$0x28C0] =	vst v1  }
0x1b: {  	[tilespmem:$0x28D0] =	vst v1  }
0x1c: {  	[tilespmem:$0x28E0] =	vst v1  }
0x1d: {  	[tilespmem:$0x28F0] =	vst v1  }
0x1e: {  	[tilespmem:$0x2900] =	vst v1  }
0x1f: {  	[tilespmem:$0x2910] =	vst v1  }
0x20: {  	[tilespmem:$0x2920] =	vst v1  }
0x21: {  	[tilespmem:$0x2930] =	vst v1  }
0x22: {  	[tilespmem:$0x2940] =	vst v1  }
0x23: {  	[tilespmem:$0x2950] =	vst v1  }
0x24: {  	[tilespmem:$0x2960] =	vst v1  }
0x25: {  	[tilespmem:$0x2970] =	vst v1  }
0x26: {  	[tilespmem:$0x2980] =	vst v1  }
0x27: {  	[tilespmem:$0x2990] =	vst v1  }
0x28: {  	[tilespmem:$0x29A0] =	vst v1  }
0x29: {  	[tilespmem:$0x29B0] =	vst v1  }
0x2a: {  	[tilespmem:$0x29C0] =	vst v1  }
0x2b: {  	[tilespmem:$0x29D0] =	vst v1  }
0x2c: {  	[tilespmem:$0x29E0] =	vst v1  }
0x2d: {  	[tilespmem:$0x29F0] =	vst v1  }
0x2e: {  	[tilespmem:$0x2A00] =	vst v1  }
0x2f: {  	[tilespmem:$0x2A10] =	vst v1  }
0x30: {  	[tilespmem:$0x2A20] =	vst v1  }
0x31: {  	[tilespmem:$0x2A30] =	vst v1  }
0x32: {  	[tilespmem:$0x2A40] =	vst v1  }
0x33: {  	[tilespmem:$0x2A50] =	vst v1  }
0x34: {  	[tilespmem:$0x2A60] =	vst v1  }
0x35: {  	[tilespmem:$0x2A70] =	vst v1  }
0x36: {  	[tilespmem:$0x2A80] =	vst v1  }
0x37: {  	[tilespmem:$0x2A90] =	vst v1  }
0x38: {  	[tilespmem:$0x2AA0] =	vst v1  }
0x39: {  	[tilespmem:$0x2AB0] =	vst v1  }
0x3a: {  	[tilespmem:$0x2AC0] =	vst v1  }
0x3b: {  	[tilespmem:$0x2AD0] =	vst v1  }
0x3c: {  	[tilespmem:$0x2AE0] =	vst v1  }
0x3d: {  	[tilespmem:$0x2AF0] =	vst v1  }
0x3e: {  	[spmem:s4] =	stream.linear.scatter [tilespmem:s10], [sflag:$0x1], $0x280, $0x38;
	[tilespmem:$0x2D80] =	vst v63  }
0x3f: {  	_ =	swait.ge [sflag:s11], $0x280  }
0x40: {  	[sflag:s11] =	ssyncset.done $0x0  }
0x41: {  	[sflag:s11] =	ssyncadd.s32 $0xFFFFFD80  }
0x42: {  	[tilespmem:s3], [sflag:$0x1] =	stream.linear.gather [hbm4b:s5+s3], $0x2800, $0x38;
	[tilespmem:$0x2D80] =	vst v63  }
0x43: {  	_ =	swait.ge [sflag:s11], $0x2800  }
0x44: {  	[sflag:s11] =	ssyncset.done $0x0  }
0x45: {  	[sflag:s11] =	ssyncadd.s32 $0xFFFFD800  }
0x46: {  	s15 =	simm.s32 $0x0;
	[bflag:$0x0] =	sbarrier.arrive $0xFFFF  }
0x47: {  	[spmem:s2] =	stream.indirect.scatter.add.f32 [tilespmem:s13], [sflag:$0x1], $0x1, s15, s12, $0xb8;
	[tilespmem:$0x2D80] =	vst v63  }
0x48: {  	_ =	swait.ge [sflag:s11], $0x80  }
0x49: {  	s15 =	simm.s32 $0x200;
	[sflag:s11] =	ssyncset.done $0x0  }
.LBB2_2:
0x4a: {  	s16 =	sshra.s32 s15, $0x2;
	[sflag:s11] =	ssyncadd.s32 $0xFFFFFF80;
	p1 =	sne.s32 s15, $0x9E00  }
0x4b: {  	[spmem:s2] =	stream.indirect.scatter.add.f32 [tilespmem:s13], [sflag:$0x1], $0x1, s16, s12, $0xb8;
	[tilespmem:$0x2D80] =	vst v63  }
.Ltmp0:
0x4c: {  	_ = 	snop;
	(pc) =	sbr.rel @p1 .LBB2_2-.Ltmp0, $4  }
0x4d: {  	_ = 	snop  }
0x4e: {  	s15 =	sadd.s32 $0x200, s15  }
0x4f: {  	_ =	swait.ge [sflag:s11], $0x80  }
0x50: {  	[sflag:s11] =	ssyncset.done $0x0  }
0x51: {  	[sflag:s11] =	ssyncadd.s32 $0xFFFFFF80  }
0x52: {  	s15 =	simm.s32 @p0 $0x2880;
	s16 =	simm.s32 @p0 $0x1;
	[bflag:$0x0] =	sbarrier.arrive $0xFFFF  }
0x53: {  	[tilespmem:s15], [sflag:$0x1] =	stream.linear.gather @p0 [spmem:s7], $0x190, $0x38;
	[tilespmem:$0x2D80] =	vst v63  }
0x54: {  	_ =	swait.ge @p0 [sflag:s16], $0x190  }
0x55: {  	[sflag:s16] =	ssyncset.done @p0 $0x0  }
0x56: {  	s17 =	simm.s32 @p0 $0x0;
	[sflag:s16] =	ssyncadd.s32 @p0 $0xFFFFFE70  }
0x57: {  	[hbm4b:s8+s17] =	stream.linear.scatter @p0 [tilespmem:s15], [sflag:$0x1], $0x190, $0x38;
	[tilespmem:$0x2D80] =	vst v63  }
0x58: {  	_ =	swait.ge @p0 [sflag:s16], $0x190  }
0x59: {  	[sflag:s16] =	ssyncset.done @p0 $0x0  }
0x5a: {  	s15 =	simm.s32 @!p0 $0x2880;
	[sflag:s16] =	ssyncadd.s32 @p0 $0xFFFFFE70;
	s16 =	simm.s32 @!p0 $0x1  }
0x5b: {  	[tilespmem:s15], [sflag:$0x1] =	stream.linear.gather @!p0 [spmem:s4], $0x280, $0x38;
	[tilespmem:$0x2D80] =	vst v63  }
0x5c: {  	s14 =	sadd.s32 $0x1, s14;
	_ =	swait.ge @!p0 [sflag:s16], $0x280  }
0x5d: {  	p1 =	sne.s32 s14, s9;
	[sflag:s16] =	ssyncset.done @!p0 $0x0  }
.Ltmp1:
0x5e: {  	s17 =	simm.s32 @!p0 $0x0;
	[sflag:s16] =	ssyncadd.s32 @!p0 $0xFFFFFD80;
	(pc) =	sbr.rel @p1 .LBB2_1-.Ltmp1, $4  }
0x5f: {  	[hbm4b:s6+s17] =	stream.linear.scatter @!p0 [tilespmem:s15], [sflag:$0x1], $0x280, $0x38;
	[tilespmem:$0x2D80] =	vst v63  }
0x60: {  	_ =	swait.ge @!p0 [sflag:s16], $0x280  }
0x61: {  	[sflag:s16] =	ssyncset.done @!p0 $0x0  }
0x62: {  	[sflag:s16] =	ssyncadd.s32 @!p0 $0xFFFFFD80  }
0x63: {  	_ =	sfence.sel $0x180000  }
0x64: {  	[bflag:$0x0] =	sbarrier.arrive $0xFFFF  }
0x65: {  	p0 =	sne.s32 s0, $0x0;
	_ =	strace $0x90000047  }
0x66: {  	s0 =	sadd.s32 @!p0 $0x100000, s1;
	[bflag:$0x2] =	sbarrier.arrive $0xFFFF  }
0x67: {  	[sflag:s0] =	ssyncadd.tile.s32 @!p0 $0x1;
	_ =	shalt  }
.Lfunc_end2:
_tile_overlayer_lowered:
.L_overlay_start_2:
0x68: {  	(tag) =	ssettag $0x2  }
0x69: {  	s0 =	rddreg [dreg:$0x0];
	s2 =	stileid.u32  }
0x6a: {  	s1 =	rddreg [dreg:$0x1];
	p0 =	sne.s32 s2, $0x0  }
0x6b: {  	s3 =	rddreg [dreg:$0x2];
	[bflag:$0x3] =	sbarrier.arrive $0xFFFF;
	s2 =	simm.s32 @!p0 $0x1C01  }
0x6c: {  	[timem:s3], [sflag:s2] =	dma.local @!p0 [hbm:s0], s1  }
0x6d: {  	s0 =	simm.s32 @!p0 $0x1  }
0x6e: {  	_ =	swait.ge @!p0 [sflag:s0], s1  }
0x6f: {  	s1 =	ssub.s32 @!p0 $0x0, s1;
	[sflag:s0] =	ssyncset.done @!p0 $0x0  }
0x70: {  	[sflag:s0] =	ssyncadd.s32 @!p0 s1  }
0x71: {  	[bflag:$0x3] =	sbarrier.arrive $0xFFFF  }
0x72: {  	_ =	shalt  }

// kernel: kernel.9.cloned.1.call-start
scs
__scs_entry_jumppad:
0x0: {  	(pc) =	sbr.rel $0x88, $3  }
0x1: {  	(tag) =	ssettag $0x0;
	lr =	simm.s32 $0x1  }
0x2: {  	[smem:$0x3F9B] =	sst lr;
	_ =	strace $0xD0000000  }
0x3: {  	_ = 	snop  }
0x4: {  	_ = 	snop  }
0x5: {  	_ = 	snop  }
0x6: {  	_ = 	snop  }
0x7: {  	_ = 	snop  }
__scs_overlays_trampoline_lowered:
0x8: {  	[smem:$0x3FAA] =	sst s0  }
0x9: {  	[smem:$0x3FAB] =	sst s1  }
0xa: {  	[smem:$0x3FAC] =	sst s2  }
0xb: {  	[smem:$0x3FAD] =	sst s3  }
0xc: {  	[smem:$0x3FAE] =	sst s4  }
0xd: {  	[smem:$0x3FAF] =	sst s5  }
0xe: {  	[smem:$0x3FB0] =	sst s6  }
0xf: {  	[smem:$0x3FB1] =	sst s7  }
0x10: {  	[smem:$0x3FB2] =	sst s8  }
0x11: {  	[smem:$0x3FB3] =	sst s9;
	s0 =	simm.s32 @!p0 $0x0  }
0x12: {  	s1 =	sld [smem:$0x3F99];
	s0 =	simm.s32 @p0 $0x1  }
0x13: {  	[smem:$0x3FB4] =	sst s0;
	s0 =	simm.s32 @!p1 $0x0  }
0x14: {  	s2 =	sld [smem:$0x3F98];
	s0 =	simm.s32 @p1 $0x1  }
0x15: {  	[smem:$0x3FB5] =	sst s0;
	s0 =	simm.s32 @!p2 $0x0  }
0x16: {  	s3 =	sld [smem:$0x3FDB];
	s0 =	simm.s32 @p2 $0x1  }
0x17: {  	s4 =	simm.s32 $0x1BF5;
	[smem:$0x3FB7] =	sst s0  }
0x18: {  	s0 =	sld [smem:$0x3F9A];
	_ =	swait.ge [sflag:s4], $0x0  }
0x19: {  	s7 =	sld [smem:$0x3F9B]  }
0x1a: {  	s8 =	sadd.s32 $0xFFFFE003, lr  }
0x1b: {  	s9 =	sadd.s32 $0xFFFFFEF7, lr;
	s5 =	simm.s32 $0xFFFFFFFF;
	p2 =	slt.u32 s8, $0xFFFFF086  }
0x1c: {  	p1 =	slt.u32 s9, $0xF7A;
	s5 =	simm.s32 @!p2 $0x0  }
0x1d: {  	s5 =	simm.s32 @p1 $0x1;
	p0 =	seq.s32 s7, s2  }
0x1e: {  	s7 =	smul.u32 @!p0 $0xF7A, s2;
	p2 =	seq.s32 @!p0 s5, $0x0  }
0x1f: {  	s9 =	smul.u32 $0xF7A, s1;
	s8 =	simm.s32 @!p0 $0x1BF5;
	p2 =	por !p2, p0  }
0x20: {  	[sflag:s8] =	ssyncset.s32 @!p0 $0xFFFFF086;
	s6 =	sadd.s32 @!p0 s3, s7;
	s7 =	simm.s32 @!p0 $0x108  }
0x21: {  	s3 =	sadd.s32 s3, s9;
	s6 =	sadd.s32 @!p0 $0x88, s6;
	s7 =	simm.s32 @p2 $0x1082  }
0x22: {  	[simem:s7], [sflag:s8] =	dma.local @!p0 [hbm:s6], $0xF7A  }
0x23: {  	s9 =	sor.u32 $0xD0000000, s2;
	s6 =	simm.s32 $0x108;
	_ =	swait.ge @!p0 [sflag:s8], $0x0  }
0x24: {  	s3 =	sadd.s32 $0x88, s3;
	s6 =	simm.s32 @!p1 $0x1082;
	[sflag:s4] =	ssyncset.s32 $0xFFFFF086  }
0x25: {  	[simem:s6], [sflag:s4] =	dma.local [hbm:s3], $0xF7A  }
0x26: {  	[smem:$0x3F9B] =	sst s1;
	(tag) =	ssettag s2;
	_ =	strace s9  }
0x27: {  	s1 =	sld [smem:$0x3FAB]  }
0x28: {  	s2 =	sld [smem:$0x3FAC]  }
0x29: {  	s4 =	sld [smem:$0x3FAE]  }
0x2a: {  	p0 =	seq.s32 s5, $0x0;
	s5 =	sld [smem:$0x3FAF]  }
0x2b: {  	s6 =	sld [smem:$0x3FB0]  }
0x2c: {  	s7 =	sld [smem:$0x3FB1]  }
0x2d: {  	s3 =	simm.s32 $0x108;
	s8 =	sld [smem:$0x3FB2]  }
0x2e: {  	s3 =	simm.s32 @!p0 $0x1082;
	s9 =	sld [smem:$0x3FB3]  }
0x2f: {  	lr =	sadd.s32 s0, s3;
	s0 =	sld [smem:$0x3FAA]  }
0x30: {  	s3 =	sld [smem:$0x3FAD]  }
0x31: {  	[smem:$0x3FB6] =	sst s10  }
0x32: {  	s10 =	sld [smem:$0x3FB4];
	_ =	sdelay $0x3  }
0x33: {  	p0 =	seq.s32 s10, $0x1;
	s10 =	sld [smem:$0x3FB6];
	_ =	sdelay $0x3  }
0x34: {  	[smem:$0x3FB6] =	sst s10  }
0x35: {  	s10 =	sld [smem:$0x3FB5];
	_ =	sdelay $0x3  }
0x36: {  	p1 =	seq.s32 s10, $0x1;
	s10 =	sld [smem:$0x3FB6];
	_ =	sdelay $0x3  }
0x37: {  	[smem:$0x3FB6] =	sst s10  }
0x38: {  	s10 =	sld [smem:$0x3FB7]  }
0x39: {  	_ = 	snop;
	(pc) =	sbr.ind lr, $3  }
0x3a: {  	_ = 	snop  }
0x3b: {  	_ = 	snop  }
0x3c: {  	p2 =	seq.s32 s10, $0x1;
	s10 =	sld [smem:$0x3FB6]  }
0x3d: {  	_ =	shalt  }
0x3e: {  	_ =	shalt  }
0x3f: {  	_ =	shalt  }
0x40: {  	_ =	shalt  }
0x41: {  	_ =	shalt  }
0x42: {  	_ =	shalt  }
0x43: {  	_ =	shalt  }
0x44: {  	_ =	shalt  }
0x45: {  	_ =	shalt  }
0x46: {  	_ =	shalt  }
0x47: {  	_ =	shalt  }
0x48: {  	_ =	shalt  }
0x49: {  	_ =	shalt  }
0x4a: {  	_ =	shalt  }
0x4b: {  	_ =	shalt  }
0x4c: {  	_ =	shalt  }
0x4d: {  	_ =	shalt  }
0x4e: {  	_ =	shalt  }
0x4f: {  	_ =	shalt  }
0x50: {  	_ =	shalt  }
0x51: {  	_ =	shalt  }
0x52: {  	_ =	shalt  }
0x53: {  	_ =	shalt  }
0x54: {  	_ =	shalt  }
0x55: {  	_ =	shalt  }
0x56: {  	_ =	shalt  }
0x57: {  	_ =	shalt  }
0x58: {  	_ =	shalt  }
0x59: {  	_ =	shalt  }
0x5a: {  	_ =	shalt  }
0x5b: {  	_ =	shalt  }
0x5c: {  	_ =	shalt  }
0x5d: {  	_ =	shalt  }
0x5e: {  	_ =	shalt  }
0x5f: {  	_ =	shalt  }
0x60: {  	_ =	shalt  }
0x61: {  	_ =	shalt  }
0x62: {  	_ =	shalt  }
0x63: {  	_ =	shalt  }
0x64: {  	_ =	shalt  }
0x65: {  	_ =	shalt  }
0x66: {  	_ =	shalt  }
0x67: {  	_ =	shalt  }
0x68: {  	_ =	shalt  }
0x69: {  	_ =	shalt  }
0x6a: {  	_ =	shalt  }
0x6b: {  	_ =	shalt  }
0x6c: {  	_ =	shalt  }
0x6d: {  	_ =	shalt  }
0x6e: {  	_ =	shalt  }
0x6f: {  	_ =	shalt  }
0x70: {  	_ =	shalt  }
0x71: {  	_ =	shalt  }
0x72: {  	_ =	shalt  }
0x73: {  	_ =	shalt  }
0x74: {  	_ =	shalt  }
0x75: {  	_ =	shalt  }
0x76: {  	_ =	shalt  }
0x77: {  	_ =	shalt  }
0x78: {  	_ =	shalt  }
0x79: {  	_ =	shalt  }
0x7a: {  	_ =	shalt  }
0x7b: {  	_ =	shalt  }
0x7c: {  	_ =	shalt  }
0x7d: {  	_ =	shalt  }
0x7e: {  	_ =	shalt  }
0x7f: {  	_ =	shalt  }
0x80: {  	_ =	shalt  }
0x81: {  	_ =	shalt  }
0x82: {  	_ =	shalt  }
0x83: {  	_ =	shalt  }
0x84: {  	_ =	shalt  }
0x85: {  	_ =	shalt  }
0x86: {  	_ =	shalt  }
0x87: {  	_ =	shalt  }
.Lfunc_end0:
.L_simem_size_0:
called_computation.1_lowered:
.L_overlay_start_0:
0x88: {  	s2 =	sld [smem:$0x3FD9]  }
0x89: {  	s3 =	sld [smem:$0x3FFE];
	_ =	sdelay $0x1  }
0x8a: {  	s1 =	srdreg.scid  }
0x8b: {  	s0 =	sand.u32 $0x1, s1  }
0x8c: {  	s17 =	sshll.u32 s0, $0xA;
	s2 =	sadd.s32 s3, s2  }
0x8d: {  	s2 =	sadd.s32 s2, s17  }
0x8e: {  	[smem:$0x3FC2] =	sst s2  }
0x8f: {  	_ = 	snop  }
0x90: {  	s2 =	sld [smem:$0x3FD0];
	(tm) =	ssettm $0x1  }
0x91: {  	s18 =	sld [smem:$0x3FFB];
	_ =	sdelay $0x3  }
0x92: {  	_ =	strace s18  }
0x93: {  	s3 =	sld [smem:$0x3FFC];
	_ =	sdelay $0x3  }
0x94: {  	_ =	strace s3  }
0x95: {  	s3 =	sld [smem:$0x3FFD];
	_ =	sdelay $0x3  }
0x96: {  	_ =	strace s3  }
0x97: {  	_ =	strace $0x8FFFFFFF  }
0x98: {  	s19 =	sld [smem:$0x3FDB];
	_ =	sdelay $0x1  }
0x99: {  	s4 =	simm.s32 $_scs_section_size  }
0x9a: {  	s5 =	simm.s32 $_size__tile_overlayer_lowered;
	s6 =	simm.s32 $_tile_overlayer_lowered  }
0x9b: {  	s22 =	simm.s32 $0x1BFF;
	s21 =	sshll.u32 s6, $0x1;
	s3 =	sadd.s32 s4, s19  }
0x9c: {  	s7 =	simm.s32 $0x0;
	s20 =	sshll.u32 s5, $0x1;
	s5 =	sadd.s32 s21, s3  }
0x9d: {  	[timem:s7], [sflag:s22] =	dma.local [hbm:s5], s20  }
0x9e: {  	_ =	swait.ge [sflag:s22], s20  }
0x9f: {  	s4 =	ssub.s32 $0x0, s20;
	[sflag:s22] =	ssyncset.done $0x0  }
0xa0: {  	[sflag:s22] =	ssyncadd.s32 s4;
	_ =	sdelay $0x1  }
0xa1: {  	s23 =	simm.s32 $0x1B8B  }
0xa2: {  	_ =	swait.ge [sflag:s23], $0x1  }
0xa3: {  	[sflag:s23] =	ssyncset.done $0x0  }
0xa4: {  	s25 =	simm.s32 $0x1B8E;
	s24 =	sld [smem:$0x3FFE];
	[sflag:s23] =	ssyncadd.s32 $0xFFFFFFFF  }
0xa5: {  	s26 =	simm.s32 $execute0_lowered;
	[smem:$0x3FD2] =	sst s25  }
0xa6: {  	s5 =	sshll.u32 s26, $0x1;
	_ =	strace $0x80000049;
	[dreg:$0x1] =	wrdreg $0xFFFFFFFF  }
0xa7: {  	s28 =	simm.s32 $_size_execute0_lowered;
	s3 =	sadd.s32 s3, s5;
	[dreg:$0x0] =	wrdreg $0x0  }
0xa8: {  	s5 =	sshll.u32 s28, $0x1;
	[dreg:$0x2] =	wrdreg s3  }
0xa9: {  	[dreg:$0x3] =	wrdreg s5  }
0xaa: {  	[dreg:$0x4] =	wrdreg $0xC0  }
0xab: {  	_ =	task [dreg:s7], $0x5FFFF  }
0xac: {  	[dreg:$0x1] =	wrdreg $0xFFFFFFFF  }
0xad: {  	[dreg:$0x0] =	wrdreg $0x60  }
0xae: {  	[dreg:$0x2] =	wrdreg s2  }
0xaf: {  	[dreg:$0x3] =	wrdreg s24  }
0xb0: {  	[dreg:$0x4] =	wrdreg $0xE4000  }
0xb1: {  	[dreg:$0x5] =	wrdreg $0x9  }
0xb2: {  	_ =	task.clear_ibuf [dreg:s7], $0x6FFFF;
	_ =	strace $0x90000049  }
0xb3: {  	s29 =	simm.s32 $0x9;
	_ =	strace $0x8000004B  }
0xb4: {  	_ =	swait.ge [sflag:s29], $0x1  }
0xb5: {  	[sflag:s29] =	ssyncadd.s32 $0xFFFFFFFF  }
0xb6: {  	_ =	strace $0x9000004B  }
0xb7: {  	_ =	sfence  }
0xb8: {  	s30 =	sld [smem:$0x0];
	_ =	sdelay $0x2  }
0xb9: {  	s31 =	sshll.u32 s1, $0xD;
	s1 =	sshrl.u32 s1, $0x2  }
0xba: {  	s3 =	sand.u32 $0x4000, s31;
	s1 =	sadd.s32 s1, s30  }
0xbb: {  	s0 =	sor.u32 s3, s0;
	s1 =	sshll.u32 s1, $0x11  }
0xbc: {  	s0 =	sor.u32 s1, s0  }
0xbd: {  	s0 =	sadd.s32 $0x8F2B, s0  }
0xbe: {  	[sflag:s0] =	ssyncadd.remote.s32 $0x1  }
0xbf: {  	_ =	sfence.sel $0xFFFF  }
0xc0: {  	[dreg:$0x0] =	wrdreg $0xFFFFFFFF;
	(pc) =	sbr.abs _section_cstart, $3  }
0xc1: {  	[dreg:$0x1] =	wrdreg $0xFFFFFFFF  }
0xc2: {  	_ =	task.clear_ibuf [dreg:s7], $0x2FFFF;
	_ =	strace $0x9FFFFFFF  }
0xc3: {  	(tm) =	ssettm $0x7FFFFFFF  }
tec
execute0_lowered:
.L_overlay_start_1:
0x0: {  	(tag) =	ssettag $0x1  }
0x1: {  	s1 =	rddreg [dreg:$0x0];
	s2 =	srdreg.scid  }
0x2: {  	s0 =	stileid.u32;
	s5 =	rddreg [dreg:$0x1];
	s3 =	simm.s32 $0x0  }
0x3: {  	s18 =	simm.s32 $0xD000;
	s19 =	simm.s32 $0x3;
	s20 =	simm.s32 $0x2800  }
0x4: {  	s21 =	simm.s32 $0x80;
	s22 =	simm.s32 $0x5000;
	s23 =	simm.s32 $0x9000  }
0x5: {  	s24 =	simm.s32 $0x1;
	s28 =	simm.s32 $0x4F80;
	s4 =	smul.u32 $0x5000, s0  }
0x6: {  	s6 =	sand.u32 $0x1, s2;
	s2 =	rddreg [dreg:$0x2];
	s26 =	smul.u32 $0x28000, s0  }
0x7: {  	s29 =	simm.s32 $0x0;
	[smem:$0x7FF] =	sst s3;
	s7 =	smul.u32 $0x2800, s6  }
0x8: {  	p0 =	seq.s32 s0, $0xF;
	s8 =	smul.u32 $0x13880, s6;
	s6 =	ssub.s32 $0x2, s6  }
0x9: {  	s31 =	smul.u32 $0x1400, s0;
	_ =	strace $0x8000004A;
	s25 =	sshrl.u32 s6, $0x1  }
0xa: {  	s30 =	sshrl.u32 s26, $0x2;
	s26 =	simm.s32 $0x4F00;
	s4 =	sadd.s32 s7, s4  }
0xb: {  	s17 =	sadd.s32 s8, s5;
	s10 =	ssub.s32 s6, s25;
	s25 =	simm.s32 $0x2  }
0xc: {  	s7 =	sshrl.u32 s4, $0x3;
	s4 =	sadd.s32 $0xB400, s5;
	s8 =	smax.u32 s10, $0x1  }
0xd: {  	s9 =	sadd.s32 s7, s5;
	s5 =	sadd.s32 s1, s7;
	s7 =	simm.s32 $0x5  }
0xe: {  	s1 =	sadd.s32 s30, s2;
	s6 =	sadd.s32 $0x1400, s9;
	s7 =	simm.s32 @!p0 $0x8  }
0xf: {  	s10 =	sadd.s32 $0x1400, s1;
	s11 =	sadd.s32 $0x2800, s1;
	s12 =	sadd.s32 $0x3C00, s1  }
0x10: {  	s13 =	sadd.s32 $0x5000, s1;
	s14 =	sadd.s32 $0x6400, s1;
	s9 =	sadd.s32 s31, s17  }
0x11: {  	v0 =	vimm.f32 $0.0e+00;
	v1 =	vimm.s32 $0x0;
	s15 =	sadd.s32 $0x7800, s1;
	s16 =	sadd.s32 $0x8C00, s1;
	s17 =	sadd.s32 $0x59600, s9  }
.LBB2_1:
0x12: {  	[tilespmem:$0xD000] =	vst v0  }
0x13: {  	[tilespmem:$0xD010] =	vst v0  }
0x14: {  	[tilespmem:$0xD020] =	vst v0  }
0x15: {  	[tilespmem:$0xD030] =	vst v0  }
0x16: {  	[tilespmem:$0xD040] =	vst v0  }
0x17: {  	[tilespmem:$0xD050] =	vst v0  }
0x18: {  	[tilespmem:$0xD060] =	vst v0  }
0x19: {  	[tilespmem:$0xD070] =	vst v0  }
0x1a: {  	[tilespmem:$0xD080] =	vst v0  }
0x1b: {  	[tilespmem:$0xD090] =	vst v0  }
0x1c: {  	[tilespmem:$0xD0A0] =	vst v0  }
0x1d: {  	[tilespmem:$0xD0B0] =	vst v0  }
0x1e: {  	[tilespmem:$0xD0C0] =	vst v0  }
0x1f: {  	[tilespmem:$0xD0D0] =	vst v0  }
0x20: {  	[tilespmem:$0xD0E0] =	vst v0  }
0x21: {  	[tilespmem:$0xD0F0] =	vst v0  }
0x22: {  	[tilespmem:$0xD100] =	vst v0  }
0x23: {  	[tilespmem:$0xD110] =	vst v0  }
0x24: {  	[tilespmem:$0xD120] =	vst v0  }
0x25: {  	[tilespmem:$0xD130] =	vst v0  }
0x26: {  	[tilespmem:$0xD140] =	vst v0  }
0x27: {  	[tilespmem:$0xD150] =	vst v0  }
0x28: {  	[tilespmem:$0xD160] =	vst v0  }
0x29: {  	[tilespmem:$0xD170] =	vst v0  }
0x2a: {  	[tilespmem:$0xD180] =	vst v0  }
0x2b: {  	[tilespmem:$0xD190] =	vst v0  }
0x2c: {  	[tilespmem:$0xD1A0] =	vst v0  }
0x2d: {  	[tilespmem:$0xD1B0] =	vst v0  }
0x2e: {  	[tilespmem:$0xD1C0] =	vst v0  }
0x2f: {  	[tilespmem:$0xD1D0] =	vst v0  }
0x30: {  	[tilespmem:$0xD1E0] =	vst v0  }
0x31: {  	[tilespmem:$0xD1F0] =	vst v0  }
0x32: {  	[tilespmem:$0xD200] =	vst v0  }
0x33: {  	[tilespmem:$0xD210] =	vst v0  }
0x34: {  	[tilespmem:$0xD220] =	vst v0  }
0x35: {  	[tilespmem:$0xD230] =	vst v0  }
0x36: {  	[tilespmem:$0xD240] =	vst v0  }
0x37: {  	[tilespmem:$0xD250] =	vst v0  }
0x38: {  	[tilespmem:$0xD260] =	vst v0  }
0x39: {  	[tilespmem:$0xD270] =	vst v0  }
0x3a: {  	[tilespmem:$0xD280] =	vst v0  }
0x3b: {  	[tilespmem:$0xD290] =	vst v0  }
0x3c: {  	[tilespmem:$0xD2A0] =	vst v0  }
0x3d: {  	[tilespmem:$0xD2B0] =	vst v0  }
0x3e: {  	[tilespmem:$0xD2C0] =	vst v0  }
0x3f: {  	[tilespmem:$0xD2D0] =	vst v0  }
0x40: {  	[tilespmem:$0xD2E0] =	vst v0  }
0x41: {  	[tilespmem:$0xD2F0] =	vst v0  }
0x42: {  	[tilespmem:$0xD300] =	vst v0  }
0x43: {  	[tilespmem:$0xD310] =	vst v0  }
0x44: {  	[tilespmem:$0xD320] =	vst v0  }
0x45: {  	[tilespmem:$0xD330] =	vst v0  }
0x46: {  	[tilespmem:$0xD340] =	vst v0  }
0x47: {  	[tilespmem:$0xD350] =	vst v0  }
0x48: {  	[tilespmem:$0xD360] =	vst v0  }
0x49: {  	[tilespmem:$0xD370] =	vst v0  }
0x4a: {  	[tilespmem:$0xD380] =	vst v0  }
0x4b: {  	[tilespmem:$0xD390] =	vst v0  }
0x4c: {  	[tilespmem:$0xD3A0] =	vst v0  }
0x4d: {  	[tilespmem:$0xD3B0] =	vst v0  }
0x4e: {  	[tilespmem:$0xD3C0] =	vst v0  }
0x4f: {  	[tilespmem:$0xD3D0] =	vst v0  }
0x50: {  	[tilespmem:$0xD3E0] =	vst v0  }
0x51: {  	[tilespmem:$0xD3F0] =	vst v0  }
0x52: {  	[tilespmem:$0xD400] =	vst v0  }
0x53: {  	[tilespmem:$0xD410] =	vst v0  }
0x54: {  	[tilespmem:$0xD420] =	vst v0  }
0x55: {  	[tilespmem:$0xD430] =	vst v0  }
0x56: {  	[tilespmem:$0xD440] =	vst v0  }
0x57: {  	[tilespmem:$0xD450] =	vst v0  }
0x58: {  	[tilespmem:$0xD460] =	vst v0  }
0x59: {  	[tilespmem:$0xD470] =	vst v0  }
0x5a: {  	[tilespmem:$0xD480] =	vst v0  }
0x5b: {  	[tilespmem:$0xD490] =	vst v0  }
0x5c: {  	[tilespmem:$0xD4A0] =	vst v0  }
0x5d: {  	[tilespmem:$0xD4B0] =	vst v0  }
0x5e: {  	[tilespmem:$0xD4C0] =	vst v0  }
0x5f: {  	[tilespmem:$0xD4D0] =	vst v0  }
0x60: {  	[tilespmem:$0xD4E0] =	vst v0  }
0x61: {  	[tilespmem:$0xD4F0] =	vst v0  }
0x62: {  	[tilespmem:$0xD500] =	vst v0  }
0x63: {  	[tilespmem:$0xD510] =	vst v0  }
0x64: {  	[tilespmem:$0xD520] =	vst v0  }
0x65: {  	[tilespmem:$0xD530] =	vst v0  }
0x66: {  	[tilespmem:$0xD540] =	vst v0  }
0x67: {  	[tilespmem:$0xD550] =	vst v0  }
0x68: {  	[tilespmem:$0xD560] =	vst v0  }
0x69: {  	[tilespmem:$0xD570] =	vst v0  }
0x6a: {  	[tilespmem:$0xD580] =	vst v0  }
0x6b: {  	[tilespmem:$0xD590] =	vst v0  }
0x6c: {  	[tilespmem:$0xD5A0] =	vst v0  }
0x6d: {  	[tilespmem:$0xD5B0] =	vst v0  }
0x6e: {  	[tilespmem:$0xD5C0] =	vst v0  }
0x6f: {  	[tilespmem:$0xD5D0] =	vst v0  }
0x70: {  	[tilespmem:$0xD5E0] =	vst v0  }
0x71: {  	[tilespmem:$0xD5F0] =	vst v0  }
0x72: {  	[tilespmem:$0xD600] =	vst v0  }
0x73: {  	[tilespmem:$0xD610] =	vst v0  }
0x74: {  	[tilespmem:$0xD620] =	vst v0  }
0x75: {  	[tilespmem:$0xD630] =	vst v0  }
0x76: {  	[tilespmem:$0xD640] =	vst v0  }
0x77: {  	[tilespmem:$0xD650] =	vst v0  }
0x78: {  	[tilespmem:$0xD660] =	vst v0  }
0x79: {  	[tilespmem:$0xD670] =	vst v0  }
0x7a: {  	[tilespmem:$0xD680] =	vst v0  }
0x7b: {  	[tilespmem:$0xD690] =	vst v0  }
0x7c: {  	[tilespmem:$0xD6A0] =	vst v0  }
0x7d: {  	[tilespmem:$0xD6B0] =	vst v0  }
0x7e: {  	[tilespmem:$0xD6C0] =	vst v0  }
0x7f: {  	[tilespmem:$0xD6D0] =	vst v0  }
0x80: {  	[tilespmem:$0xD6E0] =	vst v0  }
0x81: {  	[tilespmem:$0xD6F0] =	vst v0  }
0x82: {  	[tilespmem:$0xD700] =	vst v0  }
0x83: {  	[tilespmem:$0xD710] =	vst v0  }
0x84: {  	[tilespmem:$0xD720] =	vst v0  }
0x85: {  	[tilespmem:$0xD730] =	vst v0  }
0x86: {  	[tilespmem:$0xD740] =	vst v0  }
0x87: {  	[tilespmem:$0xD750] =	vst v0  }
0x88: {  	[tilespmem:$0xD760] =	vst v0  }
0x89: {  	[tilespmem:$0xD770] =	vst v0  }
0x8a: {  	[tilespmem:$0xD780] =	vst v0  }
0x8b: {  	[tilespmem:$0xD790] =	vst v0  }
0x8c: {  	[tilespmem:$0xD7A0] =	vst v0  }
0x8d: {  	[tilespmem:$0xD7B0] =	vst v0  }
0x8e: {  	[tilespmem:$0xD7C0] =	vst v0  }
0x8f: {  	[tilespmem:$0xD7D0] =	vst v0  }
0x90: {  	[tilespmem:$0xD7E0] =	vst v0  }
0x91: {  	[tilespmem:$0xD7F0] =	vst v0  }
0x92: {  	[tilespmem:$0xD800] =	vst v0  }
0x93: {  	[tilespmem:$0xD810] =	vst v0  }
0x94: {  	[tilespmem:$0xD820] =	vst v0  }
0x95: {  	[tilespmem:$0xD830] =	vst v0  }
0x96: {  	[tilespmem:$0xD840] =	vst v0  }
0x97: {  	[tilespmem:$0xD850] =	vst v0  }
0x98: {  	[tilespmem:$0xD860] =	vst v0  }
0x99: {  	[tilespmem:$0xD870] =	vst v0  }
0x9a: {  	[tilespmem:$0xD880] =	vst v0  }
0x9b: {  	[tilespmem:$0xD890] =	vst v0  }
0x9c: {  	[tilespmem:$0xD8A0] =	vst v0  }
0x9d: {  	[tilespmem:$0xD8B0] =	vst v0  }
0x9e: {  	[tilespmem:$0xD8C0] =	vst v0  }
0x9f: {  	[tilespmem:$0xD8D0] =	vst v0  }
0xa0: {  	[tilespmem:$0xD8E0] =	vst v0  }
0xa1: {  	[tilespmem:$0xD8F0] =	vst v0  }
0xa2: {  	[tilespmem:$0xD900] =	vst v0  }
0xa3: {  	[tilespmem:$0xD910] =	vst v0  }
0xa4: {  	[tilespmem:$0xD920] =	vst v0  }
0xa5: {  	[tilespmem:$0xD930] =	vst v0  }
0xa6: {  	[tilespmem:$0xD940] =	vst v0  }
0xa7: {  	[tilespmem:$0xD950] =	vst v0  }
0xa8: {  	[tilespmem:$0xD960] =	vst v0  }
0xa9: {  	[tilespmem:$0xD970] =	vst v0  }
0xaa: {  	[tilespmem:$0xD980] =	vst v0  }
0xab: {  	[tilespmem:$0xD990] =	vst v0  }
0xac: {  	[tilespmem:$0xD9A0] =	vst v0  }
0xad: {  	[tilespmem:$0xD9B0] =	vst v0  }
0xae: {  	[tilespmem:$0xD9C0] =	vst v0  }
0xaf: {  	[tilespmem:$0xD9D0] =	vst v0  }
0xb0: {  	[tilespmem:$0xD9E0] =	vst v0  }
0xb1: {  	[tilespmem:$0xD9F0] =	vst v0  }
0xb2: {  	[tilespmem:$0xDA00] =	vst v0  }
0xb3: {  	[tilespmem:$0xDA10] =	vst v0  }
0xb4: {  	[tilespmem:$0xDA20] =	vst v0  }
0xb5: {  	[tilespmem:$0xDA30] =	vst v0  }
0xb6: {  	[tilespmem:$0xDA40] =	vst v0  }
0xb7: {  	[tilespmem:$0xDA50] =	vst v0  }
0xb8: {  	[tilespmem:$0xDA60] =	vst v0  }
0xb9: {  	[tilespmem:$0xDA70] =	vst v0  }
0xba: {  	[tilespmem:$0xDA80] =	vst v0  }
0xbb: {  	[tilespmem:$0xDA90] =	vst v0  }
0xbc: {  	[tilespmem:$0xDAA0] =	vst v0  }
0xbd: {  	[tilespmem:$0xDAB0] =	vst v0  }
0xbe: {  	[tilespmem:$0xDAC0] =	vst v0  }
0xbf: {  	[tilespmem:$0xDAD0] =	vst v0  }
0xc0: {  	[tilespmem:$0xDAE0] =	vst v0  }
0xc1: {  	[tilespmem:$0xDAF0] =	vst v0  }
0xc2: {  	[tilespmem:$0xDB00] =	vst v0  }
0xc3: {  	[tilespmem:$0xDB10] =	vst v0  }
0xc4: {  	[tilespmem:$0xDB20] =	vst v0  }
0xc5: {  	[tilespmem:$0xDB30] =	vst v0  }
0xc6: {  	[tilespmem:$0xDB40] =	vst v0  }
0xc7: {  	[tilespmem:$0xDB50] =	vst v0  }
0xc8: {  	[tilespmem:$0xDB60] =	vst v0  }
0xc9: {  	[tilespmem:$0xDB70] =	vst v0  }
0xca: {  	[tilespmem:$0xDB80] =	vst v0  }
0xcb: {  	[tilespmem:$0xDB90] =	vst v0  }
0xcc: {  	[tilespmem:$0xDBA0] =	vst v0  }
0xcd: {  	[tilespmem:$0xDBB0] =	vst v0  }
0xce: {  	[tilespmem:$0xDBC0] =	vst v0  }
0xcf: {  	[tilespmem:$0xDBD0] =	vst v0  }
0xd0: {  	[tilespmem:$0xDBE0] =	vst v0  }
0xd1: {  	[tilespmem:$0xDBF0] =	vst v0  }
0xd2: {  	[tilespmem:$0xDC00] =	vst v0  }
0xd3: {  	[tilespmem:$0xDC10] =	vst v0  }
0xd4: {  	[tilespmem:$0xDC20] =	vst v0  }
0xd5: {  	[tilespmem:$0xDC30] =	vst v0  }
0xd6: {  	[tilespmem:$0xDC40] =	vst v0  }
0xd7: {  	[tilespmem:$0xDC50] =	vst v0  }
0xd8: {  	[tilespmem:$0xDC60] =	vst v0  }
0xd9: {  	[tilespmem:$0xDC70] =	vst v0  }
0xda: {  	[tilespmem:$0xDC80] =	vst v0  }
0xdb: {  	[tilespmem:$0xDC90] =	vst v0  }
0xdc: {  	[tilespmem:$0xDCA0] =	vst v0  }
0xdd: {  	[tilespmem:$0xDCB0] =	vst v0  }
0xde: {  	[tilespmem:$0xDCC0] =	vst v0  }
0xdf: {  	[tilespmem:$0xDCD0] =	vst v0  }
0xe0: {  	[tilespmem:$0xDCE0] =	vst v0  }
0xe1: {  	[tilespmem:$0xDCF0] =	vst v0  }
0xe2: {  	[tilespmem:$0xDD00] =	vst v0  }
0xe3: {  	[tilespmem:$0xDD10] =	vst v0  }
0xe4: {  	[tilespmem:$0xDD20] =	vst v0  }
0xe5: {  	[tilespmem:$0xDD30] =	vst v0  }
0xe6: {  	[tilespmem:$0xDD40] =	vst v0  }
0xe7: {  	[tilespmem:$0xDD50] =	vst v0  }
0xe8: {  	[tilespmem:$0xDD60] =	vst v0  }
0xe9: {  	[tilespmem:$0xDD70] =	vst v0  }
0xea: {  	[tilespmem:$0xDD80] =	vst v0  }
0xeb: {  	[tilespmem:$0xDD90] =	vst v0  }
0xec: {  	[tilespmem:$0xDDA0] =	vst v0  }
0xed: {  	[tilespmem:$0xDDB0] =	vst v0  }
0xee: {  	[tilespmem:$0xDDC0] =	vst v0  }
0xef: {  	[tilespmem:$0xDDD0] =	vst v0  }
0xf0: {  	[tilespmem:$0xDDE0] =	vst v0  }
0xf1: {  	[tilespmem:$0xDDF0] =	vst v0  }
0xf2: {  	[tilespmem:$0xDE00] =	vst v0  }
0xf3: {  	[tilespmem:$0xDE10] =	vst v0  }
0xf4: {  	[tilespmem:$0xDE20] =	vst v0  }
0xf5: {  	[tilespmem:$0xDE30] =	vst v0  }
0xf6: {  	[tilespmem:$0xDE40] =	vst v0  }
0xf7: {  	[tilespmem:$0xDE50] =	vst v0  }
0xf8: {  	[tilespmem:$0xDE60] =	vst v0  }
0xf9: {  	[tilespmem:$0xDE70] =	vst v0  }
0xfa: {  	[tilespmem:$0xDE80] =	vst v0  }
0xfb: {  	[tilespmem:$0xDE90] =	vst v0  }
0xfc: {  	[tilespmem:$0xDEA0] =	vst v0  }
0xfd: {  	[tilespmem:$0xDEB0] =	vst v0  }
0xfe: {  	[tilespmem:$0xDEC0] =	vst v0  }
0xff: {  	[tilespmem:$0xDED0] =	vst v0  }
0x100: {  	[tilespmem:$0xDEE0] =	vst v0  }
0x101: {  	[tilespmem:$0xDEF0] =	vst v0  }
0x102: {  	[tilespmem:$0xDF00] =	vst v0  }
0x103: {  	[tilespmem:$0xDF10] =	vst v0  }
0x104: {  	[tilespmem:$0xDF20] =	vst v0  }
0x105: {  	[tilespmem:$0xDF30] =	vst v0  }
0x106: {  	[tilespmem:$0xDF40] =	vst v0  }
0x107: {  	[tilespmem:$0xDF50] =	vst v0  }
0x108: {  	[tilespmem:$0xDF60] =	vst v0  }
0x109: {  	[tilespmem:$0xDF70] =	vst v0  }
0x10a: {  	[tilespmem:$0xDF80] =	vst v0  }
0x10b: {  	[tilespmem:$0xDF90] =	vst v0  }
0x10c: {  	[tilespmem:$0xDFA0] =	vst v0  }
0x10d: {  	[tilespmem:$0xDFB0] =	vst v0  }
0x10e: {  	[tilespmem:$0xDFC0] =	vst v0  }
0x10f: {  	[tilespmem:$0xDFD0] =	vst v0  }
0x110: {  	[tilespmem:$0xDFE0] =	vst v0  }
0x111: {  	[tilespmem:$0xDFF0] =	vst v0  }
0x112: {  	[tilespmem:$0xE000] =	vst v0  }
0x113: {  	[tilespmem:$0xE010] =	vst v0  }
0x114: {  	[tilespmem:$0xE020] =	vst v0  }
0x115: {  	[tilespmem:$0xE030] =	vst v0  }
0x116: {  	[tilespmem:$0xE040] =	vst v0  }
0x117: {  	[tilespmem:$0xE050] =	vst v0  }
0x118: {  	[tilespmem:$0xE060] =	vst v0  }
0x119: {  	[tilespmem:$0xE070] =	vst v0  }
0x11a: {  	[tilespmem:$0xE080] =	vst v0  }
0x11b: {  	[tilespmem:$0xE090] =	vst v0  }
0x11c: {  	[tilespmem:$0xE0A0] =	vst v0  }
0x11d: {  	[tilespmem:$0xE0B0] =	vst v0  }
0x11e: {  	[tilespmem:$0xE0C0] =	vst v0  }
0x11f: {  	[tilespmem:$0xE0D0] =	vst v0  }
0x120: {  	[tilespmem:$0xE0E0] =	vst v0  }
0x121: {  	[tilespmem:$0xE0F0] =	vst v0  }
0x122: {  	[tilespmem:$0xE100] =	vst v0  }
0x123: {  	[tilespmem:$0xE110] =	vst v0  }
0x124: {  	[tilespmem:$0xE120] =	vst v0  }
0x125: {  	[tilespmem:$0xE130] =	vst v0  }
0x126: {  	[tilespmem:$0xE140] =	vst v0  }
0x127: {  	[tilespmem:$0xE150] =	vst v0  }
0x128: {  	[tilespmem:$0xE160] =	vst v0  }
0x129: {  	[tilespmem:$0xE170] =	vst v0  }
0x12a: {  	[tilespmem:$0xE180] =	vst v0  }
0x12b: {  	[tilespmem:$0xE190] =	vst v0  }
0x12c: {  	[tilespmem:$0xE1A0] =	vst v0  }
0x12d: {  	[tilespmem:$0xE1B0] =	vst v0  }
0x12e: {  	[tilespmem:$0xE1C0] =	vst v0  }
0x12f: {  	[tilespmem:$0xE1D0] =	vst v0  }
0x130: {  	[tilespmem:$0xE1E0] =	vst v0  }
0x131: {  	[tilespmem:$0xE1F0] =	vst v0  }
0x132: {  	[tilespmem:$0xE200] =	vst v0  }
0x133: {  	[tilespmem:$0xE210] =	vst v0  }
0x134: {  	[tilespmem:$0xE220] =	vst v0  }
0x135: {  	[tilespmem:$0xE230] =	vst v0  }
0x136: {  	[tilespmem:$0xE240] =	vst v0  }
0x137: {  	[tilespmem:$0xE250] =	vst v0  }
0x138: {  	[tilespmem:$0xE260] =	vst v0  }
0x139: {  	[tilespmem:$0xE270] =	vst v0  }
0x13a: {  	[tilespmem:$0xE280] =	vst v0  }
0x13b: {  	[tilespmem:$0xE290] =	vst v0  }
0x13c: {  	[tilespmem:$0xE2A0] =	vst v0  }
0x13d: {  	[tilespmem:$0xE2B0] =	vst v0  }
0x13e: {  	[tilespmem:$0xE2C0] =	vst v0  }
0x13f: {  	[tilespmem:$0xE2D0] =	vst v0  }
0x140: {  	[tilespmem:$0xE2E0] =	vst v0  }
0x141: {  	[tilespmem:$0xE2F0] =	vst v0  }
0x142: {  	[tilespmem:$0xE300] =	vst v0  }
0x143: {  	[tilespmem:$0xE310] =	vst v0  }
0x144: {  	[tilespmem:$0xE320] =	vst v0  }
0x145: {  	[tilespmem:$0xE330] =	vst v0  }
0x146: {  	[tilespmem:$0xE340] =	vst v0  }
0x147: {  	[tilespmem:$0xE350] =	vst v0  }
0x148: {  	[tilespmem:$0xE360] =	vst v0  }
0x149: {  	[tilespmem:$0xE370] =	vst v0  }
0x14a: {  	[tilespmem:$0xE380] =	vst v0  }
0x14b: {  	[tilespmem:$0xE390] =	vst v0  }
0x14c: {  	[tilespmem:$0xE3A0] =	vst v0  }
0x14d: {  	[tilespmem:$0xE3B0] =	vst v0  }
0x14e: {  	[tilespmem:$0xE3C0] =	vst v0  }
0x14f: {  	[tilespmem:$0xE3D0] =	vst v0  }
0x150: {  	[tilespmem:$0xE3E0] =	vst v0  }
0x151: {  	[tilespmem:$0xE3F0] =	vst v0  }
0x152: {  	[spmem:s1] =	stream.linear.scatter [tilespmem:s18], [sflag:$0x3], $0x1400, $0x38;
	[tilespmem:$0x18400] =	vst v63  }
0x153: {  	_ =	swait.ge [sflag:s19], $0x1400  }
0x154: {  	[sflag:s19] =	ssyncset.done $0x0  }
0x155: {  	[sflag:s19] =	ssyncadd.s32 $0xFFFFEC00  }
0x156: {  	[spmem:s10] =	stream.linear.scatter [tilespmem:s18], [sflag:$0x3], $0x1400, $0x38;
	[tilespmem:$0x18400] =	vst v63  }
0x157: {  	_ =	swait.ge [sflag:s19], $0x1400  }
0x158: {  	[sflag:s19] =	ssyncset.done $0x0  }
0x159: {  	[sflag:s19] =	ssyncadd.s32 $0xFFFFEC00  }
0x15a: {  	[spmem:s11] =	stream.linear.scatter [tilespmem:s18], [sflag:$0x3], $0x1400, $0x38;
	[tilespmem:$0x18400] =	vst v63  }
0x15b: {  	_ =	swait.ge [sflag:s19], $0x1400  }
0x15c: {  	[sflag:s19] =	ssyncset.done $0x0  }
0x15d: {  	[sflag:s19] =	ssyncadd.s32 $0xFFFFEC00  }
0x15e: {  	[spmem:s12] =	stream.linear.scatter [tilespmem:s18], [sflag:$0x3], $0x1400, $0x38;
	[tilespmem:$0x18400] =	vst v63  }
0x15f: {  	_ =	swait.ge [sflag:s19], $0x1400  }
0x160: {  	[sflag:s19] =	ssyncset.done $0x0  }
0x161: {  	[sflag:s19] =	ssyncadd.s32 $0xFFFFEC00  }
0x162: {  	[spmem:s13] =	stream.linear.scatter [tilespmem:s18], [sflag:$0x3], $0x1400, $0x38;
	[tilespmem:$0x18400] =	vst v63  }
0x163: {  	_ =	swait.ge [sflag:s19], $0x1400  }
0x164: {  	[sflag:s19] =	ssyncset.done $0x0  }
0x165: {  	[sflag:s19] =	ssyncadd.s32 $0xFFFFEC00  }
0x166: {  	[spmem:s14] =	stream.linear.scatter [tilespmem:s18], [sflag:$0x3], $0x1400, $0x38;
	[tilespmem:$0x18400] =	vst v63  }
0x167: {  	_ =	swait.ge [sflag:s19], $0x1400  }
0x168: {  	[sflag:s19] =	ssyncset.done $0x0  }
0x169: {  	[sflag:s19] =	ssyncadd.s32 $0xFFFFEC00  }
0x16a: {  	[spmem:s15] =	stream.linear.scatter [tilespmem:s18], [sflag:$0x3], $0x1400, $0x38;
	[tilespmem:$0x18400] =	vst v63  }
0x16b: {  	_ =	swait.ge [sflag:s19], $0x1400  }
0x16c: {  	[sflag:s19] =	ssyncset.done $0x0  }
0x16d: {  	[sflag:s19] =	ssyncadd.s32 $0xFFFFEC00  }
0x16e: {  	[spmem:s16] =	stream.linear.scatter [tilespmem:s18], [sflag:$0x3], $0x1400, $0x38;
	[tilespmem:$0x18400] =	vst v63  }
0x16f: {  	_ =	swait.ge [sflag:s19], $0x1400  }
0x170: {  	[sflag:s19] =	ssyncset.done $0x0  }
0x171: {  	[sflag:s19] =	ssyncadd.s32 $0xFFFFEC00  }
0x172: {  	[tilespmem:s3], [sflag:$0x3] =	stream.linear.gather [hbm4b:s5+s3], $0x2800, $0x38;
	[tilespmem:$0x18400] =	vst v63  }
0x173: {  	_ =	swait.ge [sflag:s19], $0x2800  }
0x174: {  	[sflag:s19] =	ssyncset.done $0x0  }
0x175: {  	[sflag:s19] =	ssyncadd.s32 $0xFFFFD800  }
0x176: {  	[tilespmem:s20], [sflag:$0x3] =	stream.linear.gather [hbm4b:s6+s3], $0x2800, $0x38;
	[tilespmem:$0x18400] =	vst v63  }
0x177: {  	_ =	swait.ge [sflag:s19], $0x2800  }
0x178: {  	[sflag:s19] =	ssyncset.done $0x0  }
0x179: {  	s30 =	simm.s32 $0x0;
	[sflag:s19] =	ssyncadd.s32 $0xFFFFD800  }
0x17a: {  	v10 =	vld [tilespmem:s30+$0x2860]  }
0x17b: {  	v8 =	vld [tilespmem:s30+$0x2850]  }
0x17c: {  	v12 =	vld [tilespmem:s30+$0x50]  }
0x17d: {  	v4 =	vld [tilespmem:s30+$0x2820]  }
0x17e: {  	v9 =	vld [tilespmem:s30+$0x2800]  }
0x17f: {  	v13 =	vld [tilespmem:s30+$0x2840]  }
0x180: {  	v3 =	vld [tilespmem:s30+$0x0]  }
0x181: {  	v2 =	vld [tilespmem:s30+$0x10]  }
0x182: {  	v6 =	vld [tilespmem:s30+$0x60];
	v5 =	vshrl.u32 v4, $0x1  }
0x183: {  	v7 =	vld [tilespmem:s30+$0x2810];
	v11 =	vshrl.u32 v9, $0x1;
	v14 =	vshrl.u32 v8, $0x1;
	v15 =	vand.u32 $0x1, v4;
	[tilespmem:s30+$0x2820] =	vst v5  }
0x184: {  	v9 =	vand.u32 $0x1, v9;
	v16 =	vshrl.u32 v13, $0x1;
	v5 =	vld [tilespmem:s30+$0x2830];
	[tilespmem:s30+$0x2800] =	vst v11;
	vm1 =	veq.s32 v15, $0x1  }
0x185: {  	v11 =	vld [tilespmem:s30+$0x2870];
	v15 =	vand.u32 $0x1, v8;
	[tilespmem:s30+$0x2850] =	vst v14;
	vm0 =	veq.s32 v9, $0x1;
	v14 =	vshrl.u32 v10, $0x1  }
0x186: {  	v4 =	vld [tilespmem:s30+$0x40];
	v8 =	vsel vm1, $0x2710, v1;
	vm1 =	veq.s32 v15, $0x1;
	v15 =	vand.u32 $0x1, v10  }
0x187: {  	v9 =	vld [tilespmem:s30+$0x20];
	[tilespmem:s30+$0x2840] =	vst v16;
	v10 =	vand.u32 $0x1, v13;
	v13 =	vsel vm1, $0x2710, v1;
	vm1 =	veq.s32 v15, $0x1  }
0x188: {  	s31 =	simm.s32 $0x200;
	[tilespmem:s30+$0x2860] =	vst v14;
	v14 =	vand.u32 $0x1, v7;
	v15 =	vadd.s32 v12, v13;
	v13 =	vsel vm1, $0x2710, v1;
	v12 =	vld [tilespmem:s30+$0x70]  }
.LBB2_2:
0x189: {  	s9 =	sshra.s32 s31, $0x2;
	p0 =	sne.s32 s31, $0x9E00;
	s31 =	sadd.s32 $0x200, s31;
	v16 =	vsel vm0, $0x2710, v1;
	v17 =	vld [tilespmem:s30+$0x30];
	v18 =	vshrl.u32 v5, $0x1;
	[tilespmem:s30+$0x50] =	vst v15;
	v6 =	vadd.s32 v6, v13  }
0x18a: {  	vm0 =	veq.s32 v14, $0x1;
	v13 =	vld [tilespmem:s9+$0x2860];
	[tilespmem:s30+$0x2830] =	vst v18;
	v14 =	vand.u32 $0x1, v11;
	v11 =	vshrl.u32 v11, $0x1  }
0x18b: {  	v7 =	vshrl.u32 v7, $0x1;
	v3 =	vadd.s32 v3, v16;
	v15 =	vld [tilespmem:s9+$0x2850];
	vm1 =	veq.s32 v14, $0x1;
	[tilespmem:s30+$0x2870] =	vst v11  }
0x18c: {  	vm2 =	veq.s32 v10, $0x1;
	v16 =	vld [tilespmem:s9+$0x50];
	[tilespmem:s30+$0x2810] =	vst v7;
	v8 =	vadd.s32 v9, v8;
	v7 =	vsel vm1, $0x2710, v1  }
0x18d: {  	v5 =	vand.u32 $0x1, v5;
	v10 =	vsel vm0, $0x2710, v1;
	v9 =	vld [tilespmem:s9+$0x2820];
	[tilespmem:s30+$0x0] =	vst v3;
	v7 =	vadd.s32 v12, v7  }
0x18e: {  	vm0 =	veq.s32 v5, $0x1;
	v5 =	vsel vm2, $0x2710, v1;
	v2 =	vadd.s32 v2, v10;
	v3 =	vld [tilespmem:s9+$0x0];
	[tilespmem:s30+$0x70] =	vst v7  }
0x18f: {  	v4 =	vadd.s32 v4, v5;
	v7 =	vsel vm0, $0x2710, v1;
	v10 =	vld [tilespmem:s9+$0x2800];
	[tilespmem:s30+$0x10] =	vst v2  }
0x190: {  	v5 =	vadd.s32 v17, v7;
	v2 =	vld [tilespmem:s9+$0x10];
	v12 =	vshrl.u32 v15, $0x1;
	[tilespmem:s30+$0x60] =	vst v6  }
0x191: {  	v14 =	vld [tilespmem:s9+$0x2840];
	[tilespmem:s30+$0x40] =	vst v4  }
0x192: {  	v4 =	vand.u32 $0x1, v9;
	v6 =	vld [tilespmem:s9+$0x60];
	[tilespmem:s30+$0x30] =	vst v5  }
0x193: {  	v7 =	vld [tilespmem:s9+$0x2810];
	vm1 =	veq.s32 v4, $0x1;
	v4 =	vshrl.u32 v9, $0x1;
	[tilespmem:s30+$0x20] =	vst v8;
	s30 =	smov.u32 s9  }
.Ltmp0:
0x194: {  	v8 =	vand.u32 $0x1, v10;
	v9 =	vshrl.u32 v10, $0x1;
	[tilespmem:s30+$0x2820] =	vst v4;
	v5 =	vld [tilespmem:s30+$0x2830];
	v4 =	vand.u32 $0x1, v15;
	(pc) =	sbr.rel @p0 .LBB2_2-.Ltmp0, $4  }
0x195: {  	vm0 =	veq.s32 v8, $0x1;
	[tilespmem:s30+$0x2800] =	vst v9;
	v8 =	vsel vm1, $0x2710, v1;
	vm1 =	veq.s32 v4, $0x1;
	v11 =	vld [tilespmem:s30+$0x2870]  }
0x196: {  	v4 =	vld [tilespmem:s30+$0x40];
	v10 =	vand.u32 $0x1, v14;
	[tilespmem:s30+$0x2850] =	vst v12;
	v12 =	vand.u32 $0x1, v13;
	v13 =	vshrl.u32 v13, $0x1  }
0x197: {  	v15 =	vshrl.u32 v14, $0x1;
	v17 =	vsel vm1, $0x2710, v1;
	v9 =	vld [tilespmem:s30+$0x20];
	vm1 =	veq.s32 v12, $0x1;
	[tilespmem:s30+$0x2860] =	vst v13  }
0x198: {  	v14 =	vand.u32 $0x1, v7;
	[tilespmem:s30+$0x2840] =	vst v15;
	v15 =	vadd.s32 v16, v17;
	v13 =	vsel vm1, $0x2710, v1;
	v12 =	vld [tilespmem:s30+$0x70]  }
0x199: {  	v17 =	vshrl.u32 v5, $0x1;
	[tilespmem:s30+$0x50] =	vst v15  }
0x19a: {  	v7 =	vshrl.u32 v7, $0x1;
	[tilespmem:s30+$0x2830] =	vst v17  }
0x19b: {  	v60 =	vsel vm0, $0x2710, v1;
	vm14 =	veq.s32 v10, $0x1;
	v59 =	vshrl.u32 v11, $0x1;
	[tilespmem:s30+$0x2810] =	vst v7  }
0x19c: {  	vm1 =	veq.s32 v14, $0x1;
	v3 =	vadd.s32 v3, v60;
	v63 =	vsel vm14, $0x2710, v1;
	[tilespmem:s30+$0x2870] =	vst v59  }
0x19d: {  	v16 =	vld [tilespmem:s30+$0x30];
	v58 =	vand.u32 $0x1, v11;
	[tilespmem:s30+$0x0] =	vst v3;
	v3 =	vsel vm1, $0x2710, v1;
	v4 =	vadd.s32 v4, v63  }
0x19e: {  	vm13 =	veq.s32 v58, $0x1;
	v2 =	vadd.s32 v2, v3;
	[tilespmem:s30+$0x40] =	vst v4  }
0x19f: {  	v62 =	vand.u32 $0x1, v5;
	v61 =	vsel vm13, $0x2710, v1;
	v3 =	vadd.s32 v6, v13;
	[tilespmem:s30+$0x10] =	vst v2  }
0x1a0: {  	vm15 =	veq.s32 v62, $0x1;
	v7 =	vadd.s32 v12, v61;
	[tilespmem:s30+$0x60] =	vst v3  }
0x1a1: {  	v2 =	vsel vm15, $0x2710, v1;
	v3 =	vadd.s32 v9, v8;
	[tilespmem:s30+$0x70] =	vst v7  }
0x1a2: {  	v2 =	vadd.s32 v16, v2;
	[tilespmem:s30+$0x20] =	vst v3  }
0x1a3: {  	[tilespmem:s30+$0x30] =	vst v2  }
0x1a4: {  	s9 =	simm.s32 $0x0;
	[bflag:$0x0] =	sbarrier.arrive $0xFFFF  }
0x1a5: {  	[tilespmem:s22], [sflag:$0x1] =	stream.indirect.gather [hbm4b:s4+s21], $0x80, s9, s21, $0xb8;
	[tilespmem:$0x18400] =	vst v63  }
0x1a6: {  	_ = 	snop  }
0x1a7: {  	[tilespmem:s23], [sflag:$0x2] =	stream.indirect.gather [hbm4b:s4+s21], $0x80, s21, s21, $0xb8;
	[tilespmem:$0x18400] =	vst v63  }
0x1a8: {  	_ =	swait.ge [sflag:s24], $0x4000  }
0x1a9: {  	[sflag:s24] =	ssyncset.done $0x0  }
0x1aa: {  	s31 =	simm.s32 $0x2800;
	[sflag:s24] =	ssyncadd.s32 $0xFFFFC000  }
0x1ab: {  	[spmem:s2] =	stream.indirect.scatter.add.f32 [tilespmem:s22], [sflag:$0x3], $0x80, s31, s21, $0xb8;
	[tilespmem:$0x18400] =	vst v63  }
0x1ac: {  	_ =	swait.ge [sflag:s19], $0x4000  }
0x1ad: {  	[sflag:s19] =	ssyncset.done $0x0  }
0x1ae: {  	s31 =	simm.s32 $0x100;
	[sflag:s19] =	ssyncadd.s32 $0xFFFFC000  }
0x1af: {  	[tilespmem:s22], [sflag:$0x1] =	stream.indirect.gather [hbm4b:s4+s21], $0x80, s31, s21, $0xb8;
	[tilespmem:$0x18400] =	vst v63  }
0x1b0: {  	_ =	swait.ge [sflag:s25], $0x4000  }
0x1b1: {  	[sflag:s25] =	ssyncset.done $0x0  }
0x1b2: {  	s31 =	simm.s32 $0x2880;
	[sflag:s25] =	ssyncadd.s32 $0xFFFFC000  }
0x1b3: {  	[spmem:s2] =	stream.indirect.scatter.add.f32 [tilespmem:s23], [sflag:$0x3], $0x80, s31, s21, $0xb8;
	[tilespmem:$0x18400] =	vst v63  }
0x1b4: {  	_ =	swait.ge [sflag:s19], $0x4000  }
0x1b5: {  	[sflag:s19] =	ssyncset.done $0x0  }
0x1b6: {  	s30 =	simm.s32 $0x400;
	s9 =	simm.s32 $0x180;
	[sflag:s19] =	ssyncadd.s32 $0xFFFFC000  }
.LBB2_4:
0x1b7: {  	[tilespmem:s23], [sflag:$0x2] =	stream.indirect.gather [hbm4b:s4+s21], $0x80, s9, s21, $0xb8;
	[tilespmem:$0x18400] =	vst v63  }
0x1b8: {  	s9 =	smov.u32 s30  }
0x1b9: {  	p0 =	sne.s32 s30, $0x9800;
	s30 =	sadd.s32 $0x400, s30;
	_ =	swait.ge [sflag:s24], $0x4000  }
0x1ba: {  	s9 =	sshra.s32 s9, $0x2;
	[sflag:s24] =	ssyncset.done $0x0  }
0x1bb: {  	s31 =	sadd.s32 $0x2800, s9;
	[sflag:s24] =	ssyncadd.s32 $0xFFFFC000  }
0x1bc: {  	[spmem:s2] =	stream.indirect.scatter.add.f32 [tilespmem:s22], [sflag:$0x3], $0x80, s31, s21, $0xb8;
	[tilespmem:$0x18400] =	vst v63  }
0x1bd: {  	_ =	swait.ge [sflag:s19], $0x4000  }
0x1be: {  	[sflag:s19] =	ssyncset.done $0x0  }
0x1bf: {  	s31 =	sadd.s32 $0x100, s9;
	[sflag:s19] =	ssyncadd.s32 $0xFFFFC000  }
0x1c0: {  	[tilespmem:s22], [sflag:$0x1] =	stream.indirect.gather [hbm4b:s4+s21], $0x80, s31, s21, $0xb8;
	[tilespmem:$0x18400] =	vst v63  }
0x1c1: {  	_ =	swait.ge [sflag:s25], $0x4000  }
0x1c2: {  	[sflag:s25] =	ssyncset.done $0x0  }
.Ltmp1:
0x1c3: {  	s31 =	sadd.s32 $0x2880, s9;
	[sflag:s25] =	ssyncadd.s32 $0xFFFFC000;
	(pc) =	sbr.rel @p0 .LBB2_4-.Ltmp1, $4  }
0x1c4: {  	[spmem:s2] =	stream.indirect.scatter.add.f32 [tilespmem:s23], [sflag:$0x3], $0x80, s31, s21, $0xb8;
	[tilespmem:$0x18400] =	vst v63  }
0x1c5: {  	_ =	swait.ge [sflag:s19], $0x4000  }
0x1c6: {  	[sflag:s19] =	ssyncset.done $0x0  }
0x1c7: {  	s9 =	sadd.s32 $0x180, s9;
	[sflag:s19] =	ssyncadd.s32 $0xFFFFC000  }
0x1c8: {  	[tilespmem:s23], [sflag:$0x2] =	stream.indirect.gather [hbm4b:s4+s21], $0x80, s9, s21, $0xb8;
	[tilespmem:$0x18400] =	vst v63  }
0x1c9: {  	_ =	swait.ge [sflag:s24], $0x4000  }
0x1ca: {  	[sflag:s24] =	ssyncset.done $0x0  }
0x1cb: {  	[sflag:s24] =	ssyncadd.s32 $0xFFFFC000  }
0x1cc: {  	[spmem:s2] =	stream.indirect.scatter.add.f32 [tilespmem:s22], [sflag:$0x3], $0x80, s26, s21, $0xb8;
	[tilespmem:$0x18400] =	vst v63  }
0x1cd: {  	_ =	swait.ge [sflag:s19], $0x4000  }
0x1ce: {  	[sflag:s19] =	ssyncset.done $0x0  }
0x1cf: {  	[sflag:s19] =	ssyncadd.s32 $0xFFFFC000  }
0x1d0: {  	_ =	swait.ge [sflag:s25], $0x4000  }
0x1d1: {  	[sflag:s25] =	ssyncset.done $0x0  }
0x1d2: {  	[sflag:s25] =	ssyncadd.s32 $0xFFFFC000  }
0x1d3: {  	[spmem:s2] =	stream.indirect.scatter.add.f32 [tilespmem:s23], [sflag:$0x3], $0x80, s28, s21, $0xb8;
	[tilespmem:$0x18400] =	vst v63  }
0x1d4: {  	_ =	swait.ge [sflag:s19], $0x4000  }
0x1d5: {  	[sflag:s19] =	ssyncset.done $0x0  }
0x1d6: {  	[sflag:s19] =	ssyncadd.s32 $0xFFFFC000  }
0x1d7: {  	[bflag:$0x0] =	sbarrier.arrive $0xFFFF  }
0x1d8: {  	[tilespmem:s18], [sflag:$0x3] =	stream.linear.gather [spmem:s1], $0x1400, $0x38;
	[tilespmem:$0x18400] =	vst v63  }
0x1d9: {  	p0 =	sne.s32 s7, $0x1;
	_ =	swait.ge [sflag:s19], $0x1400  }
.Ltmp2:
0x1da: {  	[sflag:s19] =	ssyncset.done $0x0;
	(pc) =	sbr.rel @!p0 .LBB2_7-.Ltmp2, $4  }
0x1db: {  	[sflag:s19] =	ssyncadd.s32 $0xFFFFEC00  }
0x1dc: {  	[hbm4b:s17+s3] =	stream.linear.scatter [tilespmem:s18], [sflag:$0x3], $0x1400, $0x38;
	[tilespmem:$0x18400] =	vst v63  }
0x1dd: {  	s30 =	sadd.s32 $0xFFFFFFFF, s7;
	_ =	swait.ge [sflag:s19], $0x1400  }
0x1de: {  	s31 =	smov.u32 s17;
	s9 =	smov.u32 s1;
	[sflag:s19] =	ssyncset.done $0x0  }
.LBB2_6:
0x1df: {  	[sflag:s19] =	ssyncadd.s32 $0xFFFFEC00;
	s31 =	sadd.s32 $0x280, s31;
	s9 =	sadd.s32 $0x1400, s9  }
0x1e0: {  	[tilespmem:s18], [sflag:$0x3] =	stream.linear.gather [spmem:s9], $0x1400, $0x38;
	[tilespmem:$0x18400] =	vst v63  }
0x1e1: {  	p0 =	sne.s32 s30, $0x1;
	s30 =	sadd.s32 $0xFFFFFFFF, s30;
	_ =	swait.ge [sflag:s19], $0x1400  }
.Ltmp3:
0x1e2: {  	[sflag:s19] =	ssyncset.done $0x0;
	(pc) =	sbr.rel @p0 .LBB2_6-.Ltmp3, $4  }
0x1e3: {  	[sflag:s19] =	ssyncadd.s32 $0xFFFFEC00  }
0x1e4: {  	[hbm4b:s31+s3] =	stream.linear.scatter [tilespmem:s18], [sflag:$0x3], $0x1400, $0x38;
	[tilespmem:$0x18400] =	vst v63  }
0x1e5: {  	_ =	swait.ge [sflag:s19], $0x1400  }
0x1e6: {  	[sflag:s19] =	ssyncset.done $0x0  }
.LBB2_7:
0x1e7: {  	s29 =	sadd.s32 $0x1, s29  }
0x1e8: {  	p0 =	sne.s32 s29, s8  }
.Ltmp4:
0x1e9: {  	_ = 	snop;
	(pc) =	sbr.rel @p0 .LBB2_1-.Ltmp4, $2  }
0x1ea: {  	_ =	sdelay $0x2  }
0x1eb: {  	[sflag:s19] =	ssyncadd.s32 $0xFFFFEC00  }
0x1ec: {  	_ =	sfence.sel $0x180000  }
0x1ed: {  	[bflag:$0x0] =	sbarrier.arrive $0xFFFF  }
0x1ee: {  	_ =	strace $0x9000004A  }
0x1ef: {  	[bflag:$0x2] =	sbarrier.arrive $0xFFFF  }
0x1f0: {  	p0 =	sne.s32 s0, $0x0;
	s0 =	rddreg [dreg:$0x3]  }
0x1f1: {  	s0 =	sadd.s32 @!p0 $0x100000, s0  }
0x1f2: {  	[sflag:s0] =	ssyncadd.tile.s32 @!p0 $0x1;
	_ =	shalt  }
.Lfunc_end2:
_tile_overlayer_lowered:
.L_overlay_start_2:
0x1f3: {  	(tag) =	ssettag $0x2  }
0x1f4: {  	s0 =	rddreg [dreg:$0x0];
	s2 =	stileid.u32  }
0x1f5: {  	s1 =	rddreg [dreg:$0x1];
	p0 =	sne.s32 s2, $0x0  }
0x1f6: {  	s3 =	rddreg [dreg:$0x2];
	[bflag:$0x3] =	sbarrier.arrive $0xFFFF;
	s2 =	simm.s32 @!p0 $0x1C03  }
0x1f7: {  	[timem:s3], [sflag:s2] =	dma.local @!p0 [hbm:s0], s1  }
0x1f8: {  	s0 =	simm.s32 @!p0 $0x3  }
0x1f9: {  	_ =	swait.ge @!p0 [sflag:s0], s1  }
0x1fa: {  	s1 =	ssub.s32 @!p0 $0x0, s1;
	[sflag:s0] =	ssyncset.done @!p0 $0x0  }
0x1fb: {  	[sflag:s0] =	ssyncadd.s32 @!p0 s1  }
0x1fc: {  	[bflag:$0x3] =	sbarrier.arrive $0xFFFF  }
0x1fd: {  	_ =	shalt  }

</sc_bundles>
